<compile_context>
chip_gen: v7x
topology: tpu7x:2x2x1
jax: 0.10.2.dev20260603
libtpu: 0.0.44.dev20260713+nightly
codegen_flags: <defaults>
</compile_context>

<pallas_src>
import functools
import jax
import jax.numpy as jnp
from jax import lax
from jax.experimental import pallas as pl
from jax.experimental.pallas import tpu as pltpu
from jax.experimental.pallas import tpu_sc as plsc

_TH = 0.55
_N = 20000
_NP = 20480
_NW = 32
_AW = _NP // _NW
_VW = _AW // 16
_G = 20
_R = 8


def _sc_match(cat_hbm, classes_hbm, gtb_hbm, out_hbm,
              cat_v, classes_v, gtb_v, out_v):
    wid = lax.axis_index("s") * 2 + lax.axis_index("c")
    base = wid * _AW
    pltpu.sync_copy(cat_hbm.at[:, :, pl.ds(base, _AW)], cat_v)
    pltpu.sync_copy(classes_hbm.at[:, pl.ds(base, _AW)], classes_v)
    pltpu.sync_copy(gtb_hbm, gtb_v)

    def bbody(b, _):

        def body(i, carry):
            np_a, sl_a, ca_a = carry
            off = i * 16
            ax0 = cat_v[0, 0, pl.ds(off, 16)]
            ay0 = cat_v[0, 1, pl.ds(off, 16)]
            ax1 = cat_v[0, 2, pl.ds(off, 16)]
            ay1 = cat_v[0, 3, pl.ds(off, 16)]
            area_a = (ax1 - ax0) * (ay1 - ay0)
            bx0 = cat_v[b + 1, 0, pl.ds(off, 16)]
            by0 = cat_v[b + 1, 1, pl.ds(off, 16)]
            bx1 = cat_v[b + 1, 2, pl.ds(off, 16)]
            by1 = cat_v[b + 1, 3, pl.ds(off, 16)]
            c_vec = classes_v[b, pl.ds(off, 16)]

            np_c = jnp.zeros((16,), jnp.float32)
            sl_c = jnp.zeros((16,), jnp.float32)
            for g in range(_G):
                gbase = g * 96
                gx0 = gtb_v[b, pl.ds(gbase, 16)]
                gy0 = gtb_v[b, pl.ds(gbase + 16, 16)]
                gx1 = gtb_v[b, pl.ds(gbase + 32, 16)]
                gy1 = gtb_v[b, pl.ds(gbase + 48, 16)]
                area_b = gtb_v[b, pl.ds(gbase + 64, 16)]
                validf = gtb_v[b, pl.ds(gbase + 80, 16)]
                iw = jnp.maximum(
                    jnp.minimum(ax1, gx1) - jnp.maximum(ax0, gx0), 0.0)
                ih = jnp.maximum(
                    jnp.minimum(ay1, gy1) - jnp.maximum(ay0, gy0), 0.0)
                inter = iw * ih
                iou = inter / (area_a + area_b - inter)
                pm = jnp.where(iou >= _TH, validf, 0.0)
                np_c = np_c + pm
                d0 = bx0 - gx0
                d1 = by0 - gy0
                d2 = bx1 - gx1
                d3 = by1 - gy1
                dd = d0 * d0 + d1 * d1 + d2 * d2 + d3 * d3
                sl_c = sl_c + dd * pm
            any_c = jnp.minimum(np_c, 1.0)
            return (np_a + np_c, sl_a + sl_c, ca_a + c_vec * any_c)

        z = jnp.zeros((16,), jnp.float32)
        np_a, sl_a, ca_a = lax.fori_loop(0, _VW, body, (z, z, z))
        out_v[b, 0, :] = np_a
        out_v[b, 1, :] = sl_a
        out_v[b, 2, :] = ca_a
        return 0

    lax.fori_loop(0, _R, bbody, 0)
    pltpu.sync_copy(out_v, out_hbm.at[wid])


def _tc_finish(p_ref, classes_ref, out_total, out_cls, out_coord):
    cls_acc = jnp.float32(0.0)
    coord_acc = jnp.float32(0.0)
    for b in range(_R):
        sp = jnp.float32(0.0)
        for ci in range(8):
            c = classes_ref[pl.ds(b, 1), pl.ds(ci * 2560, 2560)]
            sp = sp + jnp.sum(jnp.maximum(c, 0.0)
                              + jnp.log1p(jnp.exp(-jnp.abs(c))))
        npf = p_ref[b, 0]
        slf = p_ref[b, 1] * 0.5
        caf = p_ref[b, 2]
        bce = sp - caf
        cls_acc = cls_acc + bce / jnp.maximum(npf, 1.0)
        coord_acc = coord_acc + jnp.where(
            npf > 0.0, slf / jnp.maximum(npf * 4.0, 1.0), 0.0)
    rf = jnp.float32(1.0) / _R
    cls_t = cls_acc * rf
    coord_t = coord_acc * rf
    out_total[0] = cls_t + coord_t
    out_cls[0] = cls_t
    out_coord[0] = coord_t


def kernel(batch_boxes, batch_classes, anchors, batch_gt, batch_num_objects):
    R = batch_boxes.shape[0]
    pad = _NP - _N

    cat = jnp.concatenate([anchors[None], batch_boxes], axis=0)
    cat_p = jnp.pad(cat, ((0, 0), (0, pad), (0, 0)))
    cat_p = cat_p.transpose(0, 2, 1)
    classes_p = jnp.pad(batch_classes, ((0, 0), (0, pad)),
                        constant_values=-1e30)

    validf = (jnp.arange(_G)[None, :]
              < batch_num_objects[:, None]).astype(jnp.float32)
    area_b = ((batch_gt[:, :, 2] - batch_gt[:, :, 0])
              * (batch_gt[:, :, 3] - batch_gt[:, :, 1]))
    gtb = jnp.concatenate(
        [batch_gt, area_b[:, :, None], validf[:, :, None]], axis=-1)
    gtb = jnp.broadcast_to(gtb[..., None], (_R, _G, 6, 16)).reshape(_R, _G * 96)

    mesh = plsc.VectorSubcoreMesh(core_axis_name="c", subcore_axis_name="s")
    sc_call = functools.partial(
        pl.kernel, mesh=mesh,
        out_type=jax.ShapeDtypeStruct((_NW, _R, 3, 16), jnp.float32),
        scratch_types=[
            pltpu.VMEM((R + 1, 4, _AW), jnp.float32),
            pltpu.VMEM((R, _AW), jnp.float32),
            pltpu.VMEM((_R, _G * 96), jnp.float32),
            pltpu.VMEM((_R, 3, 16), jnp.float32),
        ],
    )(_sc_match)
    partials = sc_call(cat_p, classes_p, gtb)
    p = partials.sum(axis=(0, 3))

    smem = pl.BlockSpec(memory_space=pltpu.SMEM)
    out = pl.pallas_call(
        _tc_finish,
        in_specs=[
            smem,
            pl.BlockSpec((R, _NP), lambda: (0, 0)),
        ],
        out_specs=(smem, smem, smem),
        out_shape=(jax.ShapeDtypeStruct((1,), jnp.float32),
                   jax.ShapeDtypeStruct((1,), jnp.float32),
                   jax.ShapeDtypeStruct((1,), jnp.float32)),
    )(p, classes_p)

    return tuple(out)

# --- scband reference (transcript-rebuilt; emitter-appended) ---
"""Pipeline reference for scband-loss-38259568673419 (READ-ONLY COPY).

The authoritative reference and input builder live on the scoring server;
editing this copy changes nothing except your own understanding.
"""

import jax, jax.numpy as jnp
import numpy as np


def jaccard(a, b):
    # a: [N, 4], b: [G, 4] corner format -> IoU [N, G]
    max_xy = jnp.minimum(a[:, None, 2:], b[None, :, 2:])
    min_xy = jnp.maximum(a[:, None, :2], b[None, :, :2])
    inter = jnp.clip(max_xy - min_xy, 0.0, None)
    inter_area = inter[..., 0] * inter[..., 1]
    area_a = ((a[:, 2] - a[:, 0]) * (a[:, 3] - a[:, 1]))[:, None]
    area_b = ((b[:, 2] - b[:, 0]) * (b[:, 3] - b[:, 1]))[None, :]
    return inter_area / (area_a + area_b - inter_area)


def setup_inputs(seed: int = 0) -> dict:
    key = jax.random.key(seed)
    k1, k2, k3, k4, k5 = jax.random.split(key, 5)
    return {
        "batch_boxes": jax.random.uniform(k1, (8, 20000, 4), dtype=jnp.float32),
        "batch_classes": jax.random.normal(k2, (8, 20000), dtype=jnp.float32),
        "anchors": jax.random.uniform(k3, (20000, 4), dtype=jnp.float32),
        "batch_gt": jax.random.uniform(k4, (8, 20, 4), dtype=jnp.float32),
        "batch_num_objects": jax.random.randint(k5, (8,), 0, 20),
    }


def reference(batch_boxes, batch_classes, anchors, batch_gt, batch_num_objects):
    th = 0.55
    R = batch_gt.shape[0]
    G = batch_gt.shape[1]
    cls_total = jnp.zeros(1, dtype=jnp.float32)
    coord_total = jnp.zeros(1, dtype=jnp.float32)
    for b in range(R):
        boxes = batch_boxes[b]
        classes = batch_classes[b]
        gt = batch_gt[b]
        num_obj = batch_num_objects[b]
        valid = jnp.arange(G) < num_obj
        ious = jaccard(anchors, gt)  # [N, G]
        pair_mask = (ious >= th) & valid[None, :]  # [N, G], pairs over (anchor, gt)
        num_pairs = jnp.sum(pair_mask)
        npf = num_pairs.astype(jnp.float32)
        # ClassLoss: BCEWithLogits sum over anchors, target=1 for anchors in any pair,
        # divided by total pair count (with duplicates), or 1 if no pairs
        target = jnp.any(pair_mask, axis=1).astype(jnp.float32)
        num_pos = jnp.maximum(npf, 1.0)
        bce = jnp.sum(jnp.maximum(classes, 0.0) - classes * target + jnp.log1p(jnp.exp(-jnp.abs(classes))))
        cls_total = cls_total + bce / num_pos
        # CoordLoss: SmoothL1 mean over all selected (anchor, gt) pairs, 4 coords each
        d = boxes[:, None, :] - gt[None, :, :]  # [N, G, 4]
        ad = jnp.abs(d)
        sl1 = jnp.where(ad < 1.0, 0.5 * d * d, ad - 0.5)
        masked = sl1 * pair_mask[:, :, None].astype(jnp.float32)
        coord_b = jnp.where(num_pairs > 0, jnp.sum(masked) / jnp.maximum(npf * 4.0, 1.0), 0.0)
        coord_total = coord_total + coord_b
    cls_total = cls_total / R
    coord_total = coord_total / R
    total = cls_total + coord_total
    return (total, cls_total, coord_total)

if __name__ == "__main__":
    import jax
    _d = setup_inputs()
    print(jax.jit(kernel)(*tuple(_d.values())))

</pallas_src>

<mosaic_0001>
#map = affine_map<(d0, d1) -> (0, 0, 0)>
#map1 = affine_map<(d0, d1) -> (0, 0)>
#map2 = affine_map<(d0, d1) -> (0, 0, 0, 0)>
module attributes {stable_mosaic.version = 14 : i64} {
  func.func @_sc_match(%arg0: i32, %arg1: i32, %arg2: memref<9x4x20480xf32, #tpu.memory_space<hbm>>, %arg3: memref<8x20480xf32, #tpu.memory_space<hbm>>, %arg4: memref<8x1920xf32, #tpu.memory_space<hbm>>, %arg5: memref<32x8x3x16xf32, #tpu.memory_space<hbm>>, %arg6: memref<9x4x640xf32, #tpu.memory_space<vmem>>, %arg7: memref<8x640xf32, #tpu.memory_space<vmem>>, %arg8: memref<8x1920xf32, #tpu.memory_space<vmem>>, %arg9: memref<8x3x16xf32, #tpu.memory_space<vmem>>) attributes {dimension_semantics = [#tpu.dimension_semantics<core_parallel>, #tpu.dimension_semantics<subcore_parallel>], iteration_bounds = array<i64: 2, 16>, scalar_prefetch = 0 : i64, scratch_operands = 4 : i64, tpu.core_type = #tpu.core_type<sc_vector_subcore>, window_params = [{transform_indices = #map}, {transform_indices = #map1}, {transform_indices = #map1}, {transform_indices = #map2}]} {
    %mul3A = arith.constant 2 : i32
    %mul3A_0 = arith.muli %arg1, %mul3A : i32
    %add3A = arith.addi %mul3A_0, %arg0 : i32
    %mul3A_1 = arith.constant 640 : i32
    %mul3A_2 = arith.muli %add3A, %mul3A_1 : i32
    "tpu.region"() ({
      %run_scoped3A = tpu.sem_alloc : memref<!tpu.dma_semaphore, #tpu.memory_space<semaphore_mem>>
      %dma_start3A = arith.constant 0 : i32
      %dma_start3A_9 = arith.constant 0 : i32
      %dma_start3A_10 = tpu.memref_slice %arg2[%dma_start3A, %dma_start3A_9, %mul3A_2] : memref<9x4x20480xf32, #tpu.memory_space<hbm>> -> memref<9x4x640xf32, #tpu.memory_space<hbm>>
      %dma_start3A_11 = arith.constant 0 : i32
      %dma_start3A_12 = arith.constant 0 : i32
      %dma_start3A_13 = tpu.memref_slice %arg2[%dma_start3A_11, %dma_start3A_12, %mul3A_2] : memref<9x4x20480xf32, #tpu.memory_space<hbm>> -> memref<9x4x640xf32, #tpu.memory_space<hbm>>
      tpu.enqueue_dma source(%dma_start3A_13 : memref<9x4x640xf32, #tpu.memory_space<hbm>>) target(%arg6 : memref<9x4x640xf32, #tpu.memory_space<vmem>>) target_semaphore(%run_scoped3A : memref<!tpu.dma_semaphore, #tpu.memory_space<semaphore_mem>>)
      %dma_wait3A = arith.constant 0 : i32
      %dma_wait3A_14 = arith.constant 0 : i32
      %dma_wait3A_15 = tpu.memref_slice %arg2[%dma_wait3A, %dma_wait3A_14, %mul3A_2] : memref<9x4x20480xf32, #tpu.memory_space<hbm>> -> memref<9x4x640xf32, #tpu.memory_space<hbm>>
      %dma_wait3A_16 = arith.constant 0 : i32
      %dma_wait3A_17 = arith.constant 0 : i32
      %dma_wait3A_18 = tpu.memref_slice %arg2[%dma_wait3A_16, %dma_wait3A_17, %mul3A_2] : memref<9x4x20480xf32, #tpu.memory_space<hbm>> -> memref<9x4x640xf32, #tpu.memory_space<hbm>>
      tpu.wait_dma2 semaphore(%run_scoped3A : memref<!tpu.dma_semaphore, #tpu.memory_space<semaphore_mem>>) src(%dma_wait3A_18 : memref<9x4x640xf32, #tpu.memory_space<hbm>>) dst(%arg6 : memref<9x4x640xf32, #tpu.memory_space<vmem>>)
      tpu.yield
    }) : () -> ()
    "tpu.region"() ({
      %run_scoped3A = tpu.sem_alloc : memref<!tpu.dma_semaphore, #tpu.memory_space<semaphore_mem>>
      %dma_start3A = arith.constant 0 : i32
      %dma_start3A_9 = tpu.memref_slice %arg3[%dma_start3A, %mul3A_2] : memref<8x20480xf32, #tpu.memory_space<hbm>> -> memref<8x640xf32, #tpu.memory_space<hbm>>
      %dma_start3A_10 = arith.constant 0 : i32
      %dma_start3A_11 = tpu.memref_slice %arg3[%dma_start3A_10, %mul3A_2] : memref<8x20480xf32, #tpu.memory_space<hbm>> -> memref<8x640xf32, #tpu.memory_space<hbm>>
      tpu.enqueue_dma source(%dma_start3A_11 : memref<8x640xf32, #tpu.memory_space<hbm>>) target(%arg7 : memref<8x640xf32, #tpu.memory_space<vmem>>) target_semaphore(%run_scoped3A : memref<!tpu.dma_semaphore, #tpu.memory_space<semaphore_mem>>)
      %dma_wait3A = arith.constant 0 : i32
      %dma_wait3A_12 = tpu.memref_slice %arg3[%dma_wait3A, %mul3A_2] : memref<8x20480xf32, #tpu.memory_space<hbm>> -> memref<8x640xf32, #tpu.memory_space<hbm>>
      %dma_wait3A_13 = arith.constant 0 : i32
      %dma_wait3A_14 = tpu.memref_slice %arg3[%dma_wait3A_13, %mul3A_2] : memref<8x20480xf32, #tpu.memory_space<hbm>> -> memref<8x640xf32, #tpu.memory_space<hbm>>
      tpu.wait_dma2 semaphore(%run_scoped3A : memref<!tpu.dma_semaphore, #tpu.memory_space<semaphore_mem>>) src(%dma_wait3A_14 : memref<8x640xf32, #tpu.memory_space<hbm>>) dst(%arg7 : memref<8x640xf32, #tpu.memory_space<vmem>>)
      tpu.yield
    }) : () -> ()
    "tpu.region"() ({
      %run_scoped3A = tpu.sem_alloc : memref<!tpu.dma_semaphore, #tpu.memory_space<semaphore_mem>>
      tpu.enqueue_dma source(%arg4 : memref<8x1920xf32, #tpu.memory_space<hbm>>) target(%arg8 : memref<8x1920xf32, #tpu.memory_space<vmem>>) target_semaphore(%run_scoped3A : memref<!tpu.dma_semaphore, #tpu.memory_space<semaphore_mem>>)
      tpu.wait_dma2 semaphore(%run_scoped3A : memref<!tpu.dma_semaphore, #tpu.memory_space<semaphore_mem>>) src(%arg4 : memref<8x1920xf32, #tpu.memory_space<hbm>>) dst(%arg8 : memref<8x1920xf32, #tpu.memory_space<vmem>>)
      tpu.yield
    }) : () -> ()
    %scan3A = arith.constant 0 : i32
    %scan3A_3 = arith.constant 0 : i32
    %scan3A_4 = arith.constant 8 : i32
    %scan3A_5 = arith.addi %scan3A_3, %scan3A_4 : i32
    %scan3A_6 = arith.constant 1 : i32
    %scan3A_7 = scf.for %scan3A_9 = %scan3A_3 to %scan3A_5 step %scan3A_6 iter_args(%scan3A_10 = %scan3A) -> (i32)  : i32 {
      %broadcast_in_dim3A = arith.constant 0.000000e+00 : f32
      %broadcast_in_dim3A_11 = vector.broadcast %broadcast_in_dim3A : f32 to vector<16xf32>
      %scan3A_12 = arith.constant 0 : i32
      %scan3A_13 = arith.constant 40 : i32
      %scan3A_14 = arith.addi %scan3A_12, %scan3A_13 : i32
      %scan3A_15 = arith.constant 1 : i32
      %scan3A_16:3 = scf.for %scan3A_39 = %scan3A_12 to %scan3A_14 step %scan3A_15 iter_args(%scan3A_40 = %broadcast_in_dim3A_11, %scan3A_41 = %broadcast_in_dim3A_11, %scan3A_42 = %broadcast_in_dim3A_11) -> (vector<16xf32>, vector<16xf32>, vector<16xf32>)  : i32 {
        %mul3A_43 = arith.constant 16 : i32
        %mul3A_44 = arith.muli %scan3A_39, %mul3A_43 : i32
        %get3A = arith.constant 0 : i32
        %get3A_45 = arith.constant 0 : i32
        %get3A_46 = arith.index_cast %get3A : i32 to index
        %get3A_47 = arith.index_cast %get3A_45 : i32 to index
        %get3A_48 = arith.index_cast %mul3A_44 : i32 to index
        %get3A_49 = tpu.vector_load %arg6[%get3A_46, %get3A_47, %get3A_48] {strides = array<i32>} : memref<9x4x640xf32, #tpu.memory_space<vmem>>, vector<1x1x16xf32>,
        %get3A_50 = vector.shape_cast %get3A_49 : vector<1x1x16xf32> to vector<16xf32>
        %get3A_51 = arith.constant 0 : i32
        %get3A_52 = arith.constant 1 : i32
        %get3A_53 = arith.index_cast %get3A_51 : i32 to index
        %get3A_54 = arith.index_cast %get3A_52 : i32 to index
        %get3A_55 = arith.index_cast %mul3A_44 : i32 to index
        %get3A_56 = tpu.vector_load %arg6[%get3A_53, %get3A_54, %get3A_55] {strides = array<i32>} : memref<9x4x640xf32, #tpu.memory_space<vmem>>, vector<1x1x16xf32>,
        %get3A_57 = vector.shape_cast %get3A_56 : vector<1x1x16xf32> to vector<16xf32>
        %get3A_58 = arith.constant 0 : i32
        %get3A_59 = arith.constant 2 : i32
        %get3A_60 = arith.index_cast %get3A_58 : i32 to index
        %get3A_61 = arith.index_cast %get3A_59 : i32 to index
        %get3A_62 = arith.index_cast %mul3A_44 : i32 to index
        %get3A_63 = tpu.vector_load %arg6[%get3A_60, %get3A_61, %get3A_62] {strides = array<i32>} : memref<9x4x640xf32, #tpu.memory_space<vmem>>, vector<1x1x16xf32>,
        %get3A_64 = vector.shape_cast %get3A_63 : vector<1x1x16xf32> to vector<16xf32>
        %get3A_65 = arith.constant 0 : i32
        %get3A_66 = arith.constant 3 : i32
        %get3A_67 = arith.index_cast %get3A_65 : i32 to index
        %get3A_68 = arith.index_cast %get3A_66 : i32 to index
        %get3A_69 = arith.index_cast %mul3A_44 : i32 to index
        %get3A_70 = tpu.vector_load %arg6[%get3A_67, %get3A_68, %get3A_69] {strides = array<i32>} : memref<9x4x640xf32, #tpu.memory_space<vmem>>, vector<1x1x16xf32>,
        %get3A_71 = vector.shape_cast %get3A_70 : vector<1x1x16xf32> to vector<16xf32>
        %sub3A = arith.subf %get3A_64, %get3A_50 : vector<16xf32>
        %sub3A_72 = arith.subf %get3A_71, %get3A_57 : vector<16xf32>
        %mul3A_73 = arith.mulf %sub3A, %sub3A_72 : vector<16xf32>
        %add3A_74 = arith.constant 1 : i32
        %add3A_75 = arith.addi %scan3A_9, %add3A_74 : i32
        %get3A_76 = arith.constant 0 : i32
        %get3A_77 = arith.index_cast %add3A_75 : i32 to index
        %get3A_78 = arith.index_cast %get3A_76 : i32 to index
        %get3A_79 = arith.index_cast %mul3A_44 : i32 to index
        %get3A_80 = tpu.vector_load %arg6[%get3A_77, %get3A_78, %get3A_79] {strides = array<i32>} : memref<9x4x640xf32, #tpu.memory_space<vmem>>, vector<1x1x16xf32>,
        %get3A_81 = vector.shape_cast %get3A_80 : vector<1x1x16xf32> to vector<16xf32>
        %add3A_82 = arith.constant 1 : i32
        %add3A_83 = arith.addi %scan3A_9, %add3A_82 : i32
        %get3A_84 = arith.constant 1 : i32
        %get3A_85 = arith.index_cast %add3A_83 : i32 to index
        %get3A_86 = arith.index_cast %get3A_84 : i32 to index
        %get3A_87 = arith.index_cast %mul3A_44 : i32 to index
        %get3A_88 = tpu.vector_load %arg6[%get3A_85, %get3A_86, %get3A_87] {strides = array<i32>} : memref<9x4x640xf32, #tpu.memory_space<vmem>>, vector<1x1x16xf32>,
        %get3A_89 = vector.shape_cast %get3A_88 : vector<1x1x16xf32> to vector<16xf32>
        %add3A_90 = arith.constant 1 : i32
        %add3A_91 = arith.addi %scan3A_9, %add3A_90 : i32
        %get3A_92 = arith.constant 2 : i32
        %get3A_93 = arith.index_cast %add3A_91 : i32 to index
        %get3A_94 = arith.index_cast %get3A_92 : i32 to index
        %get3A_95 = arith.index_cast %mul3A_44 : i32 to index
        %get3A_96 = tpu.vector_load %arg6[%get3A_93, %get3A_94, %get3A_95] {strides = array<i32>} : memref<9x4x640xf32, #tpu.memory_space<vmem>>, vector<1x1x16xf32>,
        %get3A_97 = vector.shape_cast %get3A_96 : vector<1x1x16xf32> to vector<16xf32>
        %add3A_98 = arith.constant 1 : i32
        %add3A_99 = arith.addi %scan3A_9, %add3A_98 : i32
        %get3A_100 = arith.constant 3 : i32
        %get3A_101 = arith.index_cast %add3A_99 : i32 to index
        %get3A_102 = arith.index_cast %get3A_100 : i32 to index
        %get3A_103 = arith.index_cast %mul3A_44 : i32 to index
        %get3A_104 = tpu.vector_load %arg6[%get3A_101, %get3A_102, %get3A_103] {strides = array<i32>} : memref<9x4x640xf32, #tpu.memory_space<vmem>>, vector<1x1x16xf32>,
        %get3A_105 = vector.shape_cast %get3A_104 : vector<1x1x16xf32> to vector<16xf32>
        %get3A_106 = arith.index_cast %scan3A_9 : i32 to index
        %get3A_107 = arith.index_cast %mul3A_44 : i32 to index
        %get3A_108 = tpu.vector_load %arg7[%get3A_106, %get3A_107] {strides = array<i32>} : memref<8x640xf32, #tpu.memory_space<vmem>>, vector<1x16xf32>,
        %get3A_109 = vector.shape_cast %get3A_108 : vector<1x16xf32> to vector<16xf32>
        %broadcast_in_dim3A_110 = arith.constant 0.000000e+00 : f32
        %broadcast_in_dim3A_111 = vector.broadcast %broadcast_in_dim3A_110 : f32 to vector<16xf32>
        %broadcast_in_dim3A_112 = arith.constant 0.000000e+00 : f32
        %broadcast_in_dim3A_113 = vector.broadcast %broadcast_in_dim3A_112 : f32 to vector<16xf32>
        %get3A_114 = arith.index_cast %scan3A_9 : i32 to index
        %get3A_115 = arith.constant 0 : index
        %get3A_116 = tpu.vector_load %arg8[%get3A_114, %get3A_115] {strides = array<i32>} : memref<8x1920xf32, #tpu.memory_space<vmem>>, vector<1x16xf32>,
        %get3A_117 = vector.shape_cast %get3A_116 : vector<1x16xf32> to vector<16xf32>
        %get3A_118 = arith.index_cast %scan3A_9 : i32 to index
        %get3A_119 = arith.constant 16 : index
        %get3A_120 = tpu.vector_load %arg8[%get3A_118, %get3A_119] {strides = array<i32>} : memref<8x1920xf32, #tpu.memory_space<vmem>>, vector<1x16xf32>,
        %get3A_121 = vector.shape_cast %get3A_120 : vector<1x16xf32> to vector<16xf32>
        %get3A_122 = arith.index_cast %scan3A_9 : i32 to index
        %get3A_123 = arith.constant 32 : index
        %get3A_124 = tpu.vector_load %arg8[%get3A_122, %get3A_123] {strides = array<i32>} : memref<8x1920xf32, #tpu.memory_space<vmem>>, vector<1x16xf32>,
        %get3A_125 = vector.shape_cast %get3A_124 : vector<1x16xf32> to vector<16xf32>
        %get3A_126 = arith.index_cast %scan3A_9 : i32 to index
        %get3A_127 = arith.constant 48 : index
        %get3A_128 = tpu.vector_load %arg8[%get3A_126, %get3A_127] {strides = array<i32>} : memref<8x1920xf32, #tpu.memory_space<vmem>>, vector<1x16xf32>,
        %get3A_129 = vector.shape_cast %get3A_128 : vector<1x16xf32> to vector<16xf32>
        %get3A_130 = arith.index_cast %scan3A_9 : i32 to index
        %get3A_131 = arith.constant 64 : index
        %get3A_132 = tpu.vector_load %arg8[%get3A_130, %get3A_131] {strides = array<i32>} : memref<8x1920xf32, #tpu.memory_space<vmem>>, vector<1x16xf32>,
        %get3A_133 = vector.shape_cast %get3A_132 : vector<1x16xf32> to vector<16xf32>
        %get3A_134 = arith.index_cast %scan3A_9 : i32 to index
        %get3A_135 = arith.constant 80 : index
        %get3A_136 = tpu.vector_load %arg8[%get3A_134, %get3A_135] {strides = array<i32>} : memref<8x1920xf32, #tpu.memory_space<vmem>>, vector<1x16xf32>,
        %get3A_137 = vector.shape_cast %get3A_136 : vector<1x16xf32> to vector<16xf32>
        %min3A = arith.minimumf %get3A_64, %get3A_125 : vector<16xf32>
        %max3A = arith.maximumf %get3A_50, %get3A_117 : vector<16xf32>
        %sub3A_138 = arith.subf %min3A, %max3A : vector<16xf32>
        %max3A_139 = arith.constant 0.000000e+00 : f32
        %max3A_140 = vector.broadcast %max3A_139 : f32 to vector<16xf32>
        %max3A_141 = arith.maximumf %sub3A_138, %max3A_140 : vector<16xf32>
        %min3A_142 = arith.minimumf %get3A_71, %get3A_129 : vector<16xf32>
        %max3A_143 = arith.maximumf %get3A_57, %get3A_121 : vector<16xf32>
        %sub3A_144 = arith.subf %min3A_142, %max3A_143 : vector<16xf32>
        %max3A_145 = arith.constant 0.000000e+00 : f32
        %max3A_146 = vector.broadcast %max3A_145 : f32 to vector<16xf32>
        %max3A_147 = arith.maximumf %sub3A_144, %max3A_146 : vector<16xf32>
        %mul3A_148 = arith.mulf %max3A_141, %max3A_147 : vector<16xf32>
        %add3A_149 = arith.addf %mul3A_73, %get3A_133 : vector<16xf32>
        %sub3A_150 = arith.subf %add3A_149, %mul3A_148 : vector<16xf32>
        %div3A = arith.divf %mul3A_148, %sub3A_150 : vector<16xf32>
        %ge3A = arith.constant 5.500000e-01 : f32
        %ge3A_151 = vector.broadcast %ge3A : f32 to vector<16xf32>
        %ge3A_152 = arith.cmpf oge, %div3A, %ge3A_151 : vector<16xf32>
        %jit3A = arith.constant 0.000000e+00 : f32
        %broadcast_in_dim3A_153 = vector.broadcast %jit3A : f32 to vector<16xf32>
        %select_n3A = arith.select %ge3A_152, %get3A_137, %broadcast_in_dim3A_153 : vector<16xi1>, vector<16xf32>
        %add3A_154 = arith.addf %broadcast_in_dim3A_111, %select_n3A : vector<16xf32>
        %sub3A_155 = arith.subf %get3A_81, %get3A_117 : vector<16xf32>
        %sub3A_156 = arith.subf %get3A_89, %get3A_121 : vector<16xf32>
        %sub3A_157 = arith.subf %get3A_97, %get3A_125 : vector<16xf32>
        %sub3A_158 = arith.subf %get3A_105, %get3A_129 : vector<16xf32>
        %mul3A_159 = arith.mulf %sub3A_155, %sub3A_155 : vector<16xf32>
        %mul3A_160 = arith.mulf %sub3A_156, %sub3A_156 : vector<16xf32>
        %add3A_161 = arith.addf %mul3A_159, %mul3A_160 : vector<16xf32>
        %mul3A_162 = arith.mulf %sub3A_157, %sub3A_157 : vector<16xf32>
        %add3A_163 = arith.addf %add3A_161, %mul3A_162 : vector<16xf32>
        %mul3A_164 = arith.mulf %sub3A_158, %sub3A_158 : vector<16xf32>
        %add3A_165 = arith.addf %add3A_163, %mul3A_164 : vector<16xf32>
        %mul3A_166 = arith.mulf %add3A_165, %select_n3A : vector<16xf32>
        %add3A_167 = arith.addf %broadcast_in_dim3A_113, %mul3A_166 : vector<16xf32>
        %get3A_168 = arith.index_cast %scan3A_9 : i32 to index
        %get3A_169 = arith.constant 96 : index
        %get3A_170 = tpu.vector_load %arg8[%get3A_168, %get3A_169] {strides = array<i32>} : memref<8x1920xf32, #tpu.memory_space<vmem>>, vector<1x16xf32>,
        %get3A_171 = vector.shape_cast %get3A_170 : vector<1x16xf32> to vector<16xf32>
        %get3A_172 = arith.index_cast %scan3A_9 : i32 to index
        %get3A_173 = arith.constant 112 : index
        %get3A_174 = tpu.vector_load %arg8[%get3A_172, %get3A_173] {strides = array<i32>} : memref<8x1920xf32, #tpu.memory_space<vmem>>, vector<1x16xf32>,
        %get3A_175 = vector.shape_cast %get3A_174 : vector<1x16xf32> to vector<16xf32>
        %get3A_176 = arith.index_cast %scan3A_9 : i32 to index
        %get3A_177 = arith.constant 128 : index
        %get3A_178 = tpu.vector_load %arg8[%get3A_176, %get3A_177] {strides = array<i32>} : memref<8x1920xf32, #tpu.memory_space<vmem>>, vector<1x16xf32>,
        %get3A_179 = vector.shape_cast %get3A_178 : vector<1x16xf32> to vector<16xf32>
        %get3A_180 = arith.index_cast %scan3A_9 : i32 to index
        %get3A_181 = arith.constant 144 : index
        %get3A_182 = tpu.vector_load %arg8[%get3A_180, %get3A_181] {strides = array<i32>} : memref<8x1920xf32, #tpu.memory_space<vmem>>, vector<1x16xf32>,
        %get3A_183 = vector.shape_cast %get3A_182 : vector<1x16xf32> to vector<16xf32>
        %get3A_184 = arith.index_cast %scan3A_9 : i32 to index
        %get3A_185 = arith.constant 160 : index
        %get3A_186 = tpu.vector_load %arg8[%get3A_184, %get3A_185] {strides = array<i32>} : memref<8x1920xf32, #tpu.memory_space<vmem>>, vector<1x16xf32>,
        %get3A_187 = vector.shape_cast %get3A_186 : vector<1x16xf32> to vector<16xf32>
        %get3A_188 = arith.index_cast %scan3A_9 : i32 to index
        %get3A_189 = arith.constant 176 : index
        %get3A_190 = tpu.vector_load %arg8[%get3A_188, %get3A_189] {strides = array<i32>} : memref<8x1920xf32, #tpu.memory_space<vmem>>, vector<1x16xf32>,
        %get3A_191 = vector.shape_cast %get3A_190 : vector<1x16xf32> to vector<16xf32>
        %min3A_192 = arith.minimumf %get3A_64, %get3A_179 : vector<16xf32>
        %max3A_193 = arith.maximumf %get3A_50, %get3A_171 : vector<16xf32>
        %sub3A_194 = arith.subf %min3A_192, %max3A_193 : vector<16xf32>
        %max3A_195 = arith.constant 0.000000e+00 : f32
        %max3A_196 = vector.broadcast %max3A_195 : f32 to vector<16xf32>
        %max3A_197 = arith.maximumf %sub3A_194, %max3A_196 : vector<16xf32>
        %min3A_198 = arith.minimumf %get3A_71, %get3A_183 : vector<16xf32>
        %max3A_199 = arith.maximumf %get3A_57, %get3A_175 : vector<16xf32>
        %sub3A_200 = arith.subf %min3A_198, %max3A_199 : vector<16xf32>
        %max3A_201 = arith.constant 0.000000e+00 : f32
        %max3A_202 = vector.broadcast %max3A_201 : f32 to vector<16xf32>
        %max3A_203 = arith.maximumf %sub3A_200, %max3A_202 : vector<16xf32>
        %mul3A_204 = arith.mulf %max3A_197, %max3A_203 : vector<16xf32>
        %add3A_205 = arith.addf %mul3A_73, %get3A_187 : vector<16xf32>
        %sub3A_206 = arith.subf %add3A_205, %mul3A_204 : vector<16xf32>
        %div3A_207 = arith.divf %mul3A_204, %sub3A_206 : vector<16xf32>
        %ge3A_208 = arith.constant 5.500000e-01 : f32
        %ge3A_209 = vector.broadcast %ge3A_208 : f32 to vector<16xf32>
        %ge3A_210 = arith.cmpf oge, %div3A_207, %ge3A_209 : vector<16xf32>
        %jit3A_211 = arith.constant 0.000000e+00 : f32
        %broadcast_in_dim3A_212 = vector.broadcast %jit3A_211 : f32 to vector<16xf32>
        %select_n3A_213 = arith.select %ge3A_210, %get3A_191, %broadcast_in_dim3A_212 : vector<16xi1>, vector<16xf32>
        %add3A_214 = arith.addf %add3A_154, %select_n3A_213 : vector<16xf32>
        %sub3A_215 = arith.subf %get3A_81, %get3A_171 : vector<16xf32>
        %sub3A_216 = arith.subf %get3A_89, %get3A_175 : vector<16xf32>
        %sub3A_217 = arith.subf %get3A_97, %get3A_179 : vector<16xf32>
        %sub3A_218 = arith.subf %get3A_105, %get3A_183 : vector<16xf32>
        %mul3A_219 = arith.mulf %sub3A_215, %sub3A_215 : vector<16xf32>
        %mul3A_220 = arith.mulf %sub3A_216, %sub3A_216 : vector<16xf32>
        %add3A_221 = arith.addf %mul3A_219, %mul3A_220 : vector<16xf32>
        %mul3A_222 = arith.mulf %sub3A_217, %sub3A_217 : vector<16xf32>
        %add3A_223 = arith.addf %add3A_221, %mul3A_222 : vector<16xf32>
        %mul3A_224 = arith.mulf %sub3A_218, %sub3A_218 : vector<16xf32>
        %add3A_225 = arith.addf %add3A_223, %mul3A_224 : vector<16xf32>
        %mul3A_226 = arith.mulf %add3A_225, %select_n3A_213 : vector<16xf32>
        %add3A_227 = arith.addf %add3A_167, %mul3A_226 : vector<16xf32>
        %get3A_228 = arith.index_cast %scan3A_9 : i32 to index
        %get3A_229 = arith.constant 192 : index
        %get3A_230 = tpu.vector_load %arg8[%get3A_228, %get3A_229] {strides = array<i32>} : memref<8x1920xf32, #tpu.memory_space<vmem>>, vector<1x16xf32>,
        %get3A_231 = vector.shape_cast %get3A_230 : vector<1x16xf32> to vector<16xf32>
        %get3A_232 = arith.index_cast %scan3A_9 : i32 to index
        %get3A_233 = arith.constant 208 : index
        %get3A_234 = tpu.vector_load %arg8[%get3A_232, %get3A_233] {strides = array<i32>} : memref<8x1920xf32, #tpu.memory_space<vmem>>, vector<1x16xf32>,
        %get3A_235 = vector.shape_cast %get3A_234 : vector<1x16xf32> to vector<16xf32>
        %get3A_236 = arith.index_cast %scan3A_9 : i32 to index
        %get3A_237 = arith.constant 224 : index
        %get3A_238 = tpu.vector_load %arg8[%get3A_236, %get3A_237] {strides = array<i32>} : memref<8x1920xf32, #tpu.memory_space<vmem>>, vector<1x16xf32>,
        %get3A_239 = vector.shape_cast %get3A_238 : vector<1x16xf32> to vector<16xf32>
        %get3A_240 = arith.index_cast %scan3A_9 : i32 to index
        %get3A_241 = arith.constant 240 : index
        %get3A_242 = tpu.vector_load %arg8[%get3A_240, %get3A_241] {strides = array<i32>} : memref<8x1920xf32, #tpu.memory_space<vmem>>, vector<1x16xf32>,
        %get3A_243 = vector.shape_cast %get3A_242 : vector<1x16xf32> to vector<16xf32>
        %get3A_244 = arith.index_cast %scan3A_9 : i32 to index
        %get3A_245 = arith.constant 256 : index
        %get3A_246 = tpu.vector_load %arg8[%get3A_244, %get3A_245] {strides = array<i32>} : memref<8x1920xf32, #tpu.memory_space<vmem>>, vector<1x16xf32>,
        %get3A_247 = vector.shape_cast %get3A_246 : vector<1x16xf32> to vector<16xf32>
        %get3A_248 = arith.index_cast %scan3A_9 : i32 to index
        %get3A_249 = arith.constant 272 : index
        %get3A_250 = tpu.vector_load %arg8[%get3A_248, %get3A_249] {strides = array<i32>} : memref<8x1920xf32, #tpu.memory_space<vmem>>, vector<1x16xf32>,
        %get3A_251 = vector.shape_cast %get3A_250 : vector<1x16xf32> to vector<16xf32>
        %min3A_252 = arith.minimumf %get3A_64, %get3A_239 : vector<16xf32>
        %max3A_253 = arith.maximumf %get3A_50, %get3A_231 : vector<16xf32>
        %sub3A_254 = arith.subf %min3A_252, %max3A_253 : vector<16xf32>
        %max3A_255 = arith.constant 0.000000e+00 : f32
        %max3A_256 = vector.broadcast %max3A_255 : f32 to vector<16xf32>
        %max3A_257 = arith.maximumf %sub3A_254, %max3A_256 : vector<16xf32>
        %min3A_258 = arith.minimumf %get3A_71, %get3A_243 : vector<16xf32>
        %max3A_259 = arith.maximumf %get3A_57, %get3A_235 : vector<16xf32>
        %sub3A_260 = arith.subf %min3A_258, %max3A_259 : vector<16xf32>
        %max3A_261 = arith.constant 0.000000e+00 : f32
        %max3A_262 = vector.broadcast %max3A_261 : f32 to vector<16xf32>
        %max3A_263 = arith.maximumf %sub3A_260, %max3A_262 : vector<16xf32>
        %mul3A_264 = arith.mulf %max3A_257, %max3A_263 : vector<16xf32>
        %add3A_265 = arith.addf %mul3A_73, %get3A_247 : vector<16xf32>
        %sub3A_266 = arith.subf %add3A_265, %mul3A_264 : vector<16xf32>
        %div3A_267 = arith.divf %mul3A_264, %sub3A_266 : vector<16xf32>
        %ge3A_268 = arith.constant 5.500000e-01 : f32
        %ge3A_269 = vector.broadcast %ge3A_268 : f32 to vector<16xf32>
        %ge3A_270 = arith.cmpf oge, %div3A_267, %ge3A_269 : vector<16xf32>
        %jit3A_271 = arith.constant 0.000000e+00 : f32
        %broadcast_in_dim3A_272 = vector.broadcast %jit3A_271 : f32 to vector<16xf32>
        %select_n3A_273 = arith.select %ge3A_270, %get3A_251, %broadcast_in_dim3A_272 : vector<16xi1>, vector<16xf32>
        %add3A_274 = arith.addf %add3A_214, %select_n3A_273 : vector<16xf32>
        %sub3A_275 = arith.subf %get3A_81, %get3A_231 : vector<16xf32>
        %sub3A_276 = arith.subf %get3A_89, %get3A_235 : vector<16xf32>
        %sub3A_277 = arith.subf %get3A_97, %get3A_239 : vector<16xf32>
        %sub3A_278 = arith.subf %get3A_105, %get3A_243 : vector<16xf32>
        %mul3A_279 = arith.mulf %sub3A_275, %sub3A_275 : vector<16xf32>
        %mul3A_280 = arith.mulf %sub3A_276, %sub3A_276 : vector<16xf32>
        %add3A_281 = arith.addf %mul3A_279, %mul3A_280 : vector<16xf32>
        %mul3A_282 = arith.mulf %sub3A_277, %sub3A_277 : vector<16xf32>
        %add3A_283 = arith.addf %add3A_281, %mul3A_282 : vector<16xf32>
        %mul3A_284 = arith.mulf %sub3A_278, %sub3A_278 : vector<16xf32>
        %add3A_285 = arith.addf %add3A_283, %mul3A_284 : vector<16xf32>
        %mul3A_286 = arith.mulf %add3A_285, %select_n3A_273 : vector<16xf32>
        %add3A_287 = arith.addf %add3A_227, %mul3A_286 : vector<16xf32>
        %get3A_288 = arith.index_cast %scan3A_9 : i32 to index
        %get3A_289 = arith.constant 288 : index
        %get3A_290 = tpu.vector_load %arg8[%get3A_288, %get3A_289] {strides = array<i32>} : memref<8x1920xf32, #tpu.memory_space<vmem>>, vector<1x16xf32>,
        %get3A_291 = vector.shape_cast %get3A_290 : vector<1x16xf32> to vector<16xf32>
        %get3A_292 = arith.index_cast %scan3A_9 : i32 to index
        %get3A_293 = arith.constant 304 : index
        %get3A_294 = tpu.vector_load %arg8[%get3A_292, %get3A_293] {strides = array<i32>} : memref<8x1920xf32, #tpu.memory_space<vmem>>, vector<1x16xf32>,
        %get3A_295 = vector.shape_cast %get3A_294 : vector<1x16xf32> to vector<16xf32>
        %get3A_296 = arith.index_cast %scan3A_9 : i32 to index
        %get3A_297 = arith.constant 320 : index
        %get3A_298 = tpu.vector_load %arg8[%get3A_296, %get3A_297] {strides = array<i32>} : memref<8x1920xf32, #tpu.memory_space<vmem>>, vector<1x16xf32>,
        %get3A_299 = vector.shape_cast %get3A_298 : vector<1x16xf32> to vector<16xf32>
        %get3A_300 = arith.index_cast %scan3A_9 : i32 to index
        %get3A_301 = arith.constant 336 : index
        %get3A_302 = tpu.vector_load %arg8[%get3A_300, %get3A_301] {strides = array<i32>} : memref<8x1920xf32, #tpu.memory_space<vmem>>, vector<1x16xf32>,
        %get3A_303 = vector.shape_cast %get3A_302 : vector<1x16xf32> to vector<16xf32>
        %get3A_304 = arith.index_cast %scan3A_9 : i32 to index
        %get3A_305 = arith.constant 352 : index
        %get3A_306 = tpu.vector_load %arg8[%get3A_304, %get3A_305] {strides = array<i32>} : memref<8x1920xf32, #tpu.memory_space<vmem>>, vector<1x16xf32>,
        %get3A_307 = vector.shape_cast %get3A_306 : vector<1x16xf32> to vector<16xf32>
        %get3A_308 = arith.index_cast %scan3A_9 : i32 to index
        %get3A_309 = arith.constant 368 : index
        %get3A_310 = tpu.vector_load %arg8[%get3A_308, %get3A_309] {strides = array<i32>} : memref<8x1920xf32, #tpu.memory_space<vmem>>, vector<1x16xf32>,
        %get3A_311 = vector.shape_cast %get3A_310 : vector<1x16xf32> to vector<16xf32>
        %min3A_312 = arith.minimumf %get3A_64, %get3A_299 : vector<16xf32>
        %max3A_313 = arith.maximumf %get3A_50, %get3A_291 : vector<16xf32>
        %sub3A_314 = arith.subf %min3A_312, %max3A_313 : vector<16xf32>
        %max3A_315 = arith.constant 0.000000e+00 : f32
        %max3A_316 = vector.broadcast %max3A_315 : f32 to vector<16xf32>
        %max3A_317 = arith.maximumf %sub3A_314, %max3A_316 : vector<16xf32>
        %min3A_318 = arith.minimumf %get3A_71, %get3A_303 : vector<16xf32>
        %max3A_319 = arith.maximumf %get3A_57, %get3A_295 : vector<16xf32>
        %sub3A_320 = arith.subf %min3A_318, %max3A_319 : vector<16xf32>
        %max3A_321 = arith.constant 0.000000e+00 : f32
        %max3A_322 = vector.broadcast %max3A_321 : f32 to vector<16xf32>
        %max3A_323 = arith.maximumf %sub3A_320, %max3A_322 : vector<16xf32>
        %mul3A_324 = arith.mulf %max3A_317, %max3A_323 : vector<16xf32>
        %add3A_325 = arith.addf %mul3A_73, %get3A_307 : vector<16xf32>
        %sub3A_326 = arith.subf %add3A_325, %mul3A_324 : vector<16xf32>
        %div3A_327 = arith.divf %mul3A_324, %sub3A_326 : vector<16xf32>
        %ge3A_328 = arith.constant 5.500000e-01 : f32
        %ge3A_329 = vector.broadcast %ge3A_328 : f32 to vector<16xf32>
        %ge3A_330 = arith.cmpf oge, %div3A_327, %ge3A_329 : vector<16xf32>
        %jit3A_331 = arith.constant 0.000000e+00 : f32
        %broadcast_in_dim3A_332 = vector.broadcast %jit3A_331 : f32 to vector<16xf32>
        %select_n3A_333 = arith.select %ge3A_330, %get3A_311, %broadcast_in_dim3A_332 : vector<16xi1>, vector<16xf32>
        %add3A_334 = arith.addf %add3A_274, %select_n3A_333 : vector<16xf32>
        %sub3A_335 = arith.subf %get3A_81, %get3A_291 : vector<16xf32>
        %sub3A_336 = arith.subf %get3A_89, %get3A_295 : vector<16xf32>
        %sub3A_337 = arith.subf %get3A_97, %get3A_299 : vector<16xf32>
        %sub3A_338 = arith.subf %get3A_105, %get3A_303 : vector<16xf32>
        %mul3A_339 = arith.mulf %sub3A_335, %sub3A_335 : vector<16xf32>
        %mul3A_340 = arith.mulf %sub3A_336, %sub3A_336 : vector<16xf32>
        %add3A_341 = arith.addf %mul3A_339, %mul3A_340 : vector<16xf32>
        %mul3A_342 = arith.mulf %sub3A_337, %sub3A_337 : vector<16xf32>
        %add3A_343 = arith.addf %add3A_341, %mul3A_342 : vector<16xf32>
        %mul3A_344 = arith.mulf %sub3A_338, %sub3A_338 : vector<16xf32>
        %add3A_345 = arith.addf %add3A_343, %mul3A_344 : vector<16xf32>
        %mul3A_346 = arith.mulf %add3A_345, %select_n3A_333 : vector<16xf32>
        %add3A_347 = arith.addf %add3A_287, %mul3A_346 : vector<16xf32>
        %get3A_348 = arith.index_cast %scan3A_9 : i32 to index
        %get3A_349 = arith.constant 384 : index
        %get3A_350 = tpu.vector_load %arg8[%get3A_348, %get3A_349] {strides = array<i32>} : memref<8x1920xf32, #tpu.memory_space<vmem>>, vector<1x16xf32>,
        %get3A_351 = vector.shape_cast %get3A_350 : vector<1x16xf32> to vector<16xf32>
        %get3A_352 = arith.index_cast %scan3A_9 : i32 to index
        %get3A_353 = arith.constant 400 : index
        %get3A_354 = tpu.vector_load %arg8[%get3A_352, %get3A_353] {strides = array<i32>} : memref<8x1920xf32, #tpu.memory_space<vmem>>, vector<1x16xf32>,
        %get3A_355 = vector.shape_cast %get3A_354 : vector<1x16xf32> to vector<16xf32>
        %get3A_356 = arith.index_cast %scan3A_9 : i32 to index
        %get3A_357 = arith.constant 416 : index
        %get3A_358 = tpu.vector_load %arg8[%get3A_356, %get3A_357] {strides = array<i32>} : memref<8x1920xf32, #tpu.memory_space<vmem>>, vector<1x16xf32>,
        %get3A_359 = vector.shape_cast %get3A_358 : vector<1x16xf32> to vector<16xf32>
        %get3A_360 = arith.index_cast %scan3A_9 : i32 to index
        %get3A_361 = arith.constant 432 : index
        %get3A_362 = tpu.vector_load %arg8[%get3A_360, %get3A_361] {strides = array<i32>} : memref<8x1920xf32, #tpu.memory_space<vmem>>, vector<1x16xf32>,
        %get3A_363 = vector.shape_cast %get3A_362 : vector<1x16xf32> to vector<16xf32>
        %get3A_364 = arith.index_cast %scan3A_9 : i32 to index
        %get3A_365 = arith.constant 448 : index
        %get3A_366 = tpu.vector_load %arg8[%get3A_364, %get3A_365] {strides = array<i32>} : memref<8x1920xf32, #tpu.memory_space<vmem>>, vector<1x16xf32>,
        %get3A_367 = vector.shape_cast %get3A_366 : vector<1x16xf32> to vector<16xf32>
        %get3A_368 = arith.index_cast %scan3A_9 : i32 to index
        %get3A_369 = arith.constant 464 : index
        %get3A_370 = tpu.vector_load %arg8[%get3A_368, %get3A_369] {strides = array<i32>} : memref<8x1920xf32, #tpu.memory_space<vmem>>, vector<1x16xf32>,
        %get3A_371 = vector.shape_cast %get3A_370 : vector<1x16xf32> to vector<16xf32>
        %min3A_372 = arith.minimumf %get3A_64, %get3A_359 : vector<16xf32>
        %max3A_373 = arith.maximumf %get3A_50, %get3A_351 : vector<16xf32>
        %sub3A_374 = arith.subf %min3A_372, %max3A_373 : vector<16xf32>
        %max3A_375 = arith.constant 0.000000e+00 : f32
        %max3A_376 = vector.broadcast %max3A_375 : f32 to vector<16xf32>
        %max3A_377 = arith.maximumf %sub3A_374, %max3A_376 : vector<16xf32>
        %min3A_378 = arith.minimumf %get3A_71, %get3A_363 : vector<16xf32>
        %max3A_379 = arith.maximumf %get3A_57, %get3A_355 : vector<16xf32>
        %sub3A_380 = arith.subf %min3A_378, %max3A_379 : vector<16xf32>
        %max3A_381 = arith.constant 0.000000e+00 : f32
        %max3A_382 = vector.broadcast %max3A_381 : f32 to vector<16xf32>
        %max3A_383 = arith.maximumf %sub3A_380, %max3A_382 : vector<16xf32>
        %mul3A_384 = arith.mulf %max3A_377, %max3A_383 : vector<16xf32>
        %add3A_385 = arith.addf %mul3A_73, %get3A_367 : vector<16xf32>
        %sub3A_386 = arith.subf %add3A_385, %mul3A_384 : vector<16xf32>
        %div3A_387 = arith.divf %mul3A_384, %sub3A_386 : vector<16xf32>
        %ge3A_388 = arith.constant 5.500000e-01 : f32
        %ge3A_389 = vector.broadcast %ge3A_388 : f32 to vector<16xf32>
        %ge3A_390 = arith.cmpf oge, %div3A_387, %ge3A_389 : vector<16xf32>
        %jit3A_391 = arith.constant 0.000000e+00 : f32
        %broadcast_in_dim3A_392 = vector.broadcast %jit3A_391 : f32 to vector<16xf32>
        %select_n3A_393 = arith.select %ge3A_390, %get3A_371, %broadcast_in_dim3A_392 : vector<16xi1>, vector<16xf32>
        %add3A_394 = arith.addf %add3A_334, %select_n3A_393 : vector<16xf32>
        %sub3A_395 = arith.subf %get3A_81, %get3A_351 : vector<16xf32>
        %sub3A_396 = arith.subf %get3A_89, %get3A_355 : vector<16xf32>
        %sub3A_397 = arith.subf %get3A_97, %get3A_359 : vector<16xf32>
        %sub3A_398 = arith.subf %get3A_105, %get3A_363 : vector<16xf32>
        %mul3A_399 = arith.mulf %sub3A_395, %sub3A_395 : vector<16xf32>
        %mul3A_400 = arith.mulf %sub3A_396, %sub3A_396 : vector<16xf32>
        %add3A_401 = arith.addf %mul3A_399, %mul3A_400 : vector<16xf32>
        %mul3A_402 = arith.mulf %sub3A_397, %sub3A_397 : vector<16xf32>
        %add3A_403 = arith.addf %add3A_401, %mul3A_402 : vector<16xf32>
        %mul3A_404 = arith.mulf %sub3A_398, %sub3A_398 : vector<16xf32>
        %add3A_405 = arith.addf %add3A_403, %mul3A_404 : vector<16xf32>
        %mul3A_406 = arith.mulf %add3A_405, %select_n3A_393 : vector<16xf32>
        %add3A_407 = arith.addf %add3A_347, %mul3A_406 : vector<16xf32>
        %get3A_408 = arith.index_cast %scan3A_9 : i32 to index
        %get3A_409 = arith.constant 480 : index
        %get3A_410 = tpu.vector_load %arg8[%get3A_408, %get3A_409] {strides = array<i32>} : memref<8x1920xf32, #tpu.memory_space<vmem>>, vector<1x16xf32>,
        %get3A_411 = vector.shape_cast %get3A_410 : vector<1x16xf32> to vector<16xf32>
        %get3A_412 = arith.index_cast %scan3A_9 : i32 to index
        %get3A_413 = arith.constant 496 : index
        %get3A_414 = tpu.vector_load %arg8[%get3A_412, %get3A_413] {strides = array<i32>} : memref<8x1920xf32, #tpu.memory_space<vmem>>, vector<1x16xf32>,
        %get3A_415 = vector.shape_cast %get3A_414 : vector<1x16xf32> to vector<16xf32>
        %get3A_416 = arith.index_cast %scan3A_9 : i32 to index
        %get3A_417 = arith.constant 512 : index
        %get3A_418 = tpu.vector_load %arg8[%get3A_416, %get3A_417] {strides = array<i32>} : memref<8x1920xf32, #tpu.memory_space<vmem>>, vector<1x16xf32>,
        %get3A_419 = vector.shape_cast %get3A_418 : vector<1x16xf32> to vector<16xf32>
        %get3A_420 = arith.index_cast %scan3A_9 : i32 to index
        %get3A_421 = arith.constant 528 : index
        %get3A_422 = tpu.vector_load %arg8[%get3A_420, %get3A_421] {strides = array<i32>} : memref<8x1920xf32, #tpu.memory_space<vmem>>, vector<1x16xf32>,
        %get3A_423 = vector.shape_cast %get3A_422 : vector<1x16xf32> to vector<16xf32>
        %get3A_424 = arith.index_cast %scan3A_9 : i32 to index
        %get3A_425 = arith.constant 544 : index
        %get3A_426 = tpu.vector_load %arg8[%get3A_424, %get3A_425] {strides = array<i32>} : memref<8x1920xf32, #tpu.memory_space<vmem>>, vector<1x16xf32>,
        %get3A_427 = vector.shape_cast %get3A_426 : vector<1x16xf32> to vector<16xf32>
        %get3A_428 = arith.index_cast %scan3A_9 : i32 to index
        %get3A_429 = arith.constant 560 : index
        %get3A_430 = tpu.vector_load %arg8[%get3A_428, %get3A_429] {strides = array<i32>} : memref<8x1920xf32, #tpu.memory_space<vmem>>, vector<1x16xf32>,
        %get3A_431 = vector.shape_cast %get3A_430 : vector<1x16xf32> to vector<16xf32>
        %min3A_432 = arith.minimumf %get3A_64, %get3A_419 : vector<16xf32>
        %max3A_433 = arith.maximumf %get3A_50, %get3A_411 : vector<16xf32>
        %sub3A_434 = arith.subf %min3A_432, %max3A_433 : vector<16xf32>
        %max3A_435 = arith.constant 0.000000e+00 : f32
        %max3A_436 = vector.broadcast %max3A_435 : f32 to vector<16xf32>
        %max3A_437 = arith.maximumf %sub3A_434, %max3A_436 : vector<16xf32>
        %min3A_438 = arith.minimumf %get3A_71, %get3A_423 : vector<16xf32>
        %max3A_439 = arith.maximumf %get3A_57, %get3A_415 : vector<16xf32>
        %sub3A_440 = arith.subf %min3A_438, %max3A_439 : vector<16xf32>
        %max3A_441 = arith.constant 0.000000e+00 : f32
        %max3A_442 = vector.broadcast %max3A_441 : f32 to vector<16xf32>
        %max3A_443 = arith.maximumf %sub3A_440, %max3A_442 : vector<16xf32>
        %mul3A_444 = arith.mulf %max3A_437, %max3A_443 : vector<16xf32>
        %add3A_445 = arith.addf %mul3A_73, %get3A_427 : vector<16xf32>
        %sub3A_446 = arith.subf %add3A_445, %mul3A_444 : vector<16xf32>
        %div3A_447 = arith.divf %mul3A_444, %sub3A_446 : vector<16xf32>
        %ge3A_448 = arith.constant 5.500000e-01 : f32
        %ge3A_449 = vector.broadcast %ge3A_448 : f32 to vector<16xf32>
        %ge3A_450 = arith.cmpf oge, %div3A_447, %ge3A_449 : vector<16xf32>
        %jit3A_451 = arith.constant 0.000000e+00 : f32
        %broadcast_in_dim3A_452 = vector.broadcast %jit3A_451 : f32 to vector<16xf32>
        %select_n3A_453 = arith.select %ge3A_450, %get3A_431, %broadcast_in_dim3A_452 : vector<16xi1>, vector<16xf32>
        %add3A_454 = arith.addf %add3A_394, %select_n3A_453 : vector<16xf32>
        %sub3A_455 = arith.subf %get3A_81, %get3A_411 : vector<16xf32>
        %sub3A_456 = arith.subf %get3A_89, %get3A_415 : vector<16xf32>
        %sub3A_457 = arith.subf %get3A_97, %get3A_419 : vector<16xf32>
        %sub3A_458 = arith.subf %get3A_105, %get3A_423 : vector<16xf32>
        %mul3A_459 = arith.mulf %sub3A_455, %sub3A_455 : vector<16xf32>
        %mul3A_460 = arith.mulf %sub3A_456, %sub3A_456 : vector<16xf32>
        %add3A_461 = arith.addf %mul3A_459, %mul3A_460 : vector<16xf32>
        %mul3A_462 = arith.mulf %sub3A_457, %sub3A_457 : vector<16xf32>
        %add3A_463 = arith.addf %add3A_461, %mul3A_462 : vector<16xf32>
        %mul3A_464 = arith.mulf %sub3A_458, %sub3A_458 : vector<16xf32>
        %add3A_465 = arith.addf %add3A_463, %mul3A_464 : vector<16xf32>
        %mul3A_466 = arith.mulf %add3A_465, %select_n3A_453 : vector<16xf32>
        %add3A_467 = arith.addf %add3A_407, %mul3A_466 : vector<16xf32>
        %get3A_468 = arith.index_cast %scan3A_9 : i32 to index
        %get3A_469 = arith.constant 576 : index
        %get3A_470 = tpu.vector_load %arg8[%get3A_468, %get3A_469] {strides = array<i32>} : memref<8x1920xf32, #tpu.memory_space<vmem>>, vector<1x16xf32>,
        %get3A_471 = vector.shape_cast %get3A_470 : vector<1x16xf32> to vector<16xf32>
        %get3A_472 = arith.index_cast %scan3A_9 : i32 to index
        %get3A_473 = arith.constant 592 : index
        %get3A_474 = tpu.vector_load %arg8[%get3A_472, %get3A_473] {strides = array<i32>} : memref<8x1920xf32, #tpu.memory_space<vmem>>, vector<1x16xf32>,
        %get3A_475 = vector.shape_cast %get3A_474 : vector<1x16xf32> to vector<16xf32>
        %get3A_476 = arith.index_cast %scan3A_9 : i32 to index
        %get3A_477 = arith.constant 608 : index
        %get3A_478 = tpu.vector_load %arg8[%get3A_476, %get3A_477] {strides = array<i32>} : memref<8x1920xf32, #tpu.memory_space<vmem>>, vector<1x16xf32>,
        %get3A_479 = vector.shape_cast %get3A_478 : vector<1x16xf32> to vector<16xf32>
        %get3A_480 = arith.index_cast %scan3A_9 : i32 to index
        %get3A_481 = arith.constant 624 : index
        %get3A_482 = tpu.vector_load %arg8[%get3A_480, %get3A_481] {strides = array<i32>} : memref<8x1920xf32, #tpu.memory_space<vmem>>, vector<1x16xf32>,
        %get3A_483 = vector.shape_cast %get3A_482 : vector<1x16xf32> to vector<16xf32>
        %get3A_484 = arith.index_cast %scan3A_9 : i32 to index
        %get3A_485 = arith.constant 640 : index
        %get3A_486 = tpu.vector_load %arg8[%get3A_484, %get3A_485] {strides = array<i32>} : memref<8x1920xf32, #tpu.memory_space<vmem>>, vector<1x16xf32>,
        %get3A_487 = vector.shape_cast %get3A_486 : vector<1x16xf32> to vector<16xf32>
        %get3A_488 = arith.index_cast %scan3A_9 : i32 to index
        %get3A_489 = arith.constant 656 : index
        %get3A_490 = tpu.vector_load %arg8[%get3A_488, %get3A_489] {strides = array<i32>} : memref<8x1920xf32, #tpu.memory_space<vmem>>, vector<1x16xf32>,
        %get3A_491 = vector.shape_cast %get3A_490 : vector<1x16xf32> to vector<16xf32>
        %min3A_492 = arith.minimumf %get3A_64, %get3A_479 : vector<16xf32>
        %max3A_493 = arith.maximumf %get3A_50, %get3A_471 : vector<16xf32>
        %sub3A_494 = arith.subf %min3A_492, %max3A_493 : vector<16xf32>
        %max3A_495 = arith.constant 0.000000e+00 : f32
        %max3A_496 = vector.broadcast %max3A_495 : f32 to vector<16xf32>
        %max3A_497 = arith.maximumf %sub3A_494, %max3A_496 : vector<16xf32>
        %min3A_498 = arith.minimumf %get3A_71, %get3A_483 : vector<16xf32>
        %max3A_499 = arith.maximumf %get3A_57, %get3A_475 : vector<16xf32>
        %sub3A_500 = arith.subf %min3A_498, %max3A_499 : vector<16xf32>
        %max3A_501 = arith.constant 0.000000e+00 : f32
        %max3A_502 = vector.broadcast %max3A_501 : f32 to vector<16xf32>
        %max3A_503 = arith.maximumf %sub3A_500, %max3A_502 : vector<16xf32>
        %mul3A_504 = arith.mulf %max3A_497, %max3A_503 : vector<16xf32>
        %add3A_505 = arith.addf %mul3A_73, %get3A_487 : vector<16xf32>
        %sub3A_506 = arith.subf %add3A_505, %mul3A_504 : vector<16xf32>
        %div3A_507 = arith.divf %mul3A_504, %sub3A_506 : vector<16xf32>
        %ge3A_508 = arith.constant 5.500000e-01 : f32
        %ge3A_509 = vector.broadcast %ge3A_508 : f32 to vector<16xf32>
        %ge3A_510 = arith.cmpf oge, %div3A_507, %ge3A_509 : vector<16xf32>
        %jit3A_511 = arith.constant 0.000000e+00 : f32
        %broadcast_in_dim3A_512 = vector.broadcast %jit3A_511 : f32 to vector<16xf32>
        %select_n3A_513 = arith.select %ge3A_510, %get3A_491, %broadcast_in_dim3A_512 : vector<16xi1>, vector<16xf32>
        %add3A_514 = arith.addf %add3A_454, %select_n3A_513 : vector<16xf32>
        %sub3A_515 = arith.subf %get3A_81, %get3A_471 : vector<16xf32>
        %sub3A_516 = arith.subf %get3A_89, %get3A_475 : vector<16xf32>
        %sub3A_517 = arith.subf %get3A_97, %get3A_479 : vector<16xf32>
        %sub3A_518 = arith.subf %get3A_105, %get3A_483 : vector<16xf32>
        %mul3A_519 = arith.mulf %sub3A_515, %sub3A_515 : vector<16xf32>
        %mul3A_520 = arith.mulf %sub3A_516, %sub3A_516 : vector<16xf32>
        %add3A_521 = arith.addf %mul3A_519, %mul3A_520 : vector<16xf32>
        %mul3A_522 = arith.mulf %sub3A_517, %sub3A_517 : vector<16xf32>
        %add3A_523 = arith.addf %add3A_521, %mul3A_522 : vector<16xf32>
        %mul3A_524 = arith.mulf %sub3A_518, %sub3A_518 : vector<16xf32>
        %add3A_525 = arith.addf %add3A_523, %mul3A_524 : vector<16xf32>
        %mul3A_526 = arith.mulf %add3A_525, %select_n3A_513 : vector<16xf32>
        %add3A_527 = arith.addf %add3A_467, %mul3A_526 : vector<16xf32>
        %get3A_528 = arith.index_cast %scan3A_9 : i32 to index
        %get3A_529 = arith.constant 672 : index
        %get3A_530 = tpu.vector_load %arg8[%get3A_528, %get3A_529] {strides = array<i32>} : memref<8x1920xf32, #tpu.memory_space<vmem>>, vector<1x16xf32>,
        %get3A_531 = vector.shape_cast %get3A_530 : vector<1x16xf32> to vector<16xf32>
        %get3A_532 = arith.index_cast %scan3A_9 : i32 to index
        %get3A_533 = arith.constant 688 : index
        %get3A_534 = tpu.vector_load %arg8[%get3A_532, %get3A_533] {strides = array<i32>} : memref<8x1920xf32, #tpu.memory_space<vmem>>, vector<1x16xf32>,
        %get3A_535 = vector.shape_cast %get3A_534 : vector<1x16xf32> to vector<16xf32>
        %get3A_536 = arith.index_cast %scan3A_9 : i32 to index
        %get3A_537 = arith.constant 704 : index
        %get3A_538 = tpu.vector_load %arg8[%get3A_536, %get3A_537] {strides = array<i32>} : memref<8x1920xf32, #tpu.memory_space<vmem>>, vector<1x16xf32>,
        %get3A_539 = vector.shape_cast %get3A_538 : vector<1x16xf32> to vector<16xf32>
        %get3A_540 = arith.index_cast %scan3A_9 : i32 to index
        %get3A_541 = arith.constant 720 : index
        %get3A_542 = tpu.vector_load %arg8[%get3A_540, %get3A_541] {strides = array<i32>} : memref<8x1920xf32, #tpu.memory_space<vmem>>, vector<1x16xf32>,
        %get3A_543 = vector.shape_cast %get3A_542 : vector<1x16xf32> to vector<16xf32>
        %get3A_544 = arith.index_cast %scan3A_9 : i32 to index
        %get3A_545 = arith.constant 736 : index
        %get3A_546 = tpu.vector_load %arg8[%get3A_544, %get3A_545] {strides = array<i32>} : memref<8x1920xf32, #tpu.memory_space<vmem>>, vector<1x16xf32>,
        %get3A_547 = vector.shape_cast %get3A_546 : vector<1x16xf32> to vector<16xf32>
        %get3A_548 = arith.index_cast %scan3A_9 : i32 to index
        %get3A_549 = arith.constant 752 : index
        %get3A_550 = tpu.vector_load %arg8[%get3A_548, %get3A_549] {strides = array<i32>} : memref<8x1920xf32, #tpu.memory_space<vmem>>, vector<1x16xf32>,
        %get3A_551 = vector.shape_cast %get3A_550 : vector<1x16xf32> to vector<16xf32>
        %min3A_552 = arith.minimumf %get3A_64, %get3A_539 : vector<16xf32>
        %max3A_553 = arith.maximumf %get3A_50, %get3A_531 : vector<16xf32>
        %sub3A_554 = arith.subf %min3A_552, %max3A_553 : vector<16xf32>
        %max3A_555 = arith.constant 0.000000e+00 : f32
        %max3A_556 = vector.broadcast %max3A_555 : f32 to vector<16xf32>
        %max3A_557 = arith.maximumf %sub3A_554, %max3A_556 : vector<16xf32>
        %min3A_558 = arith.minimumf %get3A_71, %get3A_543 : vector<16xf32>
        %max3A_559 = arith.maximumf %get3A_57, %get3A_535 : vector<16xf32>
        %sub3A_560 = arith.subf %min3A_558, %max3A_559 : vector<16xf32>
        %max3A_561 = arith.constant 0.000000e+00 : f32
        %max3A_562 = vector.broadcast %max3A_561 : f32 to vector<16xf32>
        %max3A_563 = arith.maximumf %sub3A_560, %max3A_562 : vector<16xf32>
        %mul3A_564 = arith.mulf %max3A_557, %max3A_563 : vector<16xf32>
        %add3A_565 = arith.addf %mul3A_73, %get3A_547 : vector<16xf32>
        %sub3A_566 = arith.subf %add3A_565, %mul3A_564 : vector<16xf32>
        %div3A_567 = arith.divf %mul3A_564, %sub3A_566 : vector<16xf32>
        %ge3A_568 = arith.constant 5.500000e-01 : f32
        %ge3A_569 = vector.broadcast %ge3A_568 : f32 to vector<16xf32>
        %ge3A_570 = arith.cmpf oge, %div3A_567, %ge3A_569 : vector<16xf32>
        %jit3A_571 = arith.constant 0.000000e+00 : f32
        %broadcast_in_dim3A_572 = vector.broadcast %jit3A_571 : f32 to vector<16xf32>
        %select_n3A_573 = arith.select %ge3A_570, %get3A_551, %broadcast_in_dim3A_572 : vector<16xi1>, vector<16xf32>
        %add3A_574 = arith.addf %add3A_514, %select_n3A_573 : vector<16xf32>
        %sub3A_575 = arith.subf %get3A_81, %get3A_531 : vector<16xf32>
        %sub3A_576 = arith.subf %get3A_89, %get3A_535 : vector<16xf32>
        %sub3A_577 = arith.subf %get3A_97, %get3A_539 : vector<16xf32>
        %sub3A_578 = arith.subf %get3A_105, %get3A_543 : vector<16xf32>
        %mul3A_579 = arith.mulf %sub3A_575, %sub3A_575 : vector<16xf32>
        %mul3A_580 = arith.mulf %sub3A_576, %sub3A_576 : vector<16xf32>
        %add3A_581 = arith.addf %mul3A_579, %mul3A_580 : vector<16xf32>
        %mul3A_582 = arith.mulf %sub3A_577, %sub3A_577 : vector<16xf32>
        %add3A_583 = arith.addf %add3A_581, %mul3A_582 : vector<16xf32>
        %mul3A_584 = arith.mulf %sub3A_578, %sub3A_578 : vector<16xf32>
        %add3A_585 = arith.addf %add3A_583, %mul3A_584 : vector<16xf32>
        %mul3A_586 = arith.mulf %add3A_585, %select_n3A_573 : vector<16xf32>
        %add3A_587 = arith.addf %add3A_527, %mul3A_586 : vector<16xf32>
        %get3A_588 = arith.index_cast %scan3A_9 : i32 to index
        %get3A_589 = arith.constant 768 : index
        %get3A_590 = tpu.vector_load %arg8[%get3A_588, %get3A_589] {strides = array<i32>} : memref<8x1920xf32, #tpu.memory_space<vmem>>, vector<1x16xf32>,
        %get3A_591 = vector.shape_cast %get3A_590 : vector<1x16xf32> to vector<16xf32>
        %get3A_592 = arith.index_cast %scan3A_9 : i32 to index
        %get3A_593 = arith.constant 784 : index
        %get3A_594 = tpu.vector_load %arg8[%get3A_592, %get3A_593] {strides = array<i32>} : memref<8x1920xf32, #tpu.memory_space<vmem>>, vector<1x16xf32>,
        %get3A_595 = vector.shape_cast %get3A_594 : vector<1x16xf32> to vector<16xf32>
        %get3A_596 = arith.index_cast %scan3A_9 : i32 to index
        %get3A_597 = arith.constant 800 : index
        %get3A_598 = tpu.vector_load %arg8[%get3A_596, %get3A_597] {strides = array<i32>} : memref<8x1920xf32, #tpu.memory_space<vmem>>, vector<1x16xf32>,
        %get3A_599 = vector.shape_cast %get3A_598 : vector<1x16xf32> to vector<16xf32>
        %get3A_600 = arith.index_cast %scan3A_9 : i32 to index
        %get3A_601 = arith.constant 816 : index
        %get3A_602 = tpu.vector_load %arg8[%get3A_600, %get3A_601] {strides = array<i32>} : memref<8x1920xf32, #tpu.memory_space<vmem>>, vector<1x16xf32>,
        %get3A_603 = vector.shape_cast %get3A_602 : vector<1x16xf32> to vector<16xf32>
        %get3A_604 = arith.index_cast %scan3A_9 : i32 to index
        %get3A_605 = arith.constant 832 : index
        %get3A_606 = tpu.vector_load %arg8[%get3A_604, %get3A_605] {strides = array<i32>} : memref<8x1920xf32, #tpu.memory_space<vmem>>, vector<1x16xf32>,
        %get3A_607 = vector.shape_cast %get3A_606 : vector<1x16xf32> to vector<16xf32>
        %get3A_608 = arith.index_cast %scan3A_9 : i32 to index
        %get3A_609 = arith.constant 848 : index
        %get3A_610 = tpu.vector_load %arg8[%get3A_608, %get3A_609] {strides = array<i32>} : memref<8x1920xf32, #tpu.memory_space<vmem>>, vector<1x16xf32>,
        %get3A_611 = vector.shape_cast %get3A_610 : vector<1x16xf32> to vector<16xf32>
        %min3A_612 = arith.minimumf %get3A_64, %get3A_599 : vector<16xf32>
        %max3A_613 = arith.maximumf %get3A_50, %get3A_591 : vector<16xf32>
        %sub3A_614 = arith.subf %min3A_612, %max3A_613 : vector<16xf32>
        %max3A_615 = arith.constant 0.000000e+00 : f32
        %max3A_616 = vector.broadcast %max3A_615 : f32 to vector<16xf32>
        %max3A_617 = arith.maximumf %sub3A_614, %max3A_616 : vector<16xf32>
        %min3A_618 = arith.minimumf %get3A_71, %get3A_603 : vector<16xf32>
        %max3A_619 = arith.maximumf %get3A_57, %get3A_595 : vector<16xf32>
        %sub3A_620 = arith.subf %min3A_618, %max3A_619 : vector<16xf32>
        %max3A_621 = arith.constant 0.000000e+00 : f32
        %max3A_622 = vector.broadcast %max3A_621 : f32 to vector<16xf32>
        %max3A_623 = arith.maximumf %sub3A_620, %max3A_622 : vector<16xf32>
        %mul3A_624 = arith.mulf %max3A_617, %max3A_623 : vector<16xf32>
        %add3A_625 = arith.addf %mul3A_73, %get3A_607 : vector<16xf32>
        %sub3A_626 = arith.subf %add3A_625, %mul3A_624 : vector<16xf32>
        %div3A_627 = arith.divf %mul3A_624, %sub3A_626 : vector<16xf32>
        %ge3A_628 = arith.constant 5.500000e-01 : f32
        %ge3A_629 = vector.broadcast %ge3A_628 : f32 to vector<16xf32>
        %ge3A_630 = arith.cmpf oge, %div3A_627, %ge3A_629 : vector<16xf32>
        %jit3A_631 = arith.constant 0.000000e+00 : f32
        %broadcast_in_dim3A_632 = vector.broadcast %jit3A_631 : f32 to vector<16xf32>
        %select_n3A_633 = arith.select %ge3A_630, %get3A_611, %broadcast_in_dim3A_632 : vector<16xi1>, vector<16xf32>
        %add3A_634 = arith.addf %add3A_574, %select_n3A_633 : vector<16xf32>
        %sub3A_635 = arith.subf %get3A_81, %get3A_591 : vector<16xf32>
        %sub3A_636 = arith.subf %get3A_89, %get3A_595 : vector<16xf32>
        %sub3A_637 = arith.subf %get3A_97, %get3A_599 : vector<16xf32>
        %sub3A_638 = arith.subf %get3A_105, %get3A_603 : vector<16xf32>
        %mul3A_639 = arith.mulf %sub3A_635, %sub3A_635 : vector<16xf32>
        %mul3A_640 = arith.mulf %sub3A_636, %sub3A_636 : vector<16xf32>
        %add3A_641 = arith.addf %mul3A_639, %mul3A_640 : vector<16xf32>
        %mul3A_642 = arith.mulf %sub3A_637, %sub3A_637 : vector<16xf32>
        %add3A_643 = arith.addf %add3A_641, %mul3A_642 : vector<16xf32>
        %mul3A_644 = arith.mulf %sub3A_638, %sub3A_638 : vector<16xf32>
        %add3A_645 = arith.addf %add3A_643, %mul3A_644 : vector<16xf32>
        %mul3A_646 = arith.mulf %add3A_645, %select_n3A_633 : vector<16xf32>
        %add3A_647 = arith.addf %add3A_587, %mul3A_646 : vector<16xf32>
        %get3A_648 = arith.index_cast %scan3A_9 : i32 to index
        %get3A_649 = arith.constant 864 : index
        %get3A_650 = tpu.vector_load %arg8[%get3A_648, %get3A_649] {strides = array<i32>} : memref<8x1920xf32, #tpu.memory_space<vmem>>, vector<1x16xf32>,
        %get3A_651 = vector.shape_cast %get3A_650 : vector<1x16xf32> to vector<16xf32>
        %get3A_652 = arith.index_cast %scan3A_9 : i32 to index
        %get3A_653 = arith.constant 880 : index
        %get3A_654 = tpu.vector_load %arg8[%get3A_652, %get3A_653] {strides = array<i32>} : memref<8x1920xf32, #tpu.memory_space<vmem>>, vector<1x16xf32>,
        %get3A_655 = vector.shape_cast %get3A_654 : vector<1x16xf32> to vector<16xf32>
        %get3A_656 = arith.index_cast %scan3A_9 : i32 to index
        %get3A_657 = arith.constant 896 : index
        %get3A_658 = tpu.vector_load %arg8[%get3A_656, %get3A_657] {strides = array<i32>} : memref<8x1920xf32, #tpu.memory_space<vmem>>, vector<1x16xf32>,
        %get3A_659 = vector.shape_cast %get3A_658 : vector<1x16xf32> to vector<16xf32>
        %get3A_660 = arith.index_cast %scan3A_9 : i32 to index
        %get3A_661 = arith.constant 912 : index
        %get3A_662 = tpu.vector_load %arg8[%get3A_660, %get3A_661] {strides = array<i32>} : memref<8x1920xf32, #tpu.memory_space<vmem>>, vector<1x16xf32>,
        %get3A_663 = vector.shape_cast %get3A_662 : vector<1x16xf32> to vector<16xf32>
        %get3A_664 = arith.index_cast %scan3A_9 : i32 to index
        %get3A_665 = arith.constant 928 : index
        %get3A_666 = tpu.vector_load %arg8[%get3A_664, %get3A_665] {strides = array<i32>} : memref<8x1920xf32, #tpu.memory_space<vmem>>, vector<1x16xf32>,
        %get3A_667 = vector.shape_cast %get3A_666 : vector<1x16xf32> to vector<16xf32>
        %get3A_668 = arith.index_cast %scan3A_9 : i32 to index
        %get3A_669 = arith.constant 944 : index
        %get3A_670 = tpu.vector_load %arg8[%get3A_668, %get3A_669] {strides = array<i32>} : memref<8x1920xf32, #tpu.memory_space<vmem>>, vector<1x16xf32>,
        %get3A_671 = vector.shape_cast %get3A_670 : vector<1x16xf32> to vector<16xf32>
        %min3A_672 = arith.minimumf %get3A_64, %get3A_659 : vector<16xf32>
        %max3A_673 = arith.maximumf %get3A_50, %get3A_651 : vector<16xf32>
        %sub3A_674 = arith.subf %min3A_672, %max3A_673 : vector<16xf32>
        %max3A_675 = arith.constant 0.000000e+00 : f32
        %max3A_676 = vector.broadcast %max3A_675 : f32 to vector<16xf32>
        %max3A_677 = arith.maximumf %sub3A_674, %max3A_676 : vector<16xf32>
        %min3A_678 = arith.minimumf %get3A_71, %get3A_663 : vector<16xf32>
        %max3A_679 = arith.maximumf %get3A_57, %get3A_655 : vector<16xf32>
        %sub3A_680 = arith.subf %min3A_678, %max3A_679 : vector<16xf32>
        %max3A_681 = arith.constant 0.000000e+00 : f32
        %max3A_682 = vector.broadcast %max3A_681 : f32 to vector<16xf32>
        %max3A_683 = arith.maximumf %sub3A_680, %max3A_682 : vector<16xf32>
        %mul3A_684 = arith.mulf %max3A_677, %max3A_683 : vector<16xf32>
        %add3A_685 = arith.addf %mul3A_73, %get3A_667 : vector<16xf32>
        %sub3A_686 = arith.subf %add3A_685, %mul3A_684 : vector<16xf32>
        %div3A_687 = arith.divf %mul3A_684, %sub3A_686 : vector<16xf32>
        %ge3A_688 = arith.constant 5.500000e-01 : f32
        %ge3A_689 = vector.broadcast %ge3A_688 : f32 to vector<16xf32>
        %ge3A_690 = arith.cmpf oge, %div3A_687, %ge3A_689 : vector<16xf32>
        %jit3A_691 = arith.constant 0.000000e+00 : f32
        %broadcast_in_dim3A_692 = vector.broadcast %jit3A_691 : f32 to vector<16xf32>
        %select_n3A_693 = arith.select %ge3A_690, %get3A_671, %broadcast_in_dim3A_692 : vector<16xi1>, vector<16xf32>
        %add3A_694 = arith.addf %add3A_634, %select_n3A_693 : vector<16xf32>
        %sub3A_695 = arith.subf %get3A_81, %get3A_651 : vector<16xf32>
        %sub3A_696 = arith.subf %get3A_89, %get3A_655 : vector<16xf32>
        %sub3A_697 = arith.subf %get3A_97, %get3A_659 : vector<16xf32>
        %sub3A_698 = arith.subf %get3A_105, %get3A_663 : vector<16xf32>
        %mul3A_699 = arith.mulf %sub3A_695, %sub3A_695 : vector<16xf32>
        %mul3A_700 = arith.mulf %sub3A_696, %sub3A_696 : vector<16xf32>
        %add3A_701 = arith.addf %mul3A_699, %mul3A_700 : vector<16xf32>
        %mul3A_702 = arith.mulf %sub3A_697, %sub3A_697 : vector<16xf32>
        %add3A_703 = arith.addf %add3A_701, %mul3A_702 : vector<16xf32>
        %mul3A_704 = arith.mulf %sub3A_698, %sub3A_698 : vector<16xf32>
        %add3A_705 = arith.addf %add3A_703, %mul3A_704 : vector<16xf32>
        %mul3A_706 = arith.mulf %add3A_705, %select_n3A_693 : vector<16xf32>
        %add3A_707 = arith.addf %add3A_647, %mul3A_706 : vector<16xf32>
        %get3A_708 = arith.index_cast %scan3A_9 : i32 to index
        %get3A_709 = arith.constant 960 : index
        %get3A_710 = tpu.vector_load %arg8[%get3A_708, %get3A_709] {strides = array<i32>} : memref<8x1920xf32, #tpu.memory_space<vmem>>, vector<1x16xf32>,
        %get3A_711 = vector.shape_cast %get3A_710 : vector<1x16xf32> to vector<16xf32>
        %get3A_712 = arith.index_cast %scan3A_9 : i32 to index
        %get3A_713 = arith.constant 976 : index
        %get3A_714 = tpu.vector_load %arg8[%get3A_712, %get3A_713] {strides = array<i32>} : memref<8x1920xf32, #tpu.memory_space<vmem>>, vector<1x16xf32>,
        %get3A_715 = vector.shape_cast %get3A_714 : vector<1x16xf32> to vector<16xf32>
        %get3A_716 = arith.index_cast %scan3A_9 : i32 to index
        %get3A_717 = arith.constant 992 : index
        %get3A_718 = tpu.vector_load %arg8[%get3A_716, %get3A_717] {strides = array<i32>} : memref<8x1920xf32, #tpu.memory_space<vmem>>, vector<1x16xf32>,
        %get3A_719 = vector.shape_cast %get3A_718 : vector<1x16xf32> to vector<16xf32>
        %get3A_720 = arith.index_cast %scan3A_9 : i32 to index
        %get3A_721 = arith.constant 1008 : index
        %get3A_722 = tpu.vector_load %arg8[%get3A_720, %get3A_721] {strides = array<i32>} : memref<8x1920xf32, #tpu.memory_space<vmem>>, vector<1x16xf32>,
        %get3A_723 = vector.shape_cast %get3A_722 : vector<1x16xf32> to vector<16xf32>
        %get3A_724 = arith.index_cast %scan3A_9 : i32 to index
        %get3A_725 = arith.constant 1024 : index
        %get3A_726 = tpu.vector_load %arg8[%get3A_724, %get3A_725] {strides = array<i32>} : memref<8x1920xf32, #tpu.memory_space<vmem>>, vector<1x16xf32>,
        %get3A_727 = vector.shape_cast %get3A_726 : vector<1x16xf32> to vector<16xf32>
        %get3A_728 = arith.index_cast %scan3A_9 : i32 to index
        %get3A_729 = arith.constant 1040 : index
        %get3A_730 = tpu.vector_load %arg8[%get3A_728, %get3A_729] {strides = array<i32>} : memref<8x1920xf32, #tpu.memory_space<vmem>>, vector<1x16xf32>,
        %get3A_731 = vector.shape_cast %get3A_730 : vector<1x16xf32> to vector<16xf32>
        %min3A_732 = arith.minimumf %get3A_64, %get3A_719 : vector<16xf32>
        %max3A_733 = arith.maximumf %get3A_50, %get3A_711 : vector<16xf32>
        %sub3A_734 = arith.subf %min3A_732, %max3A_733 : vector<16xf32>
        %max3A_735 = arith.constant 0.000000e+00 : f32
        %max3A_736 = vector.broadcast %max3A_735 : f32 to vector<16xf32>
        %max3A_737 = arith.maximumf %sub3A_734, %max3A_736 : vector<16xf32>
        %min3A_738 = arith.minimumf %get3A_71, %get3A_723 : vector<16xf32>
        %max3A_739 = arith.maximumf %get3A_57, %get3A_715 : vector<16xf32>
        %sub3A_740 = arith.subf %min3A_738, %max3A_739 : vector<16xf32>
        %max3A_741 = arith.constant 0.000000e+00 : f32
        %max3A_742 = vector.broadcast %max3A_741 : f32 to vector<16xf32>
        %max3A_743 = arith.maximumf %sub3A_740, %max3A_742 : vector<16xf32>
        %mul3A_744 = arith.mulf %max3A_737, %max3A_743 : vector<16xf32>
        %add3A_745 = arith.addf %mul3A_73, %get3A_727 : vector<16xf32>
        %sub3A_746 = arith.subf %add3A_745, %mul3A_744 : vector<16xf32>
        %div3A_747 = arith.divf %mul3A_744, %sub3A_746 : vector<16xf32>
        %ge3A_748 = arith.constant 5.500000e-01 : f32
        %ge3A_749 = vector.broadcast %ge3A_748 : f32 to vector<16xf32>
        %ge3A_750 = arith.cmpf oge, %div3A_747, %ge3A_749 : vector<16xf32>
        %jit3A_751 = arith.constant 0.000000e+00 : f32
        %broadcast_in_dim3A_752 = vector.broadcast %jit3A_751 : f32 to vector<16xf32>
        %select_n3A_753 = arith.select %ge3A_750, %get3A_731, %broadcast_in_dim3A_752 : vector<16xi1>, vector<16xf32>
        %add3A_754 = arith.addf %add3A_694, %select_n3A_753 : vector<16xf32>
        %sub3A_755 = arith.subf %get3A_81, %get3A_711 : vector<16xf32>
        %sub3A_756 = arith.subf %get3A_89, %get3A_715 : vector<16xf32>
        %sub3A_757 = arith.subf %get3A_97, %get3A_719 : vector<16xf32>
        %sub3A_758 = arith.subf %get3A_105, %get3A_723 : vector<16xf32>
        %mul3A_759 = arith.mulf %sub3A_755, %sub3A_755 : vector<16xf32>
        %mul3A_760 = arith.mulf %sub3A_756, %sub3A_756 : vector<16xf32>
        %add3A_761 = arith.addf %mul3A_759, %mul3A_760 : vector<16xf32>
        %mul3A_762 = arith.mulf %sub3A_757, %sub3A_757 : vector<16xf32>
        %add3A_763 = arith.addf %add3A_761, %mul3A_762 : vector<16xf32>
        %mul3A_764 = arith.mulf %sub3A_758, %sub3A_758 : vector<16xf32>
        %add3A_765 = arith.addf %add3A_763, %mul3A_764 : vector<16xf32>
        %mul3A_766 = arith.mulf %add3A_765, %select_n3A_753 : vector<16xf32>
        %add3A_767 = arith.addf %add3A_707, %mul3A_766 : vector<16xf32>
        %get3A_768 = arith.index_cast %scan3A_9 : i32 to index
        %get3A_769 = arith.constant 1056 : index
        %get3A_770 = tpu.vector_load %arg8[%get3A_768, %get3A_769] {strides = array<i32>} : memref<8x1920xf32, #tpu.memory_space<vmem>>, vector<1x16xf32>,
        %get3A_771 = vector.shape_cast %get3A_770 : vector<1x16xf32> to vector<16xf32>
        %get3A_772 = arith.index_cast %scan3A_9 : i32 to index
        %get3A_773 = arith.constant 1072 : index
        %get3A_774 = tpu.vector_load %arg8[%get3A_772, %get3A_773] {strides = array<i32>} : memref<8x1920xf32, #tpu.memory_space<vmem>>, vector<1x16xf32>,
        %get3A_775 = vector.shape_cast %get3A_774 : vector<1x16xf32> to vector<16xf32>
        %get3A_776 = arith.index_cast %scan3A_9 : i32 to index
        %get3A_777 = arith.constant 1088 : index
        %get3A_778 = tpu.vector_load %arg8[%get3A_776, %get3A_777] {strides = array<i32>} : memref<8x1920xf32, #tpu.memory_space<vmem>>, vector<1x16xf32>,
        %get3A_779 = vector.shape_cast %get3A_778 : vector<1x16xf32> to vector<16xf32>
        %get3A_780 = arith.index_cast %scan3A_9 : i32 to index
        %get3A_781 = arith.constant 1104 : index
        %get3A_782 = tpu.vector_load %arg8[%get3A_780, %get3A_781] {strides = array<i32>} : memref<8x1920xf32, #tpu.memory_space<vmem>>, vector<1x16xf32>,
        %get3A_783 = vector.shape_cast %get3A_782 : vector<1x16xf32> to vector<16xf32>
        %get3A_784 = arith.index_cast %scan3A_9 : i32 to index
        %get3A_785 = arith.constant 1120 : index
        %get3A_786 = tpu.vector_load %arg8[%get3A_784, %get3A_785] {strides = array<i32>} : memref<8x1920xf32, #tpu.memory_space<vmem>>, vector<1x16xf32>,
        %get3A_787 = vector.shape_cast %get3A_786 : vector<1x16xf32> to vector<16xf32>
        %get3A_788 = arith.index_cast %scan3A_9 : i32 to index
        %get3A_789 = arith.constant 1136 : index
        %get3A_790 = tpu.vector_load %arg8[%get3A_788, %get3A_789] {strides = array<i32>} : memref<8x1920xf32, #tpu.memory_space<vmem>>, vector<1x16xf32>,
        %get3A_791 = vector.shape_cast %get3A_790 : vector<1x16xf32> to vector<16xf32>
        %min3A_792 = arith.minimumf %get3A_64, %get3A_779 : vector<16xf32>
        %max3A_793 = arith.maximumf %get3A_50, %get3A_771 : vector<16xf32>
        %sub3A_794 = arith.subf %min3A_792, %max3A_793 : vector<16xf32>
        %max3A_795 = arith.constant 0.000000e+00 : f32
        %max3A_796 = vector.broadcast %max3A_795 : f32 to vector<16xf32>
        %max3A_797 = arith.maximumf %sub3A_794, %max3A_796 : vector<16xf32>
        %min3A_798 = arith.minimumf %get3A_71, %get3A_783 : vector<16xf32>
        %max3A_799 = arith.maximumf %get3A_57, %get3A_775 : vector<16xf32>
        %sub3A_800 = arith.subf %min3A_798, %max3A_799 : vector<16xf32>
        %max3A_801 = arith.constant 0.000000e+00 : f32
        %max3A_802 = vector.broadcast %max3A_801 : f32 to vector<16xf32>
        %max3A_803 = arith.maximumf %sub3A_800, %max3A_802 : vector<16xf32>
        %mul3A_804 = arith.mulf %max3A_797, %max3A_803 : vector<16xf32>
        %add3A_805 = arith.addf %mul3A_73, %get3A_787 : vector<16xf32>
        %sub3A_806 = arith.subf %add3A_805, %mul3A_804 : vector<16xf32>
        %div3A_807 = arith.divf %mul3A_804, %sub3A_806 : vector<16xf32>
        %ge3A_808 = arith.constant 5.500000e-01 : f32
        %ge3A_809 = vector.broadcast %ge3A_808 : f32 to vector<16xf32>
        %ge3A_810 = arith.cmpf oge, %div3A_807, %ge3A_809 : vector<16xf32>
        %jit3A_811 = arith.constant 0.000000e+00 : f32
        %broadcast_in_dim3A_812 = vector.broadcast %jit3A_811 : f32 to vector<16xf32>
        %select_n3A_813 = arith.select %ge3A_810, %get3A_791, %broadcast_in_dim3A_812 : vector<16xi1>, vector<16xf32>
        %add3A_814 = arith.addf %add3A_754, %select_n3A_813 : vector<16xf32>
        %sub3A_815 = arith.subf %get3A_81, %get3A_771 : vector<16xf32>
        %sub3A_816 = arith.subf %get3A_89, %get3A_775 : vector<16xf32>
        %sub3A_817 = arith.subf %get3A_97, %get3A_779 : vector<16xf32>
        %sub3A_818 = arith.subf %get3A_105, %get3A_783 : vector<16xf32>
        %mul3A_819 = arith.mulf %sub3A_815, %sub3A_815 : vector<16xf32>
        %mul3A_820 = arith.mulf %sub3A_816, %sub3A_816 : vector<16xf32>
        %add3A_821 = arith.addf %mul3A_819, %mul3A_820 : vector<16xf32>
        %mul3A_822 = arith.mulf %sub3A_817, %sub3A_817 : vector<16xf32>
        %add3A_823 = arith.addf %add3A_821, %mul3A_822 : vector<16xf32>
        %mul3A_824 = arith.mulf %sub3A_818, %sub3A_818 : vector<16xf32>
        %add3A_825 = arith.addf %add3A_823, %mul3A_824 : vector<16xf32>
        %mul3A_826 = arith.mulf %add3A_825, %select_n3A_813 : vector<16xf32>
        %add3A_827 = arith.addf %add3A_767, %mul3A_826 : vector<16xf32>
        %get3A_828 = arith.index_cast %scan3A_9 : i32 to index
        %get3A_829 = arith.constant 1152 : index
        %get3A_830 = tpu.vector_load %arg8[%get3A_828, %get3A_829] {strides = array<i32>} : memref<8x1920xf32, #tpu.memory_space<vmem>>, vector<1x16xf32>,
        %get3A_831 = vector.shape_cast %get3A_830 : vector<1x16xf32> to vector<16xf32>
        %get3A_832 = arith.index_cast %scan3A_9 : i32 to index
        %get3A_833 = arith.constant 1168 : index
        %get3A_834 = tpu.vector_load %arg8[%get3A_832, %get3A_833] {strides = array<i32>} : memref<8x1920xf32, #tpu.memory_space<vmem>>, vector<1x16xf32>,
        %get3A_835 = vector.shape_cast %get3A_834 : vector<1x16xf32> to vector<16xf32>
        %get3A_836 = arith.index_cast %scan3A_9 : i32 to index
        %get3A_837 = arith.constant 1184 : index
        %get3A_838 = tpu.vector_load %arg8[%get3A_836, %get3A_837] {strides = array<i32>} : memref<8x1920xf32, #tpu.memory_space<vmem>>, vector<1x16xf32>,
        %get3A_839 = vector.shape_cast %get3A_838 : vector<1x16xf32> to vector<16xf32>
        %get3A_840 = arith.index_cast %scan3A_9 : i32 to index
        %get3A_841 = arith.constant 1200 : index
        %get3A_842 = tpu.vector_load %arg8[%get3A_840, %get3A_841] {strides = array<i32>} : memref<8x1920xf32, #tpu.memory_space<vmem>>, vector<1x16xf32>,
        %get3A_843 = vector.shape_cast %get3A_842 : vector<1x16xf32> to vector<16xf32>
        %get3A_844 = arith.index_cast %scan3A_9 : i32 to index
        %get3A_845 = arith.constant 1216 : index
        %get3A_846 = tpu.vector_load %arg8[%get3A_844, %get3A_845] {strides = array<i32>} : memref<8x1920xf32, #tpu.memory_space<vmem>>, vector<1x16xf32>,
        %get3A_847 = vector.shape_cast %get3A_846 : vector<1x16xf32> to vector<16xf32>
        %get3A_848 = arith.index_cast %scan3A_9 : i32 to index
        %get3A_849 = arith.constant 1232 : index
        %get3A_850 = tpu.vector_load %arg8[%get3A_848, %get3A_849] {strides = array<i32>} : memref<8x1920xf32, #tpu.memory_space<vmem>>, vector<1x16xf32>,
        %get3A_851 = vector.shape_cast %get3A_850 : vector<1x16xf32> to vector<16xf32>
        %min3A_852 = arith.minimumf %get3A_64, %get3A_839 : vector<16xf32>
        %max3A_853 = arith.maximumf %get3A_50, %get3A_831 : vector<16xf32>
        %sub3A_854 = arith.subf %min3A_852, %max3A_853 : vector<16xf32>
        %max3A_855 = arith.constant 0.000000e+00 : f32
        %max3A_856 = vector.broadcast %max3A_855 : f32 to vector<16xf32>
        %max3A_857 = arith.maximumf %sub3A_854, %max3A_856 : vector<16xf32>
        %min3A_858 = arith.minimumf %get3A_71, %get3A_843 : vector<16xf32>
        %max3A_859 = arith.maximumf %get3A_57, %get3A_835 : vector<16xf32>
        %sub3A_860 = arith.subf %min3A_858, %max3A_859 : vector<16xf32>
        %max3A_861 = arith.constant 0.000000e+00 : f32
        %max3A_862 = vector.broadcast %max3A_861 : f32 to vector<16xf32>
        %max3A_863 = arith.maximumf %sub3A_860, %max3A_862 : vector<16xf32>
        %mul3A_864 = arith.mulf %max3A_857, %max3A_863 : vector<16xf32>
        %add3A_865 = arith.addf %mul3A_73, %get3A_847 : vector<16xf32>
        %sub3A_866 = arith.subf %add3A_865, %mul3A_864 : vector<16xf32>
        %div3A_867 = arith.divf %mul3A_864, %sub3A_866 : vector<16xf32>
        %ge3A_868 = arith.constant 5.500000e-01 : f32
        %ge3A_869 = vector.broadcast %ge3A_868 : f32 to vector<16xf32>
        %ge3A_870 = arith.cmpf oge, %div3A_867, %ge3A_869 : vector<16xf32>
        %jit3A_871 = arith.constant 0.000000e+00 : f32
        %broadcast_in_dim3A_872 = vector.broadcast %jit3A_871 : f32 to vector<16xf32>
        %select_n3A_873 = arith.select %ge3A_870, %get3A_851, %broadcast_in_dim3A_872 : vector<16xi1>, vector<16xf32>
        %add3A_874 = arith.addf %add3A_814, %select_n3A_873 : vector<16xf32>
        %sub3A_875 = arith.subf %get3A_81, %get3A_831 : vector<16xf32>
        %sub3A_876 = arith.subf %get3A_89, %get3A_835 : vector<16xf32>
        %sub3A_877 = arith.subf %get3A_97, %get3A_839 : vector<16xf32>
        %sub3A_878 = arith.subf %get3A_105, %get3A_843 : vector<16xf32>
        %mul3A_879 = arith.mulf %sub3A_875, %sub3A_875 : vector<16xf32>
        %mul3A_880 = arith.mulf %sub3A_876, %sub3A_876 : vector<16xf32>
        %add3A_881 = arith.addf %mul3A_879, %mul3A_880 : vector<16xf32>
        %mul3A_882 = arith.mulf %sub3A_877, %sub3A_877 : vector<16xf32>
        %add3A_883 = arith.addf %add3A_881, %mul3A_882 : vector<16xf32>
        %mul3A_884 = arith.mulf %sub3A_878, %sub3A_878 : vector<16xf32>
        %add3A_885 = arith.addf %add3A_883, %mul3A_884 : vector<16xf32>
        %mul3A_886 = arith.mulf %add3A_885, %select_n3A_873 : vector<16xf32>
        %add3A_887 = arith.addf %add3A_827, %mul3A_886 : vector<16xf32>
        %get3A_888 = arith.index_cast %scan3A_9 : i32 to index
        %get3A_889 = arith.constant 1248 : index
        %get3A_890 = tpu.vector_load %arg8[%get3A_888, %get3A_889] {strides = array<i32>} : memref<8x1920xf32, #tpu.memory_space<vmem>>, vector<1x16xf32>,
        %get3A_891 = vector.shape_cast %get3A_890 : vector<1x16xf32> to vector<16xf32>
        %get3A_892 = arith.index_cast %scan3A_9 : i32 to index
        %get3A_893 = arith.constant 1264 : index
        %get3A_894 = tpu.vector_load %arg8[%get3A_892, %get3A_893] {strides = array<i32>} : memref<8x1920xf32, #tpu.memory_space<vmem>>, vector<1x16xf32>,
        %get3A_895 = vector.shape_cast %get3A_894 : vector<1x16xf32> to vector<16xf32>
        %get3A_896 = arith.index_cast %scan3A_9 : i32 to index
        %get3A_897 = arith.constant 1280 : index
        %get3A_898 = tpu.vector_load %arg8[%get3A_896, %get3A_897] {strides = array<i32>} : memref<8x1920xf32, #tpu.memory_space<vmem>>, vector<1x16xf32>,
        %get3A_899 = vector.shape_cast %get3A_898 : vector<1x16xf32> to vector<16xf32>
        %get3A_900 = arith.index_cast %scan3A_9 : i32 to index
        %get3A_901 = arith.constant 1296 : index
        %get3A_902 = tpu.vector_load %arg8[%get3A_900, %get3A_901] {strides = array<i32>} : memref<8x1920xf32, #tpu.memory_space<vmem>>, vector<1x16xf32>,
        %get3A_903 = vector.shape_cast %get3A_902 : vector<1x16xf32> to vector<16xf32>
        %get3A_904 = arith.index_cast %scan3A_9 : i32 to index
        %get3A_905 = arith.constant 1312 : index
        %get3A_906 = tpu.vector_load %arg8[%get3A_904, %get3A_905] {strides = array<i32>} : memref<8x1920xf32, #tpu.memory_space<vmem>>, vector<1x16xf32>,
        %get3A_907 = vector.shape_cast %get3A_906 : vector<1x16xf32> to vector<16xf32>
        %get3A_908 = arith.index_cast %scan3A_9 : i32 to index
        %get3A_909 = arith.constant 1328 : index
        %get3A_910 = tpu.vector_load %arg8[%get3A_908, %get3A_909] {strides = array<i32>} : memref<8x1920xf32, #tpu.memory_space<vmem>>, vector<1x16xf32>,
        %get3A_911 = vector.shape_cast %get3A_910 : vector<1x16xf32> to vector<16xf32>
        %min3A_912 = arith.minimumf %get3A_64, %get3A_899 : vector<16xf32>
        %max3A_913 = arith.maximumf %get3A_50, %get3A_891 : vector<16xf32>
        %sub3A_914 = arith.subf %min3A_912, %max3A_913 : vector<16xf32>
        %max3A_915 = arith.constant 0.000000e+00 : f32
        %max3A_916 = vector.broadcast %max3A_915 : f32 to vector<16xf32>
        %max3A_917 = arith.maximumf %sub3A_914, %max3A_916 : vector<16xf32>
        %min3A_918 = arith.minimumf %get3A_71, %get3A_903 : vector<16xf32>
        %max3A_919 = arith.maximumf %get3A_57, %get3A_895 : vector<16xf32>
        %sub3A_920 = arith.subf %min3A_918, %max3A_919 : vector<16xf32>
        %max3A_921 = arith.constant 0.000000e+00 : f32
        %max3A_922 = vector.broadcast %max3A_921 : f32 to vector<16xf32>
        %max3A_923 = arith.maximumf %sub3A_920, %max3A_922 : vector<16xf32>
        %mul3A_924 = arith.mulf %max3A_917, %max3A_923 : vector<16xf32>
        %add3A_925 = arith.addf %mul3A_73, %get3A_907 : vector<16xf32>
        %sub3A_926 = arith.subf %add3A_925, %mul3A_924 : vector<16xf32>
        %div3A_927 = arith.divf %mul3A_924, %sub3A_926 : vector<16xf32>
        %ge3A_928 = arith.constant 5.500000e-01 : f32
        %ge3A_929 = vector.broadcast %ge3A_928 : f32 to vector<16xf32>
        %ge3A_930 = arith.cmpf oge, %div3A_927, %ge3A_929 : vector<16xf32>
        %jit3A_931 = arith.constant 0.000000e+00 : f32
        %broadcast_in_dim3A_932 = vector.broadcast %jit3A_931 : f32 to vector<16xf32>
        %select_n3A_933 = arith.select %ge3A_930, %get3A_911, %broadcast_in_dim3A_932 : vector<16xi1>, vector<16xf32>
        %add3A_934 = arith.addf %add3A_874, %select_n3A_933 : vector<16xf32>
        %sub3A_935 = arith.subf %get3A_81, %get3A_891 : vector<16xf32>
        %sub3A_936 = arith.subf %get3A_89, %get3A_895 : vector<16xf32>
        %sub3A_937 = arith.subf %get3A_97, %get3A_899 : vector<16xf32>
        %sub3A_938 = arith.subf %get3A_105, %get3A_903 : vector<16xf32>
        %mul3A_939 = arith.mulf %sub3A_935, %sub3A_935 : vector<16xf32>
        %mul3A_940 = arith.mulf %sub3A_936, %sub3A_936 : vector<16xf32>
        %add3A_941 = arith.addf %mul3A_939, %mul3A_940 : vector<16xf32>
        %mul3A_942 = arith.mulf %sub3A_937, %sub3A_937 : vector<16xf32>
        %add3A_943 = arith.addf %add3A_941, %mul3A_942 : vector<16xf32>
        %mul3A_944 = arith.mulf %sub3A_938, %sub3A_938 : vector<16xf32>
        %add3A_945 = arith.addf %add3A_943, %mul3A_944 : vector<16xf32>
        %mul3A_946 = arith.mulf %add3A_945, %select_n3A_933 : vector<16xf32>
        %add3A_947 = arith.addf %add3A_887, %mul3A_946 : vector<16xf32>
        %get3A_948 = arith.index_cast %scan3A_9 : i32 to index
        %get3A_949 = arith.constant 1344 : index
        %get3A_950 = tpu.vector_load %arg8[%get3A_948, %get3A_949] {strides = array<i32>} : memref<8x1920xf32, #tpu.memory_space<vmem>>, vector<1x16xf32>,
        %get3A_951 = vector.shape_cast %get3A_950 : vector<1x16xf32> to vector<16xf32>
        %get3A_952 = arith.index_cast %scan3A_9 : i32 to index
        %get3A_953 = arith.constant 1360 : index
        %get3A_954 = tpu.vector_load %arg8[%get3A_952, %get3A_953] {strides = array<i32>} : memref<8x1920xf32, #tpu.memory_space<vmem>>, vector<1x16xf32>,
        %get3A_955 = vector.shape_cast %get3A_954 : vector<1x16xf32> to vector<16xf32>
        %get3A_956 = arith.index_cast %scan3A_9 : i32 to index
        %get3A_957 = arith.constant 1376 : index
        %get3A_958 = tpu.vector_load %arg8[%get3A_956, %get3A_957] {strides = array<i32>} : memref<8x1920xf32, #tpu.memory_space<vmem>>, vector<1x16xf32>,
        %get3A_959 = vector.shape_cast %get3A_958 : vector<1x16xf32> to vector<16xf32>
        %get3A_960 = arith.index_cast %scan3A_9 : i32 to index
        %get3A_961 = arith.constant 1392 : index
        %get3A_962 = tpu.vector_load %arg8[%get3A_960, %get3A_961] {strides = array<i32>} : memref<8x1920xf32, #tpu.memory_space<vmem>>, vector<1x16xf32>,
        %get3A_963 = vector.shape_cast %get3A_962 : vector<1x16xf32> to vector<16xf32>
        %get3A_964 = arith.index_cast %scan3A_9 : i32 to index
        %get3A_965 = arith.constant 1408 : index
        %get3A_966 = tpu.vector_load %arg8[%get3A_964, %get3A_965] {strides = array<i32>} : memref<8x1920xf32, #tpu.memory_space<vmem>>, vector<1x16xf32>,
        %get3A_967 = vector.shape_cast %get3A_966 : vector<1x16xf32> to vector<16xf32>
        %get3A_968 = arith.index_cast %scan3A_9 : i32 to index
        %get3A_969 = arith.constant 1424 : index
        %get3A_970 = tpu.vector_load %arg8[%get3A_968, %get3A_969] {strides = array<i32>} : memref<8x1920xf32, #tpu.memory_space<vmem>>, vector<1x16xf32>,
        %get3A_971 = vector.shape_cast %get3A_970 : vector<1x16xf32> to vector<16xf32>
        %min3A_972 = arith.minimumf %get3A_64, %get3A_959 : vector<16xf32>
        %max3A_973 = arith.maximumf %get3A_50, %get3A_951 : vector<16xf32>
        %sub3A_974 = arith.subf %min3A_972, %max3A_973 : vector<16xf32>
        %max3A_975 = arith.constant 0.000000e+00 : f32
        %max3A_976 = vector.broadcast %max3A_975 : f32 to vector<16xf32>
        %max3A_977 = arith.maximumf %sub3A_974, %max3A_976 : vector<16xf32>
        %min3A_978 = arith.minimumf %get3A_71, %get3A_963 : vector<16xf32>
        %max3A_979 = arith.maximumf %get3A_57, %get3A_955 : vector<16xf32>
        %sub3A_980 = arith.subf %min3A_978, %max3A_979 : vector<16xf32>
        %max3A_981 = arith.constant 0.000000e+00 : f32
        %max3A_982 = vector.broadcast %max3A_981 : f32 to vector<16xf32>
        %max3A_983 = arith.maximumf %sub3A_980, %max3A_982 : vector<16xf32>
        %mul3A_984 = arith.mulf %max3A_977, %max3A_983 : vector<16xf32>
        %add3A_985 = arith.addf %mul3A_73, %get3A_967 : vector<16xf32>
        %sub3A_986 = arith.subf %add3A_985, %mul3A_984 : vector<16xf32>
        %div3A_987 = arith.divf %mul3A_984, %sub3A_986 : vector<16xf32>
        %ge3A_988 = arith.constant 5.500000e-01 : f32
        %ge3A_989 = vector.broadcast %ge3A_988 : f32 to vector<16xf32>
        %ge3A_990 = arith.cmpf oge, %div3A_987, %ge3A_989 : vector<16xf32>
        %jit3A_991 = arith.constant 0.000000e+00 : f32
        %broadcast_in_dim3A_992 = vector.broadcast %jit3A_991 : f32 to vector<16xf32>
        %select_n3A_993 = arith.select %ge3A_990, %get3A_971, %broadcast_in_dim3A_992 : vector<16xi1>, vector<16xf32>
        %add3A_994 = arith.addf %add3A_934, %select_n3A_993 : vector<16xf32>
        %sub3A_995 = arith.subf %get3A_81, %get3A_951 : vector<16xf32>
        %sub3A_996 = arith.subf %get3A_89, %get3A_955 : vector<16xf32>
        %sub3A_997 = arith.subf %get3A_97, %get3A_959 : vector<16xf32>
        %sub3A_998 = arith.subf %get3A_105, %get3A_963 : vector<16xf32>
        %mul3A_999 = arith.mulf %sub3A_995, %sub3A_995 : vector<16xf32>
        %mul3A_1000 = arith.mulf %sub3A_996, %sub3A_996 : vector<16xf32>
        %add3A_1001 = arith.addf %mul3A_999, %mul3A_1000 : vector<16xf32>
        %mul3A_1002 = arith.mulf %sub3A_997, %sub3A_997 : vector<16xf32>
        %add3A_1003 = arith.addf %add3A_1001, %mul3A_1002 : vector<16xf32>
        %mul3A_1004 = arith.mulf %sub3A_998, %sub3A_998 : vector<16xf32>
        %add3A_1005 = arith.addf %add3A_1003, %mul3A_1004 : vector<16xf32>
        %mul3A_1006 = arith.mulf %add3A_1005, %select_n3A_993 : vector<16xf32>
        %add3A_1007 = arith.addf %add3A_947, %mul3A_1006 : vector<16xf32>
        %get3A_1008 = arith.index_cast %scan3A_9 : i32 to index
        %get3A_1009 = arith.constant 1440 : index
        %get3A_1010 = tpu.vector_load %arg8[%get3A_1008, %get3A_1009] {strides = array<i32>} : memref<8x1920xf32, #tpu.memory_space<vmem>>, vector<1x16xf32>,
        %get3A_1011 = vector.shape_cast %get3A_1010 : vector<1x16xf32> to vector<16xf32>
        %get3A_1012 = arith.index_cast %scan3A_9 : i32 to index
        %get3A_1013 = arith.constant 1456 : index
        %get3A_1014 = tpu.vector_load %arg8[%get3A_1012, %get3A_1013] {strides = array<i32>} : memref<8x1920xf32, #tpu.memory_space<vmem>>, vector<1x16xf32>,
        %get3A_1015 = vector.shape_cast %get3A_1014 : vector<1x16xf32> to vector<16xf32>
        %get3A_1016 = arith.index_cast %scan3A_9 : i32 to index
        %get3A_1017 = arith.constant 1472 : index
        %get3A_1018 = tpu.vector_load %arg8[%get3A_1016, %get3A_1017] {strides = array<i32>} : memref<8x1920xf32, #tpu.memory_space<vmem>>, vector<1x16xf32>,
        %get3A_1019 = vector.shape_cast %get3A_1018 : vector<1x16xf32> to vector<16xf32>
        %get3A_1020 = arith.index_cast %scan3A_9 : i32 to index
        %get3A_1021 = arith.constant 1488 : index
        %get3A_1022 = tpu.vector_load %arg8[%get3A_1020, %get3A_1021] {strides = array<i32>} : memref<8x1920xf32, #tpu.memory_space<vmem>>, vector<1x16xf32>,
        %get3A_1023 = vector.shape_cast %get3A_1022 : vector<1x16xf32> to vector<16xf32>
        %get3A_1024 = arith.index_cast %scan3A_9 : i32 to index
        %get3A_1025 = arith.constant 1504 : index
        %get3A_1026 = tpu.vector_load %arg8[%get3A_1024, %get3A_1025] {strides = array<i32>} : memref<8x1920xf32, #tpu.memory_space<vmem>>, vector<1x16xf32>,
        %get3A_1027 = vector.shape_cast %get3A_1026 : vector<1x16xf32> to vector<16xf32>
        %get3A_1028 = arith.index_cast %scan3A_9 : i32 to index
        %get3A_1029 = arith.constant 1520 : index
        %get3A_1030 = tpu.vector_load %arg8[%get3A_1028, %get3A_1029] {strides = array<i32>} : memref<8x1920xf32, #tpu.memory_space<vmem>>, vector<1x16xf32>,
        %get3A_1031 = vector.shape_cast %get3A_1030 : vector<1x16xf32> to vector<16xf32>
        %min3A_1032 = arith.minimumf %get3A_64, %get3A_1019 : vector<16xf32>
        %max3A_1033 = arith.maximumf %get3A_50, %get3A_1011 : vector<16xf32>
        %sub3A_1034 = arith.subf %min3A_1032, %max3A_1033 : vector<16xf32>
        %max3A_1035 = arith.constant 0.000000e+00 : f32
        %max3A_1036 = vector.broadcast %max3A_1035 : f32 to vector<16xf32>
        %max3A_1037 = arith.maximumf %sub3A_1034, %max3A_1036 : vector<16xf32>
        %min3A_1038 = arith.minimumf %get3A_71, %get3A_1023 : vector<16xf32>
        %max3A_1039 = arith.maximumf %get3A_57, %get3A_1015 : vector<16xf32>
        %sub3A_1040 = arith.subf %min3A_1038, %max3A_1039 : vector<16xf32>
        %max3A_1041 = arith.constant 0.000000e+00 : f32
        %max3A_1042 = vector.broadcast %max3A_1041 : f32 to vector<16xf32>
        %max3A_1043 = arith.maximumf %sub3A_1040, %max3A_1042 : vector<16xf32>
        %mul3A_1044 = arith.mulf %max3A_1037, %max3A_1043 : vector<16xf32>
        %add3A_1045 = arith.addf %mul3A_73, %get3A_1027 : vector<16xf32>
        %sub3A_1046 = arith.subf %add3A_1045, %mul3A_1044 : vector<16xf32>
        %div3A_1047 = arith.divf %mul3A_1044, %sub3A_1046 : vector<16xf32>
        %ge3A_1048 = arith.constant 5.500000e-01 : f32
        %ge3A_1049 = vector.broadcast %ge3A_1048 : f32 to vector<16xf32>
        %ge3A_1050 = arith.cmpf oge, %div3A_1047, %ge3A_1049 : vector<16xf32>
        %jit3A_1051 = arith.constant 0.000000e+00 : f32
        %broadcast_in_dim3A_1052 = vector.broadcast %jit3A_1051 : f32 to vector<16xf32>
        %select_n3A_1053 = arith.select %ge3A_1050, %get3A_1031, %broadcast_in_dim3A_1052 : vector<16xi1>, vector<16xf32>
        %add3A_1054 = arith.addf %add3A_994, %select_n3A_1053 : vector<16xf32>
        %sub3A_1055 = arith.subf %get3A_81, %get3A_1011 : vector<16xf32>
        %sub3A_1056 = arith.subf %get3A_89, %get3A_1015 : vector<16xf32>
        %sub3A_1057 = arith.subf %get3A_97, %get3A_1019 : vector<16xf32>
        %sub3A_1058 = arith.subf %get3A_105, %get3A_1023 : vector<16xf32>
        %mul3A_1059 = arith.mulf %sub3A_1055, %sub3A_1055 : vector<16xf32>
        %mul3A_1060 = arith.mulf %sub3A_1056, %sub3A_1056 : vector<16xf32>
        %add3A_1061 = arith.addf %mul3A_1059, %mul3A_1060 : vector<16xf32>
        %mul3A_1062 = arith.mulf %sub3A_1057, %sub3A_1057 : vector<16xf32>
        %add3A_1063 = arith.addf %add3A_1061, %mul3A_1062 : vector<16xf32>
        %mul3A_1064 = arith.mulf %sub3A_1058, %sub3A_1058 : vector<16xf32>
        %add3A_1065 = arith.addf %add3A_1063, %mul3A_1064 : vector<16xf32>
        %mul3A_1066 = arith.mulf %add3A_1065, %select_n3A_1053 : vector<16xf32>
        %add3A_1067 = arith.addf %add3A_1007, %mul3A_1066 : vector<16xf32>
        %get3A_1068 = arith.index_cast %scan3A_9 : i32 to index
        %get3A_1069 = arith.constant 1536 : index
        %get3A_1070 = tpu.vector_load %arg8[%get3A_1068, %get3A_1069] {strides = array<i32>} : memref<8x1920xf32, #tpu.memory_space<vmem>>, vector<1x16xf32>,
        %get3A_1071 = vector.shape_cast %get3A_1070 : vector<1x16xf32> to vector<16xf32>
        %get3A_1072 = arith.index_cast %scan3A_9 : i32 to index
        %get3A_1073 = arith.constant 1552 : index
        %get3A_1074 = tpu.vector_load %arg8[%get3A_1072, %get3A_1073] {strides = array<i32>} : memref<8x1920xf32, #tpu.memory_space<vmem>>, vector<1x16xf32>,
        %get3A_1075 = vector.shape_cast %get3A_1074 : vector<1x16xf32> to vector<16xf32>
        %get3A_1076 = arith.index_cast %scan3A_9 : i32 to index
        %get3A_1077 = arith.constant 1568 : index
        %get3A_1078 = tpu.vector_load %arg8[%get3A_1076, %get3A_1077] {strides = array<i32>} : memref<8x1920xf32, #tpu.memory_space<vmem>>, vector<1x16xf32>,
        %get3A_1079 = vector.shape_cast %get3A_1078 : vector<1x16xf32> to vector<16xf32>
        %get3A_1080 = arith.index_cast %scan3A_9 : i32 to index
        %get3A_1081 = arith.constant 1584 : index
        %get3A_1082 = tpu.vector_load %arg8[%get3A_1080, %get3A_1081] {strides = array<i32>} : memref<8x1920xf32, #tpu.memory_space<vmem>>, vector<1x16xf32>,
        %get3A_1083 = vector.shape_cast %get3A_1082 : vector<1x16xf32> to vector<16xf32>
        %get3A_1084 = arith.index_cast %scan3A_9 : i32 to index
        %get3A_1085 = arith.constant 1600 : index
        %get3A_1086 = tpu.vector_load %arg8[%get3A_1084, %get3A_1085] {strides = array<i32>} : memref<8x1920xf32, #tpu.memory_space<vmem>>, vector<1x16xf32>,
        %get3A_1087 = vector.shape_cast %get3A_1086 : vector<1x16xf32> to vector<16xf32>
        %get3A_1088 = arith.index_cast %scan3A_9 : i32 to index
        %get3A_1089 = arith.constant 1616 : index
        %get3A_1090 = tpu.vector_load %arg8[%get3A_1088, %get3A_1089] {strides = array<i32>} : memref<8x1920xf32, #tpu.memory_space<vmem>>, vector<1x16xf32>,
        %get3A_1091 = vector.shape_cast %get3A_1090 : vector<1x16xf32> to vector<16xf32>
        %min3A_1092 = arith.minimumf %get3A_64, %get3A_1079 : vector<16xf32>
        %max3A_1093 = arith.maximumf %get3A_50, %get3A_1071 : vector<16xf32>
        %sub3A_1094 = arith.subf %min3A_1092, %max3A_1093 : vector<16xf32>
        %max3A_1095 = arith.constant 0.000000e+00 : f32
        %max3A_1096 = vector.broadcast %max3A_1095 : f32 to vector<16xf32>
        %max3A_1097 = arith.maximumf %sub3A_1094, %max3A_1096 : vector<16xf32>
        %min3A_1098 = arith.minimumf %get3A_71, %get3A_1083 : vector<16xf32>
        %max3A_1099 = arith.maximumf %get3A_57, %get3A_1075 : vector<16xf32>
        %sub3A_1100 = arith.subf %min3A_1098, %max3A_1099 : vector<16xf32>
        %max3A_1101 = arith.constant 0.000000e+00 : f32
        %max3A_1102 = vector.broadcast %max3A_1101 : f32 to vector<16xf32>
        %max3A_1103 = arith.maximumf %sub3A_1100, %max3A_1102 : vector<16xf32>
        %mul3A_1104 = arith.mulf %max3A_1097, %max3A_1103 : vector<16xf32>
        %add3A_1105 = arith.addf %mul3A_73, %get3A_1087 : vector<16xf32>
        %sub3A_1106 = arith.subf %add3A_1105, %mul3A_1104 : vector<16xf32>
        %div3A_1107 = arith.divf %mul3A_1104, %sub3A_1106 : vector<16xf32>
        %ge3A_1108 = arith.constant 5.500000e-01 : f32
        %ge3A_1109 = vector.broadcast %ge3A_1108 : f32 to vector<16xf32>
        %ge3A_1110 = arith.cmpf oge, %div3A_1107, %ge3A_1109 : vector<16xf32>
        %jit3A_1111 = arith.constant 0.000000e+00 : f32
        %broadcast_in_dim3A_1112 = vector.broadcast %jit3A_1111 : f32 to vector<16xf32>
        %select_n3A_1113 = arith.select %ge3A_1110, %get3A_1091, %broadcast_in_dim3A_1112 : vector<16xi1>, vector<16xf32>
        %add3A_1114 = arith.addf %add3A_1054, %select_n3A_1113 : vector<16xf32>
        %sub3A_1115 = arith.subf %get3A_81, %get3A_1071 : vector<16xf32>
        %sub3A_1116 = arith.subf %get3A_89, %get3A_1075 : vector<16xf32>
        %sub3A_1117 = arith.subf %get3A_97, %get3A_1079 : vector<16xf32>
        %sub3A_1118 = arith.subf %get3A_105, %get3A_1083 : vector<16xf32>
        %mul3A_1119 = arith.mulf %sub3A_1115, %sub3A_1115 : vector<16xf32>
        %mul3A_1120 = arith.mulf %sub3A_1116, %sub3A_1116 : vector<16xf32>
        %add3A_1121 = arith.addf %mul3A_1119, %mul3A_1120 : vector<16xf32>
        %mul3A_1122 = arith.mulf %sub3A_1117, %sub3A_1117 : vector<16xf32>
        %add3A_1123 = arith.addf %add3A_1121, %mul3A_1122 : vector<16xf32>
        %mul3A_1124 = arith.mulf %sub3A_1118, %sub3A_1118 : vector<16xf32>
        %add3A_1125 = arith.addf %add3A_1123, %mul3A_1124 : vector<16xf32>
        %mul3A_1126 = arith.mulf %add3A_1125, %select_n3A_1113 : vector<16xf32>
        %add3A_1127 = arith.addf %add3A_1067, %mul3A_1126 : vector<16xf32>
        %get3A_1128 = arith.index_cast %scan3A_9 : i32 to index
        %get3A_1129 = arith.constant 1632 : index
        %get3A_1130 = tpu.vector_load %arg8[%get3A_1128, %get3A_1129] {strides = array<i32>} : memref<8x1920xf32, #tpu.memory_space<vmem>>, vector<1x16xf32>,
        %get3A_1131 = vector.shape_cast %get3A_1130 : vector<1x16xf32> to vector<16xf32>
        %get3A_1132 = arith.index_cast %scan3A_9 : i32 to index
        %get3A_1133 = arith.constant 1648 : index
        %get3A_1134 = tpu.vector_load %arg8[%get3A_1132, %get3A_1133] {strides = array<i32>} : memref<8x1920xf32, #tpu.memory_space<vmem>>, vector<1x16xf32>,
        %get3A_1135 = vector.shape_cast %get3A_1134 : vector<1x16xf32> to vector<16xf32>
        %get3A_1136 = arith.index_cast %scan3A_9 : i32 to index
        %get3A_1137 = arith.constant 1664 : index
        %get3A_1138 = tpu.vector_load %arg8[%get3A_1136, %get3A_1137] {strides = array<i32>} : memref<8x1920xf32, #tpu.memory_space<vmem>>, vector<1x16xf32>,
        %get3A_1139 = vector.shape_cast %get3A_1138 : vector<1x16xf32> to vector<16xf32>
        %get3A_1140 = arith.index_cast %scan3A_9 : i32 to index
        %get3A_1141 = arith.constant 1680 : index
        %get3A_1142 = tpu.vector_load %arg8[%get3A_1140, %get3A_1141] {strides = array<i32>} : memref<8x1920xf32, #tpu.memory_space<vmem>>, vector<1x16xf32>,
        %get3A_1143 = vector.shape_cast %get3A_1142 : vector<1x16xf32> to vector<16xf32>
        %get3A_1144 = arith.index_cast %scan3A_9 : i32 to index
        %get3A_1145 = arith.constant 1696 : index
        %get3A_1146 = tpu.vector_load %arg8[%get3A_1144, %get3A_1145] {strides = array<i32>} : memref<8x1920xf32, #tpu.memory_space<vmem>>, vector<1x16xf32>,
        %get3A_1147 = vector.shape_cast %get3A_1146 : vector<1x16xf32> to vector<16xf32>
        %get3A_1148 = arith.index_cast %scan3A_9 : i32 to index
        %get3A_1149 = arith.constant 1712 : index
        %get3A_1150 = tpu.vector_load %arg8[%get3A_1148, %get3A_1149] {strides = array<i32>} : memref<8x1920xf32, #tpu.memory_space<vmem>>, vector<1x16xf32>,
        %get3A_1151 = vector.shape_cast %get3A_1150 : vector<1x16xf32> to vector<16xf32>
        %min3A_1152 = arith.minimumf %get3A_64, %get3A_1139 : vector<16xf32>
        %max3A_1153 = arith.maximumf %get3A_50, %get3A_1131 : vector<16xf32>
        %sub3A_1154 = arith.subf %min3A_1152, %max3A_1153 : vector<16xf32>
        %max3A_1155 = arith.constant 0.000000e+00 : f32
        %max3A_1156 = vector.broadcast %max3A_1155 : f32 to vector<16xf32>
        %max3A_1157 = arith.maximumf %sub3A_1154, %max3A_1156 : vector<16xf32>
        %min3A_1158 = arith.minimumf %get3A_71, %get3A_1143 : vector<16xf32>
        %max3A_1159 = arith.maximumf %get3A_57, %get3A_1135 : vector<16xf32>
        %sub3A_1160 = arith.subf %min3A_1158, %max3A_1159 : vector<16xf32>
        %max3A_1161 = arith.constant 0.000000e+00 : f32
        %max3A_1162 = vector.broadcast %max3A_1161 : f32 to vector<16xf32>
        %max3A_1163 = arith.maximumf %sub3A_1160, %max3A_1162 : vector<16xf32>
        %mul3A_1164 = arith.mulf %max3A_1157, %max3A_1163 : vector<16xf32>
        %add3A_1165 = arith.addf %mul3A_73, %get3A_1147 : vector<16xf32>
        %sub3A_1166 = arith.subf %add3A_1165, %mul3A_1164 : vector<16xf32>
        %div3A_1167 = arith.divf %mul3A_1164, %sub3A_1166 : vector<16xf32>
        %ge3A_1168 = arith.constant 5.500000e-01 : f32
        %ge3A_1169 = vector.broadcast %ge3A_1168 : f32 to vector<16xf32>
        %ge3A_1170 = arith.cmpf oge, %div3A_1167, %ge3A_1169 : vector<16xf32>
        %jit3A_1171 = arith.constant 0.000000e+00 : f32
        %broadcast_in_dim3A_1172 = vector.broadcast %jit3A_1171 : f32 to vector<16xf32>
        %select_n3A_1173 = arith.select %ge3A_1170, %get3A_1151, %broadcast_in_dim3A_1172 : vector<16xi1>, vector<16xf32>
        %add3A_1174 = arith.addf %add3A_1114, %select_n3A_1173 : vector<16xf32>
        %sub3A_1175 = arith.subf %get3A_81, %get3A_1131 : vector<16xf32>
        %sub3A_1176 = arith.subf %get3A_89, %get3A_1135 : vector<16xf32>
        %sub3A_1177 = arith.subf %get3A_97, %get3A_1139 : vector<16xf32>
        %sub3A_1178 = arith.subf %get3A_105, %get3A_1143 : vector<16xf32>
        %mul3A_1179 = arith.mulf %sub3A_1175, %sub3A_1175 : vector<16xf32>
        %mul3A_1180 = arith.mulf %sub3A_1176, %sub3A_1176 : vector<16xf32>
        %add3A_1181 = arith.addf %mul3A_1179, %mul3A_1180 : vector<16xf32>
        %mul3A_1182 = arith.mulf %sub3A_1177, %sub3A_1177 : vector<16xf32>
        %add3A_1183 = arith.addf %add3A_1181, %mul3A_1182 : vector<16xf32>
        %mul3A_1184 = arith.mulf %sub3A_1178, %sub3A_1178 : vector<16xf32>
        %add3A_1185 = arith.addf %add3A_1183, %mul3A_1184 : vector<16xf32>
        %mul3A_1186 = arith.mulf %add3A_1185, %select_n3A_1173 : vector<16xf32>
        %add3A_1187 = arith.addf %add3A_1127, %mul3A_1186 : vector<16xf32>
        %get3A_1188 = arith.index_cast %scan3A_9 : i32 to index
        %get3A_1189 = arith.constant 1728 : index
        %get3A_1190 = tpu.vector_load %arg8[%get3A_1188, %get3A_1189] {strides = array<i32>} : memref<8x1920xf32, #tpu.memory_space<vmem>>, vector<1x16xf32>,
        %get3A_1191 = vector.shape_cast %get3A_1190 : vector<1x16xf32> to vector<16xf32>
        %get3A_1192 = arith.index_cast %scan3A_9 : i32 to index
        %get3A_1193 = arith.constant 1744 : index
        %get3A_1194 = tpu.vector_load %arg8[%get3A_1192, %get3A_1193] {strides = array<i32>} : memref<8x1920xf32, #tpu.memory_space<vmem>>, vector<1x16xf32>,
        %get3A_1195 = vector.shape_cast %get3A_1194 : vector<1x16xf32> to vector<16xf32>
        %get3A_1196 = arith.index_cast %scan3A_9 : i32 to index
        %get3A_1197 = arith.constant 1760 : index
        %get3A_1198 = tpu.vector_load %arg8[%get3A_1196, %get3A_1197] {strides = array<i32>} : memref<8x1920xf32, #tpu.memory_space<vmem>>, vector<1x16xf32>,
        %get3A_1199 = vector.shape_cast %get3A_1198 : vector<1x16xf32> to vector<16xf32>
        %get3A_1200 = arith.index_cast %scan3A_9 : i32 to index
        %get3A_1201 = arith.constant 1776 : index
        %get3A_1202 = tpu.vector_load %arg8[%get3A_1200, %get3A_1201] {strides = array<i32>} : memref<8x1920xf32, #tpu.memory_space<vmem>>, vector<1x16xf32>,
        %get3A_1203 = vector.shape_cast %get3A_1202 : vector<1x16xf32> to vector<16xf32>
        %get3A_1204 = arith.index_cast %scan3A_9 : i32 to index
        %get3A_1205 = arith.constant 1792 : index
        %get3A_1206 = tpu.vector_load %arg8[%get3A_1204, %get3A_1205] {strides = array<i32>} : memref<8x1920xf32, #tpu.memory_space<vmem>>, vector<1x16xf32>,
        %get3A_1207 = vector.shape_cast %get3A_1206 : vector<1x16xf32> to vector<16xf32>
        %get3A_1208 = arith.index_cast %scan3A_9 : i32 to index
        %get3A_1209 = arith.constant 1808 : index
        %get3A_1210 = tpu.vector_load %arg8[%get3A_1208, %get3A_1209] {strides = array<i32>} : memref<8x1920xf32, #tpu.memory_space<vmem>>, vector<1x16xf32>,
        %get3A_1211 = vector.shape_cast %get3A_1210 : vector<1x16xf32> to vector<16xf32>
        %min3A_1212 = arith.minimumf %get3A_64, %get3A_1199 : vector<16xf32>
        %max3A_1213 = arith.maximumf %get3A_50, %get3A_1191 : vector<16xf32>
        %sub3A_1214 = arith.subf %min3A_1212, %max3A_1213 : vector<16xf32>
        %max3A_1215 = arith.constant 0.000000e+00 : f32
        %max3A_1216 = vector.broadcast %max3A_1215 : f32 to vector<16xf32>
        %max3A_1217 = arith.maximumf %sub3A_1214, %max3A_1216 : vector<16xf32>
        %min3A_1218 = arith.minimumf %get3A_71, %get3A_1203 : vector<16xf32>
        %max3A_1219 = arith.maximumf %get3A_57, %get3A_1195 : vector<16xf32>
        %sub3A_1220 = arith.subf %min3A_1218, %max3A_1219 : vector<16xf32>
        %max3A_1221 = arith.constant 0.000000e+00 : f32
        %max3A_1222 = vector.broadcast %max3A_1221 : f32 to vector<16xf32>
        %max3A_1223 = arith.maximumf %sub3A_1220, %max3A_1222 : vector<16xf32>
        %mul3A_1224 = arith.mulf %max3A_1217, %max3A_1223 : vector<16xf32>
        %add3A_1225 = arith.addf %mul3A_73, %get3A_1207 : vector<16xf32>
        %sub3A_1226 = arith.subf %add3A_1225, %mul3A_1224 : vector<16xf32>
        %div3A_1227 = arith.divf %mul3A_1224, %sub3A_1226 : vector<16xf32>
        %ge3A_1228 = arith.constant 5.500000e-01 : f32
        %ge3A_1229 = vector.broadcast %ge3A_1228 : f32 to vector<16xf32>
        %ge3A_1230 = arith.cmpf oge, %div3A_1227, %ge3A_1229 : vector<16xf32>
        %jit3A_1231 = arith.constant 0.000000e+00 : f32
        %broadcast_in_dim3A_1232 = vector.broadcast %jit3A_1231 : f32 to vector<16xf32>
        %select_n3A_1233 = arith.select %ge3A_1230, %get3A_1211, %broadcast_in_dim3A_1232 : vector<16xi1>, vector<16xf32>
        %add3A_1234 = arith.addf %add3A_1174, %select_n3A_1233 : vector<16xf32>
        %sub3A_1235 = arith.subf %get3A_81, %get3A_1191 : vector<16xf32>
        %sub3A_1236 = arith.subf %get3A_89, %get3A_1195 : vector<16xf32>
        %sub3A_1237 = arith.subf %get3A_97, %get3A_1199 : vector<16xf32>
        %sub3A_1238 = arith.subf %get3A_105, %get3A_1203 : vector<16xf32>
        %mul3A_1239 = arith.mulf %sub3A_1235, %sub3A_1235 : vector<16xf32>
        %mul3A_1240 = arith.mulf %sub3A_1236, %sub3A_1236 : vector<16xf32>
        %add3A_1241 = arith.addf %mul3A_1239, %mul3A_1240 : vector<16xf32>
        %mul3A_1242 = arith.mulf %sub3A_1237, %sub3A_1237 : vector<16xf32>
        %add3A_1243 = arith.addf %add3A_1241, %mul3A_1242 : vector<16xf32>
        %mul3A_1244 = arith.mulf %sub3A_1238, %sub3A_1238 : vector<16xf32>
        %add3A_1245 = arith.addf %add3A_1243, %mul3A_1244 : vector<16xf32>
        %mul3A_1246 = arith.mulf %add3A_1245, %select_n3A_1233 : vector<16xf32>
        %add3A_1247 = arith.addf %add3A_1187, %mul3A_1246 : vector<16xf32>
        %get3A_1248 = arith.index_cast %scan3A_9 : i32 to index
        %get3A_1249 = arith.constant 1824 : index
        %get3A_1250 = tpu.vector_load %arg8[%get3A_1248, %get3A_1249] {strides = array<i32>} : memref<8x1920xf32, #tpu.memory_space<vmem>>, vector<1x16xf32>,
        %get3A_1251 = vector.shape_cast %get3A_1250 : vector<1x16xf32> to vector<16xf32>
        %get3A_1252 = arith.index_cast %scan3A_9 : i32 to index
        %get3A_1253 = arith.constant 1840 : index
        %get3A_1254 = tpu.vector_load %arg8[%get3A_1252, %get3A_1253] {strides = array<i32>} : memref<8x1920xf32, #tpu.memory_space<vmem>>, vector<1x16xf32>,
        %get3A_1255 = vector.shape_cast %get3A_1254 : vector<1x16xf32> to vector<16xf32>
        %get3A_1256 = arith.index_cast %scan3A_9 : i32 to index
        %get3A_1257 = arith.constant 1856 : index
        %get3A_1258 = tpu.vector_load %arg8[%get3A_1256, %get3A_1257] {strides = array<i32>} : memref<8x1920xf32, #tpu.memory_space<vmem>>, vector<1x16xf32>,
        %get3A_1259 = vector.shape_cast %get3A_1258 : vector<1x16xf32> to vector<16xf32>
        %get3A_1260 = arith.index_cast %scan3A_9 : i32 to index
        %get3A_1261 = arith.constant 1872 : index
        %get3A_1262 = tpu.vector_load %arg8[%get3A_1260, %get3A_1261] {strides = array<i32>} : memref<8x1920xf32, #tpu.memory_space<vmem>>, vector<1x16xf32>,
        %get3A_1263 = vector.shape_cast %get3A_1262 : vector<1x16xf32> to vector<16xf32>
        %get3A_1264 = arith.index_cast %scan3A_9 : i32 to index
        %get3A_1265 = arith.constant 1888 : index
        %get3A_1266 = tpu.vector_load %arg8[%get3A_1264, %get3A_1265] {strides = array<i32>} : memref<8x1920xf32, #tpu.memory_space<vmem>>, vector<1x16xf32>,
        %get3A_1267 = vector.shape_cast %get3A_1266 : vector<1x16xf32> to vector<16xf32>
        %get3A_1268 = arith.index_cast %scan3A_9 : i32 to index
        %get3A_1269 = arith.constant 1904 : index
        %get3A_1270 = tpu.vector_load %arg8[%get3A_1268, %get3A_1269] {strides = array<i32>} : memref<8x1920xf32, #tpu.memory_space<vmem>>, vector<1x16xf32>,
        %get3A_1271 = vector.shape_cast %get3A_1270 : vector<1x16xf32> to vector<16xf32>
        %min3A_1272 = arith.minimumf %get3A_64, %get3A_1259 : vector<16xf32>
        %max3A_1273 = arith.maximumf %get3A_50, %get3A_1251 : vector<16xf32>
        %sub3A_1274 = arith.subf %min3A_1272, %max3A_1273 : vector<16xf32>
        %max3A_1275 = arith.constant 0.000000e+00 : f32
        %max3A_1276 = vector.broadcast %max3A_1275 : f32 to vector<16xf32>
        %max3A_1277 = arith.maximumf %sub3A_1274, %max3A_1276 : vector<16xf32>
        %min3A_1278 = arith.minimumf %get3A_71, %get3A_1263 : vector<16xf32>
        %max3A_1279 = arith.maximumf %get3A_57, %get3A_1255 : vector<16xf32>
        %sub3A_1280 = arith.subf %min3A_1278, %max3A_1279 : vector<16xf32>
        %max3A_1281 = arith.constant 0.000000e+00 : f32
        %max3A_1282 = vector.broadcast %max3A_1281 : f32 to vector<16xf32>
        %max3A_1283 = arith.maximumf %sub3A_1280, %max3A_1282 : vector<16xf32>
        %mul3A_1284 = arith.mulf %max3A_1277, %max3A_1283 : vector<16xf32>
        %add3A_1285 = arith.addf %mul3A_73, %get3A_1267 : vector<16xf32>
        %sub3A_1286 = arith.subf %add3A_1285, %mul3A_1284 : vector<16xf32>
        %div3A_1287 = arith.divf %mul3A_1284, %sub3A_1286 : vector<16xf32>
        %ge3A_1288 = arith.constant 5.500000e-01 : f32
        %ge3A_1289 = vector.broadcast %ge3A_1288 : f32 to vector<16xf32>
        %ge3A_1290 = arith.cmpf oge, %div3A_1287, %ge3A_1289 : vector<16xf32>
        %jit3A_1291 = arith.constant 0.000000e+00 : f32
        %broadcast_in_dim3A_1292 = vector.broadcast %jit3A_1291 : f32 to vector<16xf32>
        %select_n3A_1293 = arith.select %ge3A_1290, %get3A_1271, %broadcast_in_dim3A_1292 : vector<16xi1>, vector<16xf32>
        %add3A_1294 = arith.addf %add3A_1234, %select_n3A_1293 : vector<16xf32>
        %sub3A_1295 = arith.subf %get3A_81, %get3A_1251 : vector<16xf32>
        %sub3A_1296 = arith.subf %get3A_89, %get3A_1255 : vector<16xf32>
        %sub3A_1297 = arith.subf %get3A_97, %get3A_1259 : vector<16xf32>
        %sub3A_1298 = arith.subf %get3A_105, %get3A_1263 : vector<16xf32>
        %mul3A_1299 = arith.mulf %sub3A_1295, %sub3A_1295 : vector<16xf32>
        %mul3A_1300 = arith.mulf %sub3A_1296, %sub3A_1296 : vector<16xf32>
        %add3A_1301 = arith.addf %mul3A_1299, %mul3A_1300 : vector<16xf32>
        %mul3A_1302 = arith.mulf %sub3A_1297, %sub3A_1297 : vector<16xf32>
        %add3A_1303 = arith.addf %add3A_1301, %mul3A_1302 : vector<16xf32>
        %mul3A_1304 = arith.mulf %sub3A_1298, %sub3A_1298 : vector<16xf32>
        %add3A_1305 = arith.addf %add3A_1303, %mul3A_1304 : vector<16xf32>
        %mul3A_1306 = arith.mulf %add3A_1305, %select_n3A_1293 : vector<16xf32>
        %add3A_1307 = arith.addf %add3A_1247, %mul3A_1306 : vector<16xf32>
        %min3A_1308 = arith.constant 1.000000e+00 : f32
        %min3A_1309 = vector.broadcast %min3A_1308 : f32 to vector<16xf32>
        %min3A_1310 = arith.minimumf %add3A_1294, %min3A_1309 : vector<16xf32>
        %add3A_1311 = arith.addf %scan3A_40, %add3A_1294 : vector<16xf32>
        %add3A_1312 = arith.addf %scan3A_41, %add3A_1307 : vector<16xf32>
        %mul3A_1313 = arith.mulf %get3A_109, %min3A_1310 : vector<16xf32>
        %add3A_1314 = arith.addf %scan3A_42, %mul3A_1313 : vector<16xf32>
        scf.yield %add3A_1311, %add3A_1312, %add3A_1314 : vector<16xf32>, vector<16xf32>, vector<16xf32>
      }
      %scan3A_17 = arith.constant 40 : i32
      %swap3A = arith.constant 0 : i32
      %swap3A_18 = arith.index_cast %scan3A_9 : i32 to index
      %swap3A_19 = arith.index_cast %swap3A : i32 to index
      %swap3A_20 = arith.constant 0 : index
      %swap3A_21 = tpu.vector_load %arg9[%swap3A_18, %swap3A_19, %swap3A_20] {strides = array<i32>} : memref<8x3x16xf32, #tpu.memory_space<vmem>>, vector<1x1x16xf32>,
      %swap3A_22 = vector.shape_cast %swap3A_21 : vector<1x1x16xf32> to vector<16xf32>
      %swap3A_23 = vector.shape_cast %scan3A_16#0 : vector<16xf32> to vector<1x1x16xf32>
      tpu.vector_store %arg9[%swap3A_18, %swap3A_19, %swap3A_20], %swap3A_23 {strides = array<i32>} : memref<8x3x16xf32, #tpu.memory_space<vmem>>, vector<1x1x16xf32>,
      %swap3A_24 = arith.constant 1 : i32
      %swap3A_25 = arith.index_cast %scan3A_9 : i32 to index
      %swap3A_26 = arith.index_cast %swap3A_24 : i32 to index
      %swap3A_27 = arith.constant 0 : index
      %swap3A_28 = tpu.vector_load %arg9[%swap3A_25, %swap3A_26, %swap3A_27] {strides = array<i32>} : memref<8x3x16xf32, #tpu.memory_space<vmem>>, vector<1x1x16xf32>,
      %swap3A_29 = vector.shape_cast %swap3A_28 : vector<1x1x16xf32> to vector<16xf32>
      %swap3A_30 = vector.shape_cast %scan3A_16#1 : vector<16xf32> to vector<1x1x16xf32>
      tpu.vector_store %arg9[%swap3A_25, %swap3A_26, %swap3A_27], %swap3A_30 {strides = array<i32>} : memref<8x3x16xf32, #tpu.memory_space<vmem>>, vector<1x1x16xf32>,
      %swap3A_31 = arith.constant 2 : i32
      %swap3A_32 = arith.index_cast %scan3A_9 : i32 to index
      %swap3A_33 = arith.index_cast %swap3A_31 : i32 to index
      %swap3A_34 = arith.constant 0 : index
      %swap3A_35 = tpu.vector_load %arg9[%swap3A_32, %swap3A_33, %swap3A_34] {strides = array<i32>} : memref<8x3x16xf32, #tpu.memory_space<vmem>>, vector<1x1x16xf32>,
      %swap3A_36 = vector.shape_cast %swap3A_35 : vector<1x1x16xf32> to vector<16xf32>
      %swap3A_37 = vector.shape_cast %scan3A_16#2 : vector<16xf32> to vector<1x1x16xf32>
      tpu.vector_store %arg9[%swap3A_32, %swap3A_33, %swap3A_34], %swap3A_37 {strides = array<i32>} : memref<8x3x16xf32, #tpu.memory_space<vmem>>, vector<1x1x16xf32>,
      %scan3A_38 = arith.constant 0 : i32
      scf.yield %scan3A_38 : i32
    }
    %scan3A_8 = arith.constant 8 : i32
    "tpu.region"() ({
      %run_scoped3A = tpu.sem_alloc : memref<!tpu.dma_semaphore, #tpu.memory_space<semaphore_mem>>
      %dma_start3A = arith.constant 0 : i32
      %dma_start3A_9 = arith.constant 0 : i32
      %dma_start3A_10 = arith.constant 0 : i32
      %dma_start3A_11 = tpu.memref_slice %arg5[%add3A, %dma_start3A, %dma_start3A_9, %dma_start3A_10] : memref<32x8x3x16xf32, #tpu.memory_space<hbm>> -> memref<1x8x3x16xf32, #tpu.memory_space<hbm>>
      %dma_start3A_12 = tpu.memref_squeeze %dma_start3A_11 : memref<1x8x3x16xf32, #tpu.memory_space<hbm>> -> memref<8x3x16xf32, #tpu.memory_space<hbm>>
      %dma_start3A_13 = arith.constant 0 : i32
      %dma_start3A_14 = arith.constant 0 : i32
      %dma_start3A_15 = arith.constant 0 : i32
      %dma_start3A_16 = tpu.memref_slice %arg5[%add3A, %dma_start3A_13, %dma_start3A_14, %dma_start3A_15] : memref<32x8x3x16xf32, #tpu.memory_space<hbm>> -> memref<1x8x3x16xf32, #tpu.memory_space<hbm>>
      %dma_start3A_17 = tpu.memref_squeeze %dma_start3A_16 : memref<1x8x3x16xf32, #tpu.memory_space<hbm>> -> memref<8x3x16xf32, #tpu.memory_space<hbm>>
      tpu.enqueue_dma source(%arg9 : memref<8x3x16xf32, #tpu.memory_space<vmem>>) target(%dma_start3A_17 : memref<8x3x16xf32, #tpu.memory_space<hbm>>) target_semaphore(%run_scoped3A : memref<!tpu.dma_semaphore, #tpu.memory_space<semaphore_mem>>)
      %dma_wait3A = arith.constant 0 : i32
      %dma_wait3A_18 = arith.constant 0 : i32
      %dma_wait3A_19 = arith.constant 0 : i32
      %dma_wait3A_20 = tpu.memref_slice %arg5[%add3A, %dma_wait3A, %dma_wait3A_18, %dma_wait3A_19] : memref<32x8x3x16xf32, #tpu.memory_space<hbm>> -> memref<1x8x3x16xf32, #tpu.memory_space<hbm>>
      %dma_wait3A_21 = tpu.memref_squeeze %dma_wait3A_20 : memref<1x8x3x16xf32, #tpu.memory_space<hbm>> -> memref<8x3x16xf32, #tpu.memory_space<hbm>>
      %dma_wait3A_22 = arith.constant 0 : i32
      %dma_wait3A_23 = arith.constant 0 : i32
      %dma_wait3A_24 = arith.constant 0 : i32
      %dma_wait3A_25 = tpu.memref_slice %arg5[%add3A, %dma_wait3A_22, %dma_wait3A_23, %dma_wait3A_24] : memref<32x8x3x16xf32, #tpu.memory_space<hbm>> -> memref<1x8x3x16xf32, #tpu.memory_space<hbm>>
      %dma_wait3A_26 = tpu.memref_squeeze %dma_wait3A_25 : memref<1x8x3x16xf32, #tpu.memory_space<hbm>> -> memref<8x3x16xf32, #tpu.memory_space<hbm>>
      tpu.wait_dma2 semaphore(%run_scoped3A : memref<!tpu.dma_semaphore, #tpu.memory_space<semaphore_mem>>) src(%arg9 : memref<8x3x16xf32, #tpu.memory_space<vmem>>) dst(%dma_wait3A_26 : memref<8x3x16xf32, #tpu.memory_space<hbm>>)
      tpu.yield
    }) : () -> ()
    return
  }
}

module attributes {stable_mosaic.version = 14 : i64} {
  func.func @_tc_finish(%arg0: memref<8x3xf32, #tpu.memory_space<smem>>, %arg1: memref<8x20480xf32, #tpu.memory_space<vmem>>, %arg2: memref<1xf32, #tpu.memory_space<smem>>, %arg3: memref<1xf32, #tpu.memory_space<smem>>, %arg4: memref<1xf32, #tpu.memory_space<smem>>) attributes {dimension_semantics = [], scalar_prefetch = 0 : i64, scratch_operands = 0 : i64, tpu.core_type = #tpu.core_type<tc>} {
    %get3A = arith.constant 0 : index
    %get3A_0 = arith.constant 0 : index
    %get3A_1 = vector.load %arg1[%get3A, %get3A_0] : memref<8x20480xf32, #tpu.memory_space<vmem>>, vector<1x2560xf32>
    %max3A = arith.constant 0.000000e+00 : f32
    %max3A_2 = vector.broadcast %max3A : f32 to vector<1x2560xf32>
    %max3A_3 = arith.maximumf %get3A_1, %max3A_2 : vector<1x2560xf32>
    %abs3A = math.absf %get3A_1 : vector<1x2560xf32>
    %neg3A = arith.constant 0.000000e+00 : f32
    %neg3A_4 = vector.broadcast %neg3A : f32 to vector<1x2560xf32>
    %neg3A_5 = arith.subf %neg3A_4, %abs3A : vector<1x2560xf32>
    %exp3A = math.exp %neg3A_5 : vector<1x2560xf32>
    %log1p3A = math.log1p %exp3A : vector<1x2560xf32>
    %add3A = arith.addf %max3A_3, %log1p3A : vector<1x2560xf32>
    %reduce_sum3A = vector.shape_cast %add3A : vector<1x2560xf32> to vector<1x1x2560xf32>
    %reduce_sum3A_6 = arith.constant dense<0.000000e+00> : vector<1xf32>
    %reduce_sum3A_7 = vector.multi_reduction <add>, %reduce_sum3A, %reduce_sum3A_6 [1, 2] : vector<1x1x2560xf32> to vector<1xf32>
    %reduce_sum3A_8 = vector.shape_cast %reduce_sum3A_7 : vector<1xf32> to vector<1x1x1xf32>
    %reduce_sum3A_9 = vector.extract %reduce_sum3A_8[0, 0, 0] : f32 from vector<1x1x1xf32>
    %add3A_10 = arith.constant 0.000000e+00 : f32
    %add3A_11 = arith.addf %add3A_10, %reduce_sum3A_9 : f32
    %get3A_12 = arith.constant 0 : index
    %get3A_13 = arith.constant 2560 : index
    %get3A_14 = vector.load %arg1[%get3A_12, %get3A_13] : memref<8x20480xf32, #tpu.memory_space<vmem>>, vector<1x2560xf32>
    %max3A_15 = arith.constant 0.000000e+00 : f32
    %max3A_16 = vector.broadcast %max3A_15 : f32 to vector<1x2560xf32>
    %max3A_17 = arith.maximumf %get3A_14, %max3A_16 : vector<1x2560xf32>
    %abs3A_18 = math.absf %get3A_14 : vector<1x2560xf32>
    %neg3A_19 = arith.constant 0.000000e+00 : f32
    %neg3A_20 = vector.broadcast %neg3A_19 : f32 to vector<1x2560xf32>
    %neg3A_21 = arith.subf %neg3A_20, %abs3A_18 : vector<1x2560xf32>
    %exp3A_22 = math.exp %neg3A_21 : vector<1x2560xf32>
    %log1p3A_23 = math.log1p %exp3A_22 : vector<1x2560xf32>
    %add3A_24 = arith.addf %max3A_17, %log1p3A_23 : vector<1x2560xf32>
    %reduce_sum3A_25 = vector.shape_cast %add3A_24 : vector<1x2560xf32> to vector<1x1x2560xf32>
    %reduce_sum3A_26 = arith.constant dense<0.000000e+00> : vector<1xf32>
    %reduce_sum3A_27 = vector.multi_reduction <add>, %reduce_sum3A_25, %reduce_sum3A_26 [1, 2] : vector<1x1x2560xf32> to vector<1xf32>
    %reduce_sum3A_28 = vector.shape_cast %reduce_sum3A_27 : vector<1xf32> to vector<1x1x1xf32>
    %reduce_sum3A_29 = vector.extract %reduce_sum3A_28[0, 0, 0] : f32 from vector<1x1x1xf32>
    %add3A_30 = arith.addf %add3A_11, %reduce_sum3A_29 : f32
    %get3A_31 = arith.constant 0 : index
    %get3A_32 = arith.constant 5120 : index
    %get3A_33 = vector.load %arg1[%get3A_31, %get3A_32] : memref<8x20480xf32, #tpu.memory_space<vmem>>, vector<1x2560xf32>
    %max3A_34 = arith.constant 0.000000e+00 : f32
    %max3A_35 = vector.broadcast %max3A_34 : f32 to vector<1x2560xf32>
    %max3A_36 = arith.maximumf %get3A_33, %max3A_35 : vector<1x2560xf32>
    %abs3A_37 = math.absf %get3A_33 : vector<1x2560xf32>
    %neg3A_38 = arith.constant 0.000000e+00 : f32
    %neg3A_39 = vector.broadcast %neg3A_38 : f32 to vector<1x2560xf32>
    %neg3A_40 = arith.subf %neg3A_39, %abs3A_37 : vector<1x2560xf32>
    %exp3A_41 = math.exp %neg3A_40 : vector<1x2560xf32>
    %log1p3A_42 = math.log1p %exp3A_41 : vector<1x2560xf32>
    %add3A_43 = arith.addf %max3A_36, %log1p3A_42 : vector<1x2560xf32>
    %reduce_sum3A_44 = vector.shape_cast %add3A_43 : vector<1x2560xf32> to vector<1x1x2560xf32>
    %reduce_sum3A_45 = arith.constant dense<0.000000e+00> : vector<1xf32>
    %reduce_sum3A_46 = vector.multi_reduction <add>, %reduce_sum3A_44, %reduce_sum3A_45 [1, 2] : vector<1x1x2560xf32> to vector<1xf32>
    %reduce_sum3A_47 = vector.shape_cast %reduce_sum3A_46 : vector<1xf32> to vector<1x1x1xf32>
    %reduce_sum3A_48 = vector.extract %reduce_sum3A_47[0, 0, 0] : f32 from vector<1x1x1xf32>
    %add3A_49 = arith.addf %add3A_30, %reduce_sum3A_48 : f32
    %get3A_50 = arith.constant 0 : index
    %get3A_51 = arith.constant 7680 : index
    %get3A_52 = vector.load %arg1[%get3A_50, %get3A_51] : memref<8x20480xf32, #tpu.memory_space<vmem>>, vector<1x2560xf32>
    %max3A_53 = arith.constant 0.000000e+00 : f32
    %max3A_54 = vector.broadcast %max3A_53 : f32 to vector<1x2560xf32>
    %max3A_55 = arith.maximumf %get3A_52, %max3A_54 : vector<1x2560xf32>
    %abs3A_56 = math.absf %get3A_52 : vector<1x2560xf32>
    %neg3A_57 = arith.constant 0.000000e+00 : f32
    %neg3A_58 = vector.broadcast %neg3A_57 : f32 to vector<1x2560xf32>
    %neg3A_59 = arith.subf %neg3A_58, %abs3A_56 : vector<1x2560xf32>
    %exp3A_60 = math.exp %neg3A_59 : vector<1x2560xf32>
    %log1p3A_61 = math.log1p %exp3A_60 : vector<1x2560xf32>
    %add3A_62 = arith.addf %max3A_55, %log1p3A_61 : vector<1x2560xf32>
    %reduce_sum3A_63 = vector.shape_cast %add3A_62 : vector<1x2560xf32> to vector<1x1x2560xf32>
    %reduce_sum3A_64 = arith.constant dense<0.000000e+00> : vector<1xf32>
    %reduce_sum3A_65 = vector.multi_reduction <add>, %reduce_sum3A_63, %reduce_sum3A_64 [1, 2] : vector<1x1x2560xf32> to vector<1xf32>
    %reduce_sum3A_66 = vector.shape_cast %reduce_sum3A_65 : vector<1xf32> to vector<1x1x1xf32>
    %reduce_sum3A_67 = vector.extract %reduce_sum3A_66[0, 0, 0] : f32 from vector<1x1x1xf32>
    %add3A_68 = arith.addf %add3A_49, %reduce_sum3A_67 : f32
    %get3A_69 = arith.constant 0 : index
    %get3A_70 = arith.constant 10240 : index
    %get3A_71 = vector.load %arg1[%get3A_69, %get3A_70] : memref<8x20480xf32, #tpu.memory_space<vmem>>, vector<1x2560xf32>
    %max3A_72 = arith.constant 0.000000e+00 : f32
    %max3A_73 = vector.broadcast %max3A_72 : f32 to vector<1x2560xf32>
    %max3A_74 = arith.maximumf %get3A_71, %max3A_73 : vector<1x2560xf32>
    %abs3A_75 = math.absf %get3A_71 : vector<1x2560xf32>
    %neg3A_76 = arith.constant 0.000000e+00 : f32
    %neg3A_77 = vector.broadcast %neg3A_76 : f32 to vector<1x2560xf32>
    %neg3A_78 = arith.subf %neg3A_77, %abs3A_75 : vector<1x2560xf32>
    %exp3A_79 = math.exp %neg3A_78 : vector<1x2560xf32>
    %log1p3A_80 = math.log1p %exp3A_79 : vector<1x2560xf32>
    %add3A_81 = arith.addf %max3A_74, %log1p3A_80 : vector<1x2560xf32>
    %reduce_sum3A_82 = vector.shape_cast %add3A_81 : vector<1x2560xf32> to vector<1x1x2560xf32>
    %reduce_sum3A_83 = arith.constant dense<0.000000e+00> : vector<1xf32>
    %reduce_sum3A_84 = vector.multi_reduction <add>, %reduce_sum3A_82, %reduce_sum3A_83 [1, 2] : vector<1x1x2560xf32> to vector<1xf32>
    %reduce_sum3A_85 = vector.shape_cast %reduce_sum3A_84 : vector<1xf32> to vector<1x1x1xf32>
    %reduce_sum3A_86 = vector.extract %reduce_sum3A_85[0, 0, 0] : f32 from vector<1x1x1xf32>
    %add3A_87 = arith.addf %add3A_68, %reduce_sum3A_86 : f32
    %get3A_88 = arith.constant 0 : index
    %get3A_89 = arith.constant 12800 : index
    %get3A_90 = vector.load %arg1[%get3A_88, %get3A_89] : memref<8x20480xf32, #tpu.memory_space<vmem>>, vector<1x2560xf32>
    %max3A_91 = arith.constant 0.000000e+00 : f32
    %max3A_92 = vector.broadcast %max3A_91 : f32 to vector<1x2560xf32>
    %max3A_93 = arith.maximumf %get3A_90, %max3A_92 : vector<1x2560xf32>
    %abs3A_94 = math.absf %get3A_90 : vector<1x2560xf32>
    %neg3A_95 = arith.constant 0.000000e+00 : f32
    %neg3A_96 = vector.broadcast %neg3A_95 : f32 to vector<1x2560xf32>
    %neg3A_97 = arith.subf %neg3A_96, %abs3A_94 : vector<1x2560xf32>
    %exp3A_98 = math.exp %neg3A_97 : vector<1x2560xf32>
    %log1p3A_99 = math.log1p %exp3A_98 : vector<1x2560xf32>
    %add3A_100 = arith.addf %max3A_93, %log1p3A_99 : vector<1x2560xf32>
    %reduce_sum3A_101 = vector.shape_cast %add3A_100 : vector<1x2560xf32> to vector<1x1x2560xf32>
    %reduce_sum3A_102 = arith.constant dense<0.000000e+00> : vector<1xf32>
    %reduce_sum3A_103 = vector.multi_reduction <add>, %reduce_sum3A_101, %reduce_sum3A_102 [1, 2] : vector<1x1x2560xf32> to vector<1xf32>
    %reduce_sum3A_104 = vector.shape_cast %reduce_sum3A_103 : vector<1xf32> to vector<1x1x1xf32>
    %reduce_sum3A_105 = vector.extract %reduce_sum3A_104[0, 0, 0] : f32 from vector<1x1x1xf32>
    %add3A_106 = arith.addf %add3A_87, %reduce_sum3A_105 : f32
    %get3A_107 = arith.constant 0 : index
    %get3A_108 = arith.constant 15360 : index
    %get3A_109 = vector.load %arg1[%get3A_107, %get3A_108] : memref<8x20480xf32, #tpu.memory_space<vmem>>, vector<1x2560xf32>
    %max3A_110 = arith.constant 0.000000e+00 : f32
    %max3A_111 = vector.broadcast %max3A_110 : f32 to vector<1x2560xf32>
    %max3A_112 = arith.maximumf %get3A_109, %max3A_111 : vector<1x2560xf32>
    %abs3A_113 = math.absf %get3A_109 : vector<1x2560xf32>
    %neg3A_114 = arith.constant 0.000000e+00 : f32
    %neg3A_115 = vector.broadcast %neg3A_114 : f32 to vector<1x2560xf32>
    %neg3A_116 = arith.subf %neg3A_115, %abs3A_113 : vector<1x2560xf32>
    %exp3A_117 = math.exp %neg3A_116 : vector<1x2560xf32>
    %log1p3A_118 = math.log1p %exp3A_117 : vector<1x2560xf32>
    %add3A_119 = arith.addf %max3A_112, %log1p3A_118 : vector<1x2560xf32>
    %reduce_sum3A_120 = vector.shape_cast %add3A_119 : vector<1x2560xf32> to vector<1x1x2560xf32>
    %reduce_sum3A_121 = arith.constant dense<0.000000e+00> : vector<1xf32>
    %reduce_sum3A_122 = vector.multi_reduction <add>, %reduce_sum3A_120, %reduce_sum3A_121 [1, 2] : vector<1x1x2560xf32> to vector<1xf32>
    %reduce_sum3A_123 = vector.shape_cast %reduce_sum3A_122 : vector<1xf32> to vector<1x1x1xf32>
    %reduce_sum3A_124 = vector.extract %reduce_sum3A_123[0, 0, 0] : f32 from vector<1x1x1xf32>
    %add3A_125 = arith.addf %add3A_106, %reduce_sum3A_124 : f32
    %get3A_126 = arith.constant 0 : index
    %get3A_127 = arith.constant 17920 : index
    %get3A_128 = vector.load %arg1[%get3A_126, %get3A_127] : memref<8x20480xf32, #tpu.memory_space<vmem>>, vector<1x2560xf32>
    %max3A_129 = arith.constant 0.000000e+00 : f32
    %max3A_130 = vector.broadcast %max3A_129 : f32 to vector<1x2560xf32>
    %max3A_131 = arith.maximumf %get3A_128, %max3A_130 : vector<1x2560xf32>
    %abs3A_132 = math.absf %get3A_128 : vector<1x2560xf32>
    %neg3A_133 = arith.constant 0.000000e+00 : f32
    %neg3A_134 = vector.broadcast %neg3A_133 : f32 to vector<1x2560xf32>
    %neg3A_135 = arith.subf %neg3A_134, %abs3A_132 : vector<1x2560xf32>
    %exp3A_136 = math.exp %neg3A_135 : vector<1x2560xf32>
    %log1p3A_137 = math.log1p %exp3A_136 : vector<1x2560xf32>
    %add3A_138 = arith.addf %max3A_131, %log1p3A_137 : vector<1x2560xf32>
    %reduce_sum3A_139 = vector.shape_cast %add3A_138 : vector<1x2560xf32> to vector<1x1x2560xf32>
    %reduce_sum3A_140 = arith.constant dense<0.000000e+00> : vector<1xf32>
    %reduce_sum3A_141 = vector.multi_reduction <add>, %reduce_sum3A_139, %reduce_sum3A_140 [1, 2] : vector<1x1x2560xf32> to vector<1xf32>
    %reduce_sum3A_142 = vector.shape_cast %reduce_sum3A_141 : vector<1xf32> to vector<1x1x1xf32>
    %reduce_sum3A_143 = vector.extract %reduce_sum3A_142[0, 0, 0] : f32 from vector<1x1x1xf32>
    %add3A_144 = arith.addf %add3A_125, %reduce_sum3A_143 : f32
    %get3A_145 = arith.constant 0 : index
    %get3A_146 = arith.constant 0 : index
    %get3A_147 = memref.load %arg0[%get3A_145, %get3A_146] : memref<8x3xf32, #tpu.memory_space<smem>>
    %get3A_148 = arith.constant 0 : index
    %get3A_149 = arith.constant 1 : index
    %get3A_150 = memref.load %arg0[%get3A_148, %get3A_149] : memref<8x3xf32, #tpu.memory_space<smem>>
    %mul3A = arith.constant 5.000000e-01 : f32
    %mul3A_151 = arith.mulf %get3A_150, %mul3A : f32
    %get3A_152 = arith.constant 0 : index
    %get3A_153 = arith.constant 2 : index
    %get3A_154 = memref.load %arg0[%get3A_152, %get3A_153] : memref<8x3xf32, #tpu.memory_space<smem>>
    %sub3A = arith.subf %add3A_144, %get3A_154 : f32
    %max3A_155 = arith.constant 1.000000e+00 : f32
    %max3A_156 = arith.maximumf %get3A_147, %max3A_155 : f32
    %div3A = arith.divf %sub3A, %max3A_156 : f32
    %add3A_157 = arith.constant 0.000000e+00 : f32
    %add3A_158 = arith.addf %add3A_157, %div3A : f32
    %gt3A = arith.constant 0.000000e+00 : f32
    %gt3A_159 = arith.cmpf ogt, %get3A_147, %gt3A : f32
    %mul3A_160 = arith.constant 4.000000e+00 : f32
    %mul3A_161 = arith.mulf %get3A_147, %mul3A_160 : f32
    %max3A_162 = arith.constant 1.000000e+00 : f32
    %max3A_163 = arith.maximumf %mul3A_161, %max3A_162 : f32
    %div3A_164 = arith.divf %mul3A_151, %max3A_163 : f32
    %jit3A = arith.constant 0.000000e+00 : f32
    %select_n3A = arith.select %gt3A_159, %div3A_164, %jit3A : f32
    %add3A_165 = arith.constant 0.000000e+00 : f32
    %add3A_166 = arith.addf %add3A_165, %select_n3A : f32
    %get3A_167 = arith.constant 1 : index
    %get3A_168 = arith.constant 0 : index
    %get3A_169 = vector.load %arg1[%get3A_167, %get3A_168] : memref<8x20480xf32, #tpu.memory_space<vmem>>, vector<1x2560xf32>
    %max3A_170 = arith.constant 0.000000e+00 : f32
    %max3A_171 = vector.broadcast %max3A_170 : f32 to vector<1x2560xf32>
    %max3A_172 = arith.maximumf %get3A_169, %max3A_171 : vector<1x2560xf32>
    %abs3A_173 = math.absf %get3A_169 : vector<1x2560xf32>
    %neg3A_174 = arith.constant 0.000000e+00 : f32
    %neg3A_175 = vector.broadcast %neg3A_174 : f32 to vector<1x2560xf32>
    %neg3A_176 = arith.subf %neg3A_175, %abs3A_173 : vector<1x2560xf32>
    %exp3A_177 = math.exp %neg3A_176 : vector<1x2560xf32>
    %log1p3A_178 = math.log1p %exp3A_177 : vector<1x2560xf32>
    %add3A_179 = arith.addf %max3A_172, %log1p3A_178 : vector<1x2560xf32>
    %reduce_sum3A_180 = vector.shape_cast %add3A_179 : vector<1x2560xf32> to vector<1x1x2560xf32>
    %reduce_sum3A_181 = arith.constant dense<0.000000e+00> : vector<1xf32>
    %reduce_sum3A_182 = vector.multi_reduction <add>, %reduce_sum3A_180, %reduce_sum3A_181 [1, 2] : vector<1x1x2560xf32> to vector<1xf32>
    %reduce_sum3A_183 = vector.shape_cast %reduce_sum3A_182 : vector<1xf32> to vector<1x1x1xf32>
    %reduce_sum3A_184 = vector.extract %reduce_sum3A_183[0, 0, 0] : f32 from vector<1x1x1xf32>
    %add3A_185 = arith.constant 0.000000e+00 : f32
    %add3A_186 = arith.addf %add3A_185, %reduce_sum3A_184 : f32
    %get3A_187 = arith.constant 1 : index
    %get3A_188 = arith.constant 2560 : index
    %get3A_189 = vector.load %arg1[%get3A_187, %get3A_188] : memref<8x20480xf32, #tpu.memory_space<vmem>>, vector<1x2560xf32>
    %max3A_190 = arith.constant 0.000000e+00 : f32
    %max3A_191 = vector.broadcast %max3A_190 : f32 to vector<1x2560xf32>
    %max3A_192 = arith.maximumf %get3A_189, %max3A_191 : vector<1x2560xf32>
    %abs3A_193 = math.absf %get3A_189 : vector<1x2560xf32>
    %neg3A_194 = arith.constant 0.000000e+00 : f32
    %neg3A_195 = vector.broadcast %neg3A_194 : f32 to vector<1x2560xf32>
    %neg3A_196 = arith.subf %neg3A_195, %abs3A_193 : vector<1x2560xf32>
    %exp3A_197 = math.exp %neg3A_196 : vector<1x2560xf32>
    %log1p3A_198 = math.log1p %exp3A_197 : vector<1x2560xf32>
    %add3A_199 = arith.addf %max3A_192, %log1p3A_198 : vector<1x2560xf32>
    %reduce_sum3A_200 = vector.shape_cast %add3A_199 : vector<1x2560xf32> to vector<1x1x2560xf32>
    %reduce_sum3A_201 = arith.constant dense<0.000000e+00> : vector<1xf32>
    %reduce_sum3A_202 = vector.multi_reduction <add>, %reduce_sum3A_200, %reduce_sum3A_201 [1, 2] : vector<1x1x2560xf32> to vector<1xf32>
    %reduce_sum3A_203 = vector.shape_cast %reduce_sum3A_202 : vector<1xf32> to vector<1x1x1xf32>
    %reduce_sum3A_204 = vector.extract %reduce_sum3A_203[0, 0, 0] : f32 from vector<1x1x1xf32>
    %add3A_205 = arith.addf %add3A_186, %reduce_sum3A_204 : f32
    %get3A_206 = arith.constant 1 : index
    %get3A_207 = arith.constant 5120 : index
    %get3A_208 = vector.load %arg1[%get3A_206, %get3A_207] : memref<8x20480xf32, #tpu.memory_space<vmem>>, vector<1x2560xf32>
    %max3A_209 = arith.constant 0.000000e+00 : f32
    %max3A_210 = vector.broadcast %max3A_209 : f32 to vector<1x2560xf32>
    %max3A_211 = arith.maximumf %get3A_208, %max3A_210 : vector<1x2560xf32>
    %abs3A_212 = math.absf %get3A_208 : vector<1x2560xf32>
    %neg3A_213 = arith.constant 0.000000e+00 : f32
    %neg3A_214 = vector.broadcast %neg3A_213 : f32 to vector<1x2560xf32>
    %neg3A_215 = arith.subf %neg3A_214, %abs3A_212 : vector<1x2560xf32>
    %exp3A_216 = math.exp %neg3A_215 : vector<1x2560xf32>
    %log1p3A_217 = math.log1p %exp3A_216 : vector<1x2560xf32>
    %add3A_218 = arith.addf %max3A_211, %log1p3A_217 : vector<1x2560xf32>
    %reduce_sum3A_219 = vector.shape_cast %add3A_218 : vector<1x2560xf32> to vector<1x1x2560xf32>
    %reduce_sum3A_220 = arith.constant dense<0.000000e+00> : vector<1xf32>
    %reduce_sum3A_221 = vector.multi_reduction <add>, %reduce_sum3A_219, %reduce_sum3A_220 [1, 2] : vector<1x1x2560xf32> to vector<1xf32>
    %reduce_sum3A_222 = vector.shape_cast %reduce_sum3A_221 : vector<1xf32> to vector<1x1x1xf32>
    %reduce_sum3A_223 = vector.extract %reduce_sum3A_222[0, 0, 0] : f32 from vector<1x1x1xf32>
    %add3A_224 = arith.addf %add3A_205, %reduce_sum3A_223 : f32
    %get3A_225 = arith.constant 1 : index
    %get3A_226 = arith.constant 7680 : index
    %get3A_227 = vector.load %arg1[%get3A_225, %get3A_226] : memref<8x20480xf32, #tpu.memory_space<vmem>>, vector<1x2560xf32>
    %max3A_228 = arith.constant 0.000000e+00 : f32
    %max3A_229 = vector.broadcast %max3A_228 : f32 to vector<1x2560xf32>
    %max3A_230 = arith.maximumf %get3A_227, %max3A_229 : vector<1x2560xf32>
    %abs3A_231 = math.absf %get3A_227 : vector<1x2560xf32>
    %neg3A_232 = arith.constant 0.000000e+00 : f32
    %neg3A_233 = vector.broadcast %neg3A_232 : f32 to vector<1x2560xf32>
    %neg3A_234 = arith.subf %neg3A_233, %abs3A_231 : vector<1x2560xf32>
    %exp3A_235 = math.exp %neg3A_234 : vector<1x2560xf32>
    %log1p3A_236 = math.log1p %exp3A_235 : vector<1x2560xf32>
    %add3A_237 = arith.addf %max3A_230, %log1p3A_236 : vector<1x2560xf32>
    %reduce_sum3A_238 = vector.shape_cast %add3A_237 : vector<1x2560xf32> to vector<1x1x2560xf32>
    %reduce_sum3A_239 = arith.constant dense<0.000000e+00> : vector<1xf32>
    %reduce_sum3A_240 = vector.multi_reduction <add>, %reduce_sum3A_238, %reduce_sum3A_239 [1, 2] : vector<1x1x2560xf32> to vector<1xf32>
    %reduce_sum3A_241 = vector.shape_cast %reduce_sum3A_240 : vector<1xf32> to vector<1x1x1xf32>
    %reduce_sum3A_242 = vector.extract %reduce_sum3A_241[0, 0, 0] : f32 from vector<1x1x1xf32>
    %add3A_243 = arith.addf %add3A_224, %reduce_sum3A_242 : f32
    %get3A_244 = arith.constant 1 : index
    %get3A_245 = arith.constant 10240 : index
    %get3A_246 = vector.load %arg1[%get3A_244, %get3A_245] : memref<8x20480xf32, #tpu.memory_space<vmem>>, vector<1x2560xf32>
    %max3A_247 = arith.constant 0.000000e+00 : f32
    %max3A_248 = vector.broadcast %max3A_247 : f32 to vector<1x2560xf32>
    %max3A_249 = arith.maximumf %get3A_246, %max3A_248 : vector<1x2560xf32>
    %abs3A_250 = math.absf %get3A_246 : vector<1x2560xf32>
    %neg3A_251 = arith.constant 0.000000e+00 : f32
    %neg3A_252 = vector.broadcast %neg3A_251 : f32 to vector<1x2560xf32>
    %neg3A_253 = arith.subf %neg3A_252, %abs3A_250 : vector<1x2560xf32>
    %exp3A_254 = math.exp %neg3A_253 : vector<1x2560xf32>
    %log1p3A_255 = math.log1p %exp3A_254 : vector<1x2560xf32>
    %add3A_256 = arith.addf %max3A_249, %log1p3A_255 : vector<1x2560xf32>
    %reduce_sum3A_257 = vector.shape_cast %add3A_256 : vector<1x2560xf32> to vector<1x1x2560xf32>
    %reduce_sum3A_258 = arith.constant dense<0.000000e+00> : vector<1xf32>
    %reduce_sum3A_259 = vector.multi_reduction <add>, %reduce_sum3A_257, %reduce_sum3A_258 [1, 2] : vector<1x1x2560xf32> to vector<1xf32>
    %reduce_sum3A_260 = vector.shape_cast %reduce_sum3A_259 : vector<1xf32> to vector<1x1x1xf32>
    %reduce_sum3A_261 = vector.extract %reduce_sum3A_260[0, 0, 0] : f32 from vector<1x1x1xf32>
    %add3A_262 = arith.addf %add3A_243, %reduce_sum3A_261 : f32
    %get3A_263 = arith.constant 1 : index
    %get3A_264 = arith.constant 12800 : index
    %get3A_265 = vector.load %arg1[%get3A_263, %get3A_264] : memref<8x20480xf32, #tpu.memory_space<vmem>>, vector<1x2560xf32>
    %max3A_266 = arith.constant 0.000000e+00 : f32
    %max3A_267 = vector.broadcast %max3A_266 : f32 to vector<1x2560xf32>
    %max3A_268 = arith.maximumf %get3A_265, %max3A_267 : vector<1x2560xf32>
    %abs3A_269 = math.absf %get3A_265 : vector<1x2560xf32>
    %neg3A_270 = arith.constant 0.000000e+00 : f32
    %neg3A_271 = vector.broadcast %neg3A_270 : f32 to vector<1x2560xf32>
    %neg3A_272 = arith.subf %neg3A_271, %abs3A_269 : vector<1x2560xf32>
    %exp3A_273 = math.exp %neg3A_272 : vector<1x2560xf32>
    %log1p3A_274 = math.log1p %exp3A_273 : vector<1x2560xf32>
    %add3A_275 = arith.addf %max3A_268, %log1p3A_274 : vector<1x2560xf32>
    %reduce_sum3A_276 = vector.shape_cast %add3A_275 : vector<1x2560xf32> to vector<1x1x2560xf32>
    %reduce_sum3A_277 = arith.constant dense<0.000000e+00> : vector<1xf32>
    %reduce_sum3A_278 = vector.multi_reduction <add>, %reduce_sum3A_276, %reduce_sum3A_277 [1, 2] : vector<1x1x2560xf32> to vector<1xf32>
    %reduce_sum3A_279 = vector.shape_cast %reduce_sum3A_278 : vector<1xf32> to vector<1x1x1xf32>
    %reduce_sum3A_280 = vector.extract %reduce_sum3A_279[0, 0, 0] : f32 from vector<1x1x1xf32>
    %add3A_281 = arith.addf %add3A_262, %reduce_sum3A_280 : f32
    %get3A_282 = arith.constant 1 : index
    %get3A_283 = arith.constant 15360 : index
    %get3A_284 = vector.load %arg1[%get3A_282, %get3A_283] : memref<8x20480xf32, #tpu.memory_space<vmem>>, vector<1x2560xf32>
    %max3A_285 = arith.constant 0.000000e+00 : f32
    %max3A_286 = vector.broadcast %max3A_285 : f32 to vector<1x2560xf32>
    %max3A_287 = arith.maximumf %get3A_284, %max3A_286 : vector<1x2560xf32>
    %abs3A_288 = math.absf %get3A_284 : vector<1x2560xf32>
    %neg3A_289 = arith.constant 0.000000e+00 : f32
    %neg3A_290 = vector.broadcast %neg3A_289 : f32 to vector<1x2560xf32>
    %neg3A_291 = arith.subf %neg3A_290, %abs3A_288 : vector<1x2560xf32>
    %exp3A_292 = math.exp %neg3A_291 : vector<1x2560xf32>
    %log1p3A_293 = math.log1p %exp3A_292 : vector<1x2560xf32>
    %add3A_294 = arith.addf %max3A_287, %log1p3A_293 : vector<1x2560xf32>
    %reduce_sum3A_295 = vector.shape_cast %add3A_294 : vector<1x2560xf32> to vector<1x1x2560xf32>
    %reduce_sum3A_296 = arith.constant dense<0.000000e+00> : vector<1xf32>
    %reduce_sum3A_297 = vector.multi_reduction <add>, %reduce_sum3A_295, %reduce_sum3A_296 [1, 2] : vector<1x1x2560xf32> to vector<1xf32>
    %reduce_sum3A_298 = vector.shape_cast %reduce_sum3A_297 : vector<1xf32> to vector<1x1x1xf32>
    %reduce_sum3A_299 = vector.extract %reduce_sum3A_298[0, 0, 0] : f32 from vector<1x1x1xf32>
    %add3A_300 = arith.addf %add3A_281, %reduce_sum3A_299 : f32
    %get3A_301 = arith.constant 1 : index
    %get3A_302 = arith.constant 17920 : index
    %get3A_303 = vector.load %arg1[%get3A_301, %get3A_302] : memref<8x20480xf32, #tpu.memory_space<vmem>>, vector<1x2560xf32>
    %max3A_304 = arith.constant 0.000000e+00 : f32
    %max3A_305 = vector.broadcast %max3A_304 : f32 to vector<1x2560xf32>
    %max3A_306 = arith.maximumf %get3A_303, %max3A_305 : vector<1x2560xf32>
    %abs3A_307 = math.absf %get3A_303 : vector<1x2560xf32>
    %neg3A_308 = arith.constant 0.000000e+00 : f32
    %neg3A_309 = vector.broadcast %neg3A_308 : f32 to vector<1x2560xf32>
    %neg3A_310 = arith.subf %neg3A_309, %abs3A_307 : vector<1x2560xf32>
    %exp3A_311 = math.exp %neg3A_310 : vector<1x2560xf32>
    %log1p3A_312 = math.log1p %exp3A_311 : vector<1x2560xf32>
    %add3A_313 = arith.addf %max3A_306, %log1p3A_312 : vector<1x2560xf32>
    %reduce_sum3A_314 = vector.shape_cast %add3A_313 : vector<1x2560xf32> to vector<1x1x2560xf32>
    %reduce_sum3A_315 = arith.constant dense<0.000000e+00> : vector<1xf32>
    %reduce_sum3A_316 = vector.multi_reduction <add>, %reduce_sum3A_314, %reduce_sum3A_315 [1, 2] : vector<1x1x2560xf32> to vector<1xf32>
    %reduce_sum3A_317 = vector.shape_cast %reduce_sum3A_316 : vector<1xf32> to vector<1x1x1xf32>
    %reduce_sum3A_318 = vector.extract %reduce_sum3A_317[0, 0, 0] : f32 from vector<1x1x1xf32>
    %add3A_319 = arith.addf %add3A_300, %reduce_sum3A_318 : f32
    %get3A_320 = arith.constant 1 : index
    %get3A_321 = arith.constant 0 : index
    %get3A_322 = memref.load %arg0[%get3A_320, %get3A_321] : memref<8x3xf32, #tpu.memory_space<smem>>
    %get3A_323 = arith.constant 1 : index
    %get3A_324 = arith.constant 1 : index
    %get3A_325 = memref.load %arg0[%get3A_323, %get3A_324] : memref<8x3xf32, #tpu.memory_space<smem>>
    %mul3A_326 = arith.constant 5.000000e-01 : f32
    %mul3A_327 = arith.mulf %get3A_325, %mul3A_326 : f32
    %get3A_328 = arith.constant 1 : index
    %get3A_329 = arith.constant 2 : index
    %get3A_330 = memref.load %arg0[%get3A_328, %get3A_329] : memref<8x3xf32, #tpu.memory_space<smem>>
    %sub3A_331 = arith.subf %add3A_319, %get3A_330 : f32
    %max3A_332 = arith.constant 1.000000e+00 : f32
    %max3A_333 = arith.maximumf %get3A_322, %max3A_332 : f32
    %div3A_334 = arith.divf %sub3A_331, %max3A_333 : f32
    %add3A_335 = arith.addf %add3A_158, %div3A_334 : f32
    %gt3A_336 = arith.constant 0.000000e+00 : f32
    %gt3A_337 = arith.cmpf ogt, %get3A_322, %gt3A_336 : f32
    %mul3A_338 = arith.constant 4.000000e+00 : f32
    %mul3A_339 = arith.mulf %get3A_322, %mul3A_338 : f32
    %max3A_340 = arith.constant 1.000000e+00 : f32
    %max3A_341 = arith.maximumf %mul3A_339, %max3A_340 : f32
    %div3A_342 = arith.divf %mul3A_327, %max3A_341 : f32
    %jit3A_343 = arith.constant 0.000000e+00 : f32
    %select_n3A_344 = arith.select %gt3A_337, %div3A_342, %jit3A_343 : f32
    %add3A_345 = arith.addf %add3A_166, %select_n3A_344 : f32
    %get3A_346 = arith.constant 2 : index
    %get3A_347 = arith.constant 0 : index
    %get3A_348 = vector.load %arg1[%get3A_346, %get3A_347] : memref<8x20480xf32, #tpu.memory_space<vmem>>, vector<1x2560xf32>
    %max3A_349 = arith.constant 0.000000e+00 : f32
    %max3A_350 = vector.broadcast %max3A_349 : f32 to vector<1x2560xf32>
    %max3A_351 = arith.maximumf %get3A_348, %max3A_350 : vector<1x2560xf32>
    %abs3A_352 = math.absf %get3A_348 : vector<1x2560xf32>
    %neg3A_353 = arith.constant 0.000000e+00 : f32
    %neg3A_354 = vector.broadcast %neg3A_353 : f32 to vector<1x2560xf32>
    %neg3A_355 = arith.subf %neg3A_354, %abs3A_352 : vector<1x2560xf32>
    %exp3A_356 = math.exp %neg3A_355 : vector<1x2560xf32>
    %log1p3A_357 = math.log1p %exp3A_356 : vector<1x2560xf32>
    %add3A_358 = arith.addf %max3A_351, %log1p3A_357 : vector<1x2560xf32>
    %reduce_sum3A_359 = vector.shape_cast %add3A_358 : vector<1x2560xf32> to vector<1x1x2560xf32>
    %reduce_sum3A_360 = arith.constant dense<0.000000e+00> : vector<1xf32>
    %reduce_sum3A_361 = vector.multi_reduction <add>, %reduce_sum3A_359, %reduce_sum3A_360 [1, 2] : vector<1x1x2560xf32> to vector<1xf32>
    %reduce_sum3A_362 = vector.shape_cast %reduce_sum3A_361 : vector<1xf32> to vector<1x1x1xf32>
    %reduce_sum3A_363 = vector.extract %reduce_sum3A_362[0, 0, 0] : f32 from vector<1x1x1xf32>
    %add3A_364 = arith.constant 0.000000e+00 : f32
    %add3A_365 = arith.addf %add3A_364, %reduce_sum3A_363 : f32
    %get3A_366 = arith.constant 2 : index
    %get3A_367 = arith.constant 2560 : index
    %get3A_368 = vector.load %arg1[%get3A_366, %get3A_367] : memref<8x20480xf32, #tpu.memory_space<vmem>>, vector<1x2560xf32>
    %max3A_369 = arith.constant 0.000000e+00 : f32
    %max3A_370 = vector.broadcast %max3A_369 : f32 to vector<1x2560xf32>
    %max3A_371 = arith.maximumf %get3A_368, %max3A_370 : vector<1x2560xf32>
    %abs3A_372 = math.absf %get3A_368 : vector<1x2560xf32>
    %neg3A_373 = arith.constant 0.000000e+00 : f32
    %neg3A_374 = vector.broadcast %neg3A_373 : f32 to vector<1x2560xf32>
    %neg3A_375 = arith.subf %neg3A_374, %abs3A_372 : vector<1x2560xf32>
    %exp3A_376 = math.exp %neg3A_375 : vector<1x2560xf32>
    %log1p3A_377 = math.log1p %exp3A_376 : vector<1x2560xf32>
    %add3A_378 = arith.addf %max3A_371, %log1p3A_377 : vector<1x2560xf32>
    %reduce_sum3A_379 = vector.shape_cast %add3A_378 : vector<1x2560xf32> to vector<1x1x2560xf32>
    %reduce_sum3A_380 = arith.constant dense<0.000000e+00> : vector<1xf32>
    %reduce_sum3A_381 = vector.multi_reduction <add>, %reduce_sum3A_379, %reduce_sum3A_380 [1, 2] : vector<1x1x2560xf32> to vector<1xf32>
    %reduce_sum3A_382 = vector.shape_cast %reduce_sum3A_381 : vector<1xf32> to vector<1x1x1xf32>
    %reduce_sum3A_383 = vector.extract %reduce_sum3A_382[0, 0, 0] : f32 from vector<1x1x1xf32>
    %add3A_384 = arith.addf %add3A_365, %reduce_sum3A_383 : f32
    %get3A_385 = arith.constant 2 : index
    %get3A_386 = arith.constant 5120 : index
    %get3A_387 = vector.load %arg1[%get3A_385, %get3A_386] : memref<8x20480xf32, #tpu.memory_space<vmem>>, vector<1x2560xf32>
    %max3A_388 = arith.constant 0.000000e+00 : f32
    %max3A_389 = vector.broadcast %max3A_388 : f32 to vector<1x2560xf32>
    %max3A_390 = arith.maximumf %get3A_387, %max3A_389 : vector<1x2560xf32>
    %abs3A_391 = math.absf %get3A_387 : vector<1x2560xf32>
    %neg3A_392 = arith.constant 0.000000e+00 : f32
    %neg3A_393 = vector.broadcast %neg3A_392 : f32 to vector<1x2560xf32>
    %neg3A_394 = arith.subf %neg3A_393, %abs3A_391 : vector<1x2560xf32>
    %exp3A_395 = math.exp %neg3A_394 : vector<1x2560xf32>
    %log1p3A_396 = math.log1p %exp3A_395 : vector<1x2560xf32>
    %add3A_397 = arith.addf %max3A_390, %log1p3A_396 : vector<1x2560xf32>
    %reduce_sum3A_398 = vector.shape_cast %add3A_397 : vector<1x2560xf32> to vector<1x1x2560xf32>
    %reduce_sum3A_399 = arith.constant dense<0.000000e+00> : vector<1xf32>
    %reduce_sum3A_400 = vector.multi_reduction <add>, %reduce_sum3A_398, %reduce_sum3A_399 [1, 2] : vector<1x1x2560xf32> to vector<1xf32>
    %reduce_sum3A_401 = vector.shape_cast %reduce_sum3A_400 : vector<1xf32> to vector<1x1x1xf32>
    %reduce_sum3A_402 = vector.extract %reduce_sum3A_401[0, 0, 0] : f32 from vector<1x1x1xf32>
    %add3A_403 = arith.addf %add3A_384, %reduce_sum3A_402 : f32
    %get3A_404 = arith.constant 2 : index
    %get3A_405 = arith.constant 7680 : index
    %get3A_406 = vector.load %arg1[%get3A_404, %get3A_405] : memref<8x20480xf32, #tpu.memory_space<vmem>>, vector<1x2560xf32>
    %max3A_407 = arith.constant 0.000000e+00 : f32
    %max3A_408 = vector.broadcast %max3A_407 : f32 to vector<1x2560xf32>
    %max3A_409 = arith.maximumf %get3A_406, %max3A_408 : vector<1x2560xf32>
    %abs3A_410 = math.absf %get3A_406 : vector<1x2560xf32>
    %neg3A_411 = arith.constant 0.000000e+00 : f32
    %neg3A_412 = vector.broadcast %neg3A_411 : f32 to vector<1x2560xf32>
    %neg3A_413 = arith.subf %neg3A_412, %abs3A_410 : vector<1x2560xf32>
    %exp3A_414 = math.exp %neg3A_413 : vector<1x2560xf32>
    %log1p3A_415 = math.log1p %exp3A_414 : vector<1x2560xf32>
    %add3A_416 = arith.addf %max3A_409, %log1p3A_415 : vector<1x2560xf32>
    %reduce_sum3A_417 = vector.shape_cast %add3A_416 : vector<1x2560xf32> to vector<1x1x2560xf32>
    %reduce_sum3A_418 = arith.constant dense<0.000000e+00> : vector<1xf32>
    %reduce_sum3A_419 = vector.multi_reduction <add>, %reduce_sum3A_417, %reduce_sum3A_418 [1, 2] : vector<1x1x2560xf32> to vector<1xf32>
    %reduce_sum3A_420 = vector.shape_cast %reduce_sum3A_419 : vector<1xf32> to vector<1x1x1xf32>
    %reduce_sum3A_421 = vector.extract %reduce_sum3A_420[0, 0, 0] : f32 from vector<1x1x1xf32>
    %add3A_422 = arith.addf %add3A_403, %reduce_sum3A_421 : f32
    %get3A_423 = arith.constant 2 : index
    %get3A_424 = arith.constant 10240 : index
    %get3A_425 = vector.load %arg1[%get3A_423, %get3A_424] : memref<8x20480xf32, #tpu.memory_space<vmem>>, vector<1x2560xf32>
    %max3A_426 = arith.constant 0.000000e+00 : f32
    %max3A_427 = vector.broadcast %max3A_426 : f32 to vector<1x2560xf32>
    %max3A_428 = arith.maximumf %get3A_425, %max3A_427 : vector<1x2560xf32>
    %abs3A_429 = math.absf %get3A_425 : vector<1x2560xf32>
    %neg3A_430 = arith.constant 0.000000e+00 : f32
    %neg3A_431 = vector.broadcast %neg3A_430 : f32 to vector<1x2560xf32>
    %neg3A_432 = arith.subf %neg3A_431, %abs3A_429 : vector<1x2560xf32>
    %exp3A_433 = math.exp %neg3A_432 : vector<1x2560xf32>
    %log1p3A_434 = math.log1p %exp3A_433 : vector<1x2560xf32>
    %add3A_435 = arith.addf %max3A_428, %log1p3A_434 : vector<1x2560xf32>
    %reduce_sum3A_436 = vector.shape_cast %add3A_435 : vector<1x2560xf32> to vector<1x1x2560xf32>
    %reduce_sum3A_437 = arith.constant dense<0.000000e+00> : vector<1xf32>
    %reduce_sum3A_438 = vector.multi_reduction <add>, %reduce_sum3A_436, %reduce_sum3A_437 [1, 2] : vector<1x1x2560xf32> to vector<1xf32>
    %reduce_sum3A_439 = vector.shape_cast %reduce_sum3A_438 : vector<1xf32> to vector<1x1x1xf32>
    %reduce_sum3A_440 = vector.extract %reduce_sum3A_439[0, 0, 0] : f32 from vector<1x1x1xf32>
    %add3A_441 = arith.addf %add3A_422, %reduce_sum3A_440 : f32
    %get3A_442 = arith.constant 2 : index
    %get3A_443 = arith.constant 12800 : index
    %get3A_444 = vector.load %arg1[%get3A_442, %get3A_443] : memref<8x20480xf32, #tpu.memory_space<vmem>>, vector<1x2560xf32>
    %max3A_445 = arith.constant 0.000000e+00 : f32
    %max3A_446 = vector.broadcast %max3A_445 : f32 to vector<1x2560xf32>
    %max3A_447 = arith.maximumf %get3A_444, %max3A_446 : vector<1x2560xf32>
    %abs3A_448 = math.absf %get3A_444 : vector<1x2560xf32>
    %neg3A_449 = arith.constant 0.000000e+00 : f32
    %neg3A_450 = vector.broadcast %neg3A_449 : f32 to vector<1x2560xf32>
    %neg3A_451 = arith.subf %neg3A_450, %abs3A_448 : vector<1x2560xf32>
    %exp3A_452 = math.exp %neg3A_451 : vector<1x2560xf32>
    %log1p3A_453 = math.log1p %exp3A_452 : vector<1x2560xf32>
    %add3A_454 = arith.addf %max3A_447, %log1p3A_453 : vector<1x2560xf32>
    %reduce_sum3A_455 = vector.shape_cast %add3A_454 : vector<1x2560xf32> to vector<1x1x2560xf32>
    %reduce_sum3A_456 = arith.constant dense<0.000000e+00> : vector<1xf32>
    %reduce_sum3A_457 = vector.multi_reduction <add>, %reduce_sum3A_455, %reduce_sum3A_456 [1, 2] : vector<1x1x2560xf32> to vector<1xf32>
    %reduce_sum3A_458 = vector.shape_cast %reduce_sum3A_457 : vector<1xf32> to vector<1x1x1xf32>
    %reduce_sum3A_459 = vector.extract %reduce_sum3A_458[0, 0, 0] : f32 from vector<1x1x1xf32>
    %add3A_460 = arith.addf %add3A_441, %reduce_sum3A_459 : f32
    %get3A_461 = arith.constant 2 : index
    %get3A_462 = arith.constant 15360 : index
    %get3A_463 = vector.load %arg1[%get3A_461, %get3A_462] : memref<8x20480xf32, #tpu.memory_space<vmem>>, vector<1x2560xf32>
    %max3A_464 = arith.constant 0.000000e+00 : f32
    %max3A_465 = vector.broadcast %max3A_464 : f32 to vector<1x2560xf32>
    %max3A_466 = arith.maximumf %get3A_463, %max3A_465 : vector<1x2560xf32>
    %abs3A_467 = math.absf %get3A_463 : vector<1x2560xf32>
    %neg3A_468 = arith.constant 0.000000e+00 : f32
    %neg3A_469 = vector.broadcast %neg3A_468 : f32 to vector<1x2560xf32>
    %neg3A_470 = arith.subf %neg3A_469, %abs3A_467 : vector<1x2560xf32>
    %exp3A_471 = math.exp %neg3A_470 : vector<1x2560xf32>
    %log1p3A_472 = math.log1p %exp3A_471 : vector<1x2560xf32>
    %add3A_473 = arith.addf %max3A_466, %log1p3A_472 : vector<1x2560xf32>
    %reduce_sum3A_474 = vector.shape_cast %add3A_473 : vector<1x2560xf32> to vector<1x1x2560xf32>
    %reduce_sum3A_475 = arith.constant dense<0.000000e+00> : vector<1xf32>
    %reduce_sum3A_476 = vector.multi_reduction <add>, %reduce_sum3A_474, %reduce_sum3A_475 [1, 2] : vector<1x1x2560xf32> to vector<1xf32>
    %reduce_sum3A_477 = vector.shape_cast %reduce_sum3A_476 : vector<1xf32> to vector<1x1x1xf32>
    %reduce_sum3A_478 = vector.extract %reduce_sum3A_477[0, 0, 0] : f32 from vector<1x1x1xf32>
    %add3A_479 = arith.addf %add3A_460, %reduce_sum3A_478 : f32
    %get3A_480 = arith.constant 2 : index
    %get3A_481 = arith.constant 17920 : index
    %get3A_482 = vector.load %arg1[%get3A_480, %get3A_481] : memref<8x20480xf32, #tpu.memory_space<vmem>>, vector<1x2560xf32>
    %max3A_483 = arith.constant 0.000000e+00 : f32
    %max3A_484 = vector.broadcast %max3A_483 : f32 to vector<1x2560xf32>
    %max3A_485 = arith.maximumf %get3A_482, %max3A_484 : vector<1x2560xf32>
    %abs3A_486 = math.absf %get3A_482 : vector<1x2560xf32>
    %neg3A_487 = arith.constant 0.000000e+00 : f32
    %neg3A_488 = vector.broadcast %neg3A_487 : f32 to vector<1x2560xf32>
    %neg3A_489 = arith.subf %neg3A_488, %abs3A_486 : vector<1x2560xf32>
    %exp3A_490 = math.exp %neg3A_489 : vector<1x2560xf32>
    %log1p3A_491 = math.log1p %exp3A_490 : vector<1x2560xf32>
    %add3A_492 = arith.addf %max3A_485, %log1p3A_491 : vector<1x2560xf32>
    %reduce_sum3A_493 = vector.shape_cast %add3A_492 : vector<1x2560xf32> to vector<1x1x2560xf32>
    %reduce_sum3A_494 = arith.constant dense<0.000000e+00> : vector<1xf32>
    %reduce_sum3A_495 = vector.multi_reduction <add>, %reduce_sum3A_493, %reduce_sum3A_494 [1, 2] : vector<1x1x2560xf32> to vector<1xf32>
    %reduce_sum3A_496 = vector.shape_cast %reduce_sum3A_495 : vector<1xf32> to vector<1x1x1xf32>
    %reduce_sum3A_497 = vector.extract %reduce_sum3A_496[0, 0, 0] : f32 from vector<1x1x1xf32>
    %add3A_498 = arith.addf %add3A_479, %reduce_sum3A_497 : f32
    %get3A_499 = arith.constant 2 : index
    %get3A_500 = arith.constant 0 : index
    %get3A_501 = memref.load %arg0[%get3A_499, %get3A_500] : memref<8x3xf32, #tpu.memory_space<smem>>
    %get3A_502 = arith.constant 2 : index
    %get3A_503 = arith.constant 1 : index
    %get3A_504 = memref.load %arg0[%get3A_502, %get3A_503] : memref<8x3xf32, #tpu.memory_space<smem>>
    %mul3A_505 = arith.constant 5.000000e-01 : f32
    %mul3A_506 = arith.mulf %get3A_504, %mul3A_505 : f32
    %get3A_507 = arith.constant 2 : index
    %get3A_508 = arith.constant 2 : index
    %get3A_509 = memref.load %arg0[%get3A_507, %get3A_508] : memref<8x3xf32, #tpu.memory_space<smem>>
    %sub3A_510 = arith.subf %add3A_498, %get3A_509 : f32
    %max3A_511 = arith.constant 1.000000e+00 : f32
    %max3A_512 = arith.maximumf %get3A_501, %max3A_511 : f32
    %div3A_513 = arith.divf %sub3A_510, %max3A_512 : f32
    %add3A_514 = arith.addf %add3A_335, %div3A_513 : f32
    %gt3A_515 = arith.constant 0.000000e+00 : f32
    %gt3A_516 = arith.cmpf ogt, %get3A_501, %gt3A_515 : f32
    %mul3A_517 = arith.constant 4.000000e+00 : f32
    %mul3A_518 = arith.mulf %get3A_501, %mul3A_517 : f32
    %max3A_519 = arith.constant 1.000000e+00 : f32
    %max3A_520 = arith.maximumf %mul3A_518, %max3A_519 : f32
    %div3A_521 = arith.divf %mul3A_506, %max3A_520 : f32
    %jit3A_522 = arith.constant 0.000000e+00 : f32
    %select_n3A_523 = arith.select %gt3A_516, %div3A_521, %jit3A_522 : f32
    %add3A_524 = arith.addf %add3A_345, %select_n3A_523 : f32
    %get3A_525 = arith.constant 3 : index
    %get3A_526 = arith.constant 0 : index
    %get3A_527 = vector.load %arg1[%get3A_525, %get3A_526] : memref<8x20480xf32, #tpu.memory_space<vmem>>, vector<1x2560xf32>
    %max3A_528 = arith.constant 0.000000e+00 : f32
    %max3A_529 = vector.broadcast %max3A_528 : f32 to vector<1x2560xf32>
    %max3A_530 = arith.maximumf %get3A_527, %max3A_529 : vector<1x2560xf32>
    %abs3A_531 = math.absf %get3A_527 : vector<1x2560xf32>
    %neg3A_532 = arith.constant 0.000000e+00 : f32
    %neg3A_533 = vector.broadcast %neg3A_532 : f32 to vector<1x2560xf32>
    %neg3A_534 = arith.subf %neg3A_533, %abs3A_531 : vector<1x2560xf32>
    %exp3A_535 = math.exp %neg3A_534 : vector<1x2560xf32>
    %log1p3A_536 = math.log1p %exp3A_535 : vector<1x2560xf32>
    %add3A_537 = arith.addf %max3A_530, %log1p3A_536 : vector<1x2560xf32>
    %reduce_sum3A_538 = vector.shape_cast %add3A_537 : vector<1x2560xf32> to vector<1x1x2560xf32>
    %reduce_sum3A_539 = arith.constant dense<0.000000e+00> : vector<1xf32>
    %reduce_sum3A_540 = vector.multi_reduction <add>, %reduce_sum3A_538, %reduce_sum3A_539 [1, 2] : vector<1x1x2560xf32> to vector<1xf32>
    %reduce_sum3A_541 = vector.shape_cast %reduce_sum3A_540 : vector<1xf32> to vector<1x1x1xf32>
    %reduce_sum3A_542 = vector.extract %reduce_sum3A_541[0, 0, 0] : f32 from vector<1x1x1xf32>
    %add3A_543 = arith.constant 0.000000e+00 : f32
    %add3A_544 = arith.addf %add3A_543, %reduce_sum3A_542 : f32
    %get3A_545 = arith.constant 3 : index
    %get3A_546 = arith.constant 2560 : index
    %get3A_547 = vector.load %arg1[%get3A_545, %get3A_546] : memref<8x20480xf32, #tpu.memory_space<vmem>>, vector<1x2560xf32>
    %max3A_548 = arith.constant 0.000000e+00 : f32
    %max3A_549 = vector.broadcast %max3A_548 : f32 to vector<1x2560xf32>
    %max3A_550 = arith.maximumf %get3A_547, %max3A_549 : vector<1x2560xf32>
    %abs3A_551 = math.absf %get3A_547 : vector<1x2560xf32>
    %neg3A_552 = arith.constant 0.000000e+00 : f32
    %neg3A_553 = vector.broadcast %neg3A_552 : f32 to vector<1x2560xf32>
    %neg3A_554 = arith.subf %neg3A_553, %abs3A_551 : vector<1x2560xf32>
    %exp3A_555 = math.exp %neg3A_554 : vector<1x2560xf32>
    %log1p3A_556 = math.log1p %exp3A_555 : vector<1x2560xf32>
    %add3A_557 = arith.addf %max3A_550, %log1p3A_556 : vector<1x2560xf32>
    %reduce_sum3A_558 = vector.shape_cast %add3A_557 : vector<1x2560xf32> to vector<1x1x2560xf32>
    %reduce_sum3A_559 = arith.constant dense<0.000000e+00> : vector<1xf32>
    %reduce_sum3A_560 = vector.multi_reduction <add>, %reduce_sum3A_558, %reduce_sum3A_559 [1, 2] : vector<1x1x2560xf32> to vector<1xf32>
    %reduce_sum3A_561 = vector.shape_cast %reduce_sum3A_560 : vector<1xf32> to vector<1x1x1xf32>
    %reduce_sum3A_562 = vector.extract %reduce_sum3A_561[0, 0, 0] : f32 from vector<1x1x1xf32>
    %add3A_563 = arith.addf %add3A_544, %reduce_sum3A_562 : f32
    %get3A_564 = arith.constant 3 : index
    %get3A_565 = arith.constant 5120 : index
    %get3A_566 = vector.load %arg1[%get3A_564, %get3A_565] : memref<8x20480xf32, #tpu.memory_space<vmem>>, vector<1x2560xf32>
    %max3A_567 = arith.constant 0.000000e+00 : f32
    %max3A_568 = vector.broadcast %max3A_567 : f32 to vector<1x2560xf32>
    %max3A_569 = arith.maximumf %get3A_566, %max3A_568 : vector<1x2560xf32>
    %abs3A_570 = math.absf %get3A_566 : vector<1x2560xf32>
    %neg3A_571 = arith.constant 0.000000e+00 : f32
    %neg3A_572 = vector.broadcast %neg3A_571 : f32 to vector<1x2560xf32>
    %neg3A_573 = arith.subf %neg3A_572, %abs3A_570 : vector<1x2560xf32>
    %exp3A_574 = math.exp %neg3A_573 : vector<1x2560xf32>
    %log1p3A_575 = math.log1p %exp3A_574 : vector<1x2560xf32>
    %add3A_576 = arith.addf %max3A_569, %log1p3A_575 : vector<1x2560xf32>
    %reduce_sum3A_577 = vector.shape_cast %add3A_576 : vector<1x2560xf32> to vector<1x1x2560xf32>
    %reduce_sum3A_578 = arith.constant dense<0.000000e+00> : vector<1xf32>
    %reduce_sum3A_579 = vector.multi_reduction <add>, %reduce_sum3A_577, %reduce_sum3A_578 [1, 2] : vector<1x1x2560xf32> to vector<1xf32>
    %reduce_sum3A_580 = vector.shape_cast %reduce_sum3A_579 : vector<1xf32> to vector<1x1x1xf32>
    %reduce_sum3A_581 = vector.extract %reduce_sum3A_580[0, 0, 0] : f32 from vector<1x1x1xf32>
    %add3A_582 = arith.addf %add3A_563, %reduce_sum3A_581 : f32
    %get3A_583 = arith.constant 3 : index
    %get3A_584 = arith.constant 7680 : index
    %get3A_585 = vector.load %arg1[%get3A_583, %get3A_584] : memref<8x20480xf32, #tpu.memory_space<vmem>>, vector<1x2560xf32>
    %max3A_586 = arith.constant 0.000000e+00 : f32
    %max3A_587 = vector.broadcast %max3A_586 : f32 to vector<1x2560xf32>
    %max3A_588 = arith.maximumf %get3A_585, %max3A_587 : vector<1x2560xf32>
    %abs3A_589 = math.absf %get3A_585 : vector<1x2560xf32>
    %neg3A_590 = arith.constant 0.000000e+00 : f32
    %neg3A_591 = vector.broadcast %neg3A_590 : f32 to vector<1x2560xf32>
    %neg3A_592 = arith.subf %neg3A_591, %abs3A_589 : vector<1x2560xf32>
    %exp3A_593 = math.exp %neg3A_592 : vector<1x2560xf32>
    %log1p3A_594 = math.log1p %exp3A_593 : vector<1x2560xf32>
    %add3A_595 = arith.addf %max3A_588, %log1p3A_594 : vector<1x2560xf32>
    %reduce_sum3A_596 = vector.shape_cast %add3A_595 : vector<1x2560xf32> to vector<1x1x2560xf32>
    %reduce_sum3A_597 = arith.constant dense<0.000000e+00> : vector<1xf32>
    %reduce_sum3A_598 = vector.multi_reduction <add>, %reduce_sum3A_596, %reduce_sum3A_597 [1, 2] : vector<1x1x2560xf32> to vector<1xf32>
    %reduce_sum3A_599 = vector.shape_cast %reduce_sum3A_598 : vector<1xf32> to vector<1x1x1xf32>
    %reduce_sum3A_600 = vector.extract %reduce_sum3A_599[0, 0, 0] : f32 from vector<1x1x1xf32>
    %add3A_601 = arith.addf %add3A_582, %reduce_sum3A_600 : f32
    %get3A_602 = arith.constant 3 : index
    %get3A_603 = arith.constant 10240 : index
    %get3A_604 = vector.load %arg1[%get3A_602, %get3A_603] : memref<8x20480xf32, #tpu.memory_space<vmem>>, vector<1x2560xf32>
    %max3A_605 = arith.constant 0.000000e+00 : f32
    %max3A_606 = vector.broadcast %max3A_605 : f32 to vector<1x2560xf32>
    %max3A_607 = arith.maximumf %get3A_604, %max3A_606 : vector<1x2560xf32>
    %abs3A_608 = math.absf %get3A_604 : vector<1x2560xf32>
    %neg3A_609 = arith.constant 0.000000e+00 : f32
    %neg3A_610 = vector.broadcast %neg3A_609 : f32 to vector<1x2560xf32>
    %neg3A_611 = arith.subf %neg3A_610, %abs3A_608 : vector<1x2560xf32>
    %exp3A_612 = math.exp %neg3A_611 : vector<1x2560xf32>
    %log1p3A_613 = math.log1p %exp3A_612 : vector<1x2560xf32>
    %add3A_614 = arith.addf %max3A_607, %log1p3A_613 : vector<1x2560xf32>
    %reduce_sum3A_615 = vector.shape_cast %add3A_614 : vector<1x2560xf32> to vector<1x1x2560xf32>
    %reduce_sum3A_616 = arith.constant dense<0.000000e+00> : vector<1xf32>
    %reduce_sum3A_617 = vector.multi_reduction <add>, %reduce_sum3A_615, %reduce_sum3A_616 [1, 2] : vector<1x1x2560xf32> to vector<1xf32>
    %reduce_sum3A_618 = vector.shape_cast %reduce_sum3A_617 : vector<1xf32> to vector<1x1x1xf32>
    %reduce_sum3A_619 = vector.extract %reduce_sum3A_618[0, 0, 0] : f32 from vector<1x1x1xf32>
    %add3A_620 = arith.addf %add3A_601, %reduce_sum3A_619 : f32
    %get3A_621 = arith.constant 3 : index
    %get3A_622 = arith.constant 12800 : index
    %get3A_623 = vector.load %arg1[%get3A_621, %get3A_622] : memref<8x20480xf32, #tpu.memory_space<vmem>>, vector<1x2560xf32>
    %max3A_624 = arith.constant 0.000000e+00 : f32
    %max3A_625 = vector.broadcast %max3A_624 : f32 to vector<1x2560xf32>
    %max3A_626 = arith.maximumf %get3A_623, %max3A_625 : vector<1x2560xf32>
    %abs3A_627 = math.absf %get3A_623 : vector<1x2560xf32>
    %neg3A_628 = arith.constant 0.000000e+00 : f32
    %neg3A_629 = vector.broadcast %neg3A_628 : f32 to vector<1x2560xf32>
    %neg3A_630 = arith.subf %neg3A_629, %abs3A_627 : vector<1x2560xf32>
    %exp3A_631 = math.exp %neg3A_630 : vector<1x2560xf32>
    %log1p3A_632 = math.log1p %exp3A_631 : vector<1x2560xf32>
    %add3A_633 = arith.addf %max3A_626, %log1p3A_632 : vector<1x2560xf32>
    %reduce_sum3A_634 = vector.shape_cast %add3A_633 : vector<1x2560xf32> to vector<1x1x2560xf32>
    %reduce_sum3A_635 = arith.constant dense<0.000000e+00> : vector<1xf32>
    %reduce_sum3A_636 = vector.multi_reduction <add>, %reduce_sum3A_634, %reduce_sum3A_635 [1, 2] : vector<1x1x2560xf32> to vector<1xf32>
    %reduce_sum3A_637 = vector.shape_cast %reduce_sum3A_636 : vector<1xf32> to vector<1x1x1xf32>
    %reduce_sum3A_638 = vector.extract %reduce_sum3A_637[0, 0, 0] : f32 from vector<1x1x1xf32>
    %add3A_639 = arith.addf %add3A_620, %reduce_sum3A_638 : f32
    %get3A_640 = arith.constant 3 : index
    %get3A_641 = arith.constant 15360 : index
    %get3A_642 = vector.load %arg1[%get3A_640, %get3A_641] : memref<8x20480xf32, #tpu.memory_space<vmem>>, vector<1x2560xf32>
    %max3A_643 = arith.constant 0.000000e+00 : f32
    %max3A_644 = vector.broadcast %max3A_643 : f32 to vector<1x2560xf32>
    %max3A_645 = arith.maximumf %get3A_642, %max3A_644 : vector<1x2560xf32>
    %abs3A_646 = math.absf %get3A_642 : vector<1x2560xf32>
    %neg3A_647 = arith.constant 0.000000e+00 : f32
    %neg3A_648 = vector.broadcast %neg3A_647 : f32 to vector<1x2560xf32>
    %neg3A_649 = arith.subf %neg3A_648, %abs3A_646 : vector<1x2560xf32>
    %exp3A_650 = math.exp %neg3A_649 : vector<1x2560xf32>
    %log1p3A_651 = math.log1p %exp3A_650 : vector<1x2560xf32>
    %add3A_652 = arith.addf %max3A_645, %log1p3A_651 : vector<1x2560xf32>
    %reduce_sum3A_653 = vector.shape_cast %add3A_652 : vector<1x2560xf32> to vector<1x1x2560xf32>
    %reduce_sum3A_654 = arith.constant dense<0.000000e+00> : vector<1xf32>
    %reduce_sum3A_655 = vector.multi_reduction <add>, %reduce_sum3A_653, %reduce_sum3A_654 [1, 2] : vector<1x1x2560xf32> to vector<1xf32>
    %reduce_sum3A_656 = vector.shape_cast %reduce_sum3A_655 : vector<1xf32> to vector<1x1x1xf32>
    %reduce_sum3A_657 = vector.extract %reduce_sum3A_656[0, 0, 0] : f32 from vector<1x1x1xf32>
    %add3A_658 = arith.addf %add3A_639, %reduce_sum3A_657 : f32
    %get3A_659 = arith.constant 3 : index
    %get3A_660 = arith.constant 17920 : index
    %get3A_661 = vector.load %arg1[%get3A_659, %get3A_660] : memref<8x20480xf32, #tpu.memory_space<vmem>>, vector<1x2560xf32>
    %max3A_662 = arith.constant 0.000000e+00 : f32
    %max3A_663 = vector.broadcast %max3A_662 : f32 to vector<1x2560xf32>
    %max3A_664 = arith.maximumf %get3A_661, %max3A_663 : vector<1x2560xf32>
    %abs3A_665 = math.absf %get3A_661 : vector<1x2560xf32>
    %neg3A_666 = arith.constant 0.000000e+00 : f32
    %neg3A_667 = vector.broadcast %neg3A_666 : f32 to vector<1x2560xf32>
    %neg3A_668 = arith.subf %neg3A_667, %abs3A_665 : vector<1x2560xf32>
    %exp3A_669 = math.exp %neg3A_668 : vector<1x2560xf32>
    %log1p3A_670 = math.log1p %exp3A_669 : vector<1x2560xf32>
    %add3A_671 = arith.addf %max3A_664, %log1p3A_670 : vector<1x2560xf32>
    %reduce_sum3A_672 = vector.shape_cast %add3A_671 : vector<1x2560xf32> to vector<1x1x2560xf32>
    %reduce_sum3A_673 = arith.constant dense<0.000000e+00> : vector<1xf32>
    %reduce_sum3A_674 = vector.multi_reduction <add>, %reduce_sum3A_672, %reduce_sum3A_673 [1, 2] : vector<1x1x2560xf32> to vector<1xf32>
    %reduce_sum3A_675 = vector.shape_cast %reduce_sum3A_674 : vector<1xf32> to vector<1x1x1xf32>
    %reduce_sum3A_676 = vector.extract %reduce_sum3A_675[0, 0, 0] : f32 from vector<1x1x1xf32>
    %add3A_677 = arith.addf %add3A_658, %reduce_sum3A_676 : f32
    %get3A_678 = arith.constant 3 : index
    %get3A_679 = arith.constant 0 : index
    %get3A_680 = memref.load %arg0[%get3A_678, %get3A_679] : memref<8x3xf32, #tpu.memory_space<smem>>
    %get3A_681 = arith.constant 3 : index
    %get3A_682 = arith.constant 1 : index
    %get3A_683 = memref.load %arg0[%get3A_681, %get3A_682] : memref<8x3xf32, #tpu.memory_space<smem>>
    %mul3A_684 = arith.constant 5.000000e-01 : f32
    %mul3A_685 = arith.mulf %get3A_683, %mul3A_684 : f32
    %get3A_686 = arith.constant 3 : index
    %get3A_687 = arith.constant 2 : index
    %get3A_688 = memref.load %arg0[%get3A_686, %get3A_687] : memref<8x3xf32, #tpu.memory_space<smem>>
    %sub3A_689 = arith.subf %add3A_677, %get3A_688 : f32
    %max3A_690 = arith.constant 1.000000e+00 : f32
    %max3A_691 = arith.maximumf %get3A_680, %max3A_690 : f32
    %div3A_692 = arith.divf %sub3A_689, %max3A_691 : f32
    %add3A_693 = arith.addf %add3A_514, %div3A_692 : f32
    %gt3A_694 = arith.constant 0.000000e+00 : f32
    %gt3A_695 = arith.cmpf ogt, %get3A_680, %gt3A_694 : f32
    %mul3A_696 = arith.constant 4.000000e+00 : f32
    %mul3A_697 = arith.mulf %get3A_680, %mul3A_696 : f32
    %max3A_698 = arith.constant 1.000000e+00 : f32
    %max3A_699 = arith.maximumf %mul3A_697, %max3A_698 : f32
    %div3A_700 = arith.divf %mul3A_685, %max3A_699 : f32
    %jit3A_701 = arith.constant 0.000000e+00 : f32
    %select_n3A_702 = arith.select %gt3A_695, %div3A_700, %jit3A_701 : f32
    %add3A_703 = arith.addf %add3A_524, %select_n3A_702 : f32
    %get3A_704 = arith.constant 4 : index
    %get3A_705 = arith.constant 0 : index
    %get3A_706 = vector.load %arg1[%get3A_704, %get3A_705] : memref<8x20480xf32, #tpu.memory_space<vmem>>, vector<1x2560xf32>
    %max3A_707 = arith.constant 0.000000e+00 : f32
    %max3A_708 = vector.broadcast %max3A_707 : f32 to vector<1x2560xf32>
    %max3A_709 = arith.maximumf %get3A_706, %max3A_708 : vector<1x2560xf32>
    %abs3A_710 = math.absf %get3A_706 : vector<1x2560xf32>
    %neg3A_711 = arith.constant 0.000000e+00 : f32
    %neg3A_712 = vector.broadcast %neg3A_711 : f32 to vector<1x2560xf32>
    %neg3A_713 = arith.subf %neg3A_712, %abs3A_710 : vector<1x2560xf32>
    %exp3A_714 = math.exp %neg3A_713 : vector<1x2560xf32>
    %log1p3A_715 = math.log1p %exp3A_714 : vector<1x2560xf32>
    %add3A_716 = arith.addf %max3A_709, %log1p3A_715 : vector<1x2560xf32>
    %reduce_sum3A_717 = vector.shape_cast %add3A_716 : vector<1x2560xf32> to vector<1x1x2560xf32>
    %reduce_sum3A_718 = arith.constant dense<0.000000e+00> : vector<1xf32>
    %reduce_sum3A_719 = vector.multi_reduction <add>, %reduce_sum3A_717, %reduce_sum3A_718 [1, 2] : vector<1x1x2560xf32> to vector<1xf32>
    %reduce_sum3A_720 = vector.shape_cast %reduce_sum3A_719 : vector<1xf32> to vector<1x1x1xf32>
    %reduce_sum3A_721 = vector.extract %reduce_sum3A_720[0, 0, 0] : f32 from vector<1x1x1xf32>
    %add3A_722 = arith.constant 0.000000e+00 : f32
    %add3A_723 = arith.addf %add3A_722, %reduce_sum3A_721 : f32
    %get3A_724 = arith.constant 4 : index
    %get3A_725 = arith.constant 2560 : index
    %get3A_726 = vector.load %arg1[%get3A_724, %get3A_725] : memref<8x20480xf32, #tpu.memory_space<vmem>>, vector<1x2560xf32>
    %max3A_727 = arith.constant 0.000000e+00 : f32
    %max3A_728 = vector.broadcast %max3A_727 : f32 to vector<1x2560xf32>
    %max3A_729 = arith.maximumf %get3A_726, %max3A_728 : vector<1x2560xf32>
    %abs3A_730 = math.absf %get3A_726 : vector<1x2560xf32>
    %neg3A_731 = arith.constant 0.000000e+00 : f32
    %neg3A_732 = vector.broadcast %neg3A_731 : f32 to vector<1x2560xf32>
    %neg3A_733 = arith.subf %neg3A_732, %abs3A_730 : vector<1x2560xf32>
    %exp3A_734 = math.exp %neg3A_733 : vector<1x2560xf32>
    %log1p3A_735 = math.log1p %exp3A_734 : vector<1x2560xf32>
    %add3A_736 = arith.addf %max3A_729, %log1p3A_735 : vector<1x2560xf32>
    %reduce_sum3A_737 = vector.shape_cast %add3A_736 : vector<1x2560xf32> to vector<1x1x2560xf32>
    %reduce_sum3A_738 = arith.constant dense<0.000000e+00> : vector<1xf32>
    %reduce_sum3A_739 = vector.multi_reduction <add>, %reduce_sum3A_737, %reduce_sum3A_738 [1, 2] : vector<1x1x2560xf32> to vector<1xf32>
    %reduce_sum3A_740 = vector.shape_cast %reduce_sum3A_739 : vector<1xf32> to vector<1x1x1xf32>
    %reduce_sum3A_741 = vector.extract %reduce_sum3A_740[0, 0, 0] : f32 from vector<1x1x1xf32>
    %add3A_742 = arith.addf %add3A_723, %reduce_sum3A_741 : f32
    %get3A_743 = arith.constant 4 : index
    %get3A_744 = arith.constant 5120 : index
    %get3A_745 = vector.load %arg1[%get3A_743, %get3A_744] : memref<8x20480xf32, #tpu.memory_space<vmem>>, vector<1x2560xf32>
    %max3A_746 = arith.constant 0.000000e+00 : f32
    %max3A_747 = vector.broadcast %max3A_746 : f32 to vector<1x2560xf32>
    %max3A_748 = arith.maximumf %get3A_745, %max3A_747 : vector<1x2560xf32>
    %abs3A_749 = math.absf %get3A_745 : vector<1x2560xf32>
    %neg3A_750 = arith.constant 0.000000e+00 : f32
    %neg3A_751 = vector.broadcast %neg3A_750 : f32 to vector<1x2560xf32>
    %neg3A_752 = arith.subf %neg3A_751, %abs3A_749 : vector<1x2560xf32>
    %exp3A_753 = math.exp %neg3A_752 : vector<1x2560xf32>
    %log1p3A_754 = math.log1p %exp3A_753 : vector<1x2560xf32>
    %add3A_755 = arith.addf %max3A_748, %log1p3A_754 : vector<1x2560xf32>
    %reduce_sum3A_756 = vector.shape_cast %add3A_755 : vector<1x2560xf32> to vector<1x1x2560xf32>
    %reduce_sum3A_757 = arith.constant dense<0.000000e+00> : vector<1xf32>
    %reduce_sum3A_758 = vector.multi_reduction <add>, %reduce_sum3A_756, %reduce_sum3A_757 [1, 2] : vector<1x1x2560xf32> to vector<1xf32>
    %reduce_sum3A_759 = vector.shape_cast %reduce_sum3A_758 : vector<1xf32> to vector<1x1x1xf32>
    %reduce_sum3A_760 = vector.extract %reduce_sum3A_759[0, 0, 0] : f32 from vector<1x1x1xf32>
    %add3A_761 = arith.addf %add3A_742, %reduce_sum3A_760 : f32
    %get3A_762 = arith.constant 4 : index
    %get3A_763 = arith.constant 7680 : index
    %get3A_764 = vector.load %arg1[%get3A_762, %get3A_763] : memref<8x20480xf32, #tpu.memory_space<vmem>>, vector<1x2560xf32>
    %max3A_765 = arith.constant 0.000000e+00 : f32
    %max3A_766 = vector.broadcast %max3A_765 : f32 to vector<1x2560xf32>
    %max3A_767 = arith.maximumf %get3A_764, %max3A_766 : vector<1x2560xf32>
    %abs3A_768 = math.absf %get3A_764 : vector<1x2560xf32>
    %neg3A_769 = arith.constant 0.000000e+00 : f32
    %neg3A_770 = vector.broadcast %neg3A_769 : f32 to vector<1x2560xf32>
    %neg3A_771 = arith.subf %neg3A_770, %abs3A_768 : vector<1x2560xf32>
    %exp3A_772 = math.exp %neg3A_771 : vector<1x2560xf32>
    %log1p3A_773 = math.log1p %exp3A_772 : vector<1x2560xf32>
    %add3A_774 = arith.addf %max3A_767, %log1p3A_773 : vector<1x2560xf32>
    %reduce_sum3A_775 = vector.shape_cast %add3A_774 : vector<1x2560xf32> to vector<1x1x2560xf32>
    %reduce_sum3A_776 = arith.constant dense<0.000000e+00> : vector<1xf32>
    %reduce_sum3A_777 = vector.multi_reduction <add>, %reduce_sum3A_775, %reduce_sum3A_776 [1, 2] : vector<1x1x2560xf32> to vector<1xf32>
    %reduce_sum3A_778 = vector.shape_cast %reduce_sum3A_777 : vector<1xf32> to vector<1x1x1xf32>
    %reduce_sum3A_779 = vector.extract %reduce_sum3A_778[0, 0, 0] : f32 from vector<1x1x1xf32>
    %add3A_780 = arith.addf %add3A_761, %reduce_sum3A_779 : f32
    %get3A_781 = arith.constant 4 : index
    %get3A_782 = arith.constant 10240 : index
    %get3A_783 = vector.load %arg1[%get3A_781, %get3A_782] : memref<8x20480xf32, #tpu.memory_space<vmem>>, vector<1x2560xf32>
    %max3A_784 = arith.constant 0.000000e+00 : f32
    %max3A_785 = vector.broadcast %max3A_784 : f32 to vector<1x2560xf32>
    %max3A_786 = arith.maximumf %get3A_783, %max3A_785 : vector<1x2560xf32>
    %abs3A_787 = math.absf %get3A_783 : vector<1x2560xf32>
    %neg3A_788 = arith.constant 0.000000e+00 : f32
    %neg3A_789 = vector.broadcast %neg3A_788 : f32 to vector<1x2560xf32>
    %neg3A_790 = arith.subf %neg3A_789, %abs3A_787 : vector<1x2560xf32>
    %exp3A_791 = math.exp %neg3A_790 : vector<1x2560xf32>
    %log1p3A_792 = math.log1p %exp3A_791 : vector<1x2560xf32>
    %add3A_793 = arith.addf %max3A_786, %log1p3A_792 : vector<1x2560xf32>
    %reduce_sum3A_794 = vector.shape_cast %add3A_793 : vector<1x2560xf32> to vector<1x1x2560xf32>
    %reduce_sum3A_795 = arith.constant dense<0.000000e+00> : vector<1xf32>
    %reduce_sum3A_796 = vector.multi_reduction <add>, %reduce_sum3A_794, %reduce_sum3A_795 [1, 2] : vector<1x1x2560xf32> to vector<1xf32>
    %reduce_sum3A_797 = vector.shape_cast %reduce_sum3A_796 : vector<1xf32> to vector<1x1x1xf32>
    %reduce_sum3A_798 = vector.extract %reduce_sum3A_797[0, 0, 0] : f32 from vector<1x1x1xf32>
    %add3A_799 = arith.addf %add3A_780, %reduce_sum3A_798 : f32
    %get3A_800 = arith.constant 4 : index
    %get3A_801 = arith.constant 12800 : index
    %get3A_802 = vector.load %arg1[%get3A_800, %get3A_801] : memref<8x20480xf32, #tpu.memory_space<vmem>>, vector<1x2560xf32>
    %max3A_803 = arith.constant 0.000000e+00 : f32
    %max3A_804 = vector.broadcast %max3A_803 : f32 to vector<1x2560xf32>
    %max3A_805 = arith.maximumf %get3A_802, %max3A_804 : vector<1x2560xf32>
    %abs3A_806 = math.absf %get3A_802 : vector<1x2560xf32>
    %neg3A_807 = arith.constant 0.000000e+00 : f32
    %neg3A_808 = vector.broadcast %neg3A_807 : f32 to vector<1x2560xf32>
    %neg3A_809 = arith.subf %neg3A_808, %abs3A_806 : vector<1x2560xf32>
    %exp3A_810 = math.exp %neg3A_809 : vector<1x2560xf32>
    %log1p3A_811 = math.log1p %exp3A_810 : vector<1x2560xf32>
    %add3A_812 = arith.addf %max3A_805, %log1p3A_811 : vector<1x2560xf32>
    %reduce_sum3A_813 = vector.shape_cast %add3A_812 : vector<1x2560xf32> to vector<1x1x2560xf32>
    %reduce_sum3A_814 = arith.constant dense<0.000000e+00> : vector<1xf32>
    %reduce_sum3A_815 = vector.multi_reduction <add>, %reduce_sum3A_813, %reduce_sum3A_814 [1, 2] : vector<1x1x2560xf32> to vector<1xf32>
    %reduce_sum3A_816 = vector.shape_cast %reduce_sum3A_815 : vector<1xf32> to vector<1x1x1xf32>
    %reduce_sum3A_817 = vector.extract %reduce_sum3A_816[0, 0, 0] : f32 from vector<1x1x1xf32>
    %add3A_818 = arith.addf %add3A_799, %reduce_sum3A_817 : f32
    %get3A_819 = arith.constant 4 : index
    %get3A_820 = arith.constant 15360 : index
    %get3A_821 = vector.load %arg1[%get3A_819, %get3A_820] : memref<8x20480xf32, #tpu.memory_space<vmem>>, vector<1x2560xf32>
    %max3A_822 = arith.constant 0.000000e+00 : f32
    %max3A_823 = vector.broadcast %max3A_822 : f32 to vector<1x2560xf32>
    %max3A_824 = arith.maximumf %get3A_821, %max3A_823 : vector<1x2560xf32>
    %abs3A_825 = math.absf %get3A_821 : vector<1x2560xf32>
    %neg3A_826 = arith.constant 0.000000e+00 : f32
    %neg3A_827 = vector.broadcast %neg3A_826 : f32 to vector<1x2560xf32>
    %neg3A_828 = arith.subf %neg3A_827, %abs3A_825 : vector<1x2560xf32>
    %exp3A_829 = math.exp %neg3A_828 : vector<1x2560xf32>
    %log1p3A_830 = math.log1p %exp3A_829 : vector<1x2560xf32>
    %add3A_831 = arith.addf %max3A_824, %log1p3A_830 : vector<1x2560xf32>
    %reduce_sum3A_832 = vector.shape_cast %add3A_831 : vector<1x2560xf32> to vector<1x1x2560xf32>
    %reduce_sum3A_833 = arith.constant dense<0.000000e+00> : vector<1xf32>
    %reduce_sum3A_834 = vector.multi_reduction <add>, %reduce_sum3A_832, %reduce_sum3A_833 [1, 2] : vector<1x1x2560xf32> to vector<1xf32>
    %reduce_sum3A_835 = vector.shape_cast %reduce_sum3A_834 : vector<1xf32> to vector<1x1x1xf32>
    %reduce_sum3A_836 = vector.extract %reduce_sum3A_835[0, 0, 0] : f32 from vector<1x1x1xf32>
    %add3A_837 = arith.addf %add3A_818, %reduce_sum3A_836 : f32
    %get3A_838 = arith.constant 4 : index
    %get3A_839 = arith.constant 17920 : index
    %get3A_840 = vector.load %arg1[%get3A_838, %get3A_839] : memref<8x20480xf32, #tpu.memory_space<vmem>>, vector<1x2560xf32>
    %max3A_841 = arith.constant 0.000000e+00 : f32
    %max3A_842 = vector.broadcast %max3A_841 : f32 to vector<1x2560xf32>
    %max3A_843 = arith.maximumf %get3A_840, %max3A_842 : vector<1x2560xf32>
    %abs3A_844 = math.absf %get3A_840 : vector<1x2560xf32>
    %neg3A_845 = arith.constant 0.000000e+00 : f32
    %neg3A_846 = vector.broadcast %neg3A_845 : f32 to vector<1x2560xf32>
    %neg3A_847 = arith.subf %neg3A_846, %abs3A_844 : vector<1x2560xf32>
    %exp3A_848 = math.exp %neg3A_847 : vector<1x2560xf32>
    %log1p3A_849 = math.log1p %exp3A_848 : vector<1x2560xf32>
    %add3A_850 = arith.addf %max3A_843, %log1p3A_849 : vector<1x2560xf32>
    %reduce_sum3A_851 = vector.shape_cast %add3A_850 : vector<1x2560xf32> to vector<1x1x2560xf32>
    %reduce_sum3A_852 = arith.constant dense<0.000000e+00> : vector<1xf32>
    %reduce_sum3A_853 = vector.multi_reduction <add>, %reduce_sum3A_851, %reduce_sum3A_852 [1, 2] : vector<1x1x2560xf32> to vector<1xf32>
    %reduce_sum3A_854 = vector.shape_cast %reduce_sum3A_853 : vector<1xf32> to vector<1x1x1xf32>
    %reduce_sum3A_855 = vector.extract %reduce_sum3A_854[0, 0, 0] : f32 from vector<1x1x1xf32>
    %add3A_856 = arith.addf %add3A_837, %reduce_sum3A_855 : f32
    %get3A_857 = arith.constant 4 : index
    %get3A_858 = arith.constant 0 : index
    %get3A_859 = memref.load %arg0[%get3A_857, %get3A_858] : memref<8x3xf32, #tpu.memory_space<smem>>
    %get3A_860 = arith.constant 4 : index
    %get3A_861 = arith.constant 1 : index
    %get3A_862 = memref.load %arg0[%get3A_860, %get3A_861] : memref<8x3xf32, #tpu.memory_space<smem>>
    %mul3A_863 = arith.constant 5.000000e-01 : f32
    %mul3A_864 = arith.mulf %get3A_862, %mul3A_863 : f32
    %get3A_865 = arith.constant 4 : index
    %get3A_866 = arith.constant 2 : index
    %get3A_867 = memref.load %arg0[%get3A_865, %get3A_866] : memref<8x3xf32, #tpu.memory_space<smem>>
    %sub3A_868 = arith.subf %add3A_856, %get3A_867 : f32
    %max3A_869 = arith.constant 1.000000e+00 : f32
    %max3A_870 = arith.maximumf %get3A_859, %max3A_869 : f32
    %div3A_871 = arith.divf %sub3A_868, %max3A_870 : f32
    %add3A_872 = arith.addf %add3A_693, %div3A_871 : f32
    %gt3A_873 = arith.constant 0.000000e+00 : f32
    %gt3A_874 = arith.cmpf ogt, %get3A_859, %gt3A_873 : f32
    %mul3A_875 = arith.constant 4.000000e+00 : f32
    %mul3A_876 = arith.mulf %get3A_859, %mul3A_875 : f32
    %max3A_877 = arith.constant 1.000000e+00 : f32
    %max3A_878 = arith.maximumf %mul3A_876, %max3A_877 : f32
    %div3A_879 = arith.divf %mul3A_864, %max3A_878 : f32
    %jit3A_880 = arith.constant 0.000000e+00 : f32
    %select_n3A_881 = arith.select %gt3A_874, %div3A_879, %jit3A_880 : f32
    %add3A_882 = arith.addf %add3A_703, %select_n3A_881 : f32
    %get3A_883 = arith.constant 5 : index
    %get3A_884 = arith.constant 0 : index
    %get3A_885 = vector.load %arg1[%get3A_883, %get3A_884] : memref<8x20480xf32, #tpu.memory_space<vmem>>, vector<1x2560xf32>
    %max3A_886 = arith.constant 0.000000e+00 : f32
    %max3A_887 = vector.broadcast %max3A_886 : f32 to vector<1x2560xf32>
    %max3A_888 = arith.maximumf %get3A_885, %max3A_887 : vector<1x2560xf32>
    %abs3A_889 = math.absf %get3A_885 : vector<1x2560xf32>
    %neg3A_890 = arith.constant 0.000000e+00 : f32
    %neg3A_891 = vector.broadcast %neg3A_890 : f32 to vector<1x2560xf32>
    %neg3A_892 = arith.subf %neg3A_891, %abs3A_889 : vector<1x2560xf32>
    %exp3A_893 = math.exp %neg3A_892 : vector<1x2560xf32>
    %log1p3A_894 = math.log1p %exp3A_893 : vector<1x2560xf32>
    %add3A_895 = arith.addf %max3A_888, %log1p3A_894 : vector<1x2560xf32>
    %reduce_sum3A_896 = vector.shape_cast %add3A_895 : vector<1x2560xf32> to vector<1x1x2560xf32>
    %reduce_sum3A_897 = arith.constant dense<0.000000e+00> : vector<1xf32>
    %reduce_sum3A_898 = vector.multi_reduction <add>, %reduce_sum3A_896, %reduce_sum3A_897 [1, 2] : vector<1x1x2560xf32> to vector<1xf32>
    %reduce_sum3A_899 = vector.shape_cast %reduce_sum3A_898 : vector<1xf32> to vector<1x1x1xf32>
    %reduce_sum3A_900 = vector.extract %reduce_sum3A_899[0, 0, 0] : f32 from vector<1x1x1xf32>
    %add3A_901 = arith.constant 0.000000e+00 : f32
    %add3A_902 = arith.addf %add3A_901, %reduce_sum3A_900 : f32
    %get3A_903 = arith.constant 5 : index
    %get3A_904 = arith.constant 2560 : index
    %get3A_905 = vector.load %arg1[%get3A_903, %get3A_904] : memref<8x20480xf32, #tpu.memory_space<vmem>>, vector<1x2560xf32>
    %max3A_906 = arith.constant 0.000000e+00 : f32
    %max3A_907 = vector.broadcast %max3A_906 : f32 to vector<1x2560xf32>
    %max3A_908 = arith.maximumf %get3A_905, %max3A_907 : vector<1x2560xf32>
    %abs3A_909 = math.absf %get3A_905 : vector<1x2560xf32>
    %neg3A_910 = arith.constant 0.000000e+00 : f32
    %neg3A_911 = vector.broadcast %neg3A_910 : f32 to vector<1x2560xf32>
    %neg3A_912 = arith.subf %neg3A_911, %abs3A_909 : vector<1x2560xf32>
    %exp3A_913 = math.exp %neg3A_912 : vector<1x2560xf32>
    %log1p3A_914 = math.log1p %exp3A_913 : vector<1x2560xf32>
    %add3A_915 = arith.addf %max3A_908, %log1p3A_914 : vector<1x2560xf32>
    %reduce_sum3A_916 = vector.shape_cast %add3A_915 : vector<1x2560xf32> to vector<1x1x2560xf32>
    %reduce_sum3A_917 = arith.constant dense<0.000000e+00> : vector<1xf32>
    %reduce_sum3A_918 = vector.multi_reduction <add>, %reduce_sum3A_916, %reduce_sum3A_917 [1, 2] : vector<1x1x2560xf32> to vector<1xf32>
    %reduce_sum3A_919 = vector.shape_cast %reduce_sum3A_918 : vector<1xf32> to vector<1x1x1xf32>
    %reduce_sum3A_920 = vector.extract %reduce_sum3A_919[0, 0, 0] : f32 from vector<1x1x1xf32>
    %add3A_921 = arith.addf %add3A_902, %reduce_sum3A_920 : f32
    %get3A_922 = arith.constant 5 : index
    %get3A_923 = arith.constant 5120 : index
    %get3A_924 = vector.load %arg1[%get3A_922, %get3A_923] : memref<8x20480xf32, #tpu.memory_space<vmem>>, vector<1x2560xf32>
    %max3A_925 = arith.constant 0.000000e+00 : f32
    %max3A_926 = vector.broadcast %max3A_925 : f32 to vector<1x2560xf32>
    %max3A_927 = arith.maximumf %get3A_924, %max3A_926 : vector<1x2560xf32>
    %abs3A_928 = math.absf %get3A_924 : vector<1x2560xf32>
    %neg3A_929 = arith.constant 0.000000e+00 : f32
    %neg3A_930 = vector.broadcast %neg3A_929 : f32 to vector<1x2560xf32>
    %neg3A_931 = arith.subf %neg3A_930, %abs3A_928 : vector<1x2560xf32>
    %exp3A_932 = math.exp %neg3A_931 : vector<1x2560xf32>
    %log1p3A_933 = math.log1p %exp3A_932 : vector<1x2560xf32>
    %add3A_934 = arith.addf %max3A_927, %log1p3A_933 : vector<1x2560xf32>
    %reduce_sum3A_935 = vector.shape_cast %add3A_934 : vector<1x2560xf32> to vector<1x1x2560xf32>
    %reduce_sum3A_936 = arith.constant dense<0.000000e+00> : vector<1xf32>
    %reduce_sum3A_937 = vector.multi_reduction <add>, %reduce_sum3A_935, %reduce_sum3A_936 [1, 2] : vector<1x1x2560xf32> to vector<1xf32>
    %reduce_sum3A_938 = vector.shape_cast %reduce_sum3A_937 : vector<1xf32> to vector<1x1x1xf32>
    %reduce_sum3A_939 = vector.extract %reduce_sum3A_938[0, 0, 0] : f32 from vector<1x1x1xf32>
    %add3A_940 = arith.addf %add3A_921, %reduce_sum3A_939 : f32
    %get3A_941 = arith.constant 5 : index
    %get3A_942 = arith.constant 7680 : index
    %get3A_943 = vector.load %arg1[%get3A_941, %get3A_942] : memref<8x20480xf32, #tpu.memory_space<vmem>>, vector<1x2560xf32>
    %max3A_944 = arith.constant 0.000000e+00 : f32
    %max3A_945 = vector.broadcast %max3A_944 : f32 to vector<1x2560xf32>
    %max3A_946 = arith.maximumf %get3A_943, %max3A_945 : vector<1x2560xf32>
    %abs3A_947 = math.absf %get3A_943 : vector<1x2560xf32>
    %neg3A_948 = arith.constant 0.000000e+00 : f32
    %neg3A_949 = vector.broadcast %neg3A_948 : f32 to vector<1x2560xf32>
    %neg3A_950 = arith.subf %neg3A_949, %abs3A_947 : vector<1x2560xf32>
    %exp3A_951 = math.exp %neg3A_950 : vector<1x2560xf32>
    %log1p3A_952 = math.log1p %exp3A_951 : vector<1x2560xf32>
    %add3A_953 = arith.addf %max3A_946, %log1p3A_952 : vector<1x2560xf32>
    %reduce_sum3A_954 = vector.shape_cast %add3A_953 : vector<1x2560xf32> to vector<1x1x2560xf32>
    %reduce_sum3A_955 = arith.constant dense<0.000000e+00> : vector<1xf32>
    %reduce_sum3A_956 = vector.multi_reduction <add>, %reduce_sum3A_954, %reduce_sum3A_955 [1, 2] : vector<1x1x2560xf32> to vector<1xf32>
    %reduce_sum3A_957 = vector.shape_cast %reduce_sum3A_956 : vector<1xf32> to vector<1x1x1xf32>
    %reduce_sum3A_958 = vector.extract %reduce_sum3A_957[0, 0, 0] : f32 from vector<1x1x1xf32>
    %add3A_959 = arith.addf %add3A_940, %reduce_sum3A_958 : f32
    %get3A_960 = arith.constant 5 : index
    %get3A_961 = arith.constant 10240 : index
    %get3A_962 = vector.load %arg1[%get3A_960, %get3A_961] : memref<8x20480xf32, #tpu.memory_space<vmem>>, vector<1x2560xf32>
    %max3A_963 = arith.constant 0.000000e+00 : f32
    %max3A_964 = vector.broadcast %max3A_963 : f32 to vector<1x2560xf32>
    %max3A_965 = arith.maximumf %get3A_962, %max3A_964 : vector<1x2560xf32>
    %abs3A_966 = math.absf %get3A_962 : vector<1x2560xf32>
    %neg3A_967 = arith.constant 0.000000e+00 : f32
    %neg3A_968 = vector.broadcast %neg3A_967 : f32 to vector<1x2560xf32>
    %neg3A_969 = arith.subf %neg3A_968, %abs3A_966 : vector<1x2560xf32>
    %exp3A_970 = math.exp %neg3A_969 : vector<1x2560xf32>
    %log1p3A_971 = math.log1p %exp3A_970 : vector<1x2560xf32>
    %add3A_972 = arith.addf %max3A_965, %log1p3A_971 : vector<1x2560xf32>
    %reduce_sum3A_973 = vector.shape_cast %add3A_972 : vector<1x2560xf32> to vector<1x1x2560xf32>
    %reduce_sum3A_974 = arith.constant dense<0.000000e+00> : vector<1xf32>
    %reduce_sum3A_975 = vector.multi_reduction <add>, %reduce_sum3A_973, %reduce_sum3A_974 [1, 2] : vector<1x1x2560xf32> to vector<1xf32>
    %reduce_sum3A_976 = vector.shape_cast %reduce_sum3A_975 : vector<1xf32> to vector<1x1x1xf32>
    %reduce_sum3A_977 = vector.extract %reduce_sum3A_976[0, 0, 0] : f32 from vector<1x1x1xf32>
    %add3A_978 = arith.addf %add3A_959, %reduce_sum3A_977 : f32
    %get3A_979 = arith.constant 5 : index
    %get3A_980 = arith.constant 12800 : index
    %get3A_981 = vector.load %arg1[%get3A_979, %get3A_980] : memref<8x20480xf32, #tpu.memory_space<vmem>>, vector<1x2560xf32>
    %max3A_982 = arith.constant 0.000000e+00 : f32
    %max3A_983 = vector.broadcast %max3A_982 : f32 to vector<1x2560xf32>
    %max3A_984 = arith.maximumf %get3A_981, %max3A_983 : vector<1x2560xf32>
    %abs3A_985 = math.absf %get3A_981 : vector<1x2560xf32>
    %neg3A_986 = arith.constant 0.000000e+00 : f32
    %neg3A_987 = vector.broadcast %neg3A_986 : f32 to vector<1x2560xf32>
    %neg3A_988 = arith.subf %neg3A_987, %abs3A_985 : vector<1x2560xf32>
    %exp3A_989 = math.exp %neg3A_988 : vector<1x2560xf32>
    %log1p3A_990 = math.log1p %exp3A_989 : vector<1x2560xf32>
    %add3A_991 = arith.addf %max3A_984, %log1p3A_990 : vector<1x2560xf32>
    %reduce_sum3A_992 = vector.shape_cast %add3A_991 : vector<1x2560xf32> to vector<1x1x2560xf32>
    %reduce_sum3A_993 = arith.constant dense<0.000000e+00> : vector<1xf32>
    %reduce_sum3A_994 = vector.multi_reduction <add>, %reduce_sum3A_992, %reduce_sum3A_993 [1, 2] : vector<1x1x2560xf32> to vector<1xf32>
    %reduce_sum3A_995 = vector.shape_cast %reduce_sum3A_994 : vector<1xf32> to vector<1x1x1xf32>
    %reduce_sum3A_996 = vector.extract %reduce_sum3A_995[0, 0, 0] : f32 from vector<1x1x1xf32>
    %add3A_997 = arith.addf %add3A_978, %reduce_sum3A_996 : f32
    %get3A_998 = arith.constant 5 : index
    %get3A_999 = arith.constant 15360 : index
    %get3A_1000 = vector.load %arg1[%get3A_998, %get3A_999] : memref<8x20480xf32, #tpu.memory_space<vmem>>, vector<1x2560xf32>
    %max3A_1001 = arith.constant 0.000000e+00 : f32
    %max3A_1002 = vector.broadcast %max3A_1001 : f32 to vector<1x2560xf32>
    %max3A_1003 = arith.maximumf %get3A_1000, %max3A_1002 : vector<1x2560xf32>
    %abs3A_1004 = math.absf %get3A_1000 : vector<1x2560xf32>
    %neg3A_1005 = arith.constant 0.000000e+00 : f32
    %neg3A_1006 = vector.broadcast %neg3A_1005 : f32 to vector<1x2560xf32>
    %neg3A_1007 = arith.subf %neg3A_1006, %abs3A_1004 : vector<1x2560xf32>
    %exp3A_1008 = math.exp %neg3A_1007 : vector<1x2560xf32>
    %log1p3A_1009 = math.log1p %exp3A_1008 : vector<1x2560xf32>
    %add3A_1010 = arith.addf %max3A_1003, %log1p3A_1009 : vector<1x2560xf32>
    %reduce_sum3A_1011 = vector.shape_cast %add3A_1010 : vector<1x2560xf32> to vector<1x1x2560xf32>
    %reduce_sum3A_1012 = arith.constant dense<0.000000e+00> : vector<1xf32>
    %reduce_sum3A_1013 = vector.multi_reduction <add>, %reduce_sum3A_1011, %reduce_sum3A_1012 [1, 2] : vector<1x1x2560xf32> to vector<1xf32>
    %reduce_sum3A_1014 = vector.shape_cast %reduce_sum3A_1013 : vector<1xf32> to vector<1x1x1xf32>
    %reduce_sum3A_1015 = vector.extract %reduce_sum3A_1014[0, 0, 0] : f32 from vector<1x1x1xf32>
    %add3A_1016 = arith.addf %add3A_997, %reduce_sum3A_1015 : f32
    %get3A_1017 = arith.constant 5 : index
    %get3A_1018 = arith.constant 17920 : index
    %get3A_1019 = vector.load %arg1[%get3A_1017, %get3A_1018] : memref<8x20480xf32, #tpu.memory_space<vmem>>, vector<1x2560xf32>
    %max3A_1020 = arith.constant 0.000000e+00 : f32
    %max3A_1021 = vector.broadcast %max3A_1020 : f32 to vector<1x2560xf32>
    %max3A_1022 = arith.maximumf %get3A_1019, %max3A_1021 : vector<1x2560xf32>
    %abs3A_1023 = math.absf %get3A_1019 : vector<1x2560xf32>
    %neg3A_1024 = arith.constant 0.000000e+00 : f32
    %neg3A_1025 = vector.broadcast %neg3A_1024 : f32 to vector<1x2560xf32>
    %neg3A_1026 = arith.subf %neg3A_1025, %abs3A_1023 : vector<1x2560xf32>
    %exp3A_1027 = math.exp %neg3A_1026 : vector<1x2560xf32>
    %log1p3A_1028 = math.log1p %exp3A_1027 : vector<1x2560xf32>
    %add3A_1029 = arith.addf %max3A_1022, %log1p3A_1028 : vector<1x2560xf32>
    %reduce_sum3A_1030 = vector.shape_cast %add3A_1029 : vector<1x2560xf32> to vector<1x1x2560xf32>
    %reduce_sum3A_1031 = arith.constant dense<0.000000e+00> : vector<1xf32>
    %reduce_sum3A_1032 = vector.multi_reduction <add>, %reduce_sum3A_1030, %reduce_sum3A_1031 [1, 2] : vector<1x1x2560xf32> to vector<1xf32>
    %reduce_sum3A_1033 = vector.shape_cast %reduce_sum3A_1032 : vector<1xf32> to vector<1x1x1xf32>
    %reduce_sum3A_1034 = vector.extract %reduce_sum3A_1033[0, 0, 0] : f32 from vector<1x1x1xf32>
    %add3A_1035 = arith.addf %add3A_1016, %reduce_sum3A_1034 : f32
    %get3A_1036 = arith.constant 5 : index
    %get3A_1037 = arith.constant 0 : index
    %get3A_1038 = memref.load %arg0[%get3A_1036, %get3A_1037] : memref<8x3xf32, #tpu.memory_space<smem>>
    %get3A_1039 = arith.constant 5 : index
    %get3A_1040 = arith.constant 1 : index
    %get3A_1041 = memref.load %arg0[%get3A_1039, %get3A_1040] : memref<8x3xf32, #tpu.memory_space<smem>>
    %mul3A_1042 = arith.constant 5.000000e-01 : f32
    %mul3A_1043 = arith.mulf %get3A_1041, %mul3A_1042 : f32
    %get3A_1044 = arith.constant 5 : index
    %get3A_1045 = arith.constant 2 : index
    %get3A_1046 = memref.load %arg0[%get3A_1044, %get3A_1045] : memref<8x3xf32, #tpu.memory_space<smem>>
    %sub3A_1047 = arith.subf %add3A_1035, %get3A_1046 : f32
    %max3A_1048 = arith.constant 1.000000e+00 : f32
    %max3A_1049 = arith.maximumf %get3A_1038, %max3A_1048 : f32
    %div3A_1050 = arith.divf %sub3A_1047, %max3A_1049 : f32
    %add3A_1051 = arith.addf %add3A_872, %div3A_1050 : f32
    %gt3A_1052 = arith.constant 0.000000e+00 : f32
    %gt3A_1053 = arith.cmpf ogt, %get3A_1038, %gt3A_1052 : f32
    %mul3A_1054 = arith.constant 4.000000e+00 : f32
    %mul3A_1055 = arith.mulf %get3A_1038, %mul3A_1054 : f32
    %max3A_1056 = arith.constant 1.000000e+00 : f32
    %max3A_1057 = arith.maximumf %mul3A_1055, %max3A_1056 : f32
    %div3A_1058 = arith.divf %mul3A_1043, %max3A_1057 : f32
    %jit3A_1059 = arith.constant 0.000000e+00 : f32
    %select_n3A_1060 = arith.select %gt3A_1053, %div3A_1058, %jit3A_1059 : f32
    %add3A_1061 = arith.addf %add3A_882, %select_n3A_1060 : f32
    %get3A_1062 = arith.constant 6 : index
    %get3A_1063 = arith.constant 0 : index
    %get3A_1064 = vector.load %arg1[%get3A_1062, %get3A_1063] : memref<8x20480xf32, #tpu.memory_space<vmem>>, vector<1x2560xf32>
    %max3A_1065 = arith.constant 0.000000e+00 : f32
    %max3A_1066 = vector.broadcast %max3A_1065 : f32 to vector<1x2560xf32>
    %max3A_1067 = arith.maximumf %get3A_1064, %max3A_1066 : vector<1x2560xf32>
    %abs3A_1068 = math.absf %get3A_1064 : vector<1x2560xf32>
    %neg3A_1069 = arith.constant 0.000000e+00 : f32
    %neg3A_1070 = vector.broadcast %neg3A_1069 : f32 to vector<1x2560xf32>
    %neg3A_1071 = arith.subf %neg3A_1070, %abs3A_1068 : vector<1x2560xf32>
    %exp3A_1072 = math.exp %neg3A_1071 : vector<1x2560xf32>
    %log1p3A_1073 = math.log1p %exp3A_1072 : vector<1x2560xf32>
    %add3A_1074 = arith.addf %max3A_1067, %log1p3A_1073 : vector<1x2560xf32>
    %reduce_sum3A_1075 = vector.shape_cast %add3A_1074 : vector<1x2560xf32> to vector<1x1x2560xf32>
    %reduce_sum3A_1076 = arith.constant dense<0.000000e+00> : vector<1xf32>
    %reduce_sum3A_1077 = vector.multi_reduction <add>, %reduce_sum3A_1075, %reduce_sum3A_1076 [1, 2] : vector<1x1x2560xf32> to vector<1xf32>
    %reduce_sum3A_1078 = vector.shape_cast %reduce_sum3A_1077 : vector<1xf32> to vector<1x1x1xf32>
    %reduce_sum3A_1079 = vector.extract %reduce_sum3A_1078[0, 0, 0] : f32 from vector<1x1x1xf32>
    %add3A_1080 = arith.constant 0.000000e+00 : f32
    %add3A_1081 = arith.addf %add3A_1080, %reduce_sum3A_1079 : f32
    %get3A_1082 = arith.constant 6 : index
    %get3A_1083 = arith.constant 2560 : index
    %get3A_1084 = vector.load %arg1[%get3A_1082, %get3A_1083] : memref<8x20480xf32, #tpu.memory_space<vmem>>, vector<1x2560xf32>
    %max3A_1085 = arith.constant 0.000000e+00 : f32
    %max3A_1086 = vector.broadcast %max3A_1085 : f32 to vector<1x2560xf32>
    %max3A_1087 = arith.maximumf %get3A_1084, %max3A_1086 : vector<1x2560xf32>
    %abs3A_1088 = math.absf %get3A_1084 : vector<1x2560xf32>
    %neg3A_1089 = arith.constant 0.000000e+00 : f32
    %neg3A_1090 = vector.broadcast %neg3A_1089 : f32 to vector<1x2560xf32>
    %neg3A_1091 = arith.subf %neg3A_1090, %abs3A_1088 : vector<1x2560xf32>
    %exp3A_1092 = math.exp %neg3A_1091 : vector<1x2560xf32>
    %log1p3A_1093 = math.log1p %exp3A_1092 : vector<1x2560xf32>
    %add3A_1094 = arith.addf %max3A_1087, %log1p3A_1093 : vector<1x2560xf32>
    %reduce_sum3A_1095 = vector.shape_cast %add3A_1094 : vector<1x2560xf32> to vector<1x1x2560xf32>
    %reduce_sum3A_1096 = arith.constant dense<0.000000e+00> : vector<1xf32>
    %reduce_sum3A_1097 = vector.multi_reduction <add>, %reduce_sum3A_1095, %reduce_sum3A_1096 [1, 2] : vector<1x1x2560xf32> to vector<1xf32>
    %reduce_sum3A_1098 = vector.shape_cast %reduce_sum3A_1097 : vector<1xf32> to vector<1x1x1xf32>
    %reduce_sum3A_1099 = vector.extract %reduce_sum3A_1098[0, 0, 0] : f32 from vector<1x1x1xf32>
    %add3A_1100 = arith.addf %add3A_1081, %reduce_sum3A_1099 : f32
    %get3A_1101 = arith.constant 6 : index
    %get3A_1102 = arith.constant 5120 : index
    %get3A_1103 = vector.load %arg1[%get3A_1101, %get3A_1102] : memref<8x20480xf32, #tpu.memory_space<vmem>>, vector<1x2560xf32>
    %max3A_1104 = arith.constant 0.000000e+00 : f32
    %max3A_1105 = vector.broadcast %max3A_1104 : f32 to vector<1x2560xf32>
    %max3A_1106 = arith.maximumf %get3A_1103, %max3A_1105 : vector<1x2560xf32>
    %abs3A_1107 = math.absf %get3A_1103 : vector<1x2560xf32>
    %neg3A_1108 = arith.constant 0.000000e+00 : f32
    %neg3A_1109 = vector.broadcast %neg3A_1108 : f32 to vector<1x2560xf32>
    %neg3A_1110 = arith.subf %neg3A_1109, %abs3A_1107 : vector<1x2560xf32>
    %exp3A_1111 = math.exp %neg3A_1110 : vector<1x2560xf32>
    %log1p3A_1112 = math.log1p %exp3A_1111 : vector<1x2560xf32>
    %add3A_1113 = arith.addf %max3A_1106, %log1p3A_1112 : vector<1x2560xf32>
    %reduce_sum3A_1114 = vector.shape_cast %add3A_1113 : vector<1x2560xf32> to vector<1x1x2560xf32>
    %reduce_sum3A_1115 = arith.constant dense<0.000000e+00> : vector<1xf32>
    %reduce_sum3A_1116 = vector.multi_reduction <add>, %reduce_sum3A_1114, %reduce_sum3A_1115 [1, 2] : vector<1x1x2560xf32> to vector<1xf32>
    %reduce_sum3A_1117 = vector.shape_cast %reduce_sum3A_1116 : vector<1xf32> to vector<1x1x1xf32>
    %reduce_sum3A_1118 = vector.extract %reduce_sum3A_1117[0, 0, 0] : f32 from vector<1x1x1xf32>
    %add3A_1119 = arith.addf %add3A_1100, %reduce_sum3A_1118 : f32
    %get3A_1120 = arith.constant 6 : index
    %get3A_1121 = arith.constant 7680 : index
    %get3A_1122 = vector.load %arg1[%get3A_1120, %get3A_1121] : memref<8x20480xf32, #tpu.memory_space<vmem>>, vector<1x2560xf32>
    %max3A_1123 = arith.constant 0.000000e+00 : f32
    %max3A_1124 = vector.broadcast %max3A_1123 : f32 to vector<1x2560xf32>
    %max3A_1125 = arith.maximumf %get3A_1122, %max3A_1124 : vector<1x2560xf32>
    %abs3A_1126 = math.absf %get3A_1122 : vector<1x2560xf32>
    %neg3A_1127 = arith.constant 0.000000e+00 : f32
    %neg3A_1128 = vector.broadcast %neg3A_1127 : f32 to vector<1x2560xf32>
    %neg3A_1129 = arith.subf %neg3A_1128, %abs3A_1126 : vector<1x2560xf32>
    %exp3A_1130 = math.exp %neg3A_1129 : vector<1x2560xf32>
    %log1p3A_1131 = math.log1p %exp3A_1130 : vector<1x2560xf32>
    %add3A_1132 = arith.addf %max3A_1125, %log1p3A_1131 : vector<1x2560xf32>
    %reduce_sum3A_1133 = vector.shape_cast %add3A_1132 : vector<1x2560xf32> to vector<1x1x2560xf32>
    %reduce_sum3A_1134 = arith.constant dense<0.000000e+00> : vector<1xf32>
    %reduce_sum3A_1135 = vector.multi_reduction <add>, %reduce_sum3A_1133, %reduce_sum3A_1134 [1, 2] : vector<1x1x2560xf32> to vector<1xf32>
    %reduce_sum3A_1136 = vector.shape_cast %reduce_sum3A_1135 : vector<1xf32> to vector<1x1x1xf32>
    %reduce_sum3A_1137 = vector.extract %reduce_sum3A_1136[0, 0, 0] : f32 from vector<1x1x1xf32>
    %add3A_1138 = arith.addf %add3A_1119, %reduce_sum3A_1137 : f32
    %get3A_1139 = arith.constant 6 : index
    %get3A_1140 = arith.constant 10240 : index
    %get3A_1141 = vector.load %arg1[%get3A_1139, %get3A_1140] : memref<8x20480xf32, #tpu.memory_space<vmem>>, vector<1x2560xf32>
    %max3A_1142 = arith.constant 0.000000e+00 : f32
    %max3A_1143 = vector.broadcast %max3A_1142 : f32 to vector<1x2560xf32>
    %max3A_1144 = arith.maximumf %get3A_1141, %max3A_1143 : vector<1x2560xf32>
    %abs3A_1145 = math.absf %get3A_1141 : vector<1x2560xf32>
    %neg3A_1146 = arith.constant 0.000000e+00 : f32
    %neg3A_1147 = vector.broadcast %neg3A_1146 : f32 to vector<1x2560xf32>
    %neg3A_1148 = arith.subf %neg3A_1147, %abs3A_1145 : vector<1x2560xf32>
    %exp3A_1149 = math.exp %neg3A_1148 : vector<1x2560xf32>
    %log1p3A_1150 = math.log1p %exp3A_1149 : vector<1x2560xf32>
    %add3A_1151 = arith.addf %max3A_1144, %log1p3A_1150 : vector<1x2560xf32>
    %reduce_sum3A_1152 = vector.shape_cast %add3A_1151 : vector<1x2560xf32> to vector<1x1x2560xf32>
    %reduce_sum3A_1153 = arith.constant dense<0.000000e+00> : vector<1xf32>
    %reduce_sum3A_1154 = vector.multi_reduction <add>, %reduce_sum3A_1152, %reduce_sum3A_1153 [1, 2] : vector<1x1x2560xf32> to vector<1xf32>
    %reduce_sum3A_1155 = vector.shape_cast %reduce_sum3A_1154 : vector<1xf32> to vector<1x1x1xf32>
    %reduce_sum3A_1156 = vector.extract %reduce_sum3A_1155[0, 0, 0] : f32 from vector<1x1x1xf32>
    %add3A_1157 = arith.addf %add3A_1138, %reduce_sum3A_1156 : f32
    %get3A_1158 = arith.constant 6 : index
    %get3A_1159 = arith.constant 12800 : index
    %get3A_1160 = vector.load %arg1[%get3A_1158, %get3A_1159] : memref<8x20480xf32, #tpu.memory_space<vmem>>, vector<1x2560xf32>
    %max3A_1161 = arith.constant 0.000000e+00 : f32
    %max3A_1162 = vector.broadcast %max3A_1161 : f32 to vector<1x2560xf32>
    %max3A_1163 = arith.maximumf %get3A_1160, %max3A_1162 : vector<1x2560xf32>
    %abs3A_1164 = math.absf %get3A_1160 : vector<1x2560xf32>
    %neg3A_1165 = arith.constant 0.000000e+00 : f32
    %neg3A_1166 = vector.broadcast %neg3A_1165 : f32 to vector<1x2560xf32>
    %neg3A_1167 = arith.subf %neg3A_1166, %abs3A_1164 : vector<1x2560xf32>
    %exp3A_1168 = math.exp %neg3A_1167 : vector<1x2560xf32>
    %log1p3A_1169 = math.log1p %exp3A_1168 : vector<1x2560xf32>
    %add3A_1170 = arith.addf %max3A_1163, %log1p3A_1169 : vector<1x2560xf32>
    %reduce_sum3A_1171 = vector.shape_cast %add3A_1170 : vector<1x2560xf32> to vector<1x1x2560xf32>
    %reduce_sum3A_1172 = arith.constant dense<0.000000e+00> : vector<1xf32>
    %reduce_sum3A_1173 = vector.multi_reduction <add>, %reduce_sum3A_1171, %reduce_sum3A_1172 [1, 2] : vector<1x1x2560xf32> to vector<1xf32>
    %reduce_sum3A_1174 = vector.shape_cast %reduce_sum3A_1173 : vector<1xf32> to vector<1x1x1xf32>
    %reduce_sum3A_1175 = vector.extract %reduce_sum3A_1174[0, 0, 0] : f32 from vector<1x1x1xf32>
    %add3A_1176 = arith.addf %add3A_1157, %reduce_sum3A_1175 : f32
    %get3A_1177 = arith.constant 6 : index
    %get3A_1178 = arith.constant 15360 : index
    %get3A_1179 = vector.load %arg1[%get3A_1177, %get3A_1178] : memref<8x20480xf32, #tpu.memory_space<vmem>>, vector<1x2560xf32>
    %max3A_1180 = arith.constant 0.000000e+00 : f32
    %max3A_1181 = vector.broadcast %max3A_1180 : f32 to vector<1x2560xf32>
    %max3A_1182 = arith.maximumf %get3A_1179, %max3A_1181 : vector<1x2560xf32>
    %abs3A_1183 = math.absf %get3A_1179 : vector<1x2560xf32>
    %neg3A_1184 = arith.constant 0.000000e+00 : f32
    %neg3A_1185 = vector.broadcast %neg3A_1184 : f32 to vector<1x2560xf32>
    %neg3A_1186 = arith.subf %neg3A_1185, %abs3A_1183 : vector<1x2560xf32>
    %exp3A_1187 = math.exp %neg3A_1186 : vector<1x2560xf32>
    %log1p3A_1188 = math.log1p %exp3A_1187 : vector<1x2560xf32>
    %add3A_1189 = arith.addf %max3A_1182, %log1p3A_1188 : vector<1x2560xf32>
    %reduce_sum3A_1190 = vector.shape_cast %add3A_1189 : vector<1x2560xf32> to vector<1x1x2560xf32>
    %reduce_sum3A_1191 = arith.constant dense<0.000000e+00> : vector<1xf32>
    %reduce_sum3A_1192 = vector.multi_reduction <add>, %reduce_sum3A_1190, %reduce_sum3A_1191 [1, 2] : vector<1x1x2560xf32> to vector<1xf32>
    %reduce_sum3A_1193 = vector.shape_cast %reduce_sum3A_1192 : vector<1xf32> to vector<1x1x1xf32>
    %reduce_sum3A_1194 = vector.extract %reduce_sum3A_1193[0, 0, 0] : f32 from vector<1x1x1xf32>
    %add3A_1195 = arith.addf %add3A_1176, %reduce_sum3A_1194 : f32
    %get3A_1196 = arith.constant 6 : index
    %get3A_1197 = arith.constant 17920 : index
    %get3A_1198 = vector.load %arg1[%get3A_1196, %get3A_1197] : memref<8x20480xf32, #tpu.memory_space<vmem>>, vector<1x2560xf32>
    %max3A_1199 = arith.constant 0.000000e+00 : f32
    %max3A_1200 = vector.broadcast %max3A_1199 : f32 to vector<1x2560xf32>
    %max3A_1201 = arith.maximumf %get3A_1198, %max3A_1200 : vector<1x2560xf32>
    %abs3A_1202 = math.absf %get3A_1198 : vector<1x2560xf32>
    %neg3A_1203 = arith.constant 0.000000e+00 : f32
    %neg3A_1204 = vector.broadcast %neg3A_1203 : f32 to vector<1x2560xf32>
    %neg3A_1205 = arith.subf %neg3A_1204, %abs3A_1202 : vector<1x2560xf32>
    %exp3A_1206 = math.exp %neg3A_1205 : vector<1x2560xf32>
    %log1p3A_1207 = math.log1p %exp3A_1206 : vector<1x2560xf32>
    %add3A_1208 = arith.addf %max3A_1201, %log1p3A_1207 : vector<1x2560xf32>
    %reduce_sum3A_1209 = vector.shape_cast %add3A_1208 : vector<1x2560xf32> to vector<1x1x2560xf32>
    %reduce_sum3A_1210 = arith.constant dense<0.000000e+00> : vector<1xf32>
    %reduce_sum3A_1211 = vector.multi_reduction <add>, %reduce_sum3A_1209, %reduce_sum3A_1210 [1, 2] : vector<1x1x2560xf32> to vector<1xf32>
    %reduce_sum3A_1212 = vector.shape_cast %reduce_sum3A_1211 : vector<1xf32> to vector<1x1x1xf32>
    %reduce_sum3A_1213 = vector.extract %reduce_sum3A_1212[0, 0, 0] : f32 from vector<1x1x1xf32>
    %add3A_1214 = arith.addf %add3A_1195, %reduce_sum3A_1213 : f32
    %get3A_1215 = arith.constant 6 : index
    %get3A_1216 = arith.constant 0 : index
    %get3A_1217 = memref.load %arg0[%get3A_1215, %get3A_1216] : memref<8x3xf32, #tpu.memory_space<smem>>
    %get3A_1218 = arith.constant 6 : index
    %get3A_1219 = arith.constant 1 : index
    %get3A_1220 = memref.load %arg0[%get3A_1218, %get3A_1219] : memref<8x3xf32, #tpu.memory_space<smem>>
    %mul3A_1221 = arith.constant 5.000000e-01 : f32
    %mul3A_1222 = arith.mulf %get3A_1220, %mul3A_1221 : f32
    %get3A_1223 = arith.constant 6 : index
    %get3A_1224 = arith.constant 2 : index
    %get3A_1225 = memref.load %arg0[%get3A_1223, %get3A_1224] : memref<8x3xf32, #tpu.memory_space<smem>>
    %sub3A_1226 = arith.subf %add3A_1214, %get3A_1225 : f32
    %max3A_1227 = arith.constant 1.000000e+00 : f32
    %max3A_1228 = arith.maximumf %get3A_1217, %max3A_1227 : f32
    %div3A_1229 = arith.divf %sub3A_1226, %max3A_1228 : f32
    %add3A_1230 = arith.addf %add3A_1051, %div3A_1229 : f32
    %gt3A_1231 = arith.constant 0.000000e+00 : f32
    %gt3A_1232 = arith.cmpf ogt, %get3A_1217, %gt3A_1231 : f32
    %mul3A_1233 = arith.constant 4.000000e+00 : f32
    %mul3A_1234 = arith.mulf %get3A_1217, %mul3A_1233 : f32
    %max3A_1235 = arith.constant 1.000000e+00 : f32
    %max3A_1236 = arith.maximumf %mul3A_1234, %max3A_1235 : f32
    %div3A_1237 = arith.divf %mul3A_1222, %max3A_1236 : f32
    %jit3A_1238 = arith.constant 0.000000e+00 : f32
    %select_n3A_1239 = arith.select %gt3A_1232, %div3A_1237, %jit3A_1238 : f32
    %add3A_1240 = arith.addf %add3A_1061, %select_n3A_1239 : f32
    %get3A_1241 = arith.constant 7 : index
    %get3A_1242 = arith.constant 0 : index
    %get3A_1243 = vector.load %arg1[%get3A_1241, %get3A_1242] : memref<8x20480xf32, #tpu.memory_space<vmem>>, vector<1x2560xf32>
    %max3A_1244 = arith.constant 0.000000e+00 : f32
    %max3A_1245 = vector.broadcast %max3A_1244 : f32 to vector<1x2560xf32>
    %max3A_1246 = arith.maximumf %get3A_1243, %max3A_1245 : vector<1x2560xf32>
    %abs3A_1247 = math.absf %get3A_1243 : vector<1x2560xf32>
    %neg3A_1248 = arith.constant 0.000000e+00 : f32
    %neg3A_1249 = vector.broadcast %neg3A_1248 : f32 to vector<1x2560xf32>
    %neg3A_1250 = arith.subf %neg3A_1249, %abs3A_1247 : vector<1x2560xf32>
    %exp3A_1251 = math.exp %neg3A_1250 : vector<1x2560xf32>
    %log1p3A_1252 = math.log1p %exp3A_1251 : vector<1x2560xf32>
    %add3A_1253 = arith.addf %max3A_1246, %log1p3A_1252 : vector<1x2560xf32>
    %reduce_sum3A_1254 = vector.shape_cast %add3A_1253 : vector<1x2560xf32> to vector<1x1x2560xf32>
    %reduce_sum3A_1255 = arith.constant dense<0.000000e+00> : vector<1xf32>
    %reduce_sum3A_1256 = vector.multi_reduction <add>, %reduce_sum3A_1254, %reduce_sum3A_1255 [1, 2] : vector<1x1x2560xf32> to vector<1xf32>
    %reduce_sum3A_1257 = vector.shape_cast %reduce_sum3A_1256 : vector<1xf32> to vector<1x1x1xf32>
    %reduce_sum3A_1258 = vector.extract %reduce_sum3A_1257[0, 0, 0] : f32 from vector<1x1x1xf32>
    %add3A_1259 = arith.constant 0.000000e+00 : f32
    %add3A_1260 = arith.addf %add3A_1259, %reduce_sum3A_1258 : f32
    %get3A_1261 = arith.constant 7 : index
    %get3A_1262 = arith.constant 2560 : index
    %get3A_1263 = vector.load %arg1[%get3A_1261, %get3A_1262] : memref<8x20480xf32, #tpu.memory_space<vmem>>, vector<1x2560xf32>
    %max3A_1264 = arith.constant 0.000000e+00 : f32
    %max3A_1265 = vector.broadcast %max3A_1264 : f32 to vector<1x2560xf32>
    %max3A_1266 = arith.maximumf %get3A_1263, %max3A_1265 : vector<1x2560xf32>
    %abs3A_1267 = math.absf %get3A_1263 : vector<1x2560xf32>
    %neg3A_1268 = arith.constant 0.000000e+00 : f32
    %neg3A_1269 = vector.broadcast %neg3A_1268 : f32 to vector<1x2560xf32>
    %neg3A_1270 = arith.subf %neg3A_1269, %abs3A_1267 : vector<1x2560xf32>
    %exp3A_1271 = math.exp %neg3A_1270 : vector<1x2560xf32>
    %log1p3A_1272 = math.log1p %exp3A_1271 : vector<1x2560xf32>
    %add3A_1273 = arith.addf %max3A_1266, %log1p3A_1272 : vector<1x2560xf32>
    %reduce_sum3A_1274 = vector.shape_cast %add3A_1273 : vector<1x2560xf32> to vector<1x1x2560xf32>
    %reduce_sum3A_1275 = arith.constant dense<0.000000e+00> : vector<1xf32>
    %reduce_sum3A_1276 = vector.multi_reduction <add>, %reduce_sum3A_1274, %reduce_sum3A_1275 [1, 2] : vector<1x1x2560xf32> to vector<1xf32>
    %reduce_sum3A_1277 = vector.shape_cast %reduce_sum3A_1276 : vector<1xf32> to vector<1x1x1xf32>
    %reduce_sum3A_1278 = vector.extract %reduce_sum3A_1277[0, 0, 0] : f32 from vector<1x1x1xf32>
    %add3A_1279 = arith.addf %add3A_1260, %reduce_sum3A_1278 : f32
    %get3A_1280 = arith.constant 7 : index
    %get3A_1281 = arith.constant 5120 : index
    %get3A_1282 = vector.load %arg1[%get3A_1280, %get3A_1281] : memref<8x20480xf32, #tpu.memory_space<vmem>>, vector<1x2560xf32>
    %max3A_1283 = arith.constant 0.000000e+00 : f32
    %max3A_1284 = vector.broadcast %max3A_1283 : f32 to vector<1x2560xf32>
    %max3A_1285 = arith.maximumf %get3A_1282, %max3A_1284 : vector<1x2560xf32>
    %abs3A_1286 = math.absf %get3A_1282 : vector<1x2560xf32>
    %neg3A_1287 = arith.constant 0.000000e+00 : f32
    %neg3A_1288 = vector.broadcast %neg3A_1287 : f32 to vector<1x2560xf32>
    %neg3A_1289 = arith.subf %neg3A_1288, %abs3A_1286 : vector<1x2560xf32>
    %exp3A_1290 = math.exp %neg3A_1289 : vector<1x2560xf32>
    %log1p3A_1291 = math.log1p %exp3A_1290 : vector<1x2560xf32>
    %add3A_1292 = arith.addf %max3A_1285, %log1p3A_1291 : vector<1x2560xf32>
    %reduce_sum3A_1293 = vector.shape_cast %add3A_1292 : vector<1x2560xf32> to vector<1x1x2560xf32>
    %reduce_sum3A_1294 = arith.constant dense<0.000000e+00> : vector<1xf32>
    %reduce_sum3A_1295 = vector.multi_reduction <add>, %reduce_sum3A_1293, %reduce_sum3A_1294 [1, 2] : vector<1x1x2560xf32> to vector<1xf32>
    %reduce_sum3A_1296 = vector.shape_cast %reduce_sum3A_1295 : vector<1xf32> to vector<1x1x1xf32>
    %reduce_sum3A_1297 = vector.extract %reduce_sum3A_1296[0, 0, 0] : f32 from vector<1x1x1xf32>
    %add3A_1298 = arith.addf %add3A_1279, %reduce_sum3A_1297 : f32
    %get3A_1299 = arith.constant 7 : index
    %get3A_1300 = arith.constant 7680 : index
    %get3A_1301 = vector.load %arg1[%get3A_1299, %get3A_1300] : memref<8x20480xf32, #tpu.memory_space<vmem>>, vector<1x2560xf32>
    %max3A_1302 = arith.constant 0.000000e+00 : f32
    %max3A_1303 = vector.broadcast %max3A_1302 : f32 to vector<1x2560xf32>
    %max3A_1304 = arith.maximumf %get3A_1301, %max3A_1303 : vector<1x2560xf32>
    %abs3A_1305 = math.absf %get3A_1301 : vector<1x2560xf32>
    %neg3A_1306 = arith.constant 0.000000e+00 : f32
    %neg3A_1307 = vector.broadcast %neg3A_1306 : f32 to vector<1x2560xf32>
    %neg3A_1308 = arith.subf %neg3A_1307, %abs3A_1305 : vector<1x2560xf32>
    %exp3A_1309 = math.exp %neg3A_1308 : vector<1x2560xf32>
    %log1p3A_1310 = math.log1p %exp3A_1309 : vector<1x2560xf32>
    %add3A_1311 = arith.addf %max3A_1304, %log1p3A_1310 : vector<1x2560xf32>
    %reduce_sum3A_1312 = vector.shape_cast %add3A_1311 : vector<1x2560xf32> to vector<1x1x2560xf32>
    %reduce_sum3A_1313 = arith.constant dense<0.000000e+00> : vector<1xf32>
    %reduce_sum3A_1314 = vector.multi_reduction <add>, %reduce_sum3A_1312, %reduce_sum3A_1313 [1, 2] : vector<1x1x2560xf32> to vector<1xf32>
    %reduce_sum3A_1315 = vector.shape_cast %reduce_sum3A_1314 : vector<1xf32> to vector<1x1x1xf32>
    %reduce_sum3A_1316 = vector.extract %reduce_sum3A_1315[0, 0, 0] : f32 from vector<1x1x1xf32>
    %add3A_1317 = arith.addf %add3A_1298, %reduce_sum3A_1316 : f32
    %get3A_1318 = arith.constant 7 : index
    %get3A_1319 = arith.constant 10240 : index
    %get3A_1320 = vector.load %arg1[%get3A_1318, %get3A_1319] : memref<8x20480xf32, #tpu.memory_space<vmem>>, vector<1x2560xf32>
    %max3A_1321 = arith.constant 0.000000e+00 : f32
    %max3A_1322 = vector.broadcast %max3A_1321 : f32 to vector<1x2560xf32>
    %max3A_1323 = arith.maximumf %get3A_1320, %max3A_1322 : vector<1x2560xf32>
    %abs3A_1324 = math.absf %get3A_1320 : vector<1x2560xf32>
    %neg3A_1325 = arith.constant 0.000000e+00 : f32
    %neg3A_1326 = vector.broadcast %neg3A_1325 : f32 to vector<1x2560xf32>
    %neg3A_1327 = arith.subf %neg3A_1326, %abs3A_1324 : vector<1x2560xf32>
    %exp3A_1328 = math.exp %neg3A_1327 : vector<1x2560xf32>
    %log1p3A_1329 = math.log1p %exp3A_1328 : vector<1x2560xf32>
    %add3A_1330 = arith.addf %max3A_1323, %log1p3A_1329 : vector<1x2560xf32>
    %reduce_sum3A_1331 = vector.shape_cast %add3A_1330 : vector<1x2560xf32> to vector<1x1x2560xf32>
    %reduce_sum3A_1332 = arith.constant dense<0.000000e+00> : vector<1xf32>
    %reduce_sum3A_1333 = vector.multi_reduction <add>, %reduce_sum3A_1331, %reduce_sum3A_1332 [1, 2] : vector<1x1x2560xf32> to vector<1xf32>
    %reduce_sum3A_1334 = vector.shape_cast %reduce_sum3A_1333 : vector<1xf32> to vector<1x1x1xf32>
    %reduce_sum3A_1335 = vector.extract %reduce_sum3A_1334[0, 0, 0] : f32 from vector<1x1x1xf32>
    %add3A_1336 = arith.addf %add3A_1317, %reduce_sum3A_1335 : f32
    %get3A_1337 = arith.constant 7 : index
    %get3A_1338 = arith.constant 12800 : index
    %get3A_1339 = vector.load %arg1[%get3A_1337, %get3A_1338] : memref<8x20480xf32, #tpu.memory_space<vmem>>, vector<1x2560xf32>
    %max3A_1340 = arith.constant 0.000000e+00 : f32
    %max3A_1341 = vector.broadcast %max3A_1340 : f32 to vector<1x2560xf32>
    %max3A_1342 = arith.maximumf %get3A_1339, %max3A_1341 : vector<1x2560xf32>
    %abs3A_1343 = math.absf %get3A_1339 : vector<1x2560xf32>
    %neg3A_1344 = arith.constant 0.000000e+00 : f32
    %neg3A_1345 = vector.broadcast %neg3A_1344 : f32 to vector<1x2560xf32>
    %neg3A_1346 = arith.subf %neg3A_1345, %abs3A_1343 : vector<1x2560xf32>
    %exp3A_1347 = math.exp %neg3A_1346 : vector<1x2560xf32>
    %log1p3A_1348 = math.log1p %exp3A_1347 : vector<1x2560xf32>
    %add3A_1349 = arith.addf %max3A_1342, %log1p3A_1348 : vector<1x2560xf32>
    %reduce_sum3A_1350 = vector.shape_cast %add3A_1349 : vector<1x2560xf32> to vector<1x1x2560xf32>
    %reduce_sum3A_1351 = arith.constant dense<0.000000e+00> : vector<1xf32>
    %reduce_sum3A_1352 = vector.multi_reduction <add>, %reduce_sum3A_1350, %reduce_sum3A_1351 [1, 2] : vector<1x1x2560xf32> to vector<1xf32>
    %reduce_sum3A_1353 = vector.shape_cast %reduce_sum3A_1352 : vector<1xf32> to vector<1x1x1xf32>
    %reduce_sum3A_1354 = vector.extract %reduce_sum3A_1353[0, 0, 0] : f32 from vector<1x1x1xf32>
    %add3A_1355 = arith.addf %add3A_1336, %reduce_sum3A_1354 : f32
    %get3A_1356 = arith.constant 7 : index
    %get3A_1357 = arith.constant 15360 : index
    %get3A_1358 = vector.load %arg1[%get3A_1356, %get3A_1357] : memref<8x20480xf32, #tpu.memory_space<vmem>>, vector<1x2560xf32>
    %max3A_1359 = arith.constant 0.000000e+00 : f32
    %max3A_1360 = vector.broadcast %max3A_1359 : f32 to vector<1x2560xf32>
    %max3A_1361 = arith.maximumf %get3A_1358, %max3A_1360 : vector<1x2560xf32>
    %abs3A_1362 = math.absf %get3A_1358 : vector<1x2560xf32>
    %neg3A_1363 = arith.constant 0.000000e+00 : f32
    %neg3A_1364 = vector.broadcast %neg3A_1363 : f32 to vector<1x2560xf32>
    %neg3A_1365 = arith.subf %neg3A_1364, %abs3A_1362 : vector<1x2560xf32>
    %exp3A_1366 = math.exp %neg3A_1365 : vector<1x2560xf32>
    %log1p3A_1367 = math.log1p %exp3A_1366 : vector<1x2560xf32>
    %add3A_1368 = arith.addf %max3A_1361, %log1p3A_1367 : vector<1x2560xf32>
    %reduce_sum3A_1369 = vector.shape_cast %add3A_1368 : vector<1x2560xf32> to vector<1x1x2560xf32>
    %reduce_sum3A_1370 = arith.constant dense<0.000000e+00> : vector<1xf32>
    %reduce_sum3A_1371 = vector.multi_reduction <add>, %reduce_sum3A_1369, %reduce_sum3A_1370 [1, 2] : vector<1x1x2560xf32> to vector<1xf32>
    %reduce_sum3A_1372 = vector.shape_cast %reduce_sum3A_1371 : vector<1xf32> to vector<1x1x1xf32>
    %reduce_sum3A_1373 = vector.extract %reduce_sum3A_1372[0, 0, 0] : f32 from vector<1x1x1xf32>
    %add3A_1374 = arith.addf %add3A_1355, %reduce_sum3A_1373 : f32
    %get3A_1375 = arith.constant 7 : index
    %get3A_1376 = arith.constant 17920 : index
    %get3A_1377 = vector.load %arg1[%get3A_1375, %get3A_1376] : memref<8x20480xf32, #tpu.memory_space<vmem>>, vector<1x2560xf32>
    %max3A_1378 = arith.constant 0.000000e+00 : f32
    %max3A_1379 = vector.broadcast %max3A_1378 : f32 to vector<1x2560xf32>
    %max3A_1380 = arith.maximumf %get3A_1377, %max3A_1379 : vector<1x2560xf32>
    %abs3A_1381 = math.absf %get3A_1377 : vector<1x2560xf32>
    %neg3A_1382 = arith.constant 0.000000e+00 : f32
    %neg3A_1383 = vector.broadcast %neg3A_1382 : f32 to vector<1x2560xf32>
    %neg3A_1384 = arith.subf %neg3A_1383, %abs3A_1381 : vector<1x2560xf32>
    %exp3A_1385 = math.exp %neg3A_1384 : vector<1x2560xf32>
    %log1p3A_1386 = math.log1p %exp3A_1385 : vector<1x2560xf32>
    %add3A_1387 = arith.addf %max3A_1380, %log1p3A_1386 : vector<1x2560xf32>
    %reduce_sum3A_1388 = vector.shape_cast %add3A_1387 : vector<1x2560xf32> to vector<1x1x2560xf32>
    %reduce_sum3A_1389 = arith.constant dense<0.000000e+00> : vector<1xf32>
    %reduce_sum3A_1390 = vector.multi_reduction <add>, %reduce_sum3A_1388, %reduce_sum3A_1389 [1, 2] : vector<1x1x2560xf32> to vector<1xf32>
    %reduce_sum3A_1391 = vector.shape_cast %reduce_sum3A_1390 : vector<1xf32> to vector<1x1x1xf32>
    %reduce_sum3A_1392 = vector.extract %reduce_sum3A_1391[0, 0, 0] : f32 from vector<1x1x1xf32>
    %add3A_1393 = arith.addf %add3A_1374, %reduce_sum3A_1392 : f32
    %get3A_1394 = arith.constant 7 : index
    %get3A_1395 = arith.constant 0 : index
    %get3A_1396 = memref.load %arg0[%get3A_1394, %get3A_1395] : memref<8x3xf32, #tpu.memory_space<smem>>
    %get3A_1397 = arith.constant 7 : index
    %get3A_1398 = arith.constant 1 : index
    %get3A_1399 = memref.load %arg0[%get3A_1397, %get3A_1398] : memref<8x3xf32, #tpu.memory_space<smem>>
    %mul3A_1400 = arith.constant 5.000000e-01 : f32
    %mul3A_1401 = arith.mulf %get3A_1399, %mul3A_1400 : f32
    %get3A_1402 = arith.constant 7 : index
    %get3A_1403 = arith.constant 2 : index
    %get3A_1404 = memref.load %arg0[%get3A_1402, %get3A_1403] : memref<8x3xf32, #tpu.memory_space<smem>>
    %sub3A_1405 = arith.subf %add3A_1393, %get3A_1404 : f32
    %max3A_1406 = arith.constant 1.000000e+00 : f32
    %max3A_1407 = arith.maximumf %get3A_1396, %max3A_1406 : f32
    %div3A_1408 = arith.divf %sub3A_1405, %max3A_1407 : f32
    %add3A_1409 = arith.addf %add3A_1230, %div3A_1408 : f32
    %gt3A_1410 = arith.constant 0.000000e+00 : f32
    %gt3A_1411 = arith.cmpf ogt, %get3A_1396, %gt3A_1410 : f32
    %mul3A_1412 = arith.constant 4.000000e+00 : f32
    %mul3A_1413 = arith.mulf %get3A_1396, %mul3A_1412 : f32
    %max3A_1414 = arith.constant 1.000000e+00 : f32
    %max3A_1415 = arith.maximumf %mul3A_1413, %max3A_1414 : f32
    %div3A_1416 = arith.divf %mul3A_1401, %max3A_1415 : f32
    %jit3A_1417 = arith.constant 0.000000e+00 : f32
    %select_n3A_1418 = arith.select %gt3A_1411, %div3A_1416, %jit3A_1417 : f32
    %add3A_1419 = arith.addf %add3A_1240, %select_n3A_1418 : f32
    %div3A_1420 = arith.constant 1.000000e+00 : f32
    %div3A_1421 = arith.constant 8.000000e+00 : f32
    %div3A_1422 = arith.divf %div3A_1420, %div3A_1421 : f32
    %mul3A_1423 = arith.mulf %add3A_1409, %div3A_1422 : f32
    %mul3A_1424 = arith.mulf %add3A_1419, %div3A_1422 : f32
    %add3A_1425 = arith.addf %mul3A_1423, %mul3A_1424 : f32
    %swap3A = arith.constant 0 : index
    %swap3A_1426 = memref.load %arg2[%swap3A] : memref<1xf32, #tpu.memory_space<smem>>
    memref.store %add3A_1425, %arg2[%swap3A] : memref<1xf32, #tpu.memory_space<smem>>
    %swap3A_1427 = arith.constant 0 : index
    %swap3A_1428 = memref.load %arg3[%swap3A_1427] : memref<1xf32, #tpu.memory_space<smem>>
    memref.store %mul3A_1423, %arg3[%swap3A_1427] : memref<1xf32, #tpu.memory_space<smem>>
    %swap3A_1429 = arith.constant 0 : index
    %swap3A_1430 = memref.load %arg4[%swap3A_1429] : memref<1xf32, #tpu.memory_space<smem>>
    memref.store %mul3A_1424, %arg4[%swap3A_1429] : memref<1xf32, #tpu.memory_space<smem>>
    return
  }
}

</mosaic_0001>

<sc_bundles>
// kernel: kernel.4.cloned.1.call-start
scs
__scs_entry_jumppad:
0x0: {  	(pc) =	sbr.rel $0x88, $3  }
0x1: {  	(tag) =	ssettag $0x0;
	lr =	simm.s32 $0x1  }
0x2: {  	[smem:$0x3F9C] =	sst lr;
	_ =	strace $0xD0000000  }
0x3: {  	_ = 	snop  }
0x4: {  	_ = 	snop  }
0x5: {  	_ = 	snop  }
0x6: {  	_ = 	snop  }
0x7: {  	_ = 	snop  }
__scs_overlays_trampoline_lowered:
0x8: {  	[smem:$0x3FAB] =	sst s0  }
0x9: {  	[smem:$0x3FAC] =	sst s1  }
0xa: {  	[smem:$0x3FAD] =	sst s2  }
0xb: {  	[smem:$0x3FAE] =	sst s3  }
0xc: {  	[smem:$0x3FAF] =	sst s4  }
0xd: {  	[smem:$0x3FB0] =	sst s5  }
0xe: {  	[smem:$0x3FB1] =	sst s6  }
0xf: {  	[smem:$0x3FB2] =	sst s7  }
0x10: {  	[smem:$0x3FB3] =	sst s8  }
0x11: {  	[smem:$0x3FB4] =	sst s9;
	s0 =	simm.s32 @!p0 $0x0  }
0x12: {  	s1 =	sld [smem:$0x3F9A];
	s0 =	simm.s32 @p0 $0x1  }
0x13: {  	[smem:$0x3FB5] =	sst s0;
	s0 =	simm.s32 @!p1 $0x0  }
0x14: {  	s2 =	sld [smem:$0x3F99];
	s0 =	simm.s32 @p1 $0x1  }
0x15: {  	[smem:$0x3FB6] =	sst s0;
	s0 =	simm.s32 @!p2 $0x0  }
0x16: {  	s3 =	sld [smem:$0x3FDB];
	s0 =	simm.s32 @p2 $0x1  }
0x17: {  	s4 =	simm.s32 $0x1BF5;
	[smem:$0x3FB8] =	sst s0  }
0x18: {  	s0 =	sld [smem:$0x3F9B];
	_ =	swait.ge [sflag:s4], $0x0  }
0x19: {  	s7 =	sld [smem:$0x3F9C]  }
0x1a: {  	s8 =	sadd.s32 $0xFFFFE003, lr  }
0x1b: {  	s9 =	sadd.s32 $0xFFFFFEF7, lr;
	s5 =	simm.s32 $0xFFFFFFFF;
	p2 =	slt.u32 s8, $0xFFFFF086  }
0x1c: {  	p1 =	slt.u32 s9, $0xF7A;
	s5 =	simm.s32 @!p2 $0x0  }
0x1d: {  	s5 =	simm.s32 @p1 $0x1;
	p0 =	seq.s32 s7, s2  }
0x1e: {  	s7 =	smul.u32 @!p0 $0xF7A, s2;
	p2 =	seq.s32 @!p0 s5, $0x0  }
0x1f: {  	s9 =	smul.u32 $0xF7A, s1;
	s8 =	simm.s32 @!p0 $0x1BF5;
	p2 =	por !p2, p0  }
0x20: {  	[sflag:s8] =	ssyncset.s32 @!p0 $0xFFFFF086;
	s6 =	sadd.s32 @!p0 s3, s7;
	s7 =	simm.s32 @!p0 $0x108  }
0x21: {  	s3 =	sadd.s32 s3, s9;
	s6 =	sadd.s32 @!p0 $0x88, s6;
	s7 =	simm.s32 @p2 $0x1082  }
0x22: {  	[simem:s7], [sflag:s8] =	dma.local @!p0 [hbm:s6], $0xF7A  }
0x23: {  	s9 =	sor.u32 $0xD0000000, s2;
	s6 =	simm.s32 $0x108;
	_ =	swait.ge @!p0 [sflag:s8], $0x0  }
0x24: {  	s3 =	sadd.s32 $0x88, s3;
	s6 =	simm.s32 @!p1 $0x1082;
	[sflag:s4] =	ssyncset.s32 $0xFFFFF086  }
0x25: {  	[simem:s6], [sflag:s4] =	dma.local [hbm:s3], $0xF7A  }
0x26: {  	[smem:$0x3F9C] =	sst s1;
	(tag) =	ssettag s2;
	_ =	strace s9  }
0x27: {  	s1 =	sld [smem:$0x3FAC]  }
0x28: {  	s2 =	sld [smem:$0x3FAD]  }
0x29: {  	s4 =	sld [smem:$0x3FAF]  }
0x2a: {  	p0 =	seq.s32 s5, $0x0;
	s5 =	sld [smem:$0x3FB0]  }
0x2b: {  	s6 =	sld [smem:$0x3FB1]  }
0x2c: {  	s7 =	sld [smem:$0x3FB2]  }
0x2d: {  	s3 =	simm.s32 $0x108;
	s8 =	sld [smem:$0x3FB3]  }
0x2e: {  	s3 =	simm.s32 @!p0 $0x1082;
	s9 =	sld [smem:$0x3FB4]  }
0x2f: {  	lr =	sadd.s32 s0, s3;
	s0 =	sld [smem:$0x3FAB]  }
0x30: {  	s3 =	sld [smem:$0x3FAE]  }
0x31: {  	[smem:$0x3FB7] =	sst s10  }
0x32: {  	s10 =	sld [smem:$0x3FB5];
	_ =	sdelay $0x3  }
0x33: {  	p0 =	seq.s32 s10, $0x1;
	s10 =	sld [smem:$0x3FB7];
	_ =	sdelay $0x3  }
0x34: {  	[smem:$0x3FB7] =	sst s10  }
0x35: {  	s10 =	sld [smem:$0x3FB6];
	_ =	sdelay $0x3  }
0x36: {  	p1 =	seq.s32 s10, $0x1;
	s10 =	sld [smem:$0x3FB7];
	_ =	sdelay $0x3  }
0x37: {  	[smem:$0x3FB7] =	sst s10  }
0x38: {  	s10 =	sld [smem:$0x3FB8]  }
0x39: {  	_ = 	snop;
	(pc) =	sbr.ind lr, $3  }
0x3a: {  	_ = 	snop  }
0x3b: {  	_ = 	snop  }
0x3c: {  	p2 =	seq.s32 s10, $0x1;
	s10 =	sld [smem:$0x3FB7]  }
0x3d: {  	_ =	shalt  }
0x3e: {  	_ =	shalt  }
0x3f: {  	_ =	shalt  }
0x40: {  	_ =	shalt  }
0x41: {  	_ =	shalt  }
0x42: {  	_ =	shalt  }
0x43: {  	_ =	shalt  }
0x44: {  	_ =	shalt  }
0x45: {  	_ =	shalt  }
0x46: {  	_ =	shalt  }
0x47: {  	_ =	shalt  }
0x48: {  	_ =	shalt  }
0x49: {  	_ =	shalt  }
0x4a: {  	_ =	shalt  }
0x4b: {  	_ =	shalt  }
0x4c: {  	_ =	shalt  }
0x4d: {  	_ =	shalt  }
0x4e: {  	_ =	shalt  }
0x4f: {  	_ =	shalt  }
0x50: {  	_ =	shalt  }
0x51: {  	_ =	shalt  }
0x52: {  	_ =	shalt  }
0x53: {  	_ =	shalt  }
0x54: {  	_ =	shalt  }
0x55: {  	_ =	shalt  }
0x56: {  	_ =	shalt  }
0x57: {  	_ =	shalt  }
0x58: {  	_ =	shalt  }
0x59: {  	_ =	shalt  }
0x5a: {  	_ =	shalt  }
0x5b: {  	_ =	shalt  }
0x5c: {  	_ =	shalt  }
0x5d: {  	_ =	shalt  }
0x5e: {  	_ =	shalt  }
0x5f: {  	_ =	shalt  }
0x60: {  	_ =	shalt  }
0x61: {  	_ =	shalt  }
0x62: {  	_ =	shalt  }
0x63: {  	_ =	shalt  }
0x64: {  	_ =	shalt  }
0x65: {  	_ =	shalt  }
0x66: {  	_ =	shalt  }
0x67: {  	_ =	shalt  }
0x68: {  	_ =	shalt  }
0x69: {  	_ =	shalt  }
0x6a: {  	_ =	shalt  }
0x6b: {  	_ =	shalt  }
0x6c: {  	_ =	shalt  }
0x6d: {  	_ =	shalt  }
0x6e: {  	_ =	shalt  }
0x6f: {  	_ =	shalt  }
0x70: {  	_ =	shalt  }
0x71: {  	_ =	shalt  }
0x72: {  	_ =	shalt  }
0x73: {  	_ =	shalt  }
0x74: {  	_ =	shalt  }
0x75: {  	_ =	shalt  }
0x76: {  	_ =	shalt  }
0x77: {  	_ =	shalt  }
0x78: {  	_ =	shalt  }
0x79: {  	_ =	shalt  }
0x7a: {  	_ =	shalt  }
0x7b: {  	_ =	shalt  }
0x7c: {  	_ =	shalt  }
0x7d: {  	_ =	shalt  }
0x7e: {  	_ =	shalt  }
0x7f: {  	_ =	shalt  }
0x80: {  	_ =	shalt  }
0x81: {  	_ =	shalt  }
0x82: {  	_ =	shalt  }
0x83: {  	_ =	shalt  }
0x84: {  	_ =	shalt  }
0x85: {  	_ =	shalt  }
0x86: {  	_ =	shalt  }
0x87: {  	_ =	shalt  }
.Lfunc_end0:
.L_simem_size_0:
called_computation_lowered:
.L_overlay_start_0:
0x88: {  	s2 =	sld [smem:$0x3FD9]  }
0x89: {  	s3 =	sld [smem:$0x3FFE];
	_ =	sdelay $0x1  }
0x8a: {  	s1 =	srdreg.scid  }
0x8b: {  	s0 =	sand.u32 $0x1, s1  }
0x8c: {  	s16 =	sshll.u32 s0, $0xA;
	s2 =	sadd.s32 s3, s2  }
0x8d: {  	s2 =	sadd.s32 s2, s16  }
0x8e: {  	[smem:$0x3FC3] =	sst s2  }
0x8f: {  	_ = 	snop  }
0x90: {  	(tm) =	ssettm $0x1  }
0x91: {  	s17 =	sld [smem:$0x3FFB];
	_ =	sdelay $0x3  }
0x92: {  	_ =	strace s17  }
0x93: {  	s2 =	sld [smem:$0x3FFC];
	_ =	sdelay $0x3  }
0x94: {  	_ =	strace s2  }
0x95: {  	s2 =	sld [smem:$0x3FFD];
	_ =	sdelay $0x3  }
0x96: {  	_ =	strace s2  }
0x97: {  	_ =	strace $0x8FFFFFFF  }
0x98: {  	s18 =	sld [smem:$0x3FDB];
	_ =	sdelay $0x1  }
0x99: {  	s19 =	simm.s32 $_scs_section_size  }
0x9a: {  	s4 =	simm.s32 $_size__tile_overlayer_lowered;
	s5 =	simm.s32 $_tile_overlayer_lowered  }
0x9b: {  	s22 =	simm.s32 $0x1BFF;
	s21 =	sshll.u32 s5, $0x1;
	s2 =	sadd.s32 s19, s18  }
0x9c: {  	s6 =	simm.s32 $0x0;
	s20 =	sshll.u32 s4, $0x1;
	s4 =	sadd.s32 s21, s2  }
0x9d: {  	[timem:s6], [sflag:s22] =	dma.local [hbm:s4], s20  }
0x9e: {  	_ =	swait.ge [sflag:s22], s20  }
0x9f: {  	s3 =	ssub.s32 $0x0, s20;
	[sflag:s22] =	ssyncset.done $0x0  }
0xa0: {  	[sflag:s22] =	ssyncadd.s32 s3;
	_ =	sdelay $0x1  }
0xa1: {  	s23 =	simm.s32 $0x1B8B  }
0xa2: {  	_ =	swait.ge [sflag:s23], $0x1  }
0xa3: {  	[sflag:s23] =	ssyncset.done $0x0  }
0xa4: {  	s25 =	simm.s32 $0x1B8E;
	s24 =	sld [smem:$0x3FFE];
	[sflag:s23] =	ssyncadd.s32 $0xFFFFFFFF  }
0xa5: {  	s26 =	simm.s32 $execute0_lowered;
	[smem:$0x3FD2] =	sst s25  }
0xa6: {  	s4 =	sshll.u32 s26, $0x1;
	_ =	strace $0x80000046;
	[dreg:$0x1] =	wrdreg $0xFFFFFFFF  }
0xa7: {  	s28 =	simm.s32 $_size_execute0_lowered;
	s2 =	sadd.s32 s2, s4;
	[dreg:$0x0] =	wrdreg $0x0  }
0xa8: {  	s4 =	sshll.u32 s28, $0x1;
	[dreg:$0x2] =	wrdreg s2  }
0xa9: {  	[dreg:$0x3] =	wrdreg s4  }
0xaa: {  	[dreg:$0x4] =	wrdreg $0xC0  }
0xab: {  	_ =	task [dreg:s6], $0x5FFFF  }
0xac: {  	[dreg:$0x1] =	wrdreg $0xFFFFFFFF  }
0xad: {  	[dreg:$0x0] =	wrdreg $0x60  }
0xae: {  	[dreg:$0x2] =	wrdreg s24  }
0xaf: {  	[dreg:$0x3] =	wrdreg $0x9  }
0xb0: {  	_ =	task.clear_ibuf [dreg:s6], $0x4FFFF;
	_ =	strace $0x90000046  }
0xb1: {  	s29 =	simm.s32 $0x9;
	_ =	strace $0x80000048  }
0xb2: {  	_ =	swait.ge [sflag:s29], $0x1  }
0xb3: {  	[sflag:s29] =	ssyncadd.s32 $0xFFFFFFFF  }
0xb4: {  	_ =	strace $0x90000048  }
0xb5: {  	_ =	sfence  }
0xb6: {  	s30 =	sld [smem:$0x0];
	_ =	sdelay $0x2  }
0xb7: {  	s31 =	sshll.u32 s1, $0xD;
	s1 =	sshrl.u32 s1, $0x2  }
0xb8: {  	s3 =	sand.u32 $0x4000, s31;
	s1 =	sadd.s32 s1, s30  }
0xb9: {  	s0 =	sor.u32 s3, s0;
	s1 =	sshll.u32 s1, $0x11  }
0xba: {  	s0 =	sor.u32 s1, s0  }
0xbb: {  	s0 =	sadd.s32 $0x8F2B, s0  }
0xbc: {  	[sflag:s0] =	ssyncadd.remote.s32 $0x1  }
0xbd: {  	_ =	sfence.sel $0xFFFF  }
0xbe: {  	[dreg:$0x0] =	wrdreg $0xFFFFFFFF;
	(pc) =	sbr.abs _section_cstart, $3  }
0xbf: {  	[dreg:$0x1] =	wrdreg $0xFFFFFFFF  }
0xc0: {  	_ =	task.clear_ibuf [dreg:s6], $0x2FFFF;
	_ =	strace $0x9FFFFFFF  }
0xc1: {  	(tm) =	ssettm $0x7FFFFFFF  }
tec
execute0_lowered:
.L_overlay_start_1:
0x0: {  	(tag) =	ssettag $0x1  }
0x1: {  	s1 =	srdreg.scid  }
0x2: {  	s0 =	stileid.u32;
	s4 =	rddreg [dreg:$0x0];
	s9 =	simm.s32 $0x14000  }
0x3: {  	s10 =	simm.s32 $0x1;
	s11 =	simm.s32 $0x5A00;
	s12 =	simm.s32 $0x6E00  }
0x4: {  	s13 =	simm.s32 $0xAA00;
	s15 =	simm.s32 $0xAC00;
	s17 =	simm.s32 $0xAE00  }
0x5: {  	s19 =	simm.s32 $0xB000;
	s20 =	simm.s32 $0xB200;
	s21 =	simm.s32 $0xB400  }
0x6: {  	s22 =	simm.s32 $0xB600;
	s1 =	sand.u32 $0x1, s1;
	s2 =	sshll.u32 s0, $0x1  }
0x7: {  	s23 =	simm.s32 $0xB800;
	s24 =	simm.s32 $0x0;
	s3 =	sor.u32 s1, s2  }
0x8: {  	s2 =	simm.s32 $0x0;
	s1 =	ssub.s32 $0x2, s1;
	s5 =	smul.u32 $0x140, s3  }
0x9: {  	[smem:$0x7FF] =	sst s2;
	s6 =	smul.u32 $0x280, s3;
	s7 =	sshll.u32 s3, $0x9  }
0xa: {  	s8 =	sshrl.u32 s1, $0x1;
	s3 =	sadd.s32 $0x600, s4;
	_ =	strace $0x80000047  }
0xb: {  	s7 =	sadd.s32 s7, s4;
	s1 =	ssub.s32 s1, s8;
	s5 =	sadd.s32 s5, s4  }
0xc: {  	s8 =	simm.s32 $0xA00;
	s6 =	sadd.s32 s6, s4;
	s4 =	sadd.s32 $0x5E00, s5  }
0xd: {  	s5 =	sadd.s32 $0xE00, s6;
	s6 =	sadd.s32 $0x1C600, s7;
	s7 =	smax.u32 s1, $0x1  }
0xe: {  	s14 =	sadd.s32 $0x40, s6;
	s16 =	sadd.s32 $0x80, s6;
	s18 =	sadd.s32 $0xC0, s6  }
.LBB2_1:
0xf: {  	[tilespmem:s2], [sflag:$0x1] =	stream.strided.gather [hbm4b:s4+s8], $0x5A00, s9, s8, $0x38;
	[tilespmem:$0xBA00] =	vst v63  }
0x10: {  	_ =	swait.ge [sflag:s10], $0x5A00  }
0x11: {  	[sflag:s10] =	ssyncset.done $0x0  }
0x12: {  	[sflag:s10] =	ssyncadd.s32 $0xFFFFA600  }
0x13: {  	[tilespmem:s11], [sflag:$0x1] =	stream.linear.gather [hbm4b:s5+s2], $0x1400, $0x38;
	[tilespmem:$0xBA00] =	vst v63  }
0x14: {  	_ =	swait.ge [sflag:s10], $0x1400  }
0x15: {  	[sflag:s10] =	ssyncset.done $0x0  }
0x16: {  	[sflag:s10] =	ssyncadd.s32 $0xFFFFEC00  }
0x17: {  	[tilespmem:s12], [sflag:$0x1] =	stream.linear.gather [hbm4b:s3+s2], $0x3C00, $0x38;
	[tilespmem:$0xBA00] =	vst v63  }
0x18: {  	_ =	swait.ge [sflag:s10], $0x3C00  }
0x19: {  	[sflag:s10] =	ssyncset.done $0x0  }
0x1a: {  	s25 =	simm.s32 $0x0;
	[sflag:s10] =	ssyncadd.s32 $0xFFFFC400  }
.LBB2_2:
0x1b: {  	s26 =	sshll.u32 s25, $0x7  }
0x1c: {  	v52 =	vld [tilespmem:s26+$0x6E00]  }
0x1d: {  	v50 =	vld [tilespmem:s26+$0x6E60]  }
0x1e: {  	v51 =	vld [tilespmem:s26+$0x6E70]  }
0x1f: {  	v47 =	vld [tilespmem:s26+$0x7240]  }
0x20: {  	v49 =	vld [tilespmem:s26+$0x7250]  }
0x21: {  	v26 =	vld [tilespmem:s26+$0x7620]  }
0x22: {  	v45 =	vld [tilespmem:s26+$0x7630]  }
0x23: {  	v58 =	vld [tilespmem:s26+$0x7A00]  }
0x24: {  	v43 =	vld [tilespmem:s26+$0x7A10]  }
0x25: {  	v27 =	vld [tilespmem:s26+$0x7E50]  }
0x26: {  	v32 =	vld [tilespmem:s26+$0x8600]  }
0x27: {  	v31 =	vld [tilespmem:s26+$0x8610]  }
0x28: {  	v23 =	vld [tilespmem:s26+$0x8660]  }
0x29: {  	v24 =	vld [tilespmem:s26+$0x8A00]  }
0x2a: {  	v18 =	vld [tilespmem:s26+$0x8A40]  }
0x2b: {  	v33 =	vld [tilespmem:s26+$0x8A60]  }
0x2c: {  	v30 =	vld [tilespmem:s26+$0x8E20];
	[tilespmem:$0x1FE90] =	vst v26  }
0x2d: {  	v36 =	vld [tilespmem:s26+$0x8E40];
	[tilespmem:$0x1FE70] =	vst v43  }
0x2e: {  	v29 =	vld [tilespmem:s26+$0x9200];
	[tilespmem:$0x1FDF0] =	vst v27  }
0x2f: {  	v44 =	vld [tilespmem:s26+$0x9220];
	[tilespmem:$0x1FD50] =	vst v32  }
0x30: {  	v37 =	vld [tilespmem:s26+$0x9260];
	[tilespmem:$0x1FD70] =	vst v31  }
0x31: {  	v46 =	vld [tilespmem:s26+$0x9600];
	[tilespmem:$0x1FD20] =	vst v23  }
0x32: {  	v34 =	vld [tilespmem:s26+$0x9640];
	[tilespmem:$0x1FD10] =	vst v24  }
0x33: {  	v48 =	vld [tilespmem:s26+$0x9660];
	[tilespmem:$0x1FA30] =	vst v18  }
0x34: {  	v25 =	vld [tilespmem:s26+$0x9A20];
	[tilespmem:$0x1FA60] =	vst v33  }
0x35: {  	v53 =	vld [tilespmem:s26+$0x9A40];
	[tilespmem:$0x1FA70] =	vst v30  }
0x36: {  	v12 =	vld [tilespmem:s26+$0x9E60];
	[tilespmem:$0x1FAA0] =	vst v36  }
0x37: {  	v19 =	vld [tilespmem:s26+$0x9E70];
	[tilespmem:$0x1FAB0] =	vst v29  }
0x38: {  	v8 =	vld [tilespmem:s26+$0xA200];
	[tilespmem:$0x1FAE0] =	vst v44  }
0x39: {  	v4 =	vld [tilespmem:s26+$0xA240];
	[tilespmem:$0x1FAF0] =	vst v37  }
0x3a: {  	v11 =	vld [tilespmem:s26+$0xA250];
	[tilespmem:$0x1FB20] =	vst v46  }
0x3b: {  	v3 =	vld [tilespmem:s26+$0xA260];
	[tilespmem:$0x1FB30] =	vst v34  }
0x3c: {  	v1 =	vld [tilespmem:s26+$0xA620];
	[tilespmem:$0x1FB60] =	vst v48  }
0x3d: {  	v7 =	vld [tilespmem:s26+$0xA630];
	[tilespmem:$0x1FB70] =	vst v25  }
0x3e: {  	v0 =	vld [tilespmem:s26+$0xA640];
	[tilespmem:$0x1FBA0] =	vst v53  }
0x3f: {  	v2 =	vld [tilespmem:s26+$0xA650];
	[tilespmem:$0x1FBF0] =	vst v12  }
0x40: {  	s1 =	simm.s32 $0x0;
	s29 =	simm.s32 $0x0;
	v10 =	vld [tilespmem:s26+$0xA270];
	[tilespmem:$0x1FC00] =	vst v19  }
0x41: {  	s28 =	sand.u32 $0x70, s1;
	s1 =	sand.u32 $0xFFFFFE00, s29;
	v13 =	vld [tilespmem:s26+$0xA210];
	[tilespmem:$0x1FC20] =	vst v8  }
0x42: {  	v21 =	vld [tilespmem:s26+$0x9E20];
	s29 =	sor.u32 s28, s1;
	[tilespmem:$0x1FC30] =	vst v4  }
0x43: {  	v5 =	vld [tilespmem:s29+$0x0];
	[tilespmem:$0x1FC40] =	vst v11  }
0x44: {  	v9 =	vld [tilespmem:s29+$0x100];
	[tilespmem:$0x1FC70] =	vst v3  }
0x45: {  	v16 =	vld [tilespmem:s29+$0x180];
	[tilespmem:$0x1FC80] =	vst v1  }
0x46: {  	v17 =	vld [tilespmem:s29+$0x80];
	[tilespmem:$0x1FC90] =	vst v7  }
0x47: {  	v22 =	vld [tilespmem:s26+$0x9E00];
	[tilespmem:$0x1FCB0] =	vst v0  }
0x48: {  	v35 =	vld [tilespmem:s26+$0x9E30];
	[tilespmem:$0x1F980] =	vst v2  }
0x49: {  	v54 =	vld [tilespmem:s26+$0x9E10];
	[tilespmem:$0x1FCA0] =	vst v10;
	v0 =	vmin.f32 v9, v0  }
0x4a: {  	v57 =	vld [tilespmem:s26+$0x9A30];
	[tilespmem:$0x1FC60] =	vst v13;
	v1 =	vmax.f32 v5, v1;
	v2 =	vmin.f32 v16, v2;
	v3 =	vmin.f32 v9, v3  }
0x4b: {  	v39 =	vld [tilespmem:s26+$0x9A50];
	[tilespmem:$0x1FBE0] =	vst v21;
	v4 =	vmax.f32 v5, v4;
	v6 =	vmax.f32 v17, v7;
	v7 =	vmin.f32 v9, v8  }
0x4c: {  	v60 =	vld [tilespmem:s26+$0x9230];
	[tilespmem:$0x1FBB0] =	vst v22;
	v8 =	vmin.f32 v16, v10;
	v10 =	vmax.f32 v17, v11;
	v11 =	vmax.f32 v5, v12  }
0x4d: {  	[tilespmem:$0x1FC10] =	vst v35;
	v12 =	vmin.f32 v16, v13;
	v13 =	vmax.f32 v17, v19;
	v20 =	vsub.f32 v2, v6;
	v6 =	vld [tilespmem:s26+$0x9670]  }
0x4e: {  	[tilespmem:$0x1FBC0] =	vst v54;
	v15 =	vmax.f32 v17, v43;
	v19 =	vsub.f32 v0, v1;
	v28 =	vsub.f32 v8, v10;
	v8 =	vld [tilespmem:s26+$0x9650]  }
0x4f: {  	[tilespmem:$0x1FB80] =	vst v57;
	v0 =	vmin.f32 v9, v21;
	v21 =	vsub.f32 v3, v4;
	v55 =	vsub.f32 v7, v11;
	v7 =	vld [tilespmem:s26+$0x9610]  }
0x50: {  	[tilespmem:$0x1FBD0] =	vst v39;
	v1 =	vmax.f32 v5, v22;
	v22 =	vsub.f32 v12, v13;
	v2 =	vmin.f32 v16, v35;
	v12 =	vld [tilespmem:s26+$0x9270]  }
0x51: {  	[tilespmem:$0x1FB10] =	vst v60;
	v3 =	vmax.f32 v17, v54;
	v10 =	vld [tilespmem:s26+$0x9210];
	v4 =	vmax.f32 v5, v34;
	v35 =	vsub.f32 v0, v1  }
0x52: {  	v11 =	vld [tilespmem:s26+$0x8E50];
	v0 =	vmin.f32 v9, v53;
	v1 =	vmax.f32 v5, v25;
	v2 =	vsub.f32 v2, v3;
	[tilespmem:$0x1FB90] =	vst v6  }
0x53: {  	v63 =	vld [tilespmem:s26+$0x7A60];
	v3 =	vmax.f32 v17, v57;
	v56 =	vsub.f32 v0, v1;
	v0 =	vmin.f32 v9, v48;
	[tilespmem:$0x1FB40] =	vst v8  }
0x54: {  	v62 =	vld [tilespmem:s26+$0x7A70];
	v1 =	vmin.f32 v16, v39;
	v19 =	vmax.f32 v19, $0.0e+00;
	v20 =	vmax.f32 v20, $0.0e+00;
	[tilespmem:$0x1FB50] =	vst v7  }
0x55: {  	v42 =	vld [tilespmem:s26+$0x8220];
	v22 =	vmax.f32 v22, $0.0e+00;
	v34 =	vsub.f32 v1, v3;
	v0 =	vsub.f32 v0, v4;
	[tilespmem:$0x1FB00] =	vst v12  }
0x56: {  	v38 =	vld [tilespmem:s26+$0x8230];
	v4 =	vmin.f32 v9, v46;
	v19 =	vmul.f32 v20, v19;
	v20 =	vmax.f32 v21, $0.0e+00;
	[tilespmem:$0x1FAC0] =	vst v10  }
0x57: {  	v40 =	vld [tilespmem:s26+$0x7E40];
	v2 =	vmax.f32 v2, $0.0e+00;
	v1 =	vmin.f32 v16, v6;
	[tilespmem:$0x1FAD0] =	vst v11;
	v3 =	vmax.f32 v17, v8  }
0x58: {  	v6 =	vmax.f32 v5, v37;
	v8 =	vmax.f32 v5, v30;
	v1 =	vsub.f32 v1, v3;
	v61 =	vld [tilespmem:s26+$0x8E30]  }
0x59: {  	v37 =	vsub.f32 v4, v6;
	v3 =	vmin.f32 v16, v7;
	v13 =	vld [tilespmem:s26+$0x8A70];
	v7 =	vmax.f32 v17, v12  }
0x5a: {  	[tilespmem:$0x1FD90] =	vst v42;
	v4 =	vmin.f32 v9, v44;
	v6 =	vmax.f32 v5, v29;
	v29 =	vld [tilespmem:s26+$0x8A50];
	v3 =	vsub.f32 v3, v7  }
0x5b: {  	[tilespmem:$0x1FDB0] =	vst v38;
	v12 =	vld [tilespmem:s26+$0x8620];
	v54 =	vsub.f32 v4, v6;
	v6 =	vmin.f32 v16, v60;
	v7 =	vmax.f32 v17, v10  }
0x5c: {  	[tilespmem:$0x1FDD0] =	vst v40;
	v0 =	vmax.f32 v0, $0.0e+00;
	v44 =	vld [tilespmem:s26+$0x8630];
	v4 =	vmin.f32 v9, v36;
	v36 =	vsub.f32 v6, v7  }
0x5d: {  	[tilespmem:$0x1FEB0] =	vst v45;
	v46 =	vld [tilespmem:s26+$0x8250];
	v30 =	vsub.f32 v4, v8;
	v7 =	vmin.f32 v9, v33;
	v8 =	vmax.f32 v5, v18  }
0x5e: {  	[tilespmem:$0x1FED0] =	vst v47;
	v10 =	vld [tilespmem:s26+$0x8240];
	v4 =	vmin.f32 v16, v11;
	v1 =	vmax.f32 v1, $0.0e+00;
	v18 =	vsub.f32 v7, v8  }
0x5f: {  	[tilespmem:$0x1FEF0] =	vst v49;
	v59 =	vld [tilespmem:s26+$0x7650];
	v7 =	vmax.f32 v5, v23;
	v6 =	vmax.f32 v17, v61;
	v8 =	vmax.f32 v17, v29  }
0x60: {  	[tilespmem:$0x1FF10] =	vst v50;
	v11 =	vld [tilespmem:s26+$0x7E60];
	v33 =	vsub.f32 v4, v6;
	v4 =	vmin.f32 v16, v13;
	v6 =	vmin.f32 v9, v24  }
0x61: {  	[tilespmem:$0x1FA80] =	vst v61;
	v61 =	vld [tilespmem:s26+$0x7A30];
	v23 =	vsub.f32 v4, v8;
	v24 =	vsub.f32 v6, v7;
	v4 =	vmin.f32 v9, v12  }
0x62: {  	[tilespmem:$0x1FA90] =	vst v13;
	v13 =	vld [tilespmem:s26+$0x7E70];
	v6 =	vmax.f32 v5, v32;
	v7 =	vmin.f32 v16, v44;
	v8 =	vmax.f32 v17, v31  }
0x63: {  	v53 =	vld [tilespmem:s26+$0x7E10];
	[tilespmem:$0x1FA40] =	vst v29;
	v31 =	vsub.f32 v4, v6;
	v32 =	vsub.f32 v7, v8;
	v4 =	vmin.f32 v9, v10  }
0x64: {  	[tilespmem:$0x1FD40] =	vst v12;
	v12 =	vld [tilespmem:s26+$0x7E00];
	v6 =	vmax.f32 v5, v42;
	v7 =	vmin.f32 v16, v46;
	v8 =	vmax.f32 v17, v38  }
0x65: {  	[tilespmem:$0x1FD60] =	vst v44;
	v29 =	vld [tilespmem:s26+$0x7270];
	v48 =	vmin.f32 v16, v59;
	v4 =	vsub.f32 v4, v6;
	v38 =	vsub.f32 v7, v8  }
0x66: {  	v60 =	vld [tilespmem:s26+$0x7A20];
	[tilespmem:$0x1FDC0] =	vst v11;
	v6 =	vmin.f32 v9, v11;
	v8 =	vmax.f32 v5, v40;
	v11 =	vmax.f32 v17, v27  }
0x67: {  	v57 =	vld [tilespmem:s26+$0x7640];
	[tilespmem:$0x1FD80] =	vst v10;
	v39 =	vsub.f32 v6, v8;
	v14 =	vmin.f32 v16, v61;
	v10 =	vmin.f32 v16, v13  }
0x68: {  	v27 =	vld [tilespmem:s26+$0x7260];
	[tilespmem:$0x1FDE0] =	vst v13;
	v13 =	vmax.f32 v17, v62;
	v44 =	vsub.f32 v14, v15;
	v15 =	vmax.f32 v5, v26  }
0x69: {  	v25 =	vld [tilespmem:s26+$0x7210];
	[tilespmem:$0x1FE20] =	vst v53;
	v40 =	vsub.f32 v10, v11;
	v8 =	vmin.f32 v9, v12;
	v11 =	vmax.f32 v5, v63  }
0x6a: {  	v6 =	vld [tilespmem:s26+$0x6E10];
	[tilespmem:$0x1FE00] =	vst v12;
	v12 =	vmin.f32 v16, v53;
	v53 =	vmin.f32 v16, v29;
	v41 =	vsub.f32 v8, v11  }
0x6b: {  	[tilespmem:$0x1FDA0] =	vst v46;
	v42 =	vsub.f32 v12, v13;
	v12 =	vmin.f32 v9, v60;
	v8 =	vld [tilespmem:s26+$0x7200];
	v13 =	vmax.f32 v5, v58  }
0x6c: {  	v14 =	vmovc v45;
	v45 =	vmax.f32 v17, v45;
	v43 =	vsub.f32 v12, v13;
	v13 =	vmin.f32 v9, v57  }
0x6d: {  	[tilespmem:$0x1FE60] =	vst v61;
	v61 =	vld [tilespmem:s26+$0x6E20];
	v45 =	vsub.f32 v48, v45;
	v26 =	vmin.f32 v9, v27;
	v46 =	vsub.f32 v13, v15  }
0x6e: {  	v3 =	vmax.f32 v3, $0.0e+00;
	v13 =	vld [tilespmem:s26+$0x6E30];
	v11 =	vmovc v49;
	v49 =	vmax.f32 v17, v49;
	v12 =	vmovc v47;
	v47 =	vmax.f32 v5, v47  }
0x6f: {  	v10 =	vmovc v50;
	v48 =	vsub.f32 v53, v49;
	v49 =	vmax.f32 v5, v50;
	v50 =	vmin.f32 v16, v25  }
0x70: {  	[tilespmem:$0x1FF30] =	vst v51;
	v53 =	vmax.f32 v17, v6;
	v47 =	vsub.f32 v26, v47;
	v26 =	vmin.f32 v9, v8  }
0x71: {  	v15 =	vmovc v8;
	[tilespmem:$0x1FF00] =	vst v8;
	v8 =	vmov v51;
	v51 =	vmax.f32 v17, v51;
	v49 =	vsub.f32 v26, v49  }
0x72: {  	[tilespmem:$0x1FF70] =	vst v52;
	v50 =	vsub.f32 v50, v51;
	v26 =	vsub.f32 v9, v5;
	v9 =	vmin.f32 v9, v61  }
0x73: {  	v7 =	vmovc v52;
	v5 =	vmax.f32 v5, v52;
	v51 =	vsub.f32 v16, v17;
	v52 =	vmin.f32 v16, v13  }
0x74: {  	v5 =	vsub.f32 v9, v5;
	v9 =	vsub.f32 v52, v53;
	v52 =	vmax.f32 v28, $0.0e+00  }
0x75: {  	v26 =	vmul.f32 v51, v26;
	v53 =	vmax.f32 v35, $0.0e+00;
	v28 =	vld [tilespmem:s26+$0x6E40];
	v20 =	vmul.f32 v52, v20  }
0x76: {  	v21 =	vmul.f32 v2, v53;
	v2 =	vmax.f32 v55, $0.0e+00;
	v52 =	vmul.f32 v1, v0  }
0x77: {  	v0 =	vmax.f32 v56, $0.0e+00;
	v1 =	vmax.f32 v34, $0.0e+00;
	v55 =	vld [tilespmem:s26+$0x7220];
	v22 =	vmul.f32 v22, v2  }
0x78: {  	v56 =	vld [tilespmem:s26+$0x7600];
	v2 =	vmax.f32 v5, $0.0e+00;
	v5 =	vmax.f32 v9, $0.0e+00;
	v51 =	vmul.f32 v1, v0  }
0x79: {  	v0 =	vmax.f32 v49, $0.0e+00;
	v1 =	vmax.f32 v50, $0.0e+00;
	v9 =	vmax.f32 v47, $0.0e+00  }
0x7a: {  	v2 =	vmul.f32 v5, v2;
	[tilespmem:$0x1F760] =	vst v28;
	v5 =	vadd.f32 v28, v26;
	v28 =	vmax.f32 v48, $0.0e+00  }
0x7b: {  	v49 =	vld [tilespmem:s26+$0x7660];
	v0 =	vmul.f32 v1, v0;
	v1 =	vmax.f32 v37, $0.0e+00;
	v34 =	vmul.f32 v28, v9  }
0x7c: {  	v28 =	vmul.f32 v3, v1;
	v9 =	vadd.f32 v55, v26;
	v1 =	vsub.f32 v5, v2  }
0x7d: {  	v3 =	vmax.f32 v46, $0.0e+00;
	v53 =	vadd.f32 v56, v26  }
0x7e: {  	v5 =	vmax.f32 v45, $0.0e+00;
	v9 =	vsub.f32 v9, v0;
	(erf) = vrcp.f32 v1  }
0x7f: {  	v1 =	vmul.f32 v5, v3;
	v3 =	vmax.f32 v54, $0.0e+00;
	v5 =	vmax.f32 v36, $0.0e+00  }
0x80: {  	v50 =	vld [tilespmem:s26+$0x7A40];
	[tilespmem:$0x1F770] =	vst v55;
	v55 =	vadd.f32 v49, v26;
	v46 =	vmul.f32 v5, v3;
	v3 =	vmax.f32 v43, $0.0e+00  }
0x81: {  	[tilespmem:$0x1F780] =	vst v56;
	v56 =	vld [tilespmem:s26+$0x8200];
	v5 =	vmax.f32 v44, $0.0e+00;
	(erf) = vrcp.f32 v9;
	v9 =	vmax.f32 v30, $0.0e+00  }
0x82: {  	v45 =	vld [tilespmem:s26+$0x8260];
	v30 =	vmax.f32 v33, $0.0e+00;
	v3 =	vmul.f32 v5, v3;
	v5 =	vsub.f32 v53, v34  }
0x83: {  	v4 =	vmax.f32 v4, $0.0e+00;
	v54 =	vld [tilespmem:s26+$0x7E20];
	v30 =	vmul.f32 v30, v9;
	v9 =	vmax.f32 v42, $0.0e+00  }
0x84: {  	v33 =	vsub.f32 v55, v1;
	(erf) = vrcp.f32 v5;
	v5 =	vmax.f32 v41, $0.0e+00  }
0x85: {  	v36 =	vmul.f32 v9, v5;
	v5 =	vmax.f32 v39, $0.0e+00;
	v9 =	vmax.f32 v40, $0.0e+00;
	v39 =	vld [tilespmem:s26+$0x8670]  }
0x86: {  	[tilespmem:$0x1F7A0] =	vst v50;
	v47 =	vadd.f32 v50, v26;
	(erf) = vrcp.f32 v33;
	v33 =	vmul.f32 v9, v5;
	v9 =	vld [tilespmem:s26+$0x8A10]  }
0x87: {  	v48 =	vmax.f32 v38, $0.0e+00;
	[tilespmem:$0x1F7C0] =	vst v56;
	v50 =	vadd.f32 v56, v26;
	v56 =	vld [tilespmem:s26+$0x8640];
	v55 =	vadd.f32 v45, v26  }
0x88: {  	v4 =	vmul.f32 v48, v4;
	[tilespmem:$0x1F790] =	vst v49;
	v35 =	vsub.f32 v47, v3;
	v49 =	vadd.f32 v54, v26  }
0x89: {  	v31 =	vmax.f32 v31, $0.0e+00;
	v32 =	vmax.f32 v32, $0.0e+00;
	[tilespmem:$0x1F7D0] =	vst v45  }
0x8a: {  	v47 =	vld [tilespmem:s26+$0x8A20];
	[tilespmem:$0x1F7B0] =	vst v54;
	v45 =	vsub.f32 v55, v4;
	(erf) = vrcp.f32 v35;
	v54 =	vsub.f32 v49, v36  }
0x8b: {  	v35 =	vsub.f32 v50, v33;
	v17 =	vmax.f32 v17, v39;
	v16 =	vmin.f32 v16, v9  }
0x8c: {  	v55 =	vadd.f32 v56, v26;
	v53 =	vpop (erf);
	(erf) = vrcp.f32 v54;
	v16 =	vsub.f32 v16, v17  }
0x8d: {  	v50 =	vmax.f32 v24, $0.0e+00;
	v2 =	vmul.f32 v53, v2;
	(erf) = vrcp.f32 v35  }
0x8e: {  	v49 =	vld [tilespmem:s26+$0x8E00];
	v17 =	vmax.f32 v18, $0.0e+00;
	v18 =	vmax.f32 v23, $0.0e+00;
	v54 =	vmax.f32 v16, $0.0e+00  }
0x8f: {  	s1 =	smul.u32 $0x2800, s25;
	[tilespmem:$0x1F7E0] =	vst v56;
	v48 =	vpop (erf);
	v53 =	vld [tilespmem:s26+$0x8E60];
	v35 =	vmul.f32 v18, v17;
	v17 =	vadd.f32 v47, v26;
	v56 =	vmul.f32 v54, v50  }
0x90: {  	v31 =	vmul.f32 v32, v31;
	v0 =	vmul.f32 v48, v0  }
0x91: {  	s1 =	sshra.s32 s1, $0x2;
	(erf) = vrcp.f32 v45;
	v17 =	vsub.f32 v17, v56  }
0x92: {  	s1 =	sadd.s32 $0xA00, s1;
	v40 =	vld [tilespmem:s26+$0x9240];
	vm8 =	vge.f32 v2, $5.500000120e-01;
	vm3 =	vge.f32 v0, $5.500000120e-01;
	v0 =	vsub.f32 v55, v31;
	v2 =	vpop (erf)  }
0x93: {  	v5 =	vmov s1;
	v18 =	vadd.f32 v49, v26;
	v2 =	vmul.f32 v2, v34;
	v42 =	vpop (erf)  }
0x94: {  	(erf) = vrcp.f32 v0;
	v0 =	vmul.f32 v42, v1;
	v1 =	vadd.f32 v53, v26  }
0x95: {  	vm7 =	vge.f32 v2, $5.500000120e-01;
	v2 =	vsub.f32 v18, v35;
	(erf) = vrcp.f32 v17;
	v17 =	vpop (erf)  }
0x96: {  	vm6 =	vge.f32 v0, $5.500000120e-01;
	v1 =	vsub.f32 v1, v30;
	v0 =	vmul.f32 v17, v3;
	v3 =	vpop (erf)  }
0x97: {  	(erf) = vrcp.f32 v2;
	v2 =	vmul.f32 v3, v36;
	v3 =	vadd.f32 v40, v26  }
0x98: {  	v16 =	vld [tilespmem:s26+$0x9620]  }
0x99: {  	v24 =	vld.idx.msk [tilespmem:v5+s29+$0x80 ss:$0x1], $0xffff  }
0x9a: {  	(erf) = vrcp.f32 v1;
	v1 =	vpop (erf)  }
0x9b: {  	v23 =	vld.idx.msk [tilespmem:v5+s29+$0x0 ss:$0x1], $0xffff;
	vm4 =	vge.f32 v2, $5.500000120e-01;
	v2 =	vsub.f32 v3, v46;
	v3 =	vpop (erf)  }
0x9c: {  	v43 =	vld [tilespmem:s26+$0x9A00];
	v3 =	vmul.f32 v3, v4  }
0x9d: {  	v17 =	vld.idx.msk [tilespmem:v5+s29+$0x100 ss:$0x1], $0xffff;
	vm5 =	vge.f32 v0, $5.500000120e-01;
	v0 =	vadd.f32 v16, v26;
	v1 =	vmul.f32 v1, v33  }
0x9e: {  	v44 =	vsub.f32 v24, v8  }
0x9f: {  	v0 =	vsub.f32 v0, v28;
	vm2 =	vge.f32 v1, $5.500000120e-01;
	v1 =	vsub.f32 v24, v6  }
0xa0: {  	v18 =	vld.idx.msk [tilespmem:v5+s29+$0x180 ss:$0x1], $0xffff;
	(erf) = vrcp.f32 v2;
	v4 =	vsub.f32 v23, v7;
	vm0 =	vge.f32 v3, $5.500000120e-01;
	v3 =	vpop (erf)  }
0xa1: {  	[tilespmem:$0x1FFB0] =	vst v5;
	v5 =	vld [tilespmem:s26+$0x9A60];
	v2 =	vadd.f32 v43, v26;
	(erf) = vrcp.f32 v0;
	v3 =	vmul.f32 v3, v31  }
0xa2: {  	v45 =	vsub.f32 v17, v15;
	v1 =	vmul.f32 v1, v1;
	v0 =	vmul.f32 v4, v4  }
0xa3: {  	v4 =	vsub.f32 v17, v61;
	v31 =	vsub.f32 v23, v10  }
0xa4: {  	v0 =	vadd.f32 v1, v0;
	v1 =	vsub.f32 v2, v52  }
0xa5: {  	v2 =	vmul.f32 v4, v4;
	v4 =	vmul.f32 v31, v31;
	vm1 =	vge.f32 v3, $5.500000120e-01;
	v3 =	vpop (erf)  }
0xa6: {  	[tilespmem:$0x1F8B0] =	vst v5;
	v31 =	vmul.f32 v44, v44;
	v3 =	vmul.f32 v3, v56;
	v56 =	vadd.f32 v5, v26;
	v5 =	vld [tilespmem:$0x1FE70]  }
0xa7: {  	v7 =	vld [tilespmem:$0x1FE90];
	(erf) = vrcp.f32 v1;
	v0 =	vadd.f32 v2, v0  }
0xa8: {  	v2 =	vmul.f32 v45, v45;
	v1 =	vadd.f32 v31, v4;
	v4 =	vsub.f32 v18, v13;
	_ =	sdelay $0x1  }
0xa9: {  	v1 =	vadd.f32 v2, v1;
	v2 =	vmul.f32 v4, v4;
	v4 =	vsub.f32 v18, v25  }
0xaa: {  	[tilespmem:$0x1F850] =	vst v40;
	v40 =	vsub.f32 v24, v5;
	v5 =	vld [tilespmem:s26+$0x7670]  }
0xab: {  	[tilespmem:$0x1F810] =	vst v49;
	v50 =	vsub.f32 v24, v14;
	v49 =	vsub.f32 v23, v7;
	v4 =	vmul.f32 v4, v4;
	_ =	sdelay $0x1  }
0xac: {  	[tilespmem:$0x1F830] =	vst v53;
	v53 =	vmul.f32 v50, v50;
	v1 =	vadd.f32 v4, v1;
	v4 =	vmul.f32 v49, v49;
	_ =	sdelay $0x1  }
0xad: {  	v4 =	vadd.f32 v53, v4;
	[tilespmem:$0x1F860] =	vst v5;
	v53 =	vnsel vm6, $0x0, v5;
	v5 =	vld [tilespmem:$0x1FE60]  }
0xae: {  	[tilespmem:$0x1F7F0] =	vst v47;
	v47 =	vsub.f32 v24, v11;
	v31 =	vsub.f32 v23, v12  }
0xaf: {  	[tilespmem:$0x1FF90] =	vst v6;
	v54 =	vsub.f32 v18, v29;
	v6 =	vld [tilespmem:s26+$0x6E50]  }
0xb0: {  	v32 =	vmul.f32 v47, v47;
	v48 =	vsub.f32 v17, v27;
	v31 =	vmul.f32 v31, v31  }
0xb1: {  	v55 =	vmul.f32 v54, v54;
	v0 =	vadd.f32 v2, v0  }
0xb2: {  	v2 =	vadd.f32 v32, v31;
	v31 =	vmul.f32 v48, v48;
	v54 =	vsub.f32 v18, v5;
	v5 =	vld [tilespmem:$0x1FE00]  }
0xb3: {  	v7 =	vld [tilespmem:s26+$0x7230]  }
0xb4: {  	[tilespmem:$0x1F800] =	vst v6;
	v2 =	vadd.f32 v31, v2;
	v31 =	vnsel vm8, $0x0, v6;
	v6 =	vld [tilespmem:s26+$0x9E40];
	_ =	sdelay $0x2  }
0xb5: {  	[tilespmem:$0x1FF60] =	vst v61;
	v0 =	vmul.f32 v31, v0;
	v2 =	vadd.f32 v55, v2;
	v55 =	vsub.f32 v17, v5;
	v5 =	vld [tilespmem:$0x1FDD0]  }
0xb6: {  	v47 =	vsub.f32 v18, v59;
	[tilespmem:$0x1F820] =	vst v7;
	v61 =	vnsel vm3, $0x0, v7;
	v7 =	vld [tilespmem:s26+$0x7610]  }
0xb7: {  	v14 =	vld [tilespmem:$0x1FA60];
	v1 =	vmul.f32 v61, v1;
	v0 =	vadd.f32 $0.0e+00, v0;
	v44 =	vadd.f32 v6, v26  }
0xb8: {  	[tilespmem:$0x1FE80] =	vst v57;
	v57 =	vsub.f32 v17, v57;
	v33 =	vsub.f32 v56, v51  }
0xb9: {  	vm15 =	vge.f32 v3, $5.500000120e-01;
	[tilespmem:$0x1F8D0] =	vst v6;
	v0 =	vadd.f32 v1, v0;
	v6 =	vld [tilespmem:s26+$0xA220];
	v1 =	vsub.f32 v44, v21  }
0xba: {  	(erf) = vrcp.f32 v33;
	v49 =	vsub.f32 v24, v62;
	v56 =	vsub.f32 v23, v5;
	v5 =	vld [tilespmem:$0x1FDF0]  }
0xbb: {  	v3 =	vpop (erf);
	v50 =	vnsel vm7, $0x0, v7;
	(erf) = vrcp.f32 v1;
	v1 =	vsub.f32 v23, v63  }
0xbc: {  	v36 =	vsub.f32 v17, v14;
	v3 =	vmul.f32 v3, v35;
	v2 =	vmul.f32 v50, v2  }
0xbd: {  	[tilespmem:$0x1FF20] =	vst v25;
	v25 =	vsub.f32 v23, v58;
	v35 =	vmul.f32 v49, v49;
	v1 =	vmul.f32 v1, v1  }
0xbe: {  	[tilespmem:$0x1FE50] =	vst v58;
	v41 =	vmul.f32 v57, v57;
	v0 =	vadd.f32 v2, v0;
	v58 =	vadd.f32 v6, v26  }
0xbf: {  	v1 =	vadd.f32 v35, v1;
	v2 =	vmul.f32 v55, v55;
	v57 =	vsub.f32 v24, v5;
	v5 =	vld [tilespmem:s26+$0x7A50]  }
0xc0: {  	v8 =	vld [tilespmem:$0x1FD70];
	v48 =	vsub.f32 v17, v60;
	v33 =	vmul.f32 v47, v47;
	v4 =	vadd.f32 v41, v4  }
0xc1: {  	v10 =	vld [tilespmem:s26+$0x8210];
	v1 =	vadd.f32 v2, v1;
	v2 =	vsub.f32 v58, v22  }
0xc2: {  	v42 =	vmul.f32 v25, v25;
	[tilespmem:$0x1F840] =	vst v7;
	v7 =	vld [tilespmem:$0x1FDA0];
	v31 =	vadd.f32 $0.0e+00, v31;
	v4 =	vadd.f32 v33, v4  }
0xc3: {  	[tilespmem:$0x1F890] =	vst v43;
	v43 =	vmul.f32 v40, v40;
	vm9 =	vge.f32 v3, $5.500000120e-01;
	v3 =	vpop (erf);
	(erf) = vrcp.f32 v2;
	v2 =	vld [tilespmem:$0x1FE20]  }
0xc4: {  	v31 =	vadd.f32 v61, v31;
	v4 =	vmul.f32 v53, v4;
	[tilespmem:$0x1F880] =	vst v5;
	v61 =	vnsel vm5, $0x0, v5;
	v5 =	vld [tilespmem:$0x1FD90]  }
0xc5: {  	v47 =	vsub.f32 v24, v39;
	v45 =	vadd.f32 v43, v42;
	[tilespmem:$0x1F8F0] =	vst v6;
	v6 =	vld [tilespmem:s26+$0x7E30]  }
0xc6: {  	[tilespmem:$0x1FE10] =	vst v63;
	v34 =	vmul.f32 v48, v48;
	v31 =	vadd.f32 v50, v31;
	v0 =	vadd.f32 v4, v0;
	v4 =	vld [tilespmem:$0x1FDC0]  }
0xc7: {  	[tilespmem:$0x1FE30] =	vst v62;
	v41 =	vsub.f32 v24, v8;
	v43 =	vsub.f32 v18, v7;
	v50 =	vmul.f32 v47, v47;
	v47 =	vld [tilespmem:$0x1FAA0]  }
0xc8: {  	[tilespmem:$0x1FEA0] =	vst v59;
	v3 =	vmul.f32 v3, v30;
	v32 =	vadd.f32 v34, v45;
	v31 =	vadd.f32 v53, v31  }
0xc9: {  	[tilespmem:$0x1FEC0] =	vst v27;
	v42 =	vmul.f32 v41, v41;
	v2 =	vsub.f32 v18, v2;
	v62 =	vsub.f32 v23, v5;
	v5 =	vld [tilespmem:$0x1FDB0]  }
0xca: {  	v48 =	vmul.f32 v43, v43;
	v34 =	vmul.f32 v54, v54;
	[tilespmem:$0x1F8A0] =	vst v6;
	v40 =	vnsel vm4, $0x0, v6;
	v6 =	vld [tilespmem:$0x1FD40]  }
0xcb: {  	[tilespmem:$0x1FF80] =	vst v13;
	v13 =	vld [tilespmem:$0x1FD10];
	vm10 =	vge.f32 v3, $5.500000120e-01;
	v4 =	vsub.f32 v17, v4;
	v2 =	vmul.f32 v2, v2  }
0xcc: {  	[tilespmem:$0x1F870] =	vst v16;
	v16 =	vld [tilespmem:$0x1FA40];
	v53 =	vnsel vm2, $0x0, v10;
	v27 =	vsub.f32 v17, v47;
	v32 =	vadd.f32 v34, v32;
	v54 =	vpop (erf)  }
0xcd: {  	[tilespmem:$0x1FEE0] =	vst v29;
	v29 =	vmul.f32 v54, v46;
	v4 =	vmul.f32 v4, v4;
	v1 =	vadd.f32 v2, v1;
	v2 =	vld [tilespmem:$0x1FD80]  }
0xce: {  	[tilespmem:$0x1FE40] =	vst v60;
	v59 =	vmul.f32 v56, v56;
	v60 =	vmul.f32 v57, v57;
	v63 =	vsub.f32 v24, v5;
	v5 =	vld [tilespmem:$0x1FDE0]  }
0xcf: {  	vm11 =	vge.f32 v29, $5.500000120e-01;
	v44 =	vsub.f32 v17, v6;
	v34 =	vmul.f32 v62, v62;
	v62 =	vld [tilespmem:$0x1FD20]  }
0xd0: {  	v56 =	vsub.f32 v17, v13;
	v30 =	vadd.f32 v60, v59;
	v35 =	vmul.f32 v63, v63;
	v63 =	vld [tilespmem:$0x1FD50]  }
0xd1: {  	v49 =	vmul.f32 v44, v44;
	v31 =	vadd.f32 v61, v31;
	v32 =	vmul.f32 v61, v32  }
0xd2: {  	v58 =	vmul.f32 v56, v56;
	v4 =	vadd.f32 v4, v30;
	v61 =	vld [tilespmem:$0x1FD60];
	v2 =	vsub.f32 v17, v2  }
0xd3: {  	v1 =	vmul.f32 v40, v1;
	v0 =	vadd.f32 v32, v0;
	v25 =	vsub.f32 v18, v5;
	v5 =	vld [tilespmem:s26+$0xA600]  }
0xd4: {  	v2 =	vmul.f32 v2, v2;
	v45 =	vsub.f32 v23, v62;
	v30 =	vadd.f32 v35, v34  }
0xd5: {  	v11 =	vld [tilespmem:s26+$0x8270];
	v57 =	vsub.f32 v24, v16;
	v37 =	vmul.f32 v25, v25;
	v38 =	vsub.f32 v23, v63  }
0xd6: {  	v0 =	vadd.f32 v1, v0;
	v1 =	vmul.f32 v45, v45;
	v2 =	vadd.f32 v2, v30  }
0xd7: {  	v15 =	vld [tilespmem:$0x1FA30];
	v30 =	vadd.f32 v40, v31;
	v4 =	vadd.f32 v37, v4;
	v31 =	vmul.f32 v38, v38  }
0xd8: {  	[tilespmem:$0x1F8C0] =	vst v10;
	v10 =	vld [tilespmem:s26+$0x8650];
	v59 =	vmul.f32 v57, v57;
	v55 =	vsub.f32 v18, v61;
	v3 =	vadd.f32 v5, v26  }
0xd9: {  	v1 =	vadd.f32 v50, v1;
	[tilespmem:$0x1F910] =	vst v5;
	v5 =	vld [tilespmem:s26+$0xA660];
	v31 =	vadd.f32 v42, v31;
	v4 =	vmul.f32 v53, v4  }
0xda: {  	v60 =	vnsel vm0, $0x0, v11;
	v2 =	vadd.f32 v48, v2;
	v3 =	vsub.f32 v3, v20  }
0xdb: {  	v31 =	vadd.f32 v49, v31;
	v0 =	vadd.f32 v4, v0;
	v4 =	vmul.f32 v55, v55  }
0xdc: {  	v12 =	vld [tilespmem:$0x1FA90];
	v30 =	vadd.f32 v53, v30;
	v1 =	vadd.f32 v58, v1;
	v2 =	vmul.f32 v60, v2  }
0xdd: {  	[tilespmem:$0x1F8E0] =	vst v11;
	v11 =	vld [tilespmem:$0x1FA80];
	(erf) = vrcp.f32 v3;
	v3 =	vsub.f32 v23, v15;
	v4 =	vadd.f32 v4, v31  }
0xde: {  	v48 =	vld [tilespmem:$0x1FAB0];
	v29 =	vadd.f32 v60, v30;
	v30 =	vnsel vm1, $0x0, v10;
	v26 =	vadd.f32 v5, v26  }
0xdf: {  	[tilespmem:$0x1F900] =	vst v10;
	v10 =	vld [tilespmem:$0x1FB10];
	v0 =	vadd.f32 v2, v0;
	v3 =	vmul.f32 v3, v3;
	v31 =	vpop (erf);
	v4 =	vmul.f32 v30, v4  }
0xe0: {  	[tilespmem:$0x1FA50] =	vst v9;
	v26 =	vsub.f32 v26, v19;
	v28 =	vmul.f32 v31, v28;
	v31 =	vsub.f32 v18, v9;
	v9 =	vld [tilespmem:$0x1FA70]  }
0xe1: {  	v32 =	vmul.f32 v36, v36;
	v38 =	vpop (erf);
	v0 =	vadd.f32 v4, v0;
	v4 =	vsub.f32 v18, v12  }
0xe2: {  	v3 =	vadd.f32 v59, v3;
	(erf) = vrcp.f32 v26;
	v26 =	vmul.f32 v38, v52;
	v52 =	vld [tilespmem:$0x1FAC0]  }
0xe3: {  	[tilespmem:$0x1FD30] =	vst v39;
	v37 =	vsub.f32 v24, v11;
	v29 =	vadd.f32 v30, v29;
	v4 =	vmul.f32 v4, v4  }
0xe4: {  	v39 =	vsub.f32 v23, v48;
	[tilespmem:$0x1F930] =	vst v5;
	v5 =	vld [tilespmem:s26+$0x8A30];
	v3 =	vadd.f32 v32, v3  }
0xe5: {  	v49 =	vld [tilespmem:$0x1FAE0];
	v43 =	vsub.f32 v18, v10;
	v31 =	vmul.f32 v31, v31;
	v30 =	vsub.f32 v23, v9  }
0xe6: {  	v53 =	vld [tilespmem:$0x1FAD0];
	vm12 =	vge.f32 v28, $5.500000120e-01;
	vm13 =	vge.f32 v26, $5.500000120e-01;
	v3 =	vadd.f32 v4, v3  }
0xe7: {  	v45 =	vld [tilespmem:$0x1FAF0];
	v28 =	vsub.f32 v24, v52;
	v2 =	vmul.f32 v30, v30;
	v30 =	vmul.f32 v37, v37;
	v4 =	vpop (erf)  }
0xe8: {  	v26 =	vmul.f32 v39, v39;
	v1 =	vadd.f32 v31, v1;
	v4 =	vmul.f32 v4, v51;
	v51 =	vld [tilespmem:$0x1FB00]  }
0xe9: {  	[tilespmem:$0x1F920] =	vst v5;
	v28 =	vmul.f32 v28, v28;
	v2 =	vadd.f32 v30, v2;
	v30 =	vnsel vm15, $0x0, v5;
	v5 =	vld [tilespmem:s26+$0x8E10]  }
0xea: {  	v27 =	vmul.f32 v27, v27;
	v41 =	vsub.f32 v17, v49;
	v29 =	vadd.f32 v30, v29  }
0xeb: {  	v46 =	vld [tilespmem:$0x1FB20];
	v1 =	vmul.f32 v30, v1;
	v30 =	vsub.f32 v18, v53;
	v40 =	vadd.f32 v28, v26  }
0xec: {  	v44 =	vld [tilespmem:$0x1FB50];
	vm14 =	vge.f32 v4, $5.500000120e-01;
	v4 =	vsub.f32 v23, v45;
	v2 =	vadd.f32 v27, v2  }
0xed: {  	v25 =	vmul.f32 v43, v43;
	v43 =	vld [tilespmem:$0x1FB30];
	v0 =	vadd.f32 v1, v0;
	v27 =	vsub.f32 v24, v51  }
0xee: {  	v1 =	vmul.f32 v30, v30;
	v30 =	vld [tilespmem:s26+$0x8E70];
	v4 =	vmul.f32 v4, v4;
	v42 =	vnsel vm9, $0x0, v5  }
0xef: {  	v28 =	vadd.f32 v42, v29;
	v27 =	vmul.f32 v27, v27;
	v3 =	vmul.f32 v42, v3;
	v42 =	vld [tilespmem:$0x1FB40]  }
0xf0: {  	[tilespmem:$0x1F940] =	vst v5;
	v1 =	vadd.f32 v1, v2;
	v2 =	vmul.f32 v41, v41;
	v5 =	vld [tilespmem:s26+$0x9250]  }
0xf1: {  	v59 =	vld [tilespmem:$0x1FB60];
	v4 =	vadd.f32 v27, v4;
	v27 =	vsub.f32 v17, v46  }
0xf2: {  	v38 =	vld [tilespmem:$0x1FBA0];
	v54 =	vsub.f32 v23, v43;
	v2 =	vadd.f32 v2, v40  }
0xf3: {  	v37 =	vld [tilespmem:$0x1FB70];
	v50 =	vnsel vm10, $0x0, v30;
	v0 =	vadd.f32 v3, v0;
	v3 =	vmul.f32 v27, v27  }
0xf4: {  	v26 =	vmul.f32 v54, v54;
	v40 =	vld [tilespmem:$0x1FBC0];
	v28 =	vadd.f32 v50, v28;
	v27 =	vsub.f32 v24, v42  }
0xf5: {  	v1 =	vmul.f32 v50, v1;
	v50 =	vld [tilespmem:$0x1FB80];
	v55 =	vnsel vm11, $0x0, v5;
	v3 =	vadd.f32 v3, v4  }
0xf6: {  	v4 =	vadd.f32 v55, v28;
	v28 =	vsub.f32 v18, v44;
	v27 =	vmul.f32 v27, v27  }
0xf7: {  	v58 =	vld [tilespmem:$0x1FB90];
	v29 =	vsub.f32 v17, v59;
	v2 =	vadd.f32 v25, v2  }
0xf8: {  	v60 =	vsub.f32 v23, v37;
	[tilespmem:$0x1F960] =	vst v5;
	v5 =	vld [tilespmem:s26+$0x9630];
	v26 =	vadd.f32 v27, v26;
	v27 =	vmul.f32 v28, v28  }
0xf9: {  	v2 =	vmul.f32 v55, v2;
	v0 =	vadd.f32 v1, v0;
	v41 =	vsub.f32 v24, v40  }
0xfa: {  	v36 =	vld [tilespmem:$0x1FBB0];
	v34 =	vsub.f32 v17, v38;
	[tilespmem:$0x1F950] =	vst v30;
	v1 =	vmul.f32 v60, v60;
	v30 =	vsub.f32 v24, v50  }
0xfb: {  	v32 =	vld [tilespmem:$0x1FC00];
	v0 =	vadd.f32 v2, v0;
	v25 =	vmul.f32 v41, v41;
	v28 =	vmul.f32 v29, v29;
	v29 =	vpop (erf)  }
0xfc: {  	v41 =	vld [tilespmem:$0x1FBD0];
	v33 =	vmul.f32 v30, v30;
	v21 =	vmul.f32 v29, v21;
	v3 =	vadd.f32 v27, v3;
	v27 =	vpop (erf)  }
0xfd: {  	v2 =	vsub.f32 v18, v58;
	[tilespmem:$0x1F990] =	vst v5;
	v22 =	vmul.f32 v27, v22;
	v27 =	vnsel vm12, $0x0, v5;
	v5 =	vld [tilespmem:s26+$0x9A10]  }
0xfe: {  	v39 =	vld [tilespmem:$0x1FC10];
	v1 =	vadd.f32 v33, v1;
	vm15 =	vge.f32 v21, $5.500000120e-01;
	v21 =	vmul.f32 v34, v34  }
0xff: {  	v35 =	vsub.f32 v23, v36;
	v34 =	vld [tilespmem:$0x1FBE0]  }
0x100: {  	v31 =	vld [tilespmem:$0x1FC30];
	v2 =	vmul.f32 v2, v2;
	v26 =	vadd.f32 v28, v26;
	v1 =	vadd.f32 v21, v1  }
0x101: {  	v29 =	vld [tilespmem:s26+$0x9A70];
	v4 =	vadd.f32 v27, v4;
	v3 =	vmul.f32 v27, v3;
	v27 =	vsub.f32 v18, v41  }
0x102: {  	vm4 =	vge.f32 v22, $5.500000120e-01;
	v22 =	vmul.f32 v35, v35;
	[tilespmem:$0x1F9A0] =	vst v5;
	v56 =	vnsel vm13, $0x0, v5;
	v5 =	vld [tilespmem:$0x1FBF0]  }
0x103: {  	v54 =	vpop (erf);
	v35 =	vld [tilespmem:$0x1FC40];
	v0 =	vadd.f32 v3, v0;
	v3 =	vmul.f32 v27, v27;
	v27 =	vsub.f32 v24, v32  }
0x104: {  	v2 =	vadd.f32 v2, v26;
	v20 =	vmul.f32 v54, v20;
	v55 =	vsub.f32 v17, v34  }
0x105: {  	v21 =	vadd.f32 v25, v22;
	v1 =	vadd.f32 v3, v1;
	v54 =	vmul.f32 v27, v27  }
0x106: {  	v27 =	vsub.f32 v18, v39;
	v3 =	vadd.f32 v56, v4;
	v4 =	vmul.f32 v55, v55  }
0x107: {  	v30 =	vld [tilespmem:s26+$0x9E50];
	v2 =	vmul.f32 v56, v2;
	v55 =	vsub.f32 v23, v31;
	v57 =	vsub.f32 v23, v5  }
0x108: {  	v28 =	vsub.f32 v24, v35;
	v56 =	vmul.f32 v27, v27;
	v27 =	vnsel vm14, $0x0, v29  }
0x109: {  	v4 =	vadd.f32 v4, v21;
	v25 =	vmul.f32 v55, v55;
	v55 =	vld [tilespmem:$0x1FC70];
	v60 =	vmul.f32 v57, v57  }
0x10a: {  	v33 =	vld [tilespmem:$0x1FC60];
	v0 =	vadd.f32 v2, v0;
	v2 =	vadd.f32 v27, v3;
	v1 =	vmul.f32 v27, v1  }
0x10b: {  	s1 =	simm.s32 $0x40;
	s29 =	simm.s32 $0x10;
	v3 =	vadd.f32 v56, v4;
	v57 =	vmul.f32 v28, v28;
	v21 =	vadd.f32 v54, v60;
	v54 =	vld [tilespmem:$0x1FC20]  }
0x10c: {  	s1 =	sand.u32 $0xFFFFFE00, s1;
	s29 =	sand.u32 $0x70, s29;
	vm0 =	vge.f32 v20, $5.500000120e-01;
	v20 =	vnsel vm15, $0x0, v30;
	v56 =	vld [tilespmem:$0x1FC90]  }
0x10d: {  	s30 =	sor.u32 s29, s1;
	v0 =	vadd.f32 v1, v0;
	v3 =	vmul.f32 v20, v3;
	v4 =	vadd.f32 v57, v25;
	v57 =	vld [tilespmem:$0x1FC80]  }
0x10e: {  	v26 =	vld [tilespmem:s30+$0x0];
	v60 =	vsub.f32 v17, v55  }
0x10f: {  	v0 =	vadd.f32 v3, v0;
	v3 =	vld [tilespmem:$0x1F980]  }
0x110: {  	v22 =	vadd.f32 v20, v2;
	v25 =	vmul.f32 v60, v60;
	v60 =	vld [tilespmem:$0x1FCA0];
	v2 =	vsub.f32 v17, v54  }
0x111: {  	v28 =	vsub.f32 v24, v56;
	v24 =	vld [tilespmem:s30+$0x180]  }
0x112: {  	[tilespmem:$0x1F9C0] =	vst v29;
	v29 =	vld [tilespmem:s30+$0x80];
	v23 =	vsub.f32 v23, v57;
	v2 =	vmul.f32 v2, v2  }
0x113: {  	v20 =	vsub.f32 v18, v33  }
0x114: {  	v2 =	vadd.f32 v2, v21;
	v21 =	vmul.f32 v23, v23;
	v23 =	vmul.f32 v28, v28  }
0x115: {  	[tilespmem:$0x1F9D0] =	vst v30;
	v36 =	vmax.f32 v26, v36;
	v27 =	vld [tilespmem:s30+$0x100];
	v1 =	vadd.f32 v25, v4;
	v25 =	vpop (erf);
	v30 =	vsub.f32 v18, v60  }
0x116: {  	v3 =	vmin.f32 v24, v3;
	v25 =	vmul.f32 v25, v19;
	v19 =	vadd.f32 v23, v21;
	v21 =	vld [tilespmem:$0x1FCB0]  }
0x117: {  	v4 =	vmul.f32 v30, v30;
	v28 =	vmin.f32 v24, v33;
	v30 =	vmax.f32 v29, v32  }
0x118: {  	v32 =	vsub.f32 v28, v30;
	v28 =	vmin.f32 v24, v39;
	v30 =	vmax.f32 v29, v40  }
0x119: {  	[tilespmem:$0x1F9B0] =	vst v0;
	v39 =	vmax.f32 v26, v37;
	v40 =	vmax.f32 v29, v50;
	v0 =	vadd.f32 v4, v1  }
0x11a: {  	v1 =	vmax.f32 v26, v57;
	v4 =	vmax.f32 v29, v56;
	v28 =	vsub.f32 v28, v30;
	[tilespmem:$0x1F970] =	vst v19  }
0x11b: {  	v30 =	vmin.f32 v24, v41;
	[tilespmem:$0x1FC50] =	vst v0;
	v19 =	vmin.f32 v24, v60;
	v0 =	vmin.f32 v27, v21  }
0x11c: {  	v60 =	vmax.f32 v29, v35;
	v35 =	vmax.f32 v26, v5;
	v0 =	vsub.f32 v0, v1  }
0x11d: {  	v1 =	vsub.f32 v3, v4;
	v3 =	vmin.f32 v27, v55;
	v4 =	vmax.f32 v26, v31  }
0x11e: {  	v3 =	vsub.f32 v3, v4;
	v4 =	vsub.f32 v19, v60;
	v19 =	vmin.f32 v27, v54  }
0x11f: {  	v41 =	vmax.f32 v26, v43;
	v43 =	vmax.f32 v29, v42;
	v31 =	vsub.f32 v19, v35  }
0x120: {  	v19 =	vmin.f32 v27, v34;
	v34 =	vsub.f32 v30, v40;
	v30 =	vmin.f32 v24, v58  }
0x121: {  	v33 =	vsub.f32 v19, v36;
	v19 =	vmin.f32 v27, v38;
	v38 =	vsub.f32 v30, v43  }
0x122: {  	v5 =	vld [tilespmem:$0x1FA50];
	v30 =	vmin.f32 v24, v44;
	v36 =	vsub.f32 v19, v39;
	v19 =	vmin.f32 v27, v59  }
0x123: {  	v37 =	vsub.f32 v19, v41;
	v19 =	vmin.f32 v27, v46;
	v46 =	vmax.f32 v29, v51  }
0x124: {  	v51 =	vmax.f32 v29, v52;
	v40 =	vsub.f32 v30, v46;
	v30 =	vmin.f32 v24, v10  }
0x125: {  	v42 =	vsub.f32 v30, v51;
	v30 =	vmin.f32 v24, v53;
	v53 =	vmax.f32 v29, v11  }
0x126: {  	v55 =	vmax.f32 v29, v16;
	v44 =	vsub.f32 v30, v53;
	v30 =	vmin.f32 v24, v12  }
0x127: {  	v46 =	vsub.f32 v30, v55;
	v30 =	vmin.f32 v24, v5;
	v5 =	vld [tilespmem:$0x1FD30];
	_ =	sdelay $0x4  }
0x128: {  	v57 =	vmax.f32 v29, v5;
	v5 =	vld [tilespmem:$0x1FD80];
	_ =	sdelay $0x4  }
0x129: {  	v60 =	vmin.f32 v27, v5;
	v5 =	vld [tilespmem:$0x1FD90];
	_ =	sdelay $0x2  }
0x12a: {  	v50 =	vmax.f32 v26, v48  }
0x12b: {  	v59 =	vmax.f32 v29, v8;
	v48 =	vsub.f32 v30, v57;
	v30 =	vmin.f32 v24, v61  }
0x12c: {  	v35 =	vsub.f32 v30, v59;
	v30 =	vmax.f32 v26, v5;
	v5 =	vld [tilespmem:$0x1FDB0];
	_ =	sdelay $0x4  }
0x12d: {  	v56 =	vmax.f32 v26, v62;
	v62 =	vmax.f32 v29, v5;
	v5 =	vld [tilespmem:$0x1FDC0];
	_ =	sdelay $0x4  }
0x12e: {  	v58 =	vmax.f32 v26, v63;
	v63 =	vmin.f32 v27, v5;
	v5 =	vld [tilespmem:$0x1FDD0];
	_ =	sdelay $0x4  }
0x12f: {  	v45 =	vmax.f32 v26, v45;
	v51 =	vsub.f32 v60, v30;
	v30 =	vmax.f32 v26, v5;
	v5 =	vld [tilespmem:$0x1FE00]  }
0x130: {  	v20 =	vmul.f32 v20, v20;
	v39 =	vsub.f32 v19, v45;
	v19 =	vmin.f32 v27, v49  }
0x131: {  	v52 =	vmax.f32 v26, v9;
	v41 =	vsub.f32 v19, v50;
	v19 =	vmin.f32 v27, v47  }
0x132: {  	v54 =	vmax.f32 v26, v15;
	v43 =	vsub.f32 v19, v52;
	v19 =	vmin.f32 v27, v14  }
0x133: {  	v2 =	vadd.f32 v20, v2;
	v20 =	vsub.f32 v19, v54;
	v19 =	vmin.f32 v27, v13  }
0x134: {  	v47 =	vsub.f32 v19, v56;
	v56 =	vmin.f32 v27, v5;
	v5 =	vld [tilespmem:$0x1FE10];
	_ =	sdelay $0x4  }
0x135: {  	v57 =	vmax.f32 v26, v5;
	v5 =	vld [tilespmem:$0x1FE20];
	_ =	sdelay $0x3  }
0x136: {  	v19 =	vmin.f32 v27, v6  }
0x137: {  	v19 =	vsub.f32 v19, v58;
	v58 =	vmin.f32 v24, v5;
	v5 =	vld [tilespmem:$0x1FE30];
	_ =	sdelay $0x4  }
0x138: {  	v53 =	vsub.f32 v63, v30;
	v30 =	vmax.f32 v29, v5;
	v5 =	vld [tilespmem:$0x1FE40];
	_ =	sdelay $0x4  }
0x139: {  	v59 =	vmin.f32 v27, v5;
	v5 =	vld [tilespmem:$0x1FE60];
	_ =	sdelay $0x4  }
0x13a: {  	v63 =	vmin.f32 v24, v5;
	v5 =	vld [tilespmem:$0x1FE70];
	_ =	sdelay $0x4  }
0x13b: {  	v55 =	vsub.f32 v58, v30;
	v30 =	vmax.f32 v29, v5;
	v5 =	vld [tilespmem:$0x1FE80];
	_ =	sdelay $0x2  }
0x13c: {  	v61 =	vmin.f32 v24, v7  }
0x13d: {  	v49 =	vsub.f32 v61, v62;
	v62 =	vld [tilespmem:$0x1FE50]  }
0x13e: {  	v60 =	vmin.f32 v27, v5;
	v5 =	vld [tilespmem:$0x1FE90];
	_ =	sdelay $0x3  }
0x13f: {  	v61 =	vmax.f32 v26, v62  }
0x140: {  	v16 =	vld [tilespmem:$0x1FEB0];
	v52 =	vsub.f32 v59, v61;
	v61 =	vmax.f32 v26, v5  }
0x141: {  	v54 =	vsub.f32 v60, v61;
	v61 =	vld [tilespmem:$0x1FEA0];
	_ =	sdelay $0x1  }
0x142: {  	v15 =	vld [tilespmem:$0x1FEC0]  }
0x143: {  	v14 =	vld [tilespmem:$0x1FED0]  }
0x144: {  	v13 =	vld [tilespmem:s26+$0xA230];
	v50 =	vsub.f32 v56, v57  }
0x145: {  	v12 =	vld [tilespmem:$0x1FF10];
	v57 =	vsub.f32 v63, v30;
	v30 =	vmax.f32 v29, v16;
	v63 =	vmin.f32 v24, v61  }
0x146: {  	v56 =	vsub.f32 v63, v30;
	v63 =	vld [tilespmem:$0x1FF00];
	_ =	sdelay $0x2  }
0x147: {  	v23 =	vnsel vm4, $0x0, v13  }
0x148: {  	vm1 =	vge.f32 v25, $5.500000120e-01;
	v58 =	vmax.f32 v26, v14;
	v5 =	vadd.f32 v23, v22  }
0x149: {  	v11 =	vld [tilespmem:$0x1FF80];
	v22 =	vmax.f32 v26, v12;
	v30 =	vmin.f32 v27, v15;
	v59 =	vmin.f32 v27, v63  }
0x14a: {  	v25 =	vmul.f32 v23, v2;
	v2 =	vsub.f32 v30, v58;
	v58 =	vsub.f32 v59, v22;
	v22 =	vld [tilespmem:$0x1FF90];
	_ =	sdelay $0x1  }
0x14b: {  	v0 =	vmax.f32 v0, $0.0e+00;
	v1 =	vmax.f32 v1, $0.0e+00  }
0x14c: {  	v23 =	vmul.f32 v1, v0  }
0x14d: {  	v10 =	vld [tilespmem:$0x1FF60];
	v1 =	vmax.f32 v4, $0.0e+00;
	v60 =	vsub.f32 v27, v26;
	v30 =	vsub.f32 v24, v29  }
0x14e: {  	v4 =	vmax.f32 v28, $0.0e+00;
	[tilespmem:$0x1F9F0] =	vst v5;
	v5 =	vld [tilespmem:$0x1FF70];
	v59 =	vmin.f32 v24, v11;
	v28 =	vmax.f32 v29, v22  }
0x14f: {  	v30 =	vmul.f32 v30, v60;
	v60 =	vsub.f32 v59, v28  }
0x150: {  	v6 =	vld [tilespmem:$0x1FF30];
	v0 =	vmax.f32 v3, $0.0e+00;
	v3 =	vmax.f32 v33, $0.0e+00  }
0x151: {  	v28 =	vmul.f32 v4, v3;
	v4 =	vmax.f32 v60, $0.0e+00;
	v60 =	vld [tilespmem:$0x1FF20];
	_ =	sdelay $0x1  }
0x152: {  	v26 =	vmax.f32 v26, v5;
	v27 =	vmin.f32 v27, v10  }
0x153: {  	v27 =	vsub.f32 v27, v26  }
0x154: {  	v26 =	vmul.f32 v1, v0;
	v0 =	vmax.f32 v31, $0.0e+00  }
0x155: {  	v31 =	vmax.f32 v29, v6;
	v3 =	vmax.f32 v27, $0.0e+00;
	v27 =	vmin.f32 v24, v60  }
0x156: {  	v1 =	vmax.f32 v32, $0.0e+00;
	v33 =	vsub.f32 v27, v31  }
0x157: {  	v9 =	vld [tilespmem:$0x1FEF0];
	v27 =	vmul.f32 v1, v0;
	v0 =	vmul.f32 v4, v3;
	v1 =	vmax.f32 v37, $0.0e+00  }
0x158: {  	v59 =	vld [tilespmem:$0x1FEE0];
	v3 =	vmax.f32 v36, $0.0e+00;
	v4 =	vmax.f32 v34, $0.0e+00;
	v31 =	vmax.f32 v38, $0.0e+00  }
0x159: {  	v32 =	vmul.f32 v31, v1;
	v31 =	vmul.f32 v4, v3;
	v4 =	vld [tilespmem:$0x1F760];
	_ =	sdelay $0x1  }
0x15a: {  	v1 =	vmax.f32 v58, $0.0e+00;
	v3 =	vmax.f32 v33, $0.0e+00  }
0x15b: {  	v40 =	vmax.f32 v40, $0.0e+00;
	v7 =	vld [tilespmem:$0x1F790];
	v1 =	vmul.f32 v3, v1;
	v3 =	vmax.f32 v39, $0.0e+00  }
0x15c: {  	v33 =	vmul.f32 v40, v3;
	v3 =	vld [tilespmem:$0x1F770]  }
0x15d: {  	v37 =	vmin.f32 v24, v59;
	v38 =	vmax.f32 v29, v9;
	v4 =	vadd.f32 v4, v30  }
0x15e: {  	v34 =	vsub.f32 v37, v38  }
0x15f: {  	v42 =	vmax.f32 v42, $0.0e+00;
	v2 =	vmax.f32 v2, $0.0e+00;
	v4 =	vsub.f32 v4, v0  }
0x160: {  	v58 =	vmax.f32 v44, $0.0e+00;
	v44 =	vadd.f32 v7, v30;
	v34 =	vmax.f32 v34, $0.0e+00  }
0x161: {  	v7 =	vld [tilespmem:$0x1F7A0];
	v3 =	vadd.f32 v3, v30;
	(erf) = vrcp.f32 v4;
	v4 =	vmax.f32 v41, $0.0e+00  }
0x162: {  	v2 =	vmul.f32 v34, v2;
	v34 =	vmul.f32 v42, v4;
	v4 =	vld [tilespmem:$0x1F780]  }
0x163: {  	v3 =	vsub.f32 v3, v1;
	_ =	sdelay $0x1  }
0x164: {  	(erf) = vrcp.f32 v3;
	v3 =	vmax.f32 v43, $0.0e+00  }
0x165: {  	v3 =	vmul.f32 v58, v3;
	v58 =	vmax.f32 v47, $0.0e+00;
	v47 =	vadd.f32 v7, v30;
	v7 =	vld [tilespmem:$0x1F7B0]  }
0x166: {  	v4 =	vadd.f32 v4, v30;
	_ =	sdelay $0x1  }
0x167: {  	v4 =	vsub.f32 v4, v2  }
0x168: {  	v54 =	vmax.f32 v54, $0.0e+00;
	v56 =	vmax.f32 v56, $0.0e+00  }
0x169: {  	(erf) = vrcp.f32 v4;
	v4 =	vmax.f32 v50, $0.0e+00;
	v50 =	vadd.f32 v7, v30;
	v7 =	vld [tilespmem:$0x1F7C0]  }
0x16a: {  	v36 =	vmul.f32 v56, v54  }
0x16b: {  	v54 =	vld [tilespmem:$0x1FDE0]  }
0x16c: {  	v37 =	vsub.f32 v44, v36;
	v42 =	vmax.f32 v52, $0.0e+00;
	v52 =	vld [tilespmem:$0x1FDF0]  }
0x16d: {  	v43 =	vmax.f32 v57, $0.0e+00;
	v57 =	vmax.f32 v46, $0.0e+00;
	v46 =	vmax.f32 v48, $0.0e+00  }
0x16e: {  	(erf) = vrcp.f32 v37;
	v37 =	vmul.f32 v46, v58;
	v58 =	vadd.f32 v7, v30;
	v7 =	vld [tilespmem:$0x1F7D0];
	_ =	sdelay $0x1  }
0x16f: {  	v19 =	vmax.f32 v19, $0.0e+00;
	v55 =	vmax.f32 v55, $0.0e+00;
	v56 =	vmax.f32 v20, $0.0e+00  }
0x170: {  	v24 =	vmin.f32 v24, v54;
	v38 =	vmul.f32 v43, v42;
	v29 =	vmax.f32 v29, v52  }
0x171: {  	v24 =	vsub.f32 v24, v29;
	v29 =	vmul.f32 v57, v56;
	v56 =	vmax.f32 v49, $0.0e+00  }
0x172: {  	v4 =	vmul.f32 v55, v4;
	v55 =	vmax.f32 v51, $0.0e+00;
	v46 =	vadd.f32 v7, v30;
	v7 =	vld [tilespmem:$0x1F7E0]  }
0x173: {  	v48 =	vmax.f32 v53, $0.0e+00;
	v24 =	vmax.f32 v24, $0.0e+00;
	v57 =	vmul.f32 v56, v55  }
0x174: {  	v35 =	vmax.f32 v35, $0.0e+00;
	v53 =	vsub.f32 v47, v38;
	v24 =	vmul.f32 v24, v48  }
0x175: {  	v35 =	vmul.f32 v35, v19;
	v44 =	vpop (erf);
	v42 =	vsub.f32 v50, v4;
	v19 =	vsub.f32 v46, v57  }
0x176: {  	v0 =	vmul.f32 v44, v0;
	(erf) = vrcp.f32 v53;
	v40 =	vsub.f32 v58, v24  }
0x177: {  	v48 =	vpop (erf);
	(erf) = vrcp.f32 v42;
	v47 =	vadd.f32 v7, v30;
	v7 =	vld [tilespmem:$0x1F7F0]  }
0x178: {  	vm6 =	vge.f32 v0, $5.500000120e-01;
	v0 =	vmul.f32 v48, v1;
	(erf) = vrcp.f32 v40  }
0x179: {  	(erf) = vrcp.f32 v19;
	v19 =	vpop (erf)  }
0x17a: {  	vm7 =	vge.f32 v0, $5.500000120e-01;
	v0 =	vmul.f32 v19, v2;
	v2 =	vld [tilespmem:$0x1F800];
	_ =	sdelay $0x1  }
0x17b: {  	v49 =	vadd.f32 v7, v30;
	v7 =	vld [tilespmem:$0x1F820]  }
0x17c: {  	v1 =	vsub.f32 v47, v35;
	_ =	sdelay $0x1  }
0x17d: {  	(erf) = vrcp.f32 v1;
	v19 =	vnsel vm6, $0x0, v2  }
0x17e: {  	vm8 =	vge.f32 v0, $5.500000120e-01;
	v0 =	vld [tilespmem:$0x1F810];
	v1 =	vsub.f32 v49, v37;
	v2 =	vadd.f32 $0.0e+00, v19  }
0x17f: {  	v47 =	vnsel vm7, $0x0, v7  }
0x180: {  	v50 =	vpop (erf);
	(erf) = vrcp.f32 v1;
	v1 =	vadd.f32 v47, v2;
	v2 =	vld [tilespmem:$0x1F830];
	_ =	sdelay $0x2  }
0x181: {  	v0 =	vadd.f32 v0, v30;
	v7 =	vld [tilespmem:$0x1F840];
	_ =	sdelay $0x1  }
0x182: {  	v0 =	vsub.f32 v0, v29;
	v2 =	vadd.f32 v2, v30;
	_ =	sdelay $0x1  }
0x183: {  	v51 =	vpop (erf);
	(erf) = vrcp.f32 v0;
	v0 =	vsub.f32 v2, v3;
	v2 =	vld [tilespmem:$0x1F850]  }
0x184: {  	v48 =	vnsel vm8, $0x0, v7;
	v7 =	vld [tilespmem:$0x1F860];
	_ =	sdelay $0x1  }
0x185: {  	v36 =	vmul.f32 v50, v36;
	_ =	sdelay $0x1  }
0x186: {  	v55 =	vpop (erf);
	vm9 =	vge.f32 v36, $5.500000120e-01;
	v1 =	vadd.f32 v48, v1;
	v2 =	vadd.f32 v2, v30  }
0x187: {  	v4 =	vmul.f32 v55, v4;
	v46 =	vnsel vm9, $0x0, v7  }
0x188: {  	(erf) = vrcp.f32 v0;
	v0 =	vadd.f32 v46, v1;
	v1 =	vsub.f32 v2, v34;
	v2 =	vld [tilespmem:$0x1F870];
	_ =	sdelay $0x1  }
0x189: {  	vm11 =	vge.f32 v4, $5.500000120e-01;
	v4 =	vld [tilespmem:$0x1F880];
	_ =	sdelay $0x1  }
0x18a: {  	v53 =	vmul.f32 v51, v38  }
0x18b: {  	v2 =	vadd.f32 v2, v30  }
0x18c: {  	vm10 =	vge.f32 v53, $5.500000120e-01  }
0x18d: {  	v44 =	vnsel vm10, $0x0, v4;
	v4 =	vpop (erf);
	(erf) = vrcp.f32 v1;
	v1 =	vsub.f32 v2, v33;
	v2 =	vld [tilespmem:$0x1F890];
	_ =	sdelay $0x4  }
0x18e: {  	v2 =	vadd.f32 v2, v30;
	_ =	sdelay $0x1  }
0x18f: {  	v56 =	vpop (erf);
	(erf) = vrcp.f32 v1;
	v1 =	vsub.f32 v2, v32;
	v2 =	vld [tilespmem:$0x1F8B0];
	_ =	sdelay $0x3  }
0x190: {  	v4 =	vmul.f32 v4, v24  }
0x191: {  	v2 =	vadd.f32 v2, v30  }
0x192: {  	vm12 =	vge.f32 v4, $5.500000120e-01;
	v7 =	vld [tilespmem:$0x1F8A0]  }
0x193: {  	v4 =	vmul.f32 v56, v57;
	v57 =	vpop (erf);
	(erf) = vrcp.f32 v1;
	v1 =	vsub.f32 v2, v31;
	v2 =	vld [tilespmem:$0x1F8D0];
	_ =	sdelay $0x2  }
0x194: {  	vm13 =	vge.f32 v4, $5.500000120e-01;
	v4 =	vmul.f32 v57, v35;
	_ =	sdelay $0x1  }
0x195: {  	v53 =	vnsel vm11, $0x0, v7;
	v7 =	vld [tilespmem:$0x1F8C0];
	v2 =	vadd.f32 v2, v30;
	_ =	sdelay $0x1  }
0x196: {  	vm14 =	vge.f32 v4, $5.500000120e-01;
	v4 =	vpop (erf);
	(erf) = vrcp.f32 v1;
	v1 =	vsub.f32 v2, v28;
	v2 =	vld [tilespmem:$0x1F8F0];
	_ =	sdelay $0x1  }
0x197: {  	v4 =	vmul.f32 v4, v37  }
0x198: {  	v58 =	vpop (erf);
	v43 =	vnsel vm12, $0x0, v7;
	v7 =	vld [tilespmem:$0x1F8E0]  }
0x199: {  	vm15 =	vge.f32 v4, $5.500000120e-01;
	v4 =	vmul.f32 v58, v29  }
0x19a: {  	v2 =	vadd.f32 v2, v30  }
0x19b: {  	vm6 =	vge.f32 v4, $5.500000120e-01;
	v4 =	vld [tilespmem:$0x1F920]  }
0x19c: {  	(erf) = vrcp.f32 v1;
	v1 =	vsub.f32 v2, v27;
	v2 =	vld [tilespmem:$0x1F910]  }
0x19d: {  	v41 =	vnsel vm13, $0x0, v7;
	v7 =	vld [tilespmem:$0x1F900];
	_ =	sdelay $0x1  }
0x19e: {  	v35 =	vpop (erf)  }
0x19f: {  	v3 =	vmul.f32 v35, v3  }
0x1a0: {  	v0 =	vadd.f32 v44, v0;
	v40 =	vnsel vm15, $0x0, v4;
	v4 =	vld [tilespmem:$0x1F940];
	v2 =	vadd.f32 v2, v30  }
0x1a1: {  	v42 =	vnsel vm14, $0x0, v7;
	v7 =	vld [tilespmem:$0x1F950]  }
0x1a2: {  	v0 =	vadd.f32 v53, v0;
	(erf) = vrcp.f32 v1;
	v1 =	vsub.f32 v2, v26;
	v2 =	vld [tilespmem:$0x1F930]  }
0x1a3: {  	vm7 =	vge.f32 v3, $5.500000120e-01;
	v3 =	vpop (erf)  }
0x1a4: {  	v0 =	vadd.f32 v43, v0;
	v3 =	vmul.f32 v3, v34  }
0x1a5: {  	v20 =	vld [tilespmem:$0x1FFB0];
	v37 =	vnsel vm6, $0x0, v4;
	v4 =	vpop (erf)  }
0x1a6: {  	v58 =	vld [tilespmem:$0x1F980];
	v0 =	vadd.f32 v41, v0;
	vm8 =	vge.f32 v3, $5.500000120e-01;
	v3 =	vmul.f32 v4, v33  }
0x1a7: {  	v38 =	vnsel vm7, $0x0, v7;
	v7 =	vld [tilespmem:$0x1F990];
	v2 =	vadd.f32 v2, v30  }
0x1a8: {  	v0 =	vadd.f32 v42, v0;
	vm9 =	vge.f32 v3, $5.500000120e-01;
	v3 =	vld [tilespmem:$0x1F970]  }
0x1a9: {  	(erf) = vrcp.f32 v1;
	v1 =	vsub.f32 v17, v21;
	v2 =	vsub.f32 v2, v23  }
0x1aa: {  	v0 =	vadd.f32 v40, v0;
	v4 =	vld [tilespmem:$0x1F960]  }
0x1ab: {  	v1 =	vmul.f32 v1, v1  }
0x1ac: {  	v0 =	vadd.f32 v37, v0;
	v33 =	vnsel vm9, $0x0, v7  }
0x1ad: {  	v7 =	vld [tilespmem:$0x1F9A0];
	v1 =	vadd.f32 v1, v3;
	v3 =	vsub.f32 v18, v58;
	(erf) = vrcp.f32 v2;
	v2 =	vpop (erf)  }
0x1ae: {  	v21 =	vld.idx.msk [tilespmem:v20+s30+$0x0 ss:$0x1], $0xffff;
	v2 =	vmul.f32 v2, v32  }
0x1af: {  	v0 =	vadd.f32 v38, v0;
	v35 =	vnsel vm8, $0x0, v4;
	v3 =	vmul.f32 v3, v3;
	v4 =	vpop (erf)  }
0x1b0: {  	v24 =	vld.idx.msk [tilespmem:v20+s30+$0x80 ss:$0x1], $0xffff;
	vm10 =	vge.f32 v2, $5.500000120e-01;
	v2 =	vmul.f32 v4, v31;
	v4 =	vpop (erf)  }
0x1b1: {  	v0 =	vadd.f32 v35, v0;
	v4 =	vmul.f32 v4, v28;
	v28 =	vadd.f32 v3, v1;
	v1 =	vld [tilespmem:$0x1F9C0]  }
0x1b2: {  	v34 =	vnsel vm10, $0x0, v7;
	v7 =	vld [tilespmem:$0x1F9B0]  }
0x1b3: {  	v0 =	vadd.f32 v33, v0;
	v3 =	vsub.f32 v21, v5;
	v5 =	vld [tilespmem:$0x1F9D0];
	_ =	sdelay $0x1  }
0x1b4: {  	vm11 =	vge.f32 v2, $5.500000120e-01;
	v0 =	vadd.f32 v34, v0;
	v2 =	vpop (erf)  }
0x1b5: {  	vm12 =	vge.f32 v4, $5.500000120e-01;
	v2 =	vmul.f32 v2, v27;
	v29 =	vnsel vm11, $0x0, v1;
	v1 =	vpop (erf)  }
0x1b6: {  	v4 =	vsub.f32 v24, v22;
	v7 =	vadd.f32 v25, v7;
	v1 =	vmul.f32 v1, v26  }
0x1b7: {  	v45 =	vmovc v8;
	v8 =	vld [tilespmem:s26+$0xA610];
	v56 =	vnsel vm12, $0x0, v5;
	v0 =	vadd.f32 v29, v0;
	vm13 =	vge.f32 v2, $5.500000120e-01  }
0x1b8: {  	v2 =	vmul.f32 v4, v4;
	vm14 =	vge.f32 v1, $5.500000120e-01;
	v1 =	vmul.f32 v3, v3  }
0x1b9: {  	[tilespmem:$0x1FCC0] =	vst v7;
	v7 =	vld [tilespmem:s26+$0xA670];
	v0 =	vadd.f32 v56, v0  }
0x1ba: {  	s1 =	simm.s32 $0x0;
	v57 =	vnsel vm13, $0x0, v13;
	v3 =	vpop (erf);
	v1 =	vadd.f32 v2, v1;
	v2 =	vld [tilespmem:$0x1F9F0]  }
0x1bb: {  	s1 =	sand.u32 $0x3FFFFC00, s1;
	s26 =	sadd.s32 $0x5A00, s26;
	v3 =	vmul.f32 v3, v23;
	v0 =	vadd.f32 v57, v0  }
0x1bc: {  	s1 =	sadd.s32 s1, s26;
	v4 =	vnsel vm14, $0x0, v8  }
0x1bd: {  	v30 =	vld.idx.msk [tilespmem:v20+s30+$0x180 ss:$0x1], $0xffff;
	s1 =	sadd.s32 s28, s1;
	vm15 =	vge.f32 v3, $5.500000120e-01;
	v0 =	vadd.f32 v4, v0  }
0x1be: {  	v27 =	vnsel vm0, $0x0, v8;
	v3 =	vld [tilespmem:s1+$0x0];
	v5 =	vnsel vm15, $0x0, v7  }
0x1bf: {  	[tilespmem:$0x1FFA0] =	vst v5;
	v32 =	vadd.f32 v5, v0;
	v5 =	vld [tilespmem:$0x1FE90];
	v2 =	vadd.f32 v27, v2  }
0x1c0: {  	[tilespmem:$0x1FA00] =	vst v8;
	v25 =	vld.idx.msk [tilespmem:v20+s30+$0x100 ss:$0x1], $0xffff;
	v8 =	vnsel vm1, $0x0, v7  }
0x1c1: {  	v31 =	vadd.f32 v8, v2  }
0x1c2: {  	v36 =	vsub.f32 v30, v11  }
0x1c3: {  	s31 =	simm.s32 $0x80;
	v0 =	vmin.f32 v31, $1.000000000e+00  }
0x1c4: {  	s28 =	sand.u32 $0x3FFFFC00, s31;
	v0 =	vmul.f32 v0, v3;
	v3 =	vmul.f32 v36, v36;
	v36 =	vsub.f32 v21, v5;
	v5 =	vld [tilespmem:$0x1FE80]  }
0x1c5: {  	[tilespmem:$0x1FF40] =	vst v4;
	s28 =	sadd.s32 s28, s26;
	v4 =	vsub.f32 v25, v10  }
0x1c6: {  	v18 =	vsub.f32 v24, v6;
	s1 =	sadd.s32 s29, s28  }
0x1c7: {  	v17 =	vsub.f32 v21, v12;
	v2 =	vmul.f32 v4, v4;
	v4 =	vld [tilespmem:s1+$0x0]  }
0x1c8: {  	v18 =	vmul.f32 v18, v18;
	v23 =	vsub.f32 v30, v60  }
0x1c9: {  	v17 =	vmul.f32 v17, v17;
	v39 =	vsub.f32 v25, v63;
	v60 =	vsub.f32 v25, v5;
	v5 =	vld [tilespmem:$0x1FE70]  }
0x1ca: {  	v63 =	vimm.f32 $0.0e+00;
	v1 =	vadd.f32 v2, v1  }
0x1cb: {  	v2 =	vadd.f32 v18, v17;
	v17 =	vmul.f32 v39, v39;
	v18 =	vmin.f32 v32, $1.000000000e+00  }
0x1cc: {  	v22 =	vsub.f32 v24, v9;
	v4 =	vmul.f32 v18, v4;
	v0 =	vadd.f32 v0, v63  }
0x1cd: {  	v55 =	vsub.f32 v21, v14;
	v2 =	vadd.f32 v17, v2  }
0x1ce: {  	v17 =	vmul.f32 v22, v22;
	v0 =	vadd.f32 v4, v0;
	v22 =	vsub.f32 v24, v5;
	v5 =	vld [tilespmem:$0x1FE40]  }
0x1cf: {  	v26 =	vsub.f32 v25, v15;
	v1 =	vadd.f32 v3, v1;
	v3 =	vmul.f32 v55, v55  }
0x1d0: {  	[tilespmem:$0x1FA20] =	vst v0;
	v0 =	vmul.f32 v23, v23  }
0x1d1: {  	v3 =	vadd.f32 v17, v3;
	v4 =	vmul.f32 v26, v26  }
0x1d2: {  	v0 =	vadd.f32 v0, v2  }
0x1d3: {  	v2 =	vadd.f32 v4, v3;
	v3 =	vmul.f32 v36, v36;
	v36 =	vsub.f32 v25, v5;
	v5 =	vld [tilespmem:$0x1FE30];
	_ =	sdelay $0x2  }
0x1d4: {  	v39 =	vsub.f32 v24, v16;
	_ =	sdelay $0x1  }
0x1d5: {  	v4 =	vmul.f32 v39, v39;
	v39 =	vsub.f32 v24, v5;
	v5 =	vld [tilespmem:$0x1FE60];
	_ =	sdelay $0x2  }
0x1d6: {  	v55 =	vsub.f32 v30, v59;
	_ =	sdelay $0x1  }
0x1d7: {  	v59 =	vmul.f32 v55, v55;
	v55 =	vsub.f32 v30, v5;
	v5 =	vld [tilespmem:$0x1FE00];
	_ =	sdelay $0x3  }
0x1d8: {  	v1 =	vmul.f32 v19, v1;
	v19 =	vsub.f32 v21, v62  }
0x1d9: {  	v2 =	vadd.f32 v59, v2;
	v59 =	vsub.f32 v25, v5;
	v5 =	vld [tilespmem:$0x1FDD0]  }
0x1da: {  	v26 =	vsub.f32 v30, v61;
	v19 =	vmul.f32 v19, v19  }
0x1db: {  	v3 =	vadd.f32 v4, v3;
	v4 =	vmul.f32 v60, v60;
	v23 =	vmul.f32 v22, v22;
	_ =	sdelay $0x1  }
0x1dc: {  	v3 =	vadd.f32 v4, v3;
	v4 =	vadd.f32 v23, v19;
	v19 =	vmul.f32 v26, v26  }
0x1dd: {  	v1 =	vadd.f32 $0.0e+00, v1;
	v0 =	vmul.f32 v47, v0;
	v60 =	vsub.f32 v21, v5;
	v5 =	vld [tilespmem:$0x1FE20]  }
0x1de: {  	v3 =	vadd.f32 v19, v3;
	v19 =	vmul.f32 v36, v36  }
0x1df: {  	v2 =	vmul.f32 v48, v2;
	v0 =	vadd.f32 v0, v1  }
0x1e0: {  	v4 =	vadd.f32 v19, v4;
	v19 =	vmul.f32 v55, v55  }
0x1e1: {  	v0 =	vadd.f32 v2, v0  }
0x1e2: {  	v2 =	vadd.f32 v19, v4;
	v19 =	vsub.f32 v30, v5;
	v5 =	vld [tilespmem:$0x1FDC0];
	_ =	sdelay $0x4  }
0x1e3: {  	v26 =	vsub.f32 v25, v5;
	v5 =	vld [tilespmem:$0x1FD90];
	_ =	sdelay $0x4  }
0x1e4: {  	v36 =	vsub.f32 v21, v5;
	v5 =	vld [tilespmem:$0x1FDB0];
	_ =	sdelay $0x3  }
0x1e5: {  	v1 =	vld [tilespmem:$0x1FE10]  }
0x1e6: {  	v47 =	vmul.f32 v39, v39;
	v39 =	vsub.f32 v24, v5;
	v5 =	vld [tilespmem:$0x1FD80];
	_ =	sdelay $0x3  }
0x1e7: {  	v1 =	vsub.f32 v21, v1  }
0x1e8: {  	v22 =	vmul.f32 v60, v60;
	v60 =	vsub.f32 v25, v5;
	v5 =	vld [tilespmem:$0x1FDA0]  }
0x1e9: {  	v1 =	vmul.f32 v1, v1;
	_ =	sdelay $0x1  }
0x1ea: {  	v1 =	vadd.f32 v47, v1;
	v62 =	vmul.f32 v59, v59;
	_ =	sdelay $0x1  }
0x1eb: {  	v1 =	vadd.f32 v62, v1;
	v62 =	vsub.f32 v30, v5;
	v5 =	vld [tilespmem:$0x1FD40]  }
0x1ec: {  	v61 =	vsub.f32 v24, v52;
	_ =	sdelay $0x1  }
0x1ed: {  	v23 =	vmul.f32 v61, v61;
	_ =	sdelay $0x1  }
0x1ee: {  	v4 =	vadd.f32 v23, v22;
	v22 =	vsub.f32 v25, v5;
	v5 =	vld [tilespmem:$0x1FD20];
	_ =	sdelay $0x2  }
0x1ef: {  	v3 =	vmul.f32 v46, v3;
	_ =	sdelay $0x1  }
0x1f0: {  	v0 =	vadd.f32 v3, v0;
	v23 =	vsub.f32 v21, v5;
	v5 =	vld [tilespmem:$0x1FD30]  }
0x1f1: {  	v59 =	vsub.f32 v30, v54;
	v3 =	vmul.f32 v19, v19;
	v19 =	vmul.f32 v26, v26;
	_ =	sdelay $0x1  }
0x1f2: {  	v1 =	vadd.f32 v3, v1;
	v3 =	vadd.f32 v19, v4;
	v19 =	vmul.f32 v59, v59  }
0x1f3: {  	v52 =	vmul.f32 v36, v36;
	v55 =	vmul.f32 v39, v39  }
0x1f4: {  	v2 =	vmul.f32 v44, v2;
	v26 =	vsub.f32 v24, v5;
	v5 =	vld [tilespmem:$0x1FD60]  }
0x1f5: {  	v3 =	vadd.f32 v19, v3;
	v4 =	vadd.f32 v55, v52;
	v19 =	vmul.f32 v60, v60  }
0x1f6: {  	v0 =	vadd.f32 v2, v0;
	v1 =	vmul.f32 v53, v1  }
0x1f7: {  	v4 =	vadd.f32 v19, v4;
	v19 =	vmul.f32 v62, v62  }
0x1f8: {  	v2 =	vld [tilespmem:$0x1FD50];
	v0 =	vadd.f32 v1, v0  }
0x1f9: {  	v1 =	vadd.f32 v19, v4;
	v19 =	vsub.f32 v30, v5;
	v5 =	vld [tilespmem:$0x1FD10]  }
0x1fa: {  	v53 =	vld [tilespmem:$0x1FA30]  }
0x1fb: {  	v48 =	vld [tilespmem:$0x1FAA0]  }
0x1fc: {  	v61 =	vsub.f32 v24, v45;
	v54 =	vld [tilespmem:$0x1FA50]  }
0x1fd: {  	v2 =	vsub.f32 v21, v2;
	v55 =	vld [tilespmem:$0x1FA40];
	v39 =	vmul.f32 v23, v23;
	v49 =	vmul.f32 v26, v26  }
0x1fe: {  	v44 =	vmul.f32 v61, v61;
	v3 =	vmul.f32 v43, v3;
	v52 =	vld [tilespmem:$0x1FA60];
	v50 =	vsub.f32 v25, v5  }
0x1ff: {  	v2 =	vmul.f32 v2, v2;
	v59 =	vsub.f32 v21, v53;
	v4 =	vadd.f32 v49, v39;
	v49 =	vld [tilespmem:$0x1FA80]  }
0x200: {  	v0 =	vadd.f32 v3, v0;
	v3 =	vmul.f32 v19, v19;
	v19 =	vmul.f32 v50, v50;
	v50 =	vld [tilespmem:$0x1FA70]  }
0x201: {  	v2 =	vadd.f32 v44, v2;
	v61 =	vmul.f32 v59, v59;
	v1 =	vmul.f32 v41, v1  }
0x202: {  	v51 =	vld [tilespmem:$0x1FA90];
	v59 =	vsub.f32 v25, v48;
	v60 =	vsub.f32 v24, v55;
	v36 =	vmul.f32 v22, v22  }
0x203: {  	v22 =	vsub.f32 v30, v54;
	v0 =	vadd.f32 v1, v0  }
0x204: {  	v2 =	vadd.f32 v36, v2;
	v23 =	vsub.f32 v25, v52  }
0x205: {  	v46 =	vld [tilespmem:$0x1FAB0];
	v62 =	vmul.f32 v60, v60;
	v26 =	vsub.f32 v24, v49;
	v1 =	vsub.f32 v21, v50  }
0x206: {  	v47 =	vld [tilespmem:$0x1FAC0];
	v2 =	vadd.f32 v3, v2;
	v3 =	vadd.f32 v19, v4;
	v19 =	vmul.f32 v22, v22  }
0x207: {  	v36 =	vsub.f32 v30, v51;
	v41 =	vmul.f32 v26, v26;
	v1 =	vmul.f32 v1, v1  }
0x208: {  	v45 =	vld [tilespmem:$0x1FB00];
	v4 =	vadd.f32 v62, v61;
	v3 =	vadd.f32 v19, v3;
	v19 =	vmul.f32 v23, v23  }
0x209: {  	v39 =	vld [tilespmem:$0x1FAD0];
	v62 =	vmul.f32 v59, v59;
	v1 =	vadd.f32 v41, v1  }
0x20a: {  	v60 =	vsub.f32 v21, v46;
	v4 =	vadd.f32 v19, v4;
	v19 =	vmul.f32 v36, v36;
	v36 =	vld [tilespmem:$0x1FAE0]  }
0x20b: {  	v2 =	vmul.f32 v42, v2;
	v61 =	vsub.f32 v24, v47;
	v1 =	vadd.f32 v62, v1;
	v62 =	vld [tilespmem:$0x1FAF0];
	_ =	sdelay $0x1  }
0x20c: {  	v0 =	vadd.f32 v2, v0;
	v22 =	vmul.f32 v60, v60;
	v23 =	vmul.f32 v61, v61  }
0x20d: {  	v60 =	vsub.f32 v24, v45;
	v2 =	vadd.f32 v19, v4  }
0x20e: {  	v3 =	vmul.f32 v40, v3;
	v4 =	vadd.f32 v23, v22;
	v19 =	vsub.f32 v30, v39  }
0x20f: {  	v26 =	vsub.f32 v25, v36;
	v59 =	vsub.f32 v21, v62  }
0x210: {  	v0 =	vadd.f32 v3, v0;
	v22 =	vmul.f32 v60, v60;
	v3 =	vmul.f32 v19, v19  }
0x211: {  	v19 =	vmul.f32 v26, v26;
	v26 =	vld [tilespmem:$0x1FB10];
	v61 =	vmul.f32 v59, v59  }
0x212: {  	v1 =	vadd.f32 v3, v1  }
0x213: {  	v3 =	vadd.f32 v19, v4;
	v4 =	vadd.f32 v22, v61;
	v22 =	vld [tilespmem:$0x1FB20]  }
0x214: {  	v43 =	vld [tilespmem:$0x1FB40];
	_ =	sdelay $0x1  }
0x215: {  	v23 =	vsub.f32 v30, v26  }
0x216: {  	v60 =	vld [tilespmem:$0x1FB70]  }
0x217: {  	v19 =	vmul.f32 v23, v23;
	v23 =	vld [tilespmem:$0x1FB30];
	v44 =	vsub.f32 v25, v22  }
0x218: {  	v59 =	vsub.f32 v24, v43;
	v61 =	vld [tilespmem:$0x1FB60]  }
0x219: {  	v3 =	vadd.f32 v19, v3;
	v19 =	vmul.f32 v44, v44;
	v44 =	vld [tilespmem:$0x1FB50]  }
0x21a: {  	v2 =	vmul.f32 v37, v2;
	v37 =	vmul.f32 v59, v59;
	v59 =	vld [tilespmem:$0x1FB80];
	_ =	sdelay $0x1  }
0x21b: {  	v0 =	vadd.f32 v2, v0;
	v2 =	vsub.f32 v21, v23  }
0x21c: {  	v41 =	vsub.f32 v21, v60;
	v1 =	vmul.f32 v38, v1  }
0x21d: {  	v40 =	vsub.f32 v25, v61;
	v2 =	vmul.f32 v2, v2;
	v38 =	vsub.f32 v30, v44  }
0x21e: {  	v42 =	vsub.f32 v24, v59;
	v4 =	vadd.f32 v19, v4  }
0x21f: {  	v2 =	vadd.f32 v37, v2;
	v37 =	vmul.f32 v41, v41;
	v19 =	vmul.f32 v38, v38  }
0x220: {  	v20 =	vld [tilespmem:$0x1FBA0];
	v38 =	vmul.f32 v40, v40;
	v40 =	vmul.f32 v42, v42  }
0x221: {  	v18 =	vld [tilespmem:$0x1FBB0];
	v0 =	vadd.f32 v1, v0  }
0x222: {  	v1 =	vadd.f32 v19, v4;
	v4 =	vadd.f32 v40, v37;
	v40 =	vld [tilespmem:$0x1FB90]  }
0x223: {  	v41 =	vld [tilespmem:$0x1FBC0];
	_ =	sdelay $0x3  }
0x224: {  	v3 =	vmul.f32 v35, v3;
	v35 =	vsub.f32 v25, v20;
	v19 =	vsub.f32 v30, v40  }
0x225: {  	v14 =	vld [tilespmem:$0x1FC00];
	v42 =	vsub.f32 v24, v41;
	v37 =	vsub.f32 v21, v18  }
0x226: {  	v15 =	vld [tilespmem:$0x1FBF0];
	v0 =	vadd.f32 v3, v0;
	v3 =	vmul.f32 v19, v19;
	v19 =	vmul.f32 v35, v35  }
0x227: {  	v35 =	vmul.f32 v37, v37;
	v37 =	vmul.f32 v42, v42;
	v42 =	vld [tilespmem:$0x1FBD0]  }
0x228: {  	v12 =	vld [tilespmem:$0x1FC40]  }
0x229: {  	v17 =	vld [tilespmem:$0x1FBE0];
	v1 =	vmul.f32 v33, v1  }
0x22a: {  	[tilespmem:$0x1F9E0] =	vst v13;
	v13 =	vld [tilespmem:$0x1FC20];
	v2 =	vadd.f32 v38, v2  }
0x22b: {  	v16 =	vld [tilespmem:$0x1FC10];
	v0 =	vadd.f32 v1, v0;
	v1 =	vsub.f32 v21, v15  }
0x22c: {  	v11 =	vld [tilespmem:$0x1FC30];
	v38 =	vsub.f32 v30, v42  }
0x22d: {  	v1 =	vmul.f32 v1, v1;
	v2 =	vadd.f32 v3, v2;
	v3 =	vadd.f32 v19, v4  }
0x22e: {  	v4 =	vadd.f32 v37, v35;
	v37 =	vsub.f32 v25, v17;
	v19 =	vmul.f32 v38, v38  }
0x22f: {  	v10 =	vld [tilespmem:$0x1FC70];
	v35 =	vsub.f32 v25, v13;
	v2 =	vmul.f32 v34, v2;
	v38 =	vsub.f32 v24, v14  }
0x230: {  	v5 =	vld [tilespmem:$0x1FC80];
	v34 =	vsub.f32 v30, v16;
	v3 =	vadd.f32 v19, v3;
	v19 =	vmul.f32 v37, v37  }
0x231: {  	v33 =	vmul.f32 v38, v38;
	v37 =	vsub.f32 v21, v11;
	v38 =	vsub.f32 v24, v12  }
0x232: {  	v4 =	vadd.f32 v19, v4;
	v19 =	vmul.f32 v34, v34;
	v34 =	vmul.f32 v35, v35;
	v35 =	vld [tilespmem:$0x1FC60]  }
0x233: {  	v6 =	vld [tilespmem:$0x1FC90];
	v0 =	vadd.f32 v2, v0;
	v1 =	vadd.f32 v33, v1  }
0x234: {  	v33 =	vmul.f32 v37, v37;
	v37 =	vmul.f32 v38, v38;
	v38 =	vsub.f32 v25, v10  }
0x235: {  	v21 =	vsub.f32 v21, v5;
	v3 =	vmul.f32 v29, v3;
	v2 =	vadd.f32 v19, v4;
	v4 =	vld [tilespmem:$0x1FC50]  }
0x236: {  	s30 =	simm.s32 $0x20;
	s1 =	simm.s32 $0x80;
	v1 =	vadd.f32 v34, v1;
	v34 =	vmul.f32 v8, v28;
	v28 =	vmul.f32 v38, v38;
	v38 =	vld [tilespmem:$0x1FCA0]  }
0x237: {  	s29 =	sand.u32 $0x70, s30;
	s1 =	sand.u32 $0xFFFFFE00, s1;
	v19 =	vadd.f32 v37, v33;
	v8 =	vld [tilespmem:$0x1FCB0];
	v29 =	vsub.f32 v30, v35  }
0x238: {  	[tilespmem:$0x1FA10] =	vst v7;
	v7 =	vld [tilespmem:$0x1FCC0];
	s1 =	sor.u32 s29, s1;
	v24 =	vsub.f32 v24, v6;
	v0 =	vadd.f32 v3, v0;
	v2 =	vmul.f32 v56, v2  }
0x239: {  	v21 =	vmul.f32 v21, v21;
	v19 =	vadd.f32 v28, v19;
	v28 =	vld [tilespmem:s1+$0x80];
	v3 =	vmul.f32 v29, v29  }
0x23a: {  	v0 =	vadd.f32 v2, v0;
	v2 =	vsub.f32 v30, v58;
	v29 =	vmul.f32 v24, v24  }
0x23b: {  	v4 =	vmul.f32 v27, v4;
	v37 =	vsub.f32 v30, v38;
	v1 =	vadd.f32 v3, v1  }
0x23c: {  	v27 =	vld [tilespmem:s1+$0x180];
	v2 =	vmul.f32 v2, v2;
	v3 =	vsub.f32 v25, v8;
	v21 =	vadd.f32 v29, v21  }
0x23d: {  	v25 =	vld [tilespmem:s1+$0x100];
	v29 =	vmul.f32 v37, v37;
	v4 =	vadd.f32 v4, v7;
	v7 =	vimm.f32 $0.0e+00  }
0x23e: {  	v24 =	vld [tilespmem:s1+$0x0];
	v30 =	vmax.f32 v28, v12;
	v41 =	vmax.f32 v28, v41;
	v43 =	vmax.f32 v28, v43  }
0x23f: {  	v45 =	vmax.f32 v28, v45;
	v47 =	vmax.f32 v28, v47;
	v3 =	vmul.f32 v3, v3  }
0x240: {  	v1 =	vmul.f32 v57, v1;
	v37 =	vadd.f32 v29, v19;
	v19 =	vadd.f32 v31, v63  }
0x241: {  	v29 =	vmin.f32 v27, v38;
	v31 =	vmin.f32 v27, v35;
	v38 =	vmax.f32 v28, v14  }
0x242: {  	v3 =	vadd.f32 v3, v21;
	v0 =	vadd.f32 v1, v0;
	v1 =	vmin.f32 v25, v8  }
0x243: {  	v8 =	vsub.f32 v29, v30;
	v29 =	vmin.f32 v25, v13;
	v30 =	vmax.f32 v24, v15  }
0x244: {  	[tilespmem:$0x1FCE0] =	vst v0;
	v0 =	vadd.f32 v34, v4;
	v33 =	vadd.f32 v2, v3;
	v2 =	vmax.f32 v24, v5  }
0x245: {  	v3 =	vmin.f32 v27, v58;
	v4 =	vmax.f32 v28, v6;
	v63 =	vsub.f32 v29, v30  }
0x246: {  	v29 =	vmin.f32 v25, v17;
	v30 =	vmax.f32 v24, v18;
	v58 =	vsub.f32 v1, v2  }
0x247: {  	[tilespmem:$0x1FCD0] =	vst v7;
	v7 =	vsub.f32 v3, v4;
	v3 =	vmin.f32 v25, v10;
	v4 =	vmax.f32 v24, v11  }
0x248: {  	v2 =	vsub.f32 v29, v30;
	v29 =	vmin.f32 v25, v20;
	v30 =	vmax.f32 v24, v60  }
0x249: {  	v1 =	vsub.f32 v3, v4;
	v3 =	vsub.f32 v31, v38;
	v31 =	vmin.f32 v27, v16  }
0x24a: {  	v9 =	vsub.f32 v31, v41;
	v31 =	vmin.f32 v27, v42;
	v42 =	vmax.f32 v28, v59  }
0x24b: {  	[tilespmem:$0x1FCF0] =	vst v0;
	v0 =	vadd.f32 v32, v19;
	v57 =	vsub.f32 v31, v42;
	v31 =	vmin.f32 v27, v40  }
0x24c: {  	v59 =	vsub.f32 v29, v30;
	v20 =	vsub.f32 v31, v43;
	v31 =	vmin.f32 v27, v44  }
0x24d: {  	v30 =	vmax.f32 v24, v23;
	v23 =	vsub.f32 v31, v45;
	v31 =	vmin.f32 v27, v26  }
0x24e: {  	[tilespmem:$0x1FD00] =	vst v0;
	v0 =	vmax.f32 v28, v49;
	v18 =	vsub.f32 v31, v47;
	v31 =	vmin.f32 v27, v39  }
0x24f: {  	v10 =	vsub.f32 v31, v0;
	v31 =	vmin.f32 v27, v51;
	v0 =	vmax.f32 v28, v55  }
0x250: {  	v29 =	vmin.f32 v25, v61;
	v15 =	vsub.f32 v31, v0;
	v0 =	vld [tilespmem:$0x1FD10]  }
0x251: {  	v56 =	vsub.f32 v29, v30;
	v29 =	vmin.f32 v25, v22;
	v30 =	vmax.f32 v24, v62  }
0x252: {  	v4 =	vsub.f32 v29, v30;
	v29 =	vmin.f32 v25, v36;
	v30 =	vmax.f32 v24, v46  }
0x253: {  	v34 =	vsub.f32 v29, v30;
	v29 =	vmin.f32 v25, v48;
	v30 =	vmax.f32 v24, v50  }
0x254: {  	v17 =	vsub.f32 v29, v30;
	v29 =	vmin.f32 v25, v52;
	v30 =	vmax.f32 v24, v53  }
0x255: {  	v14 =	vsub.f32 v29, v30;
	v29 =	vmin.f32 v25, v0;
	v0 =	vld [tilespmem:$0x1FD20];
	_ =	sdelay $0x4  }
0x256: {  	v30 =	vmax.f32 v24, v0;
	v0 =	vld [tilespmem:$0x1FD30];
	_ =	sdelay $0x4  }
0x257: {  	v31 =	vmin.f32 v27, v54;
	v0 =	vmax.f32 v28, v0  }
0x258: {  	v13 =	vsub.f32 v31, v0;
	v0 =	vld [tilespmem:$0x1FD40];
	_ =	sdelay $0x4  }
0x259: {  	v11 =	vsub.f32 v29, v30;
	v29 =	vmin.f32 v25, v0;
	v0 =	vld [tilespmem:$0x1FD50];
	_ =	sdelay $0x4  }
0x25a: {  	v30 =	vmax.f32 v24, v0;
	v0 =	vld [tilespmem:$0x1FD60];
	_ =	sdelay $0x4  }
0x25b: {  	v31 =	vmin.f32 v27, v0;
	v0 =	vld [tilespmem:$0x1FD70];
	_ =	sdelay $0x4  }
0x25c: {  	v0 =	vmax.f32 v28, v0  }
0x25d: {  	v16 =	vsub.f32 v31, v0;
	v0 =	vld [tilespmem:$0x1FD80];
	_ =	sdelay $0x4  }
0x25e: {  	v12 =	vsub.f32 v29, v30;
	v29 =	vmin.f32 v25, v0;
	v0 =	vld [tilespmem:$0x1FD90];
	_ =	sdelay $0x4  }
0x25f: {  	v30 =	vmax.f32 v24, v0;
	v0 =	vld [tilespmem:$0x1FDA0];
	_ =	sdelay $0x4  }
0x260: {  	v31 =	vmin.f32 v27, v0;
	v0 =	vld [tilespmem:$0x1FDB0];
	_ =	sdelay $0x4  }
0x261: {  	v60 =	vmax.f32 v28, v0;
	v0 =	vld [tilespmem:$0x1FDC0];
	_ =	sdelay $0x4  }
0x262: {  	v44 =	vsub.f32 v29, v30;
	v29 =	vmin.f32 v25, v0;
	v0 =	vld [tilespmem:$0x1FDD0];
	_ =	sdelay $0x4  }
0x263: {  	v30 =	vmax.f32 v24, v0;
	v0 =	vld [tilespmem:$0x1FDE0];
	_ =	sdelay $0x4  }
0x264: {  	v43 =	vsub.f32 v31, v60;
	v31 =	vmin.f32 v27, v0;
	v0 =	vld [tilespmem:$0x1FDF0];
	_ =	sdelay $0x4  }
0x265: {  	v61 =	vmax.f32 v28, v0;
	v0 =	vld [tilespmem:$0x1FE00];
	_ =	sdelay $0x4  }
0x266: {  	v45 =	vsub.f32 v29, v30;
	v29 =	vmin.f32 v25, v0;
	v0 =	vld [tilespmem:$0x1FE10];
	_ =	sdelay $0x4  }
0x267: {  	v30 =	vmax.f32 v24, v0;
	v0 =	vld [tilespmem:$0x1FE20];
	_ =	sdelay $0x4  }
0x268: {  	v46 =	vsub.f32 v31, v61;
	v31 =	vmin.f32 v27, v0;
	v0 =	vld [tilespmem:$0x1FE30];
	_ =	sdelay $0x4  }
0x269: {  	v62 =	vmax.f32 v28, v0;
	v0 =	vld [tilespmem:$0x1FE40];
	_ =	sdelay $0x4  }
0x26a: {  	v49 =	vsub.f32 v29, v30;
	v30 =	vmin.f32 v25, v0;
	v0 =	vld [tilespmem:$0x1FE50];
	_ =	sdelay $0x4  }
0x26b: {  	v29 =	vsub.f32 v31, v62;
	v31 =	vmax.f32 v24, v0;
	v0 =	vld [tilespmem:$0x1FE60];
	_ =	sdelay $0x4  }
0x26c: {  	v21 =	vmin.f32 v27, v0;
	v0 =	vld [tilespmem:$0x1FE70];
	_ =	sdelay $0x4  }
0x26d: {  	v22 =	vmax.f32 v28, v0;
	v0 =	vld [tilespmem:$0x1FE80];
	_ =	sdelay $0x4  }
0x26e: {  	v48 =	vsub.f32 v30, v31;
	v30 =	vmin.f32 v25, v0;
	v0 =	vld [tilespmem:$0x1FE90];
	_ =	sdelay $0x4  }
0x26f: {  	v31 =	vmax.f32 v24, v0;
	v0 =	vld [tilespmem:$0x1FEA0];
	_ =	sdelay $0x4  }
0x270: {  	v26 =	vmin.f32 v27, v0;
	v0 =	vld [tilespmem:$0x1FEB0];
	_ =	sdelay $0x4  }
0x271: {  	v35 =	vmax.f32 v28, v0;
	v0 =	vld [tilespmem:$0x1FEC0];
	_ =	sdelay $0x4  }
0x272: {  	v36 =	vmin.f32 v25, v0;
	v0 =	vld [tilespmem:$0x1FED0];
	_ =	sdelay $0x4  }
0x273: {  	v38 =	vmax.f32 v24, v0;
	v0 =	vld [tilespmem:$0x1FEE0];
	_ =	sdelay $0x4  }
0x274: {  	v39 =	vmin.f32 v27, v0;
	v0 =	vld [tilespmem:$0x1FEF0];
	_ =	sdelay $0x4  }
0x275: {  	v40 =	vmax.f32 v28, v0;
	v0 =	vld [tilespmem:$0x1FF00];
	_ =	sdelay $0x4  }
0x276: {  	v41 =	vmin.f32 v25, v0;
	v0 =	vld [tilespmem:$0x1FF10];
	_ =	sdelay $0x4  }
0x277: {  	v42 =	vmax.f32 v24, v0;
	v0 =	vld [tilespmem:$0x1FF20];
	_ =	sdelay $0x4  }
0x278: {  	v60 =	vmin.f32 v27, v0;
	v0 =	vld [tilespmem:$0x1FF30];
	_ =	sdelay $0x4  }
0x279: {  	v61 =	vmax.f32 v28, v0;
	v0 =	vld [tilespmem:$0x1FF40];
	_ =	sdelay $0x4  }
0x27a: {  	v0 =	vmul.f32 v0, v37;
	_ =	sdelay $0x1  }
0x27b: {  	[tilespmem:$0x1FF50] =	vst v0;
	v0 =	vld [tilespmem:$0x1FF60];
	_ =	sdelay $0x3  }
0x27c: {  	v5 =	vld [tilespmem:$0x1FF80]  }
0x27d: {  	v62 =	vsub.f32 v25, v24;
	v25 =	vmin.f32 v25, v0;
	v0 =	vld [tilespmem:$0x1FF70];
	_ =	sdelay $0x4  }
0x27e: {  	v24 =	vmax.f32 v24, v0;
	v0 =	vsub.f32 v27, v28;
	v27 =	vmin.f32 v27, v5;
	v5 =	vld [tilespmem:$0x1FF90];
	_ =	sdelay $0x1  }
0x27f: {  	v6 =	vld [tilespmem:$0x1FFB0];
	_ =	sdelay $0x2  }
0x280: {  	v28 =	vmax.f32 v28, v5;
	v5 =	vld [tilespmem:$0x1FFA0];
	_ =	sdelay $0x4  }
0x281: {  	v19 =	vmul.f32 v5, v33;
	v5 =	vld.idx.msk [tilespmem:v6+s1+$0x80 ss:$0x1], $0xffff;
	_ =	sdelay $0x4  }
0x282: {  	[tilespmem:$0x1FFD0] =	vst v5;
	v5 =	vld.idx.msk [tilespmem:v6+s1+$0x100 ss:$0x1], $0xffff;
	_ =	sdelay $0x2  }
0x283: {  	v3 =	vmax.f32 v3, $0.0e+00;
	v50 =	vsub.f32 v21, v22;
	v30 =	vsub.f32 v30, v31  }
0x284: {  	v31 =	vsub.f32 v26, v35;
	v52 =	vsub.f32 v36, v38;
	v33 =	vmul.f32 v0, v62;
	v0 =	vld.idx.msk [tilespmem:v6+s1+$0x0 ss:$0x1], $0xffff  }
0x285: {  	v59 =	vmax.f32 v59, $0.0e+00;
	v51 =	vsub.f32 v39, v40;
	v47 =	vsub.f32 v41, v42;
	[tilespmem:$0x1FFE0] =	vst v5;
	v5 =	vld.idx.msk [tilespmem:v6+s1+$0x180 ss:$0x1], $0xffff  }
0x286: {  	v53 =	vsub.f32 v60, v61;
	v61 =	vmax.f32 v56, $0.0e+00;
	v60 =	vmax.f32 v57, $0.0e+00  }
0x287: {  	v56 =	vmax.f32 v4, $0.0e+00;
	v57 =	vmax.f32 v23, $0.0e+00;
	v4 =	vmax.f32 v20, $0.0e+00  }
0x288: {  	v54 =	vsub.f32 v25, v24;
	v55 =	vsub.f32 v27, v28;
	v28 =	vmax.f32 v58, $0.0e+00  }
0x289: {  	v58 =	vmax.f32 v63, $0.0e+00;
	v63 =	vmax.f32 v1, $0.0e+00;
	v1 =	vmax.f32 v8, $0.0e+00;
	[tilespmem:$0x1FFC0] =	vst v0  }
0x28a: {  	s31 =	simm.s32 $0x3;
	s28 =	simm.s32 $0x2;
	v62 =	vmax.f32 v7, $0.0e+00;
	v0 =	vmax.f32 v2, $0.0e+00;
	v2 =	vmax.f32 v9, $0.0e+00;
	[tilespmem:$0x1FFF0] =	vst v5  }
.LBB2_3:
0x28b: {  	v26 =	vmax.f32 v31, $0.0e+00;
	v31 =	vmul.f32 v2, v0;
	v2 =	vld [tilespmem:$0x1F8D0];
	_ =	sdelay $0x3  }
0x28c: {  	v40 =	vmax.f32 v15, $0.0e+00;
	v15 =	vld [tilespmem:$0x1F890]  }
0x28d: {  	v38 =	vadd.f32 v2, v33;
	v2 =	vld [tilespmem:$0x1F8B0];
	_ =	sdelay $0x3  }
0x28e: {  	v53 =	vmax.f32 v53, $0.0e+00;
	v47 =	vmax.f32 v47, $0.0e+00  }
0x28f: {  	v39 =	vadd.f32 v2, v33;
	v2 =	vmul.f32 v53, v47;
	v53 =	vadd.f32 v15, v33;
	v15 =	vld [tilespmem:$0x1F780];
	_ =	sdelay $0x1  }
0x290: {  	v6 =	vmax.f32 v14, $0.0e+00;
	v14 =	vmax.f32 v29, $0.0e+00;
	v29 =	vmul.f32 v1, v63;
	v1 =	vld [tilespmem:$0x1F910];
	_ =	sdelay $0x2  }
0x291: {  	v42 =	vmax.f32 v34, $0.0e+00;
	v34 =	vmul.f32 v4, v61;
	v61 =	vadd.f32 v15, v33;
	v15 =	vld [tilespmem:$0x1F790];
	_ =	sdelay $0x1  }
0x292: {  	v36 =	vadd.f32 v1, v33;
	v1 =	vld [tilespmem:$0x1F930];
	_ =	sdelay $0x2  }
0x293: {  	v63 =	vadd.f32 v15, v33;
	v15 =	vld [tilespmem:$0x1F7A0]  }
0x294: {  	v0 =	vld [tilespmem:$0x1F8F0]  }
0x295: {  	v35 =	vadd.f32 v1, v33;
	v1 =	vld [tilespmem:$0x1F760];
	_ =	sdelay $0x1  }
0x296: {  	v25 =	vmax.f32 v30, $0.0e+00;
	v30 =	vmul.f32 v3, v58;
	v3 =	vld [tilespmem:$0x1F770]  }
0x297: {  	v22 =	vadd.f32 v15, v33;
	v15 =	vld [tilespmem:$0x1F7B0]  }
0x298: {  	v32 =	vmax.f32 v54, $0.0e+00;
	v55 =	vmax.f32 v55, $0.0e+00  }
0x299: {  	v37 =	vadd.f32 v0, v33;
	v0 =	vmul.f32 v55, v32;
	v1 =	vadd.f32 v1, v33  }
0x29a: {  	v24 =	vmax.f32 v52, $0.0e+00  }
0x29b: {  	v51 =	vmax.f32 v51, $0.0e+00;
	v3 =	vadd.f32 v3, v33;
	v1 =	vsub.f32 v1, v0  }
0x29c: {  	v4 =	vmul.f32 v51, v24;
	v24 =	vadd.f32 v15, v33;
	v15 =	vld [tilespmem:$0x1F7C0]  }
0x29d: {  	v3 =	vsub.f32 v3, v2;
	(erf) = vrcp.f32 v1;
	_ =	sdelay $0x1  }
0x29e: {  	v7 =	vmax.f32 v10, $0.0e+00;
	v10 =	vmax.f32 v13, $0.0e+00;
	(erf) = vrcp.f32 v3  }
0x29f: {  	v28 =	vmul.f32 v62, v28;
	v62 =	vsub.f32 v61, v4;
	v1 =	vmul.f32 v26, v25  }
0x2a0: {  	v48 =	vmax.f32 v48, $0.0e+00;
	v13 =	vmax.f32 v50, $0.0e+00;
	v25 =	vadd.f32 v15, v33;
	v15 =	vld [tilespmem:$0x1F7D0]  }
0x2a1: {  	v3 =	vmul.f32 v13, v48;
	(erf) = vrcp.f32 v62;
	v13 =	vsub.f32 v63, v1  }
0x2a2: {  	v41 =	vmax.f32 v17, $0.0e+00;
	v8 =	vmax.f32 v12, $0.0e+00  }
0x2a3: {  	v9 =	vmax.f32 v11, $0.0e+00;
	v11 =	vmax.f32 v16, $0.0e+00;
	(erf) = vrcp.f32 v13  }
0x2a4: {  	v5 =	vmax.f32 v18, $0.0e+00;
	v45 =	vmax.f32 v45, $0.0e+00;
	v8 =	vmul.f32 v11, v8;
	v11 =	vld [tilespmem:$0x1F7E0]  }
0x2a5: {  	v12 =	vmax.f32 v49, $0.0e+00;
	v49 =	vmul.f32 v57, v56;
	v56 =	vpop (erf);
	v54 =	vadd.f32 v15, v33;
	v15 =	vld [tilespmem:$0x1F7F0]  }
0x2a6: {  	v46 =	vmax.f32 v46, $0.0e+00;
	v50 =	vmul.f32 v5, v42;
	v0 =	vmul.f32 v56, v0  }
0x2a7: {  	v21 =	vmul.f32 v7, v41;
	v12 =	vmul.f32 v14, v12;
	v23 =	vsub.f32 v22, v3;
	v58 =	vpop (erf)  }
0x2a8: {  	v9 =	vmul.f32 v10, v9;
	vm0 =	vge.f32 v0, $5.500000120e-01;
	v0 =	vmul.f32 v58, v2  }
0x2a9: {  	v10 =	vld [tilespmem:$0x1F810];
	v13 =	vmul.f32 v46, v45;
	(erf) = vrcp.f32 v23;
	v41 =	vsub.f32 v24, v12  }
0x2aa: {  	v2 =	vld [tilespmem:$0x1F800];
	vm9 =	vge.f32 v0, $5.500000120e-01;
	v55 =	vadd.f32 v15, v33;
	v15 =	vadd.f32 v11, v33;
	v11 =	vpop (erf)  }
0x2ab: {  	(erf) = vrcp.f32 v41;
	v42 =	vsub.f32 v25, v13;
	v0 =	vmul.f32 v11, v4;
	v4 =	vld [tilespmem:$0x1F820]  }
0x2ac: {  	v43 =	vmax.f32 v43, $0.0e+00;
	v44 =	vmax.f32 v44, $0.0e+00;
	v11 =	vpop (erf)  }
0x2ad: {  	(erf) = vrcp.f32 v42;
	vm10 =	vge.f32 v0, $5.500000120e-01;
	v0 =	vmul.f32 v11, v1;
	v1 =	vld [tilespmem:$0x1F840]  }
0x2ae: {  	v10 =	vadd.f32 v10, v33;
	v26 =	vmul.f32 v43, v44  }
0x2af: {  	v6 =	vmul.f32 v40, v6;
	v32 =	vmul.f32 v60, v59;
	v59 =	vnsel vm0, $0x0, v2  }
0x2b0: {  	v57 =	vsub.f32 v54, v26;
	v61 =	vnsel vm9, $0x0, v4;
	v4 =	vsub.f32 v55, v9  }
0x2b1: {  	v60 =	vadd.f32 $0.0e+00, v59;
	v2 =	vsub.f32 v15, v8  }
0x2b2: {  	v14 =	vld [tilespmem:$0x1F830];
	(erf) = vrcp.f32 v57;
	v62 =	vnsel vm10, $0x0, v1;
	v1 =	vsub.f32 v10, v6;
	v10 =	vpop (erf)  }
0x2b3: {  	(erf) = vrcp.f32 v2;
	vm11 =	vge.f32 v0, $5.500000120e-01;
	v0 =	vmul.f32 v10, v3;
	v3 =	vld [tilespmem:$0x1F860]  }
0x2b4: {  	v7 =	vld [tilespmem:$0x1F850];
	(erf) = vrcp.f32 v4;
	v4 =	vpop (erf)  }
0x2b5: {  	v5 =	vld [tilespmem:$0x1F870];
	v2 =	vadd.f32 v61, v60;
	vm12 =	vge.f32 v0, $5.500000120e-01;
	v0 =	vmul.f32 v4, v12  }
0x2b6: {  	v4 =	vpop (erf)  }
0x2b7: {  	v2 =	vadd.f32 v62, v2;
	vm13 =	vge.f32 v0, $5.500000120e-01;
	v0 =	vmul.f32 v4, v13;
	v4 =	vld [tilespmem:$0x1F8A0]  }
0x2b8: {  	v14 =	vadd.f32 v14, v33;
	v63 =	vnsel vm11, $0x0, v3  }
0x2b9: {  	v7 =	vadd.f32 v7, v33;
	(erf) = vrcp.f32 v1;
	v1 =	vadd.f32 v63, v2;
	v2 =	vld [tilespmem:$0x1F880]  }
0x2ba: {  	v5 =	vadd.f32 v5, v33;
	v10 =	vsub.f32 v14, v21  }
0x2bb: {  	v7 =	vsub.f32 v7, v50  }
0x2bc: {  	(erf) = vrcp.f32 v10;
	v3 =	vpop (erf);
	v54 =	vnsel vm13, $0x0, v4;
	v4 =	vsub.f32 v5, v49  }
0x2bd: {  	(erf) = vrcp.f32 v7;
	vm14 =	vge.f32 v0, $5.500000120e-01;
	v0 =	vmul.f32 v3, v26;
	v3 =	vld [tilespmem:$0x1F8C0]  }
0x2be: {  	v52 =	vnsel vm12, $0x0, v2;
	v2 =	vpop (erf);
	(erf) = vrcp.f32 v4;
	v4 =	vld [tilespmem:$0x1F8E0];
	_ =	sdelay $0x3  }
0x2bf: {  	vm15 =	vge.f32 v0, $5.500000120e-01;
	v55 =	vnsel vm14, $0x0, v3;
	v3 =	vsub.f32 v53, v34  }
0x2c0: {  	v0 =	vmul.f32 v2, v8;
	v41 =	vnsel vm15, $0x0, v4;
	v4 =	vsub.f32 v39, v32  }
0x2c1: {  	v2 =	vpop (erf);
	(erf) = vrcp.f32 v3;
	v3 =	vld [tilespmem:$0x1F900]  }
0x2c2: {  	vm4 =	vge.f32 v0, $5.500000120e-01;
	v0 =	vmul.f32 v2, v9;
	v2 =	vpop (erf);
	(erf) = vrcp.f32 v4;
	v4 =	vld [tilespmem:$0x1F920];
	_ =	sdelay $0x1  }
0x2c3: {  	vm5 =	vge.f32 v0, $5.500000120e-01;
	v0 =	vmul.f32 v2, v6;
	_ =	sdelay $0x1  }
0x2c4: {  	v2 =	vpop (erf);
	v24 =	vnsel vm4, $0x0, v3;
	v3 =	vsub.f32 v38, v31;
	vm6 =	vge.f32 v0, $5.500000120e-01  }
0x2c5: {  	v5 =	vld [tilespmem:$0x1F960];
	v0 =	vmul.f32 v2, v21;
	v25 =	vnsel vm5, $0x0, v4;
	v4 =	vsub.f32 v37, v30  }
0x2c6: {  	v2 =	vpop (erf);
	(erf) = vrcp.f32 v3;
	v3 =	vld [tilespmem:$0x1F940]  }
0x2c7: {  	vm7 =	vge.f32 v0, $5.500000120e-01;
	v0 =	vmul.f32 v2, v50;
	(erf) = vrcp.f32 v4;
	v4 =	vld [tilespmem:$0x1F950]  }
0x2c8: {  	v1 =	vadd.f32 v52, v1;
	v2 =	vpop (erf)  }
0x2c9: {  	v17 =	vld [tilespmem:$0x1FFC0];
	vm8 =	vge.f32 v0, $5.500000120e-01;
	v0 =	vmul.f32 v2, v49  }
0x2ca: {  	v33 =	vld [tilespmem:$0x1FFE0];
	v1 =	vadd.f32 v54, v1;
	v22 =	vnsel vm8, $0x0, v5  }
0x2cb: {  	v2 =	vpop (erf);
	v5 =	vld [tilespmem:$0x1F990];
	vm9 =	vge.f32 v0, $5.500000120e-01;
	v26 =	vnsel vm6, $0x0, v3;
	v3 =	vsub.f32 v36, v29  }
0x2cc: {  	v0 =	vmul.f32 v2, v34;
	v34 =	vld [tilespmem:$0x1FFD0];
	v21 =	vnsel vm7, $0x0, v4;
	v4 =	vsub.f32 v35, v28  }
0x2cd: {  	(erf) = vrcp.f32 v3;
	v3 =	vld [tilespmem:$0x1FF70]  }
0x2ce: {  	v1 =	vadd.f32 v55, v1;
	(erf) = vrcp.f32 v4;
	v4 =	vld [tilespmem:$0x1FF90]  }
0x2cf: {  	v6 =	vld [tilespmem:$0x1F9A0]  }
0x2d0: {  	v1 =	vadd.f32 v41, v1;
	v23 =	vnsel vm9, $0x0, v5;
	v5 =	vld [tilespmem:$0x1FF60];
	_ =	sdelay $0x1  }
0x2d1: {  	v1 =	vadd.f32 v24, v1  }
0x2d2: {  	vm10 =	vge.f32 v0, $5.500000120e-01;
	v3 =	vsub.f32 v17, v3;
	v4 =	vsub.f32 v34, v4  }
0x2d3: {  	v7 =	vld [tilespmem:$0x1FF30];
	v1 =	vadd.f32 v25, v1;
	v14 =	vnsel vm10, $0x0, v6  }
0x2d4: {  	v6 =	vld [tilespmem:$0x1FF10];
	v5 =	vsub.f32 v33, v5;
	v3 =	vmul.f32 v3, v3;
	v4 =	vmul.f32 v4, v4  }
0x2d5: {  	v1 =	vadd.f32 v26, v1;
	v2 =	vpop (erf)  }
0x2d6: {  	v0 =	vmul.f32 v2, v32;
	v3 =	vadd.f32 v4, v3;
	v4 =	vmul.f32 v5, v5;
	v5 =	vld [tilespmem:$0x1F9D0]  }
0x2d7: {  	v2 =	vpop (erf)  }
0x2d8: {  	v8 =	vld [tilespmem:$0x1F9C0];
	vm11 =	vge.f32 v0, $5.500000120e-01;
	v0 =	vmul.f32 v2, v31;
	v1 =	vadd.f32 v21, v1  }
0x2d9: {  	v7 =	vsub.f32 v34, v7;
	v6 =	vsub.f32 v17, v6;
	v2 =	vpop (erf)  }
0x2da: {  	vm12 =	vge.f32 v0, $5.500000120e-01;
	v1 =	vadd.f32 v22, v1;
	v0 =	vmul.f32 v2, v30  }
0x2db: {  	v2 =	vpop (erf);
	v31 =	vnsel vm12, $0x0, v5;
	v5 =	vmul.f32 v6, v6;
	v6 =	vmul.f32 v7, v7;
	v7 =	vld [tilespmem:$0x1F9E0]  }
0x2dc: {  	vm13 =	vge.f32 v0, $5.500000120e-01;
	v0 =	vmul.f32 v2, v29  }
0x2dd: {  	v13 =	vnsel vm11, $0x0, v8;
	v8 =	vld [tilespmem:$0x1FA00];
	v1 =	vadd.f32 v23, v1;
	v2 =	vpop (erf)  }
0x2de: {  	vm14 =	vge.f32 v0, $5.500000120e-01;
	v0 =	vmul.f32 v2, v28;
	v2 =	vld [tilespmem:$0x1FF80]  }
0x2df: {  	v1 =	vadd.f32 v14, v1;
	v28 =	vld [tilespmem:$0x1FFF0]  }
0x2e0: {  	v30 =	vnsel vm13, $0x0, v7;
	v7 =	vld [tilespmem:$0x1FF00]  }
0x2e1: {  	v1 =	vadd.f32 v13, v1;
	vm15 =	vge.f32 v0, $5.500000120e-01;
	v0 =	vadd.f32 v4, v3;
	v4 =	vld [tilespmem:$0x1FA10];
	_ =	sdelay $0x1  }
0x2e2: {  	s1 =	sshll.u32 s28, $0x7;
	v9 =	vld [tilespmem:$0x1FED0];
	v1 =	vadd.f32 v31, v1  }
0x2e3: {  	s1 =	sand.u32 $0x3FFFFC00, s1;
	v2 =	vsub.f32 v28, v2  }
0x2e4: {  	s1 =	sadd.s32 s1, s26;
	v1 =	vadd.f32 v30, v1;
	v7 =	vsub.f32 v33, v7  }
0x2e5: {  	s1 =	sadd.s32 s29, s1;
	v11 =	vld [tilespmem:$0x1FEB0];
	v29 =	vnsel vm14, $0x0, v8;
	v10 =	vnsel vm15, $0x0, v4;
	v2 =	vmul.f32 v2, v2  }
0x2e6: {  	v8 =	vld [tilespmem:s1+$0x0];
	v4 =	vadd.f32 v6, v5;
	v1 =	vadd.f32 v29, v1;
	v5 =	vmul.f32 v7, v7  }
0x2e7: {  	v9 =	vsub.f32 v17, v9;
	v3 =	vld [tilespmem:$0x1FEF0];
	v0 =	vadd.f32 v2, v0  }
0x2e8: {  	v32 =	vadd.f32 v10, v1;
	v2 =	vadd.f32 v5, v4;
	v5 =	vld [tilespmem:$0x1FA20]  }
0x2e9: {  	[tilespmem:$0x1F710] =	vst v10;
	v10 =	vld [tilespmem:$0x1FE90]  }
0x2ea: {  	v6 =	vmul.f32 v9, v9;
	v7 =	vld [tilespmem:$0x1FEC0];
	v9 =	vmin.f32 v32, $1.000000000e+00  }
0x2eb: {  	v8 =	vmul.f32 v9, v8  }
0x2ec: {  	v3 =	vsub.f32 v34, v3  }
0x2ed: {  	v1 =	vld [tilespmem:$0x1FF20];
	v5 =	vadd.f32 v8, v5  }
0x2ee: {  	v3 =	vmul.f32 v3, v3;
	v9 =	vld [tilespmem:$0x1FE50];
	v10 =	vsub.f32 v17, v10  }
0x2ef: {  	v11 =	vsub.f32 v34, v11;
	v7 =	vsub.f32 v33, v7;
	[tilespmem:$0x1FA20] =	vst v5;
	v5 =	vld [tilespmem:$0x1FEE0]  }
0x2f0: {  	v3 =	vadd.f32 v3, v6;
	v6 =	vmul.f32 v10, v10;
	v8 =	vld [tilespmem:$0x1FE80]  }
0x2f1: {  	v4 =	vmul.f32 v7, v7;
	v7 =	vmul.f32 v11, v11  }
0x2f2: {  	v1 =	vsub.f32 v28, v1  }
0x2f3: {  	v3 =	vadd.f32 v4, v3;
	v4 =	vadd.f32 v7, v6;
	v7 =	vld [tilespmem:$0x1FEA0]  }
0x2f4: {  	v1 =	vmul.f32 v1, v1;
	v10 =	vld [tilespmem:$0x1FE10];
	v5 =	vsub.f32 v28, v5  }
0x2f5: {  	v9 =	vsub.f32 v17, v9;
	v8 =	vsub.f32 v33, v8  }
0x2f6: {  	v0 =	vmul.f32 v59, v0;
	v1 =	vadd.f32 v1, v2;
	v2 =	vmul.f32 v5, v5;
	v5 =	vld [tilespmem:$0x1FE70]  }
0x2f7: {  	v6 =	vmul.f32 v8, v8;
	v8 =	vmul.f32 v9, v9;
	v9 =	vld [tilespmem:$0x1FE40]  }
0x2f8: {  	v11 =	vld [tilespmem:$0x1FE30];
	v7 =	vsub.f32 v28, v7  }
0x2f9: {  	v0 =	vadd.f32 $0.0e+00, v0;
	v10 =	vsub.f32 v17, v10  }
0x2fa: {  	v1 =	vmul.f32 v61, v1;
	v7 =	vmul.f32 v7, v7;
	v2 =	vadd.f32 v2, v3  }
0x2fb: {  	v3 =	vadd.f32 v6, v4;
	v6 =	vmul.f32 v10, v10;
	v10 =	vld [tilespmem:$0x1FE00];
	v5 =	vsub.f32 v34, v5  }
0x2fc: {  	v12 =	vld [tilespmem:$0x1FDF0];
	v0 =	vadd.f32 v1, v0;
	v9 =	vsub.f32 v33, v9  }
0x2fd: {  	v11 =	vsub.f32 v34, v11;
	v1 =	vadd.f32 v7, v3;
	v7 =	vld [tilespmem:$0x1FE20];
	v5 =	vmul.f32 v5, v5  }
0x2fe: {  	v4 =	vmul.f32 v9, v9;
	v9 =	vld [tilespmem:$0x1FE60]  }
0x2ff: {  	v5 =	vadd.f32 v5, v8;
	v8 =	vmul.f32 v11, v11;
	v11 =	vld [tilespmem:$0x1FDD0]  }
0x300: {  	v10 =	vsub.f32 v33, v10;
	_ =	sdelay $0x1  }
0x301: {  	v4 =	vadd.f32 v4, v5;
	v5 =	vadd.f32 v8, v6;
	v6 =	vmul.f32 v10, v10;
	v10 =	vld [tilespmem:$0x1FDC0]  }
0x302: {  	v2 =	vmul.f32 v62, v2;
	v7 =	vsub.f32 v28, v7;
	v9 =	vsub.f32 v28, v9  }
0x303: {  	v12 =	vsub.f32 v34, v12;
	v11 =	vsub.f32 v17, v11  }
0x304: {  	v0 =	vadd.f32 v2, v0;
	v2 =	vmul.f32 v7, v7;
	v7 =	vld [tilespmem:$0x1FDB0];
	v3 =	vmul.f32 v9, v9  }
0x305: {  	v9 =	vmul.f32 v12, v12;
	v8 =	vmul.f32 v11, v11;
	v11 =	vld [tilespmem:$0x1FD90]  }
0x306: {  	v3 =	vadd.f32 v3, v4;
	v10 =	vsub.f32 v33, v10  }
0x307: {  	v4 =	vadd.f32 v6, v5;
	v6 =	vadd.f32 v9, v8;
	v9 =	vld [tilespmem:$0x1FDE0]  }
0x308: {  	v5 =	vmul.f32 v10, v10;
	v10 =	vld [tilespmem:$0x1FD80]  }
0x309: {  	v1 =	vmul.f32 v63, v1  }
0x30a: {  	v58 =	vld [tilespmem:$0x1FD20];
	v7 =	vsub.f32 v34, v7;
	v11 =	vsub.f32 v17, v11  }
0x30b: {  	v0 =	vadd.f32 v1, v0;
	v12 =	vld [tilespmem:$0x1FD70]  }
0x30c: {  	v7 =	vmul.f32 v7, v7;
	v8 =	vmul.f32 v11, v11;
	v9 =	vsub.f32 v28, v9;
	v11 =	vld [tilespmem:$0x1FD50]  }
0x30d: {  	v62 =	vld [tilespmem:$0x1FA40];
	v3 =	vmul.f32 v52, v3;
	v1 =	vadd.f32 v2, v4;
	v10 =	vsub.f32 v33, v10  }
0x30e: {  	v4 =	vadd.f32 v5, v6;
	v2 =	vmul.f32 v9, v9;
	v5 =	vadd.f32 v7, v8;
	v7 =	vld [tilespmem:$0x1FDA0]  }
0x30f: {  	v1 =	vmul.f32 v54, v1;
	v0 =	vadd.f32 v3, v0;
	v6 =	vmul.f32 v10, v10;
	v10 =	vld [tilespmem:$0x1FD40]  }
0x310: {  	v63 =	vld [tilespmem:$0x1FD30];
	v12 =	vsub.f32 v34, v12;
	v2 =	vadd.f32 v2, v4  }
0x311: {  	v57 =	vld [tilespmem:$0x1FD10];
	v0 =	vadd.f32 v1, v0;
	v11 =	vsub.f32 v17, v11  }
0x312: {  	v9 =	vmul.f32 v12, v12;
	v12 =	vsub.f32 v34, v62;
	v2 =	vmul.f32 v55, v2;
	v55 =	vld [tilespmem:$0x1FA30]  }
0x313: {  	v15 =	vld [tilespmem:$0x1FA50];
	v4 =	vadd.f32 v6, v5;
	v7 =	vsub.f32 v28, v7;
	v8 =	vmul.f32 v11, v11  }
0x314: {  	v54 =	vld [tilespmem:$0x1FA60];
	v10 =	vsub.f32 v33, v10;
	v11 =	vsub.f32 v17, v58  }
0x315: {  	v3 =	vmul.f32 v7, v7;
	v7 =	vsub.f32 v34, v63;
	v6 =	vadd.f32 v9, v8;
	v9 =	vld [tilespmem:$0x1FD60]  }
0x316: {  	v61 =	vld [tilespmem:$0x1FA80];
	v0 =	vadd.f32 v2, v0;
	v5 =	vmul.f32 v10, v10;
	v8 =	vmul.f32 v11, v11  }
0x317: {  	v51 =	vld [tilespmem:$0x1FA70];
	v10 =	vsub.f32 v33, v57;
	v7 =	vmul.f32 v7, v7;
	v11 =	vsub.f32 v17, v55  }
0x318: {  	v56 =	vld [tilespmem:$0x1FAC0];
	v1 =	vadd.f32 v3, v4;
	v4 =	vadd.f32 v5, v6  }
0x319: {  	v46 =	vld [tilespmem:$0x1FAA0];
	v6 =	vmul.f32 v10, v10;
	v5 =	vadd.f32 v7, v8;
	v7 =	vsub.f32 v28, v15  }
0x31a: {  	v60 =	vld [tilespmem:$0x1FA90];
	v10 =	vsub.f32 v33, v54;
	v1 =	vmul.f32 v41, v1;
	v9 =	vsub.f32 v28, v9  }
0x31b: {  	v45 =	vld [tilespmem:$0x1FAB0];
	v8 =	vmul.f32 v11, v11;
	v2 =	vmul.f32 v7, v7;
	v7 =	vsub.f32 v34, v61  }
0x31c: {  	v43 =	vld [tilespmem:$0x1FAE0];
	v11 =	vsub.f32 v17, v51;
	v0 =	vadd.f32 v1, v0;
	v3 =	vmul.f32 v9, v9  }
0x31d: {  	v59 =	vld [tilespmem:$0x1FAD0];
	v9 =	vmul.f32 v12, v12;
	v12 =	vsub.f32 v34, v56;
	v7 =	vmul.f32 v7, v7  }
0x31e: {  	v50 =	vld [tilespmem:$0x1FB40];
	v3 =	vadd.f32 v3, v4;
	v4 =	vadd.f32 v6, v5;
	v5 =	vmul.f32 v10, v10  }
0x31f: {  	v41 =	vld [tilespmem:$0x1FAF0];
	v6 =	vadd.f32 v9, v8;
	v8 =	vmul.f32 v11, v11;
	v9 =	vsub.f32 v28, v60  }
0x320: {  	v53 =	vld [tilespmem:$0x1FB00];
	v10 =	vsub.f32 v33, v46;
	v11 =	vsub.f32 v17, v45;
	v3 =	vmul.f32 v24, v3  }
0x321: {  	v40 =	vld [tilespmem:$0x1FB20];
	v1 =	vadd.f32 v2, v4;
	v2 =	vmul.f32 v9, v9;
	v4 =	vadd.f32 v5, v6  }
0x322: {  	v52 =	vld [tilespmem:$0x1FB10];
	v5 =	vadd.f32 v7, v8;
	v6 =	vmul.f32 v10, v10;
	v7 =	vsub.f32 v28, v59  }
0x323: {  	v38 =	vld [tilespmem:$0x1FB30];
	v8 =	vmul.f32 v11, v11;
	v9 =	vmul.f32 v12, v12;
	v10 =	vsub.f32 v33, v43  }
0x324: {  	v11 =	vsub.f32 v17, v41;
	v12 =	vsub.f32 v34, v50;
	v1 =	vmul.f32 v25, v1  }
0x325: {  	v27 =	vld [tilespmem:$0x1FB60];
	v0 =	vadd.f32 v3, v0;
	v3 =	vmul.f32 v7, v7;
	v7 =	vsub.f32 v34, v53  }
0x326: {  	v39 =	vld [tilespmem:$0x1FBC0];
	v2 =	vadd.f32 v2, v4;
	v4 =	vadd.f32 v6, v5;
	v5 =	vmul.f32 v10, v10  }
0x327: {  	v49 =	vld [tilespmem:$0x1FB50];
	v6 =	vadd.f32 v9, v8;
	v8 =	vmul.f32 v11, v11;
	v9 =	vsub.f32 v28, v52  }
0x328: {  	v10 =	vsub.f32 v33, v40;
	v11 =	vsub.f32 v17, v38;
	v7 =	vmul.f32 v7, v7  }
0x329: {  	v42 =	vld [tilespmem:$0x1FB80];
	v2 =	vmul.f32 v26, v2;
	v0 =	vadd.f32 v1, v0;
	v1 =	vadd.f32 v3, v4  }
0x32a: {  	v44 =	vld [tilespmem:$0x1FB90];
	v3 =	vmul.f32 v9, v9;
	v4 =	vadd.f32 v5, v6;
	v6 =	vmul.f32 v10, v10  }
0x32b: {  	v24 =	vld [tilespmem:$0x1FBA0];
	v9 =	vmul.f32 v12, v12;
	v10 =	vsub.f32 v33, v27;
	v12 =	vsub.f32 v34, v39  }
0x32c: {  	v26 =	vld [tilespmem:$0x1FB70];
	v5 =	vadd.f32 v7, v8;
	v7 =	vsub.f32 v28, v49;
	v8 =	vmul.f32 v11, v11  }
0x32d: {  	v1 =	vmul.f32 v21, v1;
	v0 =	vadd.f32 v2, v0;
	v3 =	vadd.f32 v3, v4  }
0x32e: {  	v25 =	vld [tilespmem:$0x1FBE0];
	v2 =	vmul.f32 v7, v7;
	v7 =	vsub.f32 v34, v42;
	v4 =	vadd.f32 v6, v5  }
0x32f: {  	v37 =	vld [tilespmem:$0x1FBB0];
	v5 =	vmul.f32 v10, v10;
	v6 =	vadd.f32 v9, v8;
	v9 =	vsub.f32 v28, v44  }
0x330: {  	v36 =	vld [tilespmem:$0x1FBD0];
	v3 =	vmul.f32 v22, v3;
	v10 =	vsub.f32 v33, v24;
	v0 =	vadd.f32 v1, v0  }
0x331: {  	v16 =	vld [tilespmem:$0x1FC40];
	v11 =	vsub.f32 v17, v26;
	v7 =	vmul.f32 v7, v7;
	v1 =	vadd.f32 v2, v4  }
0x332: {  	v21 =	vld [tilespmem:$0x1FBF0];
	v2 =	vmul.f32 v9, v9;
	v4 =	vadd.f32 v5, v6;
	v6 =	vmul.f32 v10, v10  }
0x333: {  	v22 =	vld [tilespmem:$0x1FC00];
	v10 =	vsub.f32 v33, v25;
	v0 =	vadd.f32 v3, v0;
	v8 =	vmul.f32 v11, v11  }
0x334: {  	v11 =	vsub.f32 v17, v37;
	v1 =	vmul.f32 v23, v1;
	v2 =	vadd.f32 v2, v4;
	v23 =	vld [tilespmem:$0x1FC10]  }
0x335: {  	v18 =	vld [tilespmem:$0x1FC30];
	v9 =	vmul.f32 v12, v12;
	v5 =	vadd.f32 v7, v8;
	v7 =	vsub.f32 v28, v36  }
0x336: {  	v12 =	vsub.f32 v34, v16;
	v8 =	vmul.f32 v11, v11;
	v2 =	vmul.f32 v14, v2;
	v14 =	vld [tilespmem:$0x1FC20]  }
0x337: {  	v11 =	vsub.f32 v17, v21;
	v0 =	vadd.f32 v1, v0;
	v3 =	vmul.f32 v7, v7  }
0x338: {  	v35 =	vmovc v19;
	v19 =	vld [tilespmem:$0x1FC80];
	v7 =	vsub.f32 v34, v22;
	v4 =	vadd.f32 v6, v5;
	v5 =	vmul.f32 v10, v10  }
0x339: {  	v6 =	vadd.f32 v9, v8;
	v8 =	vmul.f32 v11, v11;
	v9 =	vsub.f32 v28, v23  }
0x33a: {  	v11 =	vsub.f32 v17, v18;
	v7 =	vmul.f32 v7, v7;
	v1 =	vadd.f32 v3, v4  }
0x33b: {  	v4 =	vadd.f32 v5, v6;
	v10 =	vsub.f32 v33, v14;
	v3 =	vmul.f32 v9, v9  }
0x33c: {  	v20 =	vld [tilespmem:$0x1FC60];
	v5 =	vadd.f32 v7, v8;
	v8 =	vmul.f32 v11, v11;
	v9 =	vmul.f32 v12, v12  }
0x33d: {  	v1 =	vmul.f32 v13, v1;
	v13 =	vld [tilespmem:$0x1FC70];
	v11 =	vsub.f32 v17, v19;
	v6 =	vmul.f32 v10, v10  }
0x33e: {  	v17 =	vld [tilespmem:$0x1FC90];
	v3 =	vadd.f32 v3, v4  }
0x33f: {  	v4 =	vadd.f32 v6, v5;
	v6 =	vadd.f32 v9, v8;
	v8 =	vmul.f32 v11, v11;
	v11 =	vld [tilespmem:$0x1FCA0];
	_ =	sdelay $0x1  }
0x340: {  	v7 =	vsub.f32 v28, v20  }
0x341: {  	v10 =	vsub.f32 v33, v13  }
0x342: {  	v0 =	vadd.f32 v2, v0;
	v2 =	vmul.f32 v7, v7;
	v7 =	vsub.f32 v34, v17  }
0x343: {  	v5 =	vmul.f32 v10, v10;
	v9 =	vsub.f32 v28, v11  }
0x344: {  	v0 =	vadd.f32 v1, v0;
	v7 =	vmul.f32 v7, v7  }
0x345: {  	v1 =	vadd.f32 v2, v4;
	v2 =	vadd.f32 v5, v6;
	v4 =	vmul.f32 v9, v9  }
0x346: {  	v5 =	vadd.f32 v7, v8;
	v8 =	vld [tilespmem:$0x1FF50]  }
0x347: {  	v2 =	vadd.f32 v4, v2;
	v4 =	vld [tilespmem:$0x1FCE0];
	_ =	sdelay $0x4  }
0x348: {  	v4 =	vadd.f32 v8, v4;
	v8 =	vld [tilespmem:$0x1FFB0];
	_ =	sdelay $0x3  }
0x349: {  	v3 =	vmul.f32 v31, v3  }
0x34a: {  	s30 =	sadd.s32 $0x10, s30;
	s1 =	sshll.u32 s31, $0x6  }
0x34b: {  	s29 =	sand.u32 $0x70, s30;
	s1 =	sand.u32 $0xFFFFFE00, s1;
	v0 =	vadd.f32 v3, v0;
	v1 =	vmul.f32 v30, v1  }
0x34c: {  	s1 =	sor.u32 s29, s1;
	v12 =	vld [tilespmem:$0x1FCB0]  }
0x34d: {  	v0 =	vadd.f32 v1, v0;
	v9 =	vld.idx.msk [tilespmem:v8+s1+$0x0 ss:$0x1], $0xffff;
	_ =	sdelay $0x1  }
0x34e: {  	v7 =	vld [tilespmem:$0x1F980];
	[tilespmem:$0x1FCE0] =	vst v0;
	v0 =	vmul.f32 v29, v2;
	_ =	sdelay $0x1  }
0x34f: {  	[tilespmem:$0x1FF50] =	vst v0;
	v0 =	vadd.f32 v35, v4  }
0x350: {  	v10 =	vsub.f32 v33, v12;
	[tilespmem:$0x1FFC0] =	vst v9;
	v9 =	vld [tilespmem:$0x1FCF0]  }
0x351: {  	[tilespmem:$0x1FCF0] =	vst v0;
	v0 =	vld.idx.msk [tilespmem:v8+s1+$0x100 ss:$0x1], $0xffff  }
0x352: {  	v6 =	vmul.f32 v10, v10;
	v3 =	vsub.f32 v28, v7;
	_ =	sdelay $0x1  }
0x353: {  	v5 =	vadd.f32 v6, v5;
	v3 =	vmul.f32 v3, v3;
	_ =	sdelay $0x1  }
0x354: {  	[tilespmem:$0x1FFE0] =	vst v0;
	v0 =	vadd.f32 v3, v5;
	_ =	sdelay $0x1  }
0x355: {  	[tilespmem:$0x1F720] =	vst v0;
	v0 =	vld [tilespmem:$0x1FD00];
	_ =	sdelay $0x4  }
0x356: {  	v0 =	vadd.f32 v32, v0  }
0x357: {  	v31 =	vld [tilespmem:s1+$0x0]  }
0x358: {  	[tilespmem:$0x1FD00] =	vst v0;
	v0 =	vld.idx.msk [tilespmem:v8+s1+$0x180 ss:$0x1], $0xffff;
	_ =	sdelay $0x1  }
0x359: {  	v48 =	vld [tilespmem:s1+$0x100];
	_ =	sdelay $0x2  }
0x35a: {  	[tilespmem:$0x1FFF0] =	vst v0;
	v0 =	vmax.f32 v31, v19  }
0x35b: {  	v47 =	vld [tilespmem:s1+$0x80];
	[tilespmem:$0x1F6E0] =	vst v0;
	v0 =	vmax.f32 v31, v18  }
0x35c: {  	v33 =	vld [tilespmem:s1+$0x180];
	[tilespmem:$0x1F6F0] =	vst v0;
	v0 =	vmin.f32 v48, v14  }
0x35d: {  	[tilespmem:$0x1F700] =	vst v0;
	v0 =	vld [tilespmem:$0x1FD40]  }
0x35e: {  	v6 =	vld [tilespmem:$0x1FCD0];
	_ =	sdelay $0x2  }
0x35f: {  	v32 =	vmax.f32 v47, v39;
	v39 =	vmax.f32 v47, v50  }
0x360: {  	v50 =	vmax.f32 v47, v56;
	v56 =	vmin.f32 v33, v60;
	v60 =	vmin.f32 v48, v0;
	v0 =	vld [tilespmem:$0x1FD50]  }
0x361: {  	v6 =	vadd.f32 v9, v6;
	_ =	sdelay $0x1  }
0x362: {  	v35 =	vmin.f32 v33, v36;
	v36 =	vmax.f32 v47, v42;
	[tilespmem:$0x1FCD0] =	vst v6;
	v6 =	vld.idx.msk [tilespmem:v8+s1+$0x80 ss:$0x1], $0xffff  }
0x363: {  	v42 =	vmin.f32 v33, v49;
	v49 =	vmin.f32 v33, v52;
	v52 =	vmin.f32 v33, v59  }
0x364: {  	v59 =	vmax.f32 v47, v62;
	v62 =	vmax.f32 v47, v63;
	v63 =	vmax.f32 v31, v0;
	v0 =	vld [tilespmem:$0x1FD60];
	_ =	sdelay $0x2  }
0x365: {  	[tilespmem:$0x1FFD0] =	vst v6;
	v6 =	vmin.f32 v48, v13;
	v13 =	vmax.f32 v31, v37;
	v37 =	vmax.f32 v31, v38  }
0x366: {  	v38 =	vmin.f32 v33, v44;
	v44 =	vmax.f32 v31, v45;
	v45 =	vmax.f32 v47, v53  }
0x367: {  	v53 =	vmax.f32 v47, v61;
	v61 =	vmin.f32 v33, v15;
	v15 =	vmin.f32 v33, v0;
	v0 =	vld [tilespmem:$0x1FD70];
	_ =	sdelay $0x4  }
0x368: {  	v8 =	vmax.f32 v47, v16;
	v16 =	vmax.f32 v47, v0;
	v0 =	vld [tilespmem:$0x1FD80];
	_ =	sdelay $0x4  }
0x369: {  	v10 =	vmin.f32 v33, v20;
	v20 =	vmin.f32 v48, v0;
	v0 =	vld [tilespmem:$0x1FD90];
	_ =	sdelay $0x4  }
0x36a: {  	v9 =	vmax.f32 v31, v21;
	v21 =	vmax.f32 v31, v0;
	v0 =	vld [tilespmem:$0x1FDA0];
	_ =	sdelay $0x3  }
0x36b: {  	v28 =	vmin.f32 v33, v7  }
0x36c: {  	v7 =	vmin.f32 v33, v11;
	v11 =	vmax.f32 v47, v22;
	v22 =	vmin.f32 v33, v0;
	v0 =	vld [tilespmem:$0x1FDC0];
	_ =	sdelay $0x4  }
0x36d: {  	v5 =	vmax.f32 v47, v17;
	v17 =	vmin.f32 v48, v0;
	v0 =	vld [tilespmem:$0x1FDD0];
	_ =	sdelay $0x4  }
0x36e: {  	v18 =	vmax.f32 v31, v0;
	v0 =	vld [tilespmem:$0x1FDB0];
	_ =	sdelay $0x4  }
0x36f: {  	v19 =	vmax.f32 v47, v0;
	v0 =	vld [tilespmem:$0x1FE00];
	_ =	sdelay $0x1  }
0x370: {  	v30 =	vmax.f32 v31, v26;
	v4 =	vmin.f32 v48, v12;
	v12 =	vmin.f32 v48, v25  }
0x371: {  	v29 =	vmin.f32 v48, v24;
	v12 =	vsub.f32 v12, v13;
	v14 =	vmin.f32 v33, v23  }
0x372: {  	v13 =	vsub.f32 v14, v32;
	v32 =	vsub.f32 v29, v30;
	v29 =	vld [tilespmem:$0x1FEA0]  }
0x373: {  	v23 =	vmin.f32 v48, v0;
	v0 =	vld [tilespmem:$0x1FDE0]  }
0x374: {  	v3 =	vld [tilespmem:$0x1F6E0];
	_ =	sdelay $0x2  }
0x375: {  	v35 =	vsub.f32 v35, v36;
	v36 =	vmin.f32 v33, v29;
	v29 =	vld [tilespmem:$0x1FEB0]  }
0x376: {  	v34 =	vmin.f32 v48, v27;
	v27 =	vmin.f32 v33, v0;
	v0 =	vld [tilespmem:$0x1FDF0]  }
0x377: {  	v3 =	vsub.f32 v4, v3;
	_ =	sdelay $0x1  }
0x378: {  	[tilespmem:$0x1F750] =	vst v3;
	v3 =	vld [tilespmem:$0x1F700]  }
0x379: {  	v38 =	vsub.f32 v38, v39;
	v39 =	vmax.f32 v47, v29;
	v29 =	vld [tilespmem:$0x1FEC0]  }
0x37a: {  	v1 =	vmax.f32 v47, v0;
	v0 =	vld [tilespmem:$0x1FE10];
	_ =	sdelay $0x3  }
0x37b: {  	v9 =	vsub.f32 v3, v9;
	v3 =	vmin.f32 v48, v29;
	v29 =	vld [tilespmem:$0x1FED0]  }
0x37c: {  	v24 =	vmax.f32 v31, v0;
	v0 =	vld [tilespmem:$0x1FE20];
	_ =	sdelay $0x2  }
0x37d: {  	v40 =	vmin.f32 v48, v40;
	v41 =	vmax.f32 v31, v41;
	v4 =	vld [tilespmem:$0x1FE60]  }
0x37e: {  	v40 =	vsub.f32 v40, v41;
	v41 =	vsub.f32 v42, v45;
	v42 =	vmax.f32 v31, v29;
	v29 =	vld [tilespmem:$0x1FEE0]  }
0x37f: {  	v2 =	vmin.f32 v33, v0;
	v0 =	vld [tilespmem:$0x1FE30];
	_ =	sdelay $0x2  }
0x380: {  	v46 =	vmin.f32 v48, v46;
	v51 =	vmax.f32 v31, v51  }
0x381: {  	v5 =	vsub.f32 v28, v5;
	v30 =	vsub.f32 v46, v51;
	v28 =	vmin.f32 v33, v4;
	v4 =	vld [tilespmem:$0x1F6F0]  }
0x382: {  	v51 =	vmin.f32 v33, v29;
	v29 =	vld [tilespmem:$0x1FEF0];
	v25 =	vmax.f32 v47, v0;
	v0 =	vsub.f32 v48, v31;
	_ =	sdelay $0x1  }
0x383: {  	[tilespmem:$0x1F730] =	vst v0;
	v0 =	vsub.f32 v33, v47;
	_ =	sdelay $0x1  }
0x384: {  	v4 =	vsub.f32 v6, v4;
	[tilespmem:$0x1F740] =	vst v0;
	v0 =	vld [tilespmem:$0x1FE40]  }
0x385: {  	v6 =	vsub.f32 v10, v11;
	v10 =	vsub.f32 v52, v53;
	v53 =	vmax.f32 v47, v29;
	v29 =	vld [tilespmem:$0x1FF00];
	_ =	sdelay $0x2  }
0x386: {  	v54 =	vmin.f32 v48, v54;
	v55 =	vmax.f32 v31, v55;
	v11 =	vld [tilespmem:$0x1FE80]  }
0x387: {  	v52 =	vsub.f32 v54, v55;
	v55 =	vsub.f32 v56, v59;
	v26 =	vmin.f32 v48, v0;
	v0 =	vld [tilespmem:$0x1FE50]  }
0x388: {  	v59 =	vsub.f32 v61, v62;
	v62 =	vmin.f32 v48, v29;
	v29 =	vsub.f32 v2, v25;
	v2 =	vld [tilespmem:$0x1FF60];
	_ =	sdelay $0x1  }
0x389: {  	v43 =	vmin.f32 v48, v43;
	v37 =	vsub.f32 v34, v37  }
0x38a: {  	v34 =	vsub.f32 v43, v44;
	v43 =	vsub.f32 v22, v19;
	v19 =	vld [tilespmem:$0x1FF20]  }
0x38b: {  	v57 =	vmin.f32 v48, v57;
	v46 =	vsub.f32 v27, v1;
	v1 =	vld [tilespmem:$0x1FF30];
	v0 =	vmax.f32 v31, v0  }
0x38c: {  	v11 =	vmin.f32 v48, v11;
	v2 =	vmin.f32 v48, v2;
	v48 =	vsub.f32 v26, v0;
	v0 =	vld [tilespmem:$0x1FF70];
	_ =	sdelay $0x2  }
0x38d: {  	v7 =	vsub.f32 v7, v8;
	v8 =	vld [tilespmem:$0x1FE70]  }
0x38e: {  	v19 =	vmin.f32 v33, v19;
	v1 =	vmax.f32 v47, v1  }
0x38f: {  	v51 =	vsub.f32 v51, v53;
	v53 =	vsub.f32 v19, v1;
	v1 =	vld [tilespmem:$0x1F720];
	v0 =	vmax.f32 v31, v0  }
0x390: {  	v54 =	vsub.f32 v2, v0;
	v0 =	vld [tilespmem:$0x1F710]  }
0x391: {  	v14 =	vld [tilespmem:$0x1FE90]  }
0x392: {  	v8 =	vmax.f32 v47, v8  }
0x393: {  	v49 =	vsub.f32 v49, v50;
	v50 =	vsub.f32 v28, v8;
	v8 =	vld [tilespmem:$0x1FF80]  }
0x394: {  	v16 =	vsub.f32 v15, v16;
	v15 =	vld [tilespmem:$0x1FF10]  }
0x395: {  	v19 =	vmul.f32 v0, v1;
	v0 =	vld [tilespmem:$0x1F730]  }
0x396: {  	v14 =	vmax.f32 v31, v14;
	v1 =	vld [tilespmem:$0x1F740]  }
0x397: {  	v58 =	vmax.f32 v31, v58;
	v45 =	vsub.f32 v17, v18;
	v17 =	vmovc v30;
	v30 =	vsub.f32 v11, v14;
	v11 =	vld [tilespmem:$0x1FF90]  }
0x398: {  	v57 =	vsub.f32 v57, v58;
	v58 =	vmax.f32 v9, $0.0e+00  }
0x399: {  	v56 =	vsub.f32 v60, v63;
	v61 =	vmax.f32 v37, $0.0e+00;
	v60 =	vmax.f32 v35, $0.0e+00  }
0x39a: {  	v8 =	vmin.f32 v33, v8;
	v63 =	vmax.f32 v4, $0.0e+00;
	v15 =	vmax.f32 v31, v15  }
0x39b: {  	p0 =	sne.s32 s31, $0x27;
	v4 =	vmax.f32 v38, $0.0e+00;
	v44 =	vsub.f32 v20, v21;
	v14 =	vmovc v52;
	v33 =	vmul.f32 v1, v0;
	v0 =	vld [tilespmem:$0x1F750]  }
.Ltmp0:
0x39c: {  	v52 =	vsub.f32 v3, v42;
	v18 =	vmovc v49;
	v3 =	vmax.f32 v47, v11;
	v49 =	vsub.f32 v23, v24;
	(pc) =	sbr.rel @p0 .LBB2_3-.Ltmp0, $4  }
0x39d: {  	v11 =	vmovc v57;
	v57 =	vmax.f32 v41, $0.0e+00;
	v47 =	vsub.f32 v62, v15;
	v15 =	vmovc v55;
	v55 =	vsub.f32 v8, v3  }
0x39e: {  	v62 =	vmax.f32 v5, $0.0e+00;
	v3 =	vmax.f32 v6, $0.0e+00;
	v31 =	vsub.f32 v36, v39  }
0x39f: {  	v2 =	vmax.f32 v13, $0.0e+00;
	v13 =	vmovc v59;
	v59 =	vmax.f32 v32, $0.0e+00;
	v1 =	vmax.f32 v7, $0.0e+00  }
0x3a0: {  	s28 =	smov.u32 s31;
	s31 =	sadd.s32 $0x1, s31;
	v28 =	vmax.f32 v0, $0.0e+00;
	v0 =	vmax.f32 v12, $0.0e+00;
	v12 =	vmovc v56;
	v56 =	vmax.f32 v40, $0.0e+00  }
0x3a1: {  	v20 =	vmul.f32 v62, v28;
	v21 =	vmul.f32 v1, v63  }
0x3a2: {  	v23 =	vmul.f32 v2, v0;
	v22 =	vmul.f32 v3, v58;
	v25 =	vmax.f32 v54, $0.0e+00  }
0x3a3: {  	v26 =	vmax.f32 v55, $0.0e+00;
	v28 =	vmul.f32 v4, v61;
	v27 =	vmax.f32 v47, $0.0e+00;
	v35 =	vld [tilespmem:$0x1F760]  }
0x3a4: {  	v32 =	vmax.f32 v53, $0.0e+00;
	v47 =	vmul.f32 v60, v59;
	v36 =	vmax.f32 v52, $0.0e+00;
	v5 =	vld [tilespmem:$0x1F770]  }
0x3a5: {  	v37 =	vmax.f32 v51, $0.0e+00;
	v0 =	vmul.f32 v57, v56;
	v38 =	vmax.f32 v34, $0.0e+00;
	v42 =	vld [tilespmem:$0x1F780]  }
0x3a6: {  	v6 =	vmax.f32 v18, $0.0e+00;
	v7 =	vmax.f32 v30, $0.0e+00;
	v8 =	vmax.f32 v31, $0.0e+00;
	v9 =	vld [tilespmem:$0x1F790]  }
0x3a7: {  	v40 =	vmax.f32 v48, $0.0e+00;
	v41 =	vmax.f32 v50, $0.0e+00;
	v48 =	vmax.f32 v17, $0.0e+00;
	v56 =	vld [tilespmem:$0x1F7A0]  }
0x3a8: {  	v50 =	vmax.f32 v10, $0.0e+00;
	v51 =	vmax.f32 v49, $0.0e+00;
	v52 =	vmax.f32 v29, $0.0e+00;
	v63 =	vld [tilespmem:$0x1F910]  }
0x3a9: {  	v54 =	vmax.f32 v14, $0.0e+00;
	v55 =	vmax.f32 v15, $0.0e+00;
	v57 =	vmax.f32 v45, $0.0e+00;
	v15 =	vld [tilespmem:$0x1F930]  }
0x3aa: {  	v58 =	vmax.f32 v46, $0.0e+00;
	v60 =	vmax.f32 v11, $0.0e+00;
	v61 =	vmax.f32 v13, $0.0e+00;
	v45 =	vld [tilespmem:$0x1F810]  }
0x3ab: {  	v62 =	vmax.f32 v44, $0.0e+00;
	v14 =	vmax.f32 v43, $0.0e+00;
	v1 =	vmul.f32 v26, v25;
	v25 =	vld [tilespmem:$0x1F8B0]  }
0x3ac: {  	v44 =	vmax.f32 v16, $0.0e+00;
	v2 =	vmul.f32 v32, v27;
	v4 =	vmul.f32 v37, v36;
	v26 =	vld [tilespmem:$0x1F890]  }
0x3ad: {  	v32 =	vmul.f32 v6, v38;
	v38 =	vld [tilespmem:$0x1F830];
	v3 =	vadd.f32 v35, v33;
	v5 =	vadd.f32 v5, v33  }
0x3ae: {  	v7 =	vmul.f32 v8, v7;
	v8 =	vadd.f32 v42, v33;
	v9 =	vadd.f32 v9, v33  }
0x3af: {  	v13 =	vld [tilespmem:$0x1F7B0];
	v6 =	vmul.f32 v58, v57;
	v10 =	vadd.f32 v56, v33;
	v37 =	vadd.f32 v63, v33  }
0x3b0: {  	v43 =	vld [tilespmem:$0x1F7C0];
	v29 =	vmul.f32 v61, v60;
	v34 =	vadd.f32 v15, v33;
	v46 =	vadd.f32 v45, v33  }
0x3b1: {  	v18 =	vld [tilespmem:$0x1F8D0];
	v36 =	vmax.f32 v12, $0.0e+00;
	v42 =	vadd.f32 v25, v33;
	v30 =	vadd.f32 v26, v33  }
0x3b2: {  	v17 =	vld [tilespmem:$0x1F8F0];
	v11 =	vmul.f32 v44, v36;
	v12 =	vadd.f32 v38, v33;
	v3 =	vsub.f32 v3, v1  }
0x3b3: {  	v35 =	vmul.f32 v50, v48;
	v48 =	vld [tilespmem:$0x1F7D0];
	v39 =	vsub.f32 v5, v2;
	v8 =	vsub.f32 v8, v4  }
0x3b4: {  	v50 =	vld [tilespmem:$0x1F7E0];
	v5 =	vmul.f32 v52, v51;
	v53 =	vsub.f32 v9, v7;
	(erf) = vrcp.f32 v3  }
0x3b5: {  	v9 =	vadd.f32 v13, v33;
	v13 =	vadd.f32 v43, v33;
	v51 =	vld [tilespmem:$0x1F7F0];
	v3 =	vmul.f32 v41, v40  }
0x3b6: {  	v31 =	vld [tilespmem:$0x1F850];
	v40 =	vmul.f32 v55, v54;
	v41 =	vadd.f32 v18, v33;
	(erf) = vrcp.f32 v39  }
0x3b7: {  	v27 =	vld [tilespmem:$0x1F870];
	v9 =	vsub.f32 v9, v5;
	(erf) = vrcp.f32 v8;
	v59 =	vsub.f32 v10, v3  }
0x3b8: {  	v36 =	vld [tilespmem:$0x1FF10];
	v49 =	vadd.f32 v48, v33;
	v8 =	vmul.f32 v14, v62;
	(erf) = vrcp.f32 v53  }
0x3b9: {  	v25 =	vld [tilespmem:$0x1FF70];
	v13 =	vsub.f32 v13, v6;
	v14 =	vadd.f32 v50, v33;
	(erf) = vrcp.f32 v59  }
0x3ba: {  	v26 =	vld [tilespmem:$0x1FF90];
	v52 =	vadd.f32 v51, v33;
	v53 =	vsub.f32 v49, v8;
	(erf) = vrcp.f32 v9  }
0x3bb: {  	v39 =	vadd.f32 v17, v33;
	v17 =	vld [tilespmem:$0x1FFC0];
	v55 =	vsub.f32 v14, v11;
	(erf) = vrcp.f32 v13  }
0x3bc: {  	v10 =	vadd.f32 v31, v33;
	v14 =	vld [tilespmem:$0x1FFD0];
	v58 =	vsub.f32 v52, v29;
	(erf) = vrcp.f32 v53  }
0x3bd: {  	v44 =	vld [tilespmem:$0x1FF80];
	v61 =	vsub.f32 v46, v40;
	v39 =	vsub.f32 v39, v22;
	(erf) = vrcp.f32 v55;
	v24 =	vpop (erf)  }
0x3be: {  	v15 =	vld [tilespmem:$0x1FFF0];
	v9 =	vadd.f32 v27, v33;
	(erf) = vrcp.f32 v58;
	v1 =	vmul.f32 v24, v1  }
0x3bf: {  	v16 =	vld [tilespmem:$0x1FFE0];
	v43 =	vsub.f32 v10, v32;
	v54 =	vpop (erf);
	v24 =	vsub.f32 v12, v35;
	(erf) = vrcp.f32 v61  }
0x3c0: {  	v33 =	vld [tilespmem:$0x1FF60];
	v2 =	vmul.f32 v54, v2;
	v56 =	vpop (erf);
	v54 =	vsub.f32 v9, v0;
	vm3 =	vge.f32 v1, $5.500000120e-01  }
0x3c1: {  	v38 =	vld [tilespmem:$0x1FF30];
	v57 =	vmul.f32 v56, v4;
	v59 =	vpop (erf);
	v1 =	vsub.f32 v17, v25;
	v4 =	vsub.f32 v14, v26  }
0x3c2: {  	v52 =	vld [tilespmem:$0x1FEC0];
	(erf) = vrcp.f32 v24;
	vm6 =	vge.f32 v2, $5.500000120e-01;
	v60 =	vmul.f32 v59, v7  }
0x3c3: {  	v61 =	vld [tilespmem:$0x1FE80];
	v62 =	vpop (erf);
	v2 =	vsub.f32 v17, v36;
	v7 =	vsub.f32 v15, v44;
	(erf) = vrcp.f32 v43  }
0x3c4: {  	vm5 =	vge.f32 v57, $5.500000120e-01;
	v63 =	vmul.f32 v62, v3;
	v1 =	vmul.f32 v1, v1  }
0x3c5: {  	v51 =	vld [tilespmem:$0x1FF20];
	v27 =	vpop (erf);
	v3 =	vsub.f32 v16, v33;
	v4 =	vmul.f32 v4, v4;
	(erf) = vrcp.f32 v54  }
0x3c6: {  	v46 =	vld [tilespmem:$0x1FF00];
	vm4 =	vge.f32 v60, $5.500000120e-01;
	v31 =	vmul.f32 v27, v5;
	v5 =	vsub.f32 v14, v38  }
0x3c7: {  	v50 =	vld [tilespmem:$0x1FEF0];
	v2 =	vmul.f32 v2, v2;
	v48 =	vmul.f32 v7, v7;
	v7 =	vsub.f32 v16, v52  }
0x3c8: {  	v49 =	vld [tilespmem:$0x1FED0];
	v45 =	vpop (erf);
	v9 =	vsub.f32 v16, v61;
	v52 =	vsub.f32 v42, v47;
	vm2 =	vge.f32 v63, $5.500000120e-01  }
0x3c9: {  	v57 =	vld [tilespmem:$0x1FEB0];
	v1 =	vadd.f32 v4, v1;
	v3 =	vmul.f32 v3, v3;
	v6 =	vmul.f32 v45, v6;
	v53 =	vpop (erf)  }
0x3ca: {  	v4 =	vsub.f32 v15, v51;
	v5 =	vmul.f32 v5, v5;
	v8 =	vmul.f32 v53, v8  }
0x3cb: {  	v56 =	vld [tilespmem:$0x1FE90];
	vm0 =	vge.f32 v31, $5.500000120e-01;
	v55 =	vmul.f32 v7, v7;
	v9 =	vmul.f32 v9, v9  }
0x3cc: {  	v63 =	vld [tilespmem:$0x1FE50];
	v1 =	vadd.f32 v3, v1;
	v3 =	vsub.f32 v16, v46;
	vm1 =	vge.f32 v6, $5.500000120e-01  }
0x3cd: {  	v54 =	vld [tilespmem:$0x1FE20];
	v6 =	vsub.f32 v14, v50;
	v4 =	vmul.f32 v4, v4;
	v2 =	vadd.f32 v5, v2  }
0x3ce: {  	v24 =	vld [tilespmem:$0x1FE40];
	v38 =	vpop (erf);
	v5 =	vsub.f32 v17, v49;
	v7 =	vsub.f32 v14, v57;
	vm13 =	vge.f32 v8, $5.500000120e-01  }
0x3cf: {  	v60 =	vld [tilespmem:$0x1FEE0];
	v8 =	vmul.f32 v38, v11;
	v49 =	vsub.f32 v30, v28;
	v3 =	vmul.f32 v3, v3  }
0x3d0: {  	v46 =	vld [tilespmem:$0x1FDD0];
	v1 =	vadd.f32 v48, v1;
	v6 =	vmul.f32 v6, v6;
	v5 =	vmul.f32 v5, v5  }
0x3d1: {  	v12 =	vld [tilespmem:$0x1FE70];
	v7 =	vmul.f32 v7, v7;
	v10 =	vsub.f32 v17, v63;
	(erf) = vrcp.f32 v49  }
0x3d2: {  	v59 =	vld [tilespmem:$0x1F800];
	vm14 =	vge.f32 v8, $5.500000120e-01;
	v8 =	vsub.f32 v15, v54;
	v2 =	vadd.f32 v3, v2  }
0x3d3: {  	v25 =	vld [tilespmem:$0x1FE10];
	v3 =	vsub.f32 v17, v56;
	(erf) = vrcp.f32 v52;
	v52 =	vsub.f32 v34, v20  }
0x3d4: {  	v45 =	vld [tilespmem:$0x1F860];
	v5 =	vadd.f32 v6, v5;
	v6 =	vsub.f32 v15, v60;
	v18 =	vmul.f32 v10, v10  }
0x3d5: {  	v62 =	vld [tilespmem:$0x1F820];
	v10 =	vsub.f32 v16, v24;
	v11 =	vsub.f32 v17, v46;
	v8 =	vmul.f32 v8, v8  }
0x3d6: {  	v13 =	vld [tilespmem:$0x1FEA0];
	v46 =	vsub.f32 v37, v21;
	v2 =	vadd.f32 v4, v2;
	v3 =	vmul.f32 v3, v3  }
0x3d7: {  	v26 =	vld [tilespmem:$0x1FE30];
	v58 =	vadd.f32 v55, v5;
	v5 =	vnsel vm3, $0x0, v59;
	v6 =	vmul.f32 v6, v6  }
0x3d8: {  	v44 =	vld [tilespmem:$0x1FE00];
	v27 =	vmul.f32 v10, v10;
	v1 =	vmul.f32 v5, v1;
	v5 =	vadd.f32 $0.0e+00, v5  }
0x3d9: {  	v48 =	vld [tilespmem:$0x1FDF0];
	v10 =	vnsel vm4, $0x0, v45;
	v3 =	vadd.f32 v7, v3;
	v4 =	vadd.f32 v6, v58  }
0x3da: {  	v7 =	vnsel vm6, $0x0, v62;
	v6 =	vsub.f32 v14, v12;
	v12 =	vsub.f32 v17, v25  }
0x3db: {  	v11 =	vmul.f32 v11, v11;
	v5 =	vadd.f32 v7, v5;
	v3 =	vadd.f32 v9, v3  }
0x3dc: {  	v2 =	vmul.f32 v7, v2;
	v7 =	vsub.f32 v15, v13;
	v1 =	vadd.f32 $0.0e+00, v1  }
0x3dd: {  	v36 =	vld [tilespmem:$0x1F840];
	v13 =	vsub.f32 v14, v26;
	v9 =	vsub.f32 v16, v44;
	v6 =	vmul.f32 v6, v6  }
0x3de: {  	v58 =	vld [tilespmem:$0x1F880];
	v31 =	vmul.f32 v12, v12;
	v12 =	vsub.f32 v14, v48;
	v7 =	vmul.f32 v7, v7  }
0x3df: {  	v43 =	vld [tilespmem:$0x1FE60];
	v1 =	vadd.f32 v2, v1;
	v33 =	vmul.f32 v13, v13;
	v13 =	vsub.f32 v41, v23  }
0x3e0: {  	v53 =	vpop (erf);
	v55 =	vld [tilespmem:$0x1FDC0];
	v9 =	vmul.f32 v9, v9;
	v6 =	vadd.f32 v6, v18;
	v12 =	vmul.f32 v12, v12  }
0x3e1: {  	v62 =	vpop (erf);
	v48 =	vld [tilespmem:$0x1F8E0];
	v3 =	vadd.f32 v7, v3;
	v7 =	vadd.f32 v33, v31;
	(erf) = vrcp.f32 v13  }
0x3e2: {  	v57 =	vld [tilespmem:$0x1FDB0];
	v2 =	vadd.f32 v27, v6;
	v6 =	vnsel vm5, $0x0, v36;
	v51 =	vadd.f32 v12, v11  }
0x3e3: {  	v59 =	vld [tilespmem:$0x1FDE0];
	v11 =	vnsel vm2, $0x0, v58;
	(erf) = vrcp.f32 v39;
	v5 =	vadd.f32 v6, v5  }
0x3e4: {  	v26 =	vld [tilespmem:$0x1F8C0];
	v4 =	vmul.f32 v6, v4;
	v6 =	vsub.f32 v15, v43;
	v3 =	vmul.f32 v10, v3  }
0x3e5: {  	v56 =	vld [tilespmem:$0x1FD90];
	v50 =	vadd.f32 v9, v7;
	v7 =	vmul.f32 v53, v29;
	v9 =	vsub.f32 v16, v55  }
0x3e6: {  	v13 =	vnsel vm13, $0x0, v48;
	v5 =	vadd.f32 v10, v5;
	v6 =	vmul.f32 v6, v6  }
0x3e7: {  	v63 =	vld [tilespmem:$0x1FD50];
	v1 =	vadd.f32 v4, v1;
	v10 =	vsub.f32 v14, v57;
	v9 =	vmul.f32 v9, v9  }
0x3e8: {  	v18 =	vld [tilespmem:$0x1F8A0];
	v4 =	vadd.f32 v8, v50;
	v8 =	vsub.f32 v15, v59;
	vm15 =	vge.f32 v7, $5.500000120e-01  }
0x3e9: {  	v30 =	vld [tilespmem:$0x1FD20];
	v7 =	vnsel vm1, $0x0, v26;
	v2 =	vadd.f32 v6, v2;
	v1 =	vadd.f32 v3, v1  }
0x3ea: {  	v60 =	vld [tilespmem:$0x1FD80];
	v3 =	vsub.f32 v17, v56;
	v5 =	vadd.f32 v11, v5;
	v10 =	vmul.f32 v10, v10  }
0x3eb: {  	v41 =	vld [tilespmem:$0x1FD60];
	v6 =	vadd.f32 v9, v51;
	v61 =	vmul.f32 v8, v8;
	v8 =	vmul.f32 v62, v40;
	v40 =	vpop (erf)  }
0x3ec: {  	v31 =	vld [tilespmem:$0x1FD30];
	v9 =	vsub.f32 v17, v63;
	v43 =	vpop (erf);
	(erf) = vrcp.f32 v46;
	v3 =	vmul.f32 v3, v3  }
0x3ed: {  	v12 =	vld [tilespmem:$0x1FD70];
	v2 =	vmul.f32 v11, v2;
	v6 =	vadd.f32 v61, v6;
	v11 =	vnsel vm0, $0x0, v18  }
0x3ee: {  	v9 =	vmul.f32 v9, v9;
	vm6 =	vge.f32 v8, $5.500000120e-01;
	v8 =	vmul.f32 v40, v35  }
0x3ef: {  	v45 =	vld [tilespmem:$0x1FA40];
	v24 =	vadd.f32 v11, v5;
	v4 =	vmul.f32 v11, v4;
	v11 =	vsub.f32 v17, v30  }
0x3f0: {  	v56 =	vld [tilespmem:$0x1FA60];
	v53 =	vpop (erf);
	(erf) = vrcp.f32 v52;
	v5 =	vsub.f32 v15, v41;
	v3 =	vadd.f32 v10, v3  }
0x3f1: {  	v27 =	vld [tilespmem:$0x1FDA0];
	v0 =	vmul.f32 v53, v0;
	v1 =	vadd.f32 v2, v1;
	v2 =	vsub.f32 v16, v60  }
0x3f2: {  	v29 =	vld [tilespmem:$0x1FD40];
	v10 =	vsub.f32 v14, v12;
	v12 =	vsub.f32 v14, v31;
	v6 =	vmul.f32 v7, v6  }
0x3f3: {  	v42 =	vld [tilespmem:$0x1FD10];
	vm7 =	vge.f32 v8, $5.500000120e-01;
	v36 =	vmul.f32 v11, v11;
	v5 =	vmul.f32 v5, v5  }
0x3f4: {  	v60 =	vld [tilespmem:$0x1FAA0];
	v11 =	vsub.f32 v14, v45;
	v2 =	vmul.f32 v2, v2;
	v10 =	vmul.f32 v10, v10  }
0x3f5: {  	v8 =	vsub.f32 v16, v56;
	vm9 =	vge.f32 v0, $5.500000120e-01;
	v1 =	vadd.f32 v4, v1  }
0x3f6: {  	v44 =	vld [tilespmem:$0x1FA30];
	v38 =	vmul.f32 v12, v12;
	v2 =	vadd.f32 v2, v3;
	v25 =	vadd.f32 v10, v9  }
0x3f7: {  	v51 =	vld [tilespmem:$0x1F900];
	v11 =	vmul.f32 v11, v11;
	v9 =	vsub.f32 v15, v27;
	v10 =	vsub.f32 v16, v29  }
0x3f8: {  	v58 =	vld [tilespmem:$0x1FA80];
	v8 =	vmul.f32 v8, v8;
	v1 =	vadd.f32 v6, v1;
	v6 =	vsub.f32 v16, v42  }
0x3f9: {  	v55 =	vld [tilespmem:$0x1FA50];
	v3 =	vadd.f32 v7, v24;
	v12 =	vsub.f32 v16, v60;
	v9 =	vmul.f32 v9, v9  }
0x3fa: {  	v59 =	vld [tilespmem:$0x1FA90];
	v7 =	vadd.f32 v38, v36;
	v33 =	vmul.f32 v10, v10;
	v6 =	vmul.f32 v6, v6  }
0x3fb: {  	v24 =	vld [tilespmem:$0x1FAB0];
	v10 =	vsub.f32 v17, v44;
	v3 =	vadd.f32 v13, v3;
	v63 =	vmul.f32 v12, v12  }
0x3fc: {  	v57 =	vld [tilespmem:$0x1FA70];
	v4 =	vadd.f32 v33, v25;
	v49 =	vadd.f32 v6, v7;
	v7 =	vnsel vm14, $0x0, v51  }
0x3fd: {  	v27 =	vld [tilespmem:$0x1FAE0];
	v2 =	vadd.f32 v9, v2;
	v10 =	vmul.f32 v10, v10;
	v54 =	vadd.f32 v7, v3  }
0x3fe: {  	v12 =	vld [tilespmem:$0x1F920];
	v9 =	vmul.f32 v43, v32;
	v3 =	vsub.f32 v15, v55;
	v4 =	vadd.f32 v5, v4  }
0x3ff: {  	v29 =	vld [tilespmem:$0x1FB00];
	v2 =	vmul.f32 v13, v2;
	v50 =	vadd.f32 v11, v10;
	v10 =	vsub.f32 v14, v58  }
0x400: {  	v11 =	vsub.f32 v15, v59;
	vm8 =	vge.f32 v9, $5.500000120e-01;
	v9 =	vsub.f32 v17, v24  }
0x401: {  	v26 =	vld [tilespmem:$0x1FAD0];
	v3 =	vmul.f32 v3, v3;
	v1 =	vadd.f32 v2, v1;
	v4 =	vmul.f32 v7, v4  }
0x402: {  	v41 =	vld [tilespmem:$0x1FB50];
	v13 =	vpop (erf);
	v7 =	vsub.f32 v17, v57;
	v10 =	vmul.f32 v10, v10;
	v61 =	vadd.f32 v8, v50  }
0x403: {  	v25 =	vld [tilespmem:$0x1FAC0];
	v62 =	vmul.f32 v11, v11;
	v6 =	vnsel vm15, $0x0, v12;
	v8 =	vmul.f32 v13, v28  }
0x404: {  	v52 =	vld [tilespmem:$0x1FBC0];
	v9 =	vmul.f32 v9, v9;
	v11 =	vsub.f32 v16, v27;
	v12 =	vsub.f32 v14, v29  }
0x405: {  	v18 =	vld [tilespmem:$0x1F940];
	v3 =	vadd.f32 v3, v49;
	v2 =	vadd.f32 v6, v54;
	v7 =	vmul.f32 v7, v7  }
0x406: {  	v36 =	vld [tilespmem:$0x1FB10];
	v1 =	vadd.f32 v4, v1;
	v5 =	vadd.f32 v62, v61;
	v30 =	vmul.f32 v11, v11  }
0x407: {  	v28 =	vld [tilespmem:$0x1FAF0];
	v32 =	vmul.f32 v12, v12;
	vm10 =	vge.f32 v8, $5.500000120e-01;
	v11 =	vsub.f32 v15, v41  }
0x408: {  	v38 =	vld [tilespmem:$0x1F950];
	v3 =	vmul.f32 v6, v3;
	v7 =	vadd.f32 v10, v7;
	v10 =	vsub.f32 v14, v25  }
0x409: {  	v40 =	vld [tilespmem:$0x1FB40];
	v6 =	vsub.f32 v15, v26;
	v44 =	vmul.f32 v11, v11;
	v11 =	vsub.f32 v14, v52  }
0x40a: {  	v37 =	vld [tilespmem:$0x1FB20];
	v4 =	vadd.f32 v63, v7;
	v7 =	vnsel vm6, $0x0, v18;
	v10 =	vmul.f32 v10, v10  }
0x40b: {  	v39 =	vld [tilespmem:$0x1FB30];
	v6 =	vmul.f32 v6, v6;
	v1 =	vadd.f32 v3, v1;
	v2 =	vadd.f32 v7, v2  }
0x40c: {  	v46 =	vld [tilespmem:$0x1F960];
	v5 =	vmul.f32 v7, v5;
	v7 =	vsub.f32 v17, v28;
	v9 =	vadd.f32 v10, v9  }
0x40d: {  	v45 =	vld [tilespmem:$0x1FB70];
	v8 =	vnsel vm7, $0x0, v38;
	v33 =	vadd.f32 v6, v4;
	v6 =	vsub.f32 v15, v36  }
0x40e: {  	v42 =	vld [tilespmem:$0x1FB60];
	v35 =	vpop (erf);
	v10 =	vsub.f32 v14, v40;
	v31 =	vmul.f32 v7, v7;
	v1 =	vadd.f32 v5, v1  }
0x40f: {  	v60 =	vld [tilespmem:$0x1FBE0];
	v5 =	vmul.f32 v35, v47;
	v7 =	vsub.f32 v16, v37;
	v2 =	vadd.f32 v8, v2  }
0x410: {  	v50 =	vld [tilespmem:$0x1FBA0];
	v34 =	vadd.f32 v30, v9;
	v9 =	vsub.f32 v17, v39;
	v6 =	vmul.f32 v6, v6  }
0x411: {  	v57 =	vld [tilespmem:$0x1F990];
	v10 =	vmul.f32 v10, v10;
	v0 =	vmul.f32 v8, v33;
	v8 =	vnsel vm8, $0x0, v46  }
0x412: {  	v58 =	vpop (erf);
	v47 =	vld [tilespmem:$0x1FB80];
	v3 =	vadd.f32 v32, v31;
	v7 =	vmul.f32 v7, v7;
	v2 =	vadd.f32 v8, v2  }
0x413: {  	v51 =	vld [tilespmem:$0x1FBB0];
	vm11 =	vge.f32 v5, $5.500000120e-01;
	v5 =	vmul.f32 v58, v23;
	v4 =	vadd.f32 v6, v34  }
0x414: {  	v59 =	vld [tilespmem:$0x1FBD0];
	v9 =	vmul.f32 v9, v9;
	v6 =	vsub.f32 v16, v42;
	v0 =	vadd.f32 v0, v1  }
0x415: {  	v49 =	vld [tilespmem:$0x1FB90];
	v56 =	vmul.f32 v11, v11;
	v1 =	vsub.f32 v17, v45;
	v3 =	vadd.f32 v7, v3  }
0x416: {  	v62 =	vld [tilespmem:$0x1FC00];
	v7 =	vnsel vm9, $0x0, v57;
	vm12 =	vge.f32 v5, $5.500000120e-01;
	v43 =	vadd.f32 v10, v9  }
0x417: {  	v31 =	vld [tilespmem:$0x1FC40];
	v6 =	vmul.f32 v6, v6;
	v9 =	vsub.f32 v14, v47;
	v10 =	vsub.f32 v16, v50  }
0x418: {  	v13 =	vld [tilespmem:$0x1F9A0];
	v4 =	vmul.f32 v8, v4;
	v8 =	vsub.f32 v17, v51;
	v2 =	vadd.f32 v7, v2  }
0x419: {  	v61 =	vld [tilespmem:$0x1FBF0];
	v1 =	vmul.f32 v1, v1;
	v3 =	vadd.f32 v44, v3;
	v6 =	vadd.f32 v6, v43  }
0x41a: {  	v33 =	vld [tilespmem:$0x1FC60];
	v48 =	vmul.f32 v9, v9;
	v9 =	vsub.f32 v15, v49;
	v54 =	vmul.f32 v10, v10  }
0x41b: {  	v27 =	vld [tilespmem:$0x1F9C0];
	v0 =	vadd.f32 v4, v0;
	v55 =	vmul.f32 v8, v8;
	v8 =	vsub.f32 v16, v60  }
0x41c: {  	v25 =	vld [tilespmem:$0x1FC30];
	v10 =	vsub.f32 v14, v62;
	v11 =	vsub.f32 v14, v31;
	v3 =	vmul.f32 v7, v3  }
0x41d: {  	v32 =	vld [tilespmem:$0x1FC90];
	v7 =	vsub.f32 v15, v59;
	v1 =	vadd.f32 v48, v1;
	v53 =	vmul.f32 v9, v9  }
0x41e: {  	v34 =	vld [tilespmem:$0x1FC70];
	v4 =	vadd.f32 v56, v55;
	v9 =	vsub.f32 v17, v61;
	v12 =	vmul.f32 v8, v8  }
0x41f: {  	v8 =	vnsel vm10, $0x0, v13;
	v10 =	vmul.f32 v10, v10;
	v13 =	vsub.f32 v15, v33  }
0x420: {  	v26 =	vld [tilespmem:$0x1FC80];
	v11 =	vmul.f32 v11, v11;
	v0 =	vadd.f32 v3, v0;
	v2 =	vadd.f32 v8, v2  }
0x421: {  	v28 =	vld [tilespmem:$0x1FC10];
	v63 =	vmul.f32 v7, v7;
	v7 =	vsub.f32 v17, v25;
	v6 =	vadd.f32 v53, v6  }
0x422: {  	v30 =	vld [tilespmem:$0x1FC20];
	v3 =	vnsel vm11, $0x0, v27;
	v1 =	vadd.f32 v54, v1;
	v4 =	vadd.f32 v12, v4  }
0x423: {  	v42 =	vld [tilespmem:$0x1F9D0];
	v9 =	vmul.f32 v9, v9;
	v12 =	vsub.f32 v14, v32;
	v14 =	vsub.f32 v16, v34  }
0x424: {  	v38 =	vmul.f32 v13, v13;
	v2 =	vadd.f32 v3, v2;
	v7 =	vmul.f32 v7, v7  }
0x425: {  	v24 =	vpop (erf);
	v1 =	vadd.f32 v63, v1;
	v18 =	vmul.f32 v8, v6;
	v23 =	vadd.f32 v10, v9  }
0x426: {  	v45 =	vld [tilespmem:$0x1FCA0];
	v6 =	vmul.f32 v24, v22;
	v8 =	vsub.f32 v17, v26;
	v9 =	vsub.f32 v15, v28  }
0x427: {  	v40 =	vld [tilespmem:$0x1FCB0];
	v10 =	vsub.f32 v16, v30;
	v39 =	vmul.f32 v14, v14;
	v43 =	vmul.f32 v12, v12  }
0x428: {  	v29 =	vpop (erf);
	v47 =	vld [tilespmem:$0x1F980];
	v37 =	vadd.f32 v11, v7;
	v7 =	vnsel vm12, $0x0, v42;
	v0 =	vadd.f32 v18, v0  }
0x429: {  	v48 =	vld [tilespmem:$0x1F9E0];
	vm13 =	vge.f32 v6, $5.500000120e-01;
	v6 =	vmul.f32 v29, v21;
	v9 =	vmul.f32 v9, v9  }
0x42a: {  	v10 =	vmul.f32 v10, v10;
	v1 =	vmul.f32 v3, v1;
	v44 =	vadd.f32 v7, v2  }
0x42b: {  	v52 =	vld [tilespmem:$0x1FCE0];
	v8 =	vmul.f32 v8, v8;
	v2 =	vsub.f32 v15, v45;
	v5 =	vadd.f32 v39, v37  }
0x42c: {  	v41 =	vpop (erf);
	v58 =	vld [tilespmem:$0x1FCF0];
	v35 =	vadd.f32 v9, v4;
	v36 =	vadd.f32 v10, v23;
	vm14 =	vge.f32 v6, $5.500000120e-01  }
0x42d: {  	v54 =	vld [tilespmem:$0x1FA00];
	v6 =	vsub.f32 v16, v40;
	v0 =	vadd.f32 v1, v0;
	v1 =	vmul.f32 v41, v20  }
0x42e: {  	v53 =	vld [tilespmem:$0x1FF50];
	v46 =	vadd.f32 v43, v8;
	v8 =	vsub.f32 v15, v47;
	v9 =	vnsel vm13, $0x0, v48  }
0x42f: {  	v57 =	vld [tilespmem:$0x1FCD0];
	v2 =	vmul.f32 v2, v2;
	v4 =	vadd.f32 v38, v36;
	v3 =	vmul.f32 v7, v35  }
0x430: {  	s1 =	sshll.u32 s28, $0x7;
	v59 =	vld [tilespmem:$0x1FA10];
	vm15 =	vge.f32 v1, $5.500000120e-01;
	v6 =	vmul.f32 v6, v6;
	v1 =	vadd.f32 v9, v44  }
0x431: {  	s1 =	sand.u32 $0x3FFFFC00, s1;
	v2 =	vadd.f32 v2, v5;
	v51 =	vmul.f32 v8, v8;
	v0 =	vadd.f32 v3, v0  }
0x432: {  	s1 =	sadd.s32 s1, s26;
	v49 =	vmul.f32 v9, v4;
	v50 =	vadd.f32 v6, v46;
	v3 =	vnsel vm14, $0x0, v54  }
0x433: {  	s1 =	sadd.s32 s29, s1;
	v62 =	vld [tilespmem:$0x1FD00];
	v6 =	vadd.f32 v53, v52;
	v1 =	vadd.f32 v3, v1  }
0x434: {  	v56 =	vld [tilespmem:s1+$0x0];
	v2 =	vmul.f32 v3, v2;
	v0 =	vadd.f32 v49, v0;
	v55 =	vadd.f32 v51, v50  }
0x435: {  	v5 =	vadd.f32 v58, v57;
	v7 =	vnsel vm15, $0x0, v59;
	v6 =	vadd.f32 v19, v6  }
0x436: {  	v63 =	vld [tilespmem:$0x1FA20];
	v1 =	vadd.f32 v7, v1;
	v3 =	vmul.f32 v7, v55;
	v0 =	vadd.f32 v2, v0  }
0x437: {  	s31 =	sshll.u32 s25, $0x9;
	s25 =	sadd.s32 $0x1, s25  }
0x438: {  	p0 =	sne.s32 s25, $0x8;
	v60 =	vadd.f32 v6, v5;
	v61 =	vmin.f32 v1, $1.000000000e+00;
	v0 =	vadd.f32 v3, v0  }
.Ltmp1:
0x439: {  	v1 =	vadd.f32 v1, v62;
	v3 =	vmul.f32 v61, v56;
	(pc) =	sbr.rel @p0 .LBB2_2-.Ltmp1, $4  }
0x43a: {  	s1 =	sand.u32 $0x3FFFFE00, s31;
	v0 =	vadd.f32 v0, v60  }
0x43b: {  	[tilespmem:s1+$0xAA00] =	vst v1;
	v2 =	vadd.f32 v3, v63  }
0x43c: {  	[tilespmem:s1+$0xAA80] =	vst v0  }
0x43d: {  	[tilespmem:s1+$0xAB00] =	vst v2  }
0x43e: {  	[hbm4b:s6+s2] =	stream.linear.scatter [tilespmem:s13], [sflag:$0x1], $0x180, $0x38;
	[tilespmem:$0xBA00] =	vst v63  }
0x43f: {  	_ = 	snop  }
0x440: {  	[hbm4b:s14+s2] =	stream.linear.scatter [tilespmem:s15], [sflag:$0x1], $0x180, $0x38;
	[tilespmem:$0xBA00] =	vst v63  }
0x441: {  	_ = 	snop  }
0x442: {  	[hbm4b:s16+s2] =	stream.linear.scatter [tilespmem:s17], [sflag:$0x1], $0x180, $0x38;
	[tilespmem:$0xBA00] =	vst v63  }
0x443: {  	_ = 	snop  }
0x444: {  	[hbm4b:s18+s2] =	stream.linear.scatter [tilespmem:s19], [sflag:$0x1], $0x180, $0x38;
	[tilespmem:$0xBA00] =	vst v63  }
0x445: {  	s1 =	sadd.s32 $0x100, s6  }
0x446: {  	[hbm4b:s1+s2] =	stream.linear.scatter [tilespmem:s20], [sflag:$0x1], $0x180, $0x38;
	[tilespmem:$0xBA00] =	vst v63  }
0x447: {  	s29 =	sadd.s32 $0x140, s6;
	s24 =	sadd.s32 $0x1, s24  }
0x448: {  	[hbm4b:s29+s2] =	stream.linear.scatter [tilespmem:s21], [sflag:$0x1], $0x180, $0x38;
	[tilespmem:$0xBA00] =	vst v63  }
0x449: {  	s30 =	sadd.s32 $0x180, s6;
	p0 =	sne.s32 s24, s7  }
0x44a: {  	[hbm4b:s30+s2] =	stream.linear.scatter [tilespmem:s22], [sflag:$0x1], $0x180, $0x38;
	[tilespmem:$0xBA00] =	vst v63  }
.Ltmp2:
0x44b: {  	s31 =	sadd.s32 $0x1C0, s6;
	(pc) =	sbr.rel @p0 .LBB2_1-.Ltmp2, $4  }
0x44c: {  	[hbm4b:s31+s2] =	stream.linear.scatter [tilespmem:s23], [sflag:$0x1], $0x180, $0x38;
	[tilespmem:$0xBA00] =	vst v63  }
0x44d: {  	_ =	swait.ge [sflag:s10], $0xC00  }
0x44e: {  	[sflag:s10] =	ssyncset.done $0x0  }
0x44f: {  	[sflag:s10] =	ssyncadd.s32 $0xFFFFF400  }
0x450: {  	_ =	sfence.sel $0x180000  }
0x451: {  	[bflag:$0x0] =	sbarrier.arrive $0xFFFF  }
0x452: {  	_ =	strace $0x90000047  }
0x453: {  	[bflag:$0x2] =	sbarrier.arrive $0xFFFF  }
0x454: {  	p0 =	sne.s32 s0, $0x0;
	s0 =	rddreg [dreg:$0x1]  }
0x455: {  	s0 =	sadd.s32 @!p0 $0x100000, s0  }
0x456: {  	[sflag:s0] =	ssyncadd.tile.s32 @!p0 $0x1;
	_ =	shalt  }
.Lfunc_end2:
_tile_overlayer_lowered:
.L_overlay_start_2:
0x457: {  	(tag) =	ssettag $0x2  }
0x458: {  	s0 =	rddreg [dreg:$0x0];
	s2 =	stileid.u32  }
0x459: {  	s1 =	rddreg [dreg:$0x1];
	p0 =	sne.s32 s2, $0x0  }
0x45a: {  	s3 =	rddreg [dreg:$0x2];
	[bflag:$0x3] =	sbarrier.arrive $0xFFFF;
	s2 =	simm.s32 @!p0 $0x1C01  }
0x45b: {  	[timem:s3], [sflag:s2] =	dma.local @!p0 [hbm:s0], s1  }
0x45c: {  	s0 =	simm.s32 @!p0 $0x1  }
0x45d: {  	_ =	swait.ge @!p0 [sflag:s0], s1  }
0x45e: {  	s1 =	ssub.s32 @!p0 $0x0, s1;
	[sflag:s0] =	ssyncset.done @!p0 $0x0  }
0x45f: {  	[sflag:s0] =	ssyncadd.s32 @!p0 s1  }
0x460: {  	[bflag:$0x3] =	sbarrier.arrive $0xFFFF  }
0x461: {  	_ =	shalt  }

</sc_bundles>
